<compile_context>
chip_gen: v7x
topology: tpu7x:2x2x1
jax: 0.10.2.dev20260603
libtpu: 0.0.44.dev20260713+nightly
codegen_flags: <defaults>
</compile_context>

<pallas_src>
import functools

import jax
import jax.numpy as jnp
from jax import lax
from jax.experimental import pallas as pl
from jax.experimental.pallas import tpu as pltpu
from jax.experimental.pallas import tpu_sc as plsc

_SWAPS = 64
_SEED = 42
_B = 16
_TOTAL = 32768
_D = 256
_NFIX = _B * _SWAPS * 2

_NUM_SC = 2
_NUM_SUBCORES = 16
_NW = _NUM_SC * _NUM_SUBCORES
_ROWS_PER_W = _TOTAL // _NW
_GCHUNK = 64


def _threefry_core(k1, k2, x0, x1):
    ks2 = k1 ^ k2 ^ 0x1BD11BDA

    def rotl(x, r):
        return (x << r) | lax.shift_right_logical(x, 32 - r)

    x0 = x0 + k1
    x1 = x1 + k2
    sched = (
        ((13, 15, 26, 6), k2, ks2, 1),
        ((17, 29, 16, 24), ks2, k1, 2),
        ((13, 15, 26, 6), k1, k2, 3),
        ((17, 29, 16, 24), k2, ks2, 4),
        ((13, 15, 26, 6), ks2, k1, 5),
    )
    for rots, ka, kb, c in sched:
        for r in rots:
            x0 = x0 + x1
            x1 = rotl(x1, r)
            x1 = x0 ^ x1
        x0 = x0 + ka
        x1 = x1 + kb + c
    return x0, x1


def _fixes_body(cu_ref, dst_ref, src_ref):
    shape = (_B, 2 * _SWAPS)
    lane = lax.broadcasted_iota(jnp.int32, shape, 1)
    row = lax.broadcasted_iota(jnp.int32, shape, 0)
    s = jnp.zeros(shape, jnp.int32)
    e = jnp.zeros(shape, jnp.int32)
    for i in range(_B):
        s = jnp.where(row == i, cu_ref[i], s)
        e = jnp.where(row == i, cu_ref[i + 1], e)
    n = e - s
    t = row * _SWAPS + lane // 2
    j = lane & 1

    zero = jnp.zeros(shape, jnp.int32)
    k1, k2 = _threefry_core(zero, zero + _SEED, zero, t)
    a1, a2 = _threefry_core(k1, k2, zero, zero)
    b1, b2 = _threefry_core(k1, k2, zero, zero + 1)
    h1, h2 = _threefry_core(a1, a2, zero, j)
    hbits = h1 ^ h2
    l1, l2 = _threefry_core(b1, b2, zero, j)
    lbits = l1 ^ l2

    span = jnp.maximum(n, 1)
    span_f = span.astype(jnp.float32)

    def umod24(x):
        q = jnp.floor(x.astype(jnp.float32) / span_f).astype(jnp.int32)
        r = x - q * span
        for _ in range(3):
            r = jnp.where(r < 0, r + span, r)
        for _ in range(3):
            r = jnp.where(r >= span, r - span, r)
        return r

    def umod31(x):
        q1 = jnp.floor(x.astype(jnp.float32) / span_f).astype(jnp.int32)
        return umod24(x - q1 * span + 140 * span)

    m16 = umod24(zero + 65536)

    def umod32(x):
        return umod31(lax.shift_right_logical(x, 16) * m16 + (x & 0xFFFF))

    mult = umod31(m16 * m16)
    off = umod31(umod32(hbits) * mult + umod32(lbits))

    idx = jnp.where(n > 1, off, 0)
    gpos = s + idx

    val = gpos
    for tt in range(0, _SWAPS, 2):
        g1 = gpos[:, 2 * tt:2 * tt + 1]
        g2 = gpos[:, 2 * tt + 1:2 * tt + 2]
        g3 = gpos[:, 2 * tt + 2:2 * tt + 3]
        g4 = gpos[:, 2 * tt + 3:2 * tt + 4]
        v1 = val[:, 2 * tt:2 * tt + 1]
        v2 = val[:, 2 * tt + 1:2 * tt + 2]
        v3 = val[:, 2 * tt + 2:2 * tt + 3]
        v4 = val[:, 2 * tt + 3:2 * tt + 4]
        v3 = jnp.where(g3 == g1, v2, jnp.where(g3 == g2, v1, v3))
        v4 = jnp.where(g4 == g1, v2, jnp.where(g4 == g2, v1, v4))
        val = jnp.where(gpos == g3, v4, jnp.where(gpos == g4, v3,
              jnp.where(gpos == g1, v2, jnp.where(gpos == g2, v1, val))))
    dst_ref[:, :] = gpos
    src_ref[:, :] = val


_fixes_call = pl.pallas_call(
    _fixes_body,
    in_specs=[pl.BlockSpec(memory_space=pltpu.SMEM)],
    out_specs=(
        pl.BlockSpec(memory_space=pltpu.VMEM),
        pl.BlockSpec(memory_space=pltpu.VMEM),
    ),
    out_shape=(
        jax.ShapeDtypeStruct((_B, 2 * _SWAPS), jnp.int32),
        jax.ShapeDtypeStruct((_B, 2 * _SWAPS), jnp.int32),
    ),
)


_ROWS_PER_SC = _TOTAL // _NUM_SC
_FIX_PER_TILE = _NFIX // _NUM_SUBCORES


_NBUF = 6


def _sc_apply_body(flat_hbm, iota_hbm, dst_hbm, src_hbm, out_hbm,
                   perm_sh, pidx_v, dfix_v, sfix_v, rows_bufs, gsems, ssems):
    cid = lax.axis_index("c")
    sid = lax.axis_index("s")
    wid = cid * _NUM_SUBCORES + sid
    base = pl.multiple_of(wid * _ROWS_PER_W, _ROWS_PER_W)
    sc_lo = pl.multiple_of(cid * _ROWS_PER_SC, _ROWS_PER_SC)

    loc = pl.multiple_of(sid * _ROWS_PER_W, _ROWS_PER_W)
    pltpu.sync_copy(iota_hbm.at[pl.ds(sc_lo + loc, _ROWS_PER_W)],
                    perm_sh.at[pl.ds(loc, _ROWS_PER_W)])

    foff = pl.multiple_of(sid * _FIX_PER_TILE, _FIX_PER_TILE)
    pltpu.sync_copy(dst_hbm.at[pl.ds(foff, _FIX_PER_TILE)], dfix_v)
    pltpu.sync_copy(src_hbm.at[pl.ds(foff, _FIX_PER_TILE)], sfix_v)

    sink0 = _ROWS_PER_SC + sid * _FIX_PER_TILE
    lane16 = lax.iota(jnp.int32, 16)
    for k in range(_FIX_PER_TILE // 16):
        d16 = dfix_v[pl.ds(k * 16, 16)]
        s16 = sfix_v[pl.ds(k * 16, 16)]
        inr = (d16 >= sc_lo) & (d16 < sc_lo + _ROWS_PER_SC) & (d16 != s16)
        dfix_v[pl.ds(k * 16, 16)] = jnp.where(
            inr, d16 - sc_lo, sink0 + k * 16 + lane16)

    plsc.subcore_barrier()
    pltpu.sync_copy(sfix_v, perm_sh.at[dfix_v])
    plsc.subcore_barrier()

    pltpu.sync_copy(perm_sh.at[pl.ds(loc, _ROWS_PER_W)], pidx_v)

    nch = _ROWS_PER_W // _GCHUNK

    def gather_start(c, b):
        return pltpu.async_copy(
            flat_hbm.at[pidx_v.at[pl.ds(c * _GCHUNK, _GCHUNK)]],
            rows_bufs[b], gsems[b])

    def store_start(c, b):
        return pltpu.async_copy(
            rows_bufs[b], out_hbm.at[pl.ds(base + c * _GCHUNK, _GCHUNK)],
            ssems[b])

    g = [gather_start(b, b) for b in range(_NBUF)]
    s = [None] * _NBUF
    for c in range(nch):
        b = c % _NBUF
        g[b].wait()
        s[b] = store_start(c, b)
        if c + _NBUF < nch:
            s[b].wait()
            g[b] = gather_start(c + _NBUF, b)
    for c in range(max(0, nch - _NBUF), nch):
        s[c % _NBUF].wait()


@functools.cache
def _make_sc_apply():
    mesh = plsc.VectorSubcoreMesh(
        core_axis_name="c", subcore_axis_name="s",
        num_cores=_NUM_SC, num_subcores=_NUM_SUBCORES,
    )
    return functools.partial(
        pl.kernel,
        mesh=mesh,
        out_type=jax.ShapeDtypeStruct((_TOTAL, _D), jnp.float32),
        scratch_types=[
            pltpu.VMEM_SHARED((_ROWS_PER_SC + _NFIX,), jnp.int32),
            pltpu.VMEM((_ROWS_PER_W,), jnp.int32),
            pltpu.VMEM((_FIX_PER_TILE,), jnp.int32),
            pltpu.VMEM((_FIX_PER_TILE,), jnp.int32),
            [pltpu.VMEM((_GCHUNK, _D), jnp.float32) for _ in range(_NBUF)],
            [pltpu.SemaphoreType.DMA for _ in range(_NBUF)],
            [pltpu.SemaphoreType.DMA for _ in range(_NBUF)],
        ],
    )(_sc_apply_body)


def kernel(flat, cu_seqlens):
    cu = cu_seqlens.astype(jnp.int32)
    dst, src = _fixes_call(cu)
    iota = jnp.arange(_TOTAL, dtype=jnp.int32)
    return _make_sc_apply()(flat, iota, dst.reshape(_NFIX), src.reshape(_NFIX))

# --- scband reference (transcript-rebuilt; emitter-appended) ---
"""Pipeline reference for scband-random-swaps-62861141344505 (READ-ONLY COPY).

The authoritative reference and input builder live on the scoring server;
editing this copy changes nothing except your own understanding.
"""

import jax, jax.numpy as jnp
import numpy as np

SWAPS = 64
SEED = 42
B = 16
TOTAL = 32768
D = 256


def setup_inputs(seed: int = 0) -> dict:
    key = jax.random.key(seed)
    k1, k2 = jax.random.split(key)
    flat = jax.random.normal(k1, (TOTAL, D), dtype=jnp.float32)
    cu = jnp.sort(jax.random.randint(k2, (B + 1,), 0, TOTAL)).astype(jnp.int32)
    cu = cu.at[0].set(0).at[-1].set(TOTAL)
    return {"flat": flat, "cu_seqlens": cu}


def _build_perm(cu_seqlens, total):
    # Faithful translation of RandomSwaps.call: positions over flat values,
    # per ragged row perform `swaps` random index-pair swaps, then gather.
    positions = jnp.arange(total, dtype=jnp.int32)
    base = jax.random.key(SEED)
    nrows = cu_seqlens.shape[0] - 1

    def body(t, pos):
        i = t // SWAPS
        s = cu_seqlens[i]
        n = cu_seqlens[i + 1] - s
        k = jax.random.fold_in(base, t)
        idx = jax.random.randint(k, (2,), 0, jnp.maximum(n, 1))
        valid = n > 1
        i1 = jnp.where(valid, idx[0], 0)
        i2 = jnp.where(valid, idx[1], 0)
        g1 = s + i1
        g2 = s + i2
        # tf.tensor_scatter_nd_update swap of the two positions
        p1 = pos[g1]
        p2 = pos[g2]
        return pos.at[g1].set(p2).at[g2].set(p1)

    return jax.lax.fori_loop(0, nrows * SWAPS, body, positions)


def reference(flat, cu_seqlens):
    perm = _build_perm(cu_seqlens, flat.shape[0])
    # swapped = gather(inputs.flat_values, shuffled.flat_values), same row_splits
    return jnp.take(flat, perm, axis=0)

if __name__ == "__main__":
    import jax
    _d = setup_inputs()
    print(jax.jit(kernel)(*tuple(_d.values())))

</pallas_src>

<mosaic_0001>
#map = affine_map<(d0, d1) -> (0, 0)>
#map1 = affine_map<(d0, d1) -> (0)>
module attributes {stable_mosaic.version = 14 : i64} {
  func.func @_sc_apply_body(%arg0: i32, %arg1: i32, %arg2: memref<32768x256xf32, #tpu.memory_space<hbm>>, %arg3: memref<32768xi32, #tpu.memory_space<hbm>>, %arg4: memref<2048xi32, #tpu.memory_space<hbm>>, %arg5: memref<2048xi32, #tpu.memory_space<hbm>>, %arg6: memref<32768x256xf32, #tpu.memory_space<hbm>>, %arg7: memref<18432xi32, #tpu.memory_space<vmem_shared>>, %arg8: memref<1024xi32, #tpu.memory_space<vmem>>, %arg9: memref<128xi32, #tpu.memory_space<vmem>>, %arg10: memref<128xi32, #tpu.memory_space<vmem>>, %arg11: memref<64x256xf32, #tpu.memory_space<vmem>>, %arg12: memref<64x256xf32, #tpu.memory_space<vmem>>, %arg13: memref<64x256xf32, #tpu.memory_space<vmem>>, %arg14: memref<64x256xf32, #tpu.memory_space<vmem>>, %arg15: memref<64x256xf32, #tpu.memory_space<vmem>>, %arg16: memref<64x256xf32, #tpu.memory_space<vmem>>, %arg17: memref<!tpu.dma_semaphore, #tpu.memory_space<semaphore_mem>>, %arg18: memref<!tpu.dma_semaphore, #tpu.memory_space<semaphore_mem>>, %arg19: memref<!tpu.dma_semaphore, #tpu.memory_space<semaphore_mem>>, %arg20: memref<!tpu.dma_semaphore, #tpu.memory_space<semaphore_mem>>, %arg21: memref<!tpu.dma_semaphore, #tpu.memory_space<semaphore_mem>>, %arg22: memref<!tpu.dma_semaphore, #tpu.memory_space<semaphore_mem>>, %arg23: memref<!tpu.dma_semaphore, #tpu.memory_space<semaphore_mem>>, %arg24: memref<!tpu.dma_semaphore, #tpu.memory_space<semaphore_mem>>, %arg25: memref<!tpu.dma_semaphore, #tpu.memory_space<semaphore_mem>>, %arg26: memref<!tpu.dma_semaphore, #tpu.memory_space<semaphore_mem>>, %arg27: memref<!tpu.dma_semaphore, #tpu.memory_space<semaphore_mem>>, %arg28: memref<!tpu.dma_semaphore, #tpu.memory_space<semaphore_mem>>) attributes {dimension_semantics = [#tpu.dimension_semantics<core_parallel>, #tpu.dimension_semantics<subcore_parallel>], iteration_bounds = array<i64: 2, 16>, scalar_prefetch = 0 : i64, scratch_operands = 22 : i64, tpu.core_type = #tpu.core_type<sc_vector_subcore>, window_params = [{transform_indices = #map}, {transform_indices = #map1}, {transform_indices = #map1}, {transform_indices = #map1}, {transform_indices = #map}]} {
    %mul3A = arith.constant 16 : i32
    %mul3A_0 = arith.muli %arg0, %mul3A : i32
    %add3A = arith.addi %mul3A_0, %arg1 : i32
    %mul3A_1 = arith.constant 1024 : i32
    %mul3A_2 = arith.muli %add3A, %mul3A_1 : i32
    %multiple_of3A = tpu.assume_multiple %mul3A_2, 1024 : i32
    %mul3A_3 = arith.constant 16384 : i32
    %mul3A_4 = arith.muli %arg0, %mul3A_3 : i32
    %multiple_of3A_5 = tpu.assume_multiple %mul3A_4, 16384 : i32
    %mul3A_6 = arith.constant 1024 : i32
    %mul3A_7 = arith.muli %arg1, %mul3A_6 : i32
    %multiple_of3A_8 = tpu.assume_multiple %mul3A_7, 1024 : i32
    %add3A_9 = arith.addi %multiple_of3A_5, %multiple_of3A_8 : i32
    "tpu.region"() ({
      %run_scoped3A = tpu.sem_alloc : memref<!tpu.dma_semaphore, #tpu.memory_space<semaphore_mem>>
      %dma_start3A_536 = tpu.memref_slice %arg7[%multiple_of3A_8] : memref<18432xi32, #tpu.memory_space<vmem_shared>> -> memref<1024xi32, #tpu.memory_space<vmem_shared>>
      %dma_start3A_537 = tpu.memref_slice %arg3[%add3A_9] : memref<32768xi32, #tpu.memory_space<hbm>> -> memref<1024xi32, #tpu.memory_space<hbm>>
      tpu.enqueue_dma source(%dma_start3A_537 : memref<1024xi32, #tpu.memory_space<hbm>>) target(%dma_start3A_536 : memref<1024xi32, #tpu.memory_space<vmem_shared>>) target_semaphore(%run_scoped3A : memref<!tpu.dma_semaphore, #tpu.memory_space<semaphore_mem>>)
      %dma_wait3A_538 = tpu.memref_slice %arg7[%multiple_of3A_8] : memref<18432xi32, #tpu.memory_space<vmem_shared>> -> memref<1024xi32, #tpu.memory_space<vmem_shared>>
      %dma_wait3A_539 = tpu.memref_slice %arg3[%add3A_9] : memref<32768xi32, #tpu.memory_space<hbm>> -> memref<1024xi32, #tpu.memory_space<hbm>>
      tpu.wait_dma2 semaphore(%run_scoped3A : memref<!tpu.dma_semaphore, #tpu.memory_space<semaphore_mem>>) src(%dma_wait3A_539 : memref<1024xi32, #tpu.memory_space<hbm>>) dst(%dma_wait3A_538 : memref<1024xi32, #tpu.memory_space<vmem_shared>>)
      tpu.yield
    }) : () -> ()
    %mul3A_10 = arith.constant 128 : i32
    %mul3A_11 = arith.muli %arg1, %mul3A_10 : i32
    %multiple_of3A_12 = tpu.assume_multiple %mul3A_11, 128 : i32
    "tpu.region"() ({
      %run_scoped3A = tpu.sem_alloc : memref<!tpu.dma_semaphore, #tpu.memory_space<semaphore_mem>>
      %dma_start3A_536 = tpu.memref_slice %arg4[%multiple_of3A_12] : memref<2048xi32, #tpu.memory_space<hbm>> -> memref<128xi32, #tpu.memory_space<hbm>>
      %dma_start3A_537 = tpu.memref_slice %arg4[%multiple_of3A_12] : memref<2048xi32, #tpu.memory_space<hbm>> -> memref<128xi32, #tpu.memory_space<hbm>>
      tpu.enqueue_dma source(%dma_start3A_537 : memref<128xi32, #tpu.memory_space<hbm>>) target(%arg9 : memref<128xi32, #tpu.memory_space<vmem>>) target_semaphore(%run_scoped3A : memref<!tpu.dma_semaphore, #tpu.memory_space<semaphore_mem>>)
      %dma_wait3A_538 = tpu.memref_slice %arg4[%multiple_of3A_12] : memref<2048xi32, #tpu.memory_space<hbm>> -> memref<128xi32, #tpu.memory_space<hbm>>
      %dma_wait3A_539 = tpu.memref_slice %arg4[%multiple_of3A_12] : memref<2048xi32, #tpu.memory_space<hbm>> -> memref<128xi32, #tpu.memory_space<hbm>>
      tpu.wait_dma2 semaphore(%run_scoped3A : memref<!tpu.dma_semaphore, #tpu.memory_space<semaphore_mem>>) src(%dma_wait3A_539 : memref<128xi32, #tpu.memory_space<hbm>>) dst(%arg9 : memref<128xi32, #tpu.memory_space<vmem>>)
      tpu.yield
    }) : () -> ()
    "tpu.region"() ({
      %run_scoped3A = tpu.sem_alloc : memref<!tpu.dma_semaphore, #tpu.memory_space<semaphore_mem>>
      %dma_start3A_536 = tpu.memref_slice %arg5[%multiple_of3A_12] : memref<2048xi32, #tpu.memory_space<hbm>> -> memref<128xi32, #tpu.memory_space<hbm>>
      %dma_start3A_537 = tpu.memref_slice %arg5[%multiple_of3A_12] : memref<2048xi32, #tpu.memory_space<hbm>> -> memref<128xi32, #tpu.memory_space<hbm>>
      tpu.enqueue_dma source(%dma_start3A_537 : memref<128xi32, #tpu.memory_space<hbm>>) target(%arg10 : memref<128xi32, #tpu.memory_space<vmem>>) target_semaphore(%run_scoped3A : memref<!tpu.dma_semaphore, #tpu.memory_space<semaphore_mem>>)
      %dma_wait3A_538 = tpu.memref_slice %arg5[%multiple_of3A_12] : memref<2048xi32, #tpu.memory_space<hbm>> -> memref<128xi32, #tpu.memory_space<hbm>>
      %dma_wait3A_539 = tpu.memref_slice %arg5[%multiple_of3A_12] : memref<2048xi32, #tpu.memory_space<hbm>> -> memref<128xi32, #tpu.memory_space<hbm>>
      tpu.wait_dma2 semaphore(%run_scoped3A : memref<!tpu.dma_semaphore, #tpu.memory_space<semaphore_mem>>) src(%dma_wait3A_539 : memref<128xi32, #tpu.memory_space<hbm>>) dst(%arg10 : memref<128xi32, #tpu.memory_space<vmem>>)
      tpu.yield
    }) : () -> ()
    %mul3A_13 = arith.constant 128 : i32
    %mul3A_14 = arith.muli %arg1, %mul3A_13 : i32
    %add3A_15 = arith.constant 16384 : i32
    %add3A_16 = arith.addi %add3A_15, %mul3A_14 : i32
    %iota3A = tpu.iota {dimensions = array<i32: 0>} : vector<16xi32>
    %get3A = arith.constant 0 : index
    %get3A_17 = tpu.vector_load %arg9[%get3A] {strides = array<i32>} : memref<128xi32, #tpu.memory_space<vmem>>, vector<16xi32>,
    %get3A_18 = vector.shape_cast %get3A_17 : vector<16xi32> to vector<16xi32>
    %get3A_19 = arith.constant 0 : index
    %get3A_20 = tpu.vector_load %arg10[%get3A_19] {strides = array<i32>} : memref<128xi32, #tpu.memory_space<vmem>>, vector<16xi32>,
    %get3A_21 = vector.shape_cast %get3A_20 : vector<16xi32> to vector<16xi32>
    %ge3A = vector.broadcast %multiple_of3A_5 : i32 to vector<16xi32>
    %ge3A_22 = arith.cmpi sge, %get3A_18, %ge3A : vector<16xi32>
    %add3A_23 = arith.constant 16384 : i32
    %add3A_24 = arith.addi %multiple_of3A_5, %add3A_23 : i32
    %lt3A = vector.broadcast %add3A_24 : i32 to vector<16xi32>
    %lt3A_25 = arith.cmpi slt, %get3A_18, %lt3A : vector<16xi32>
    %and3A = arith.andi %ge3A_22, %lt3A_25 : vector<16xi1>
    %ne3A = arith.cmpi ne, %get3A_18, %get3A_21 : vector<16xi32>
    %and3A_26 = arith.andi %and3A, %ne3A : vector<16xi1>
    %sub3A = vector.broadcast %multiple_of3A_5 : i32 to vector<16xi32>
    %sub3A_27 = arith.subi %get3A_18, %sub3A : vector<16xi32>
    %add3A_28 = arith.constant 0 : i32
    %add3A_29 = arith.addi %add3A_16, %add3A_28 : i32
    %add3A_30 = vector.broadcast %add3A_29 : i32 to vector<16xi32>
    %add3A_31 = arith.addi %add3A_30, %iota3A : vector<16xi32>
    %select_n3A = arith.select %and3A_26, %sub3A_27, %add3A_31 : vector<16xi1>, vector<16xi32>
    %swap3A = arith.constant 0 : index
    %swap3A_32 = tpu.vector_load %arg9[%swap3A] {strides = array<i32>} : memref<128xi32, #tpu.memory_space<vmem>>, vector<16xi32>,
    %swap3A_33 = vector.shape_cast %swap3A_32 : vector<16xi32> to vector<16xi32>
    %swap3A_34 = vector.shape_cast %select_n3A : vector<16xi32> to vector<16xi32>
    tpu.vector_store %arg9[%swap3A], %swap3A_34 {strides = array<i32>} : memref<128xi32, #tpu.memory_space<vmem>>, vector<16xi32>,
    %get3A_35 = arith.constant 16 : index
    %get3A_36 = tpu.vector_load %arg9[%get3A_35] {strides = array<i32>} : memref<128xi32, #tpu.memory_space<vmem>>, vector<16xi32>,
    %get3A_37 = vector.shape_cast %get3A_36 : vector<16xi32> to vector<16xi32>
    %get3A_38 = arith.constant 16 : index
    %get3A_39 = tpu.vector_load %arg10[%get3A_38] {strides = array<i32>} : memref<128xi32, #tpu.memory_space<vmem>>, vector<16xi32>,
    %get3A_40 = vector.shape_cast %get3A_39 : vector<16xi32> to vector<16xi32>
    %ge3A_41 = vector.broadcast %multiple_of3A_5 : i32 to vector<16xi32>
    %ge3A_42 = arith.cmpi sge, %get3A_37, %ge3A_41 : vector<16xi32>
    %add3A_43 = arith.constant 16384 : i32
    %add3A_44 = arith.addi %multiple_of3A_5, %add3A_43 : i32
    %lt3A_45 = vector.broadcast %add3A_44 : i32 to vector<16xi32>
    %lt3A_46 = arith.cmpi slt, %get3A_37, %lt3A_45 : vector<16xi32>
    %and3A_47 = arith.andi %ge3A_42, %lt3A_46 : vector<16xi1>
    %ne3A_48 = arith.cmpi ne, %get3A_37, %get3A_40 : vector<16xi32>
    %and3A_49 = arith.andi %and3A_47, %ne3A_48 : vector<16xi1>
    %sub3A_50 = vector.broadcast %multiple_of3A_5 : i32 to vector<16xi32>
    %sub3A_51 = arith.subi %get3A_37, %sub3A_50 : vector<16xi32>
    %add3A_52 = arith.constant 16 : i32
    %add3A_53 = arith.addi %add3A_16, %add3A_52 : i32
    %add3A_54 = vector.broadcast %add3A_53 : i32 to vector<16xi32>
    %add3A_55 = arith.addi %add3A_54, %iota3A : vector<16xi32>
    %select_n3A_56 = arith.select %and3A_49, %sub3A_51, %add3A_55 : vector<16xi1>, vector<16xi32>
    %swap3A_57 = arith.constant 16 : index
    %swap3A_58 = tpu.vector_load %arg9[%swap3A_57] {strides = array<i32>} : memref<128xi32, #tpu.memory_space<vmem>>, vector<16xi32>,
    %swap3A_59 = vector.shape_cast %swap3A_58 : vector<16xi32> to vector<16xi32>
    %swap3A_60 = vector.shape_cast %select_n3A_56 : vector<16xi32> to vector<16xi32>
    tpu.vector_store %arg9[%swap3A_57], %swap3A_60 {strides = array<i32>} : memref<128xi32, #tpu.memory_space<vmem>>, vector<16xi32>,
    %get3A_61 = arith.constant 32 : index
    %get3A_62 = tpu.vector_load %arg9[%get3A_61] {strides = array<i32>} : memref<128xi32, #tpu.memory_space<vmem>>, vector<16xi32>,
    %get3A_63 = vector.shape_cast %get3A_62 : vector<16xi32> to vector<16xi32>
    %get3A_64 = arith.constant 32 : index
    %get3A_65 = tpu.vector_load %arg10[%get3A_64] {strides = array<i32>} : memref<128xi32, #tpu.memory_space<vmem>>, vector<16xi32>,
    %get3A_66 = vector.shape_cast %get3A_65 : vector<16xi32> to vector<16xi32>
    %ge3A_67 = vector.broadcast %multiple_of3A_5 : i32 to vector<16xi32>
    %ge3A_68 = arith.cmpi sge, %get3A_63, %ge3A_67 : vector<16xi32>
    %add3A_69 = arith.constant 16384 : i32
    %add3A_70 = arith.addi %multiple_of3A_5, %add3A_69 : i32
    %lt3A_71 = vector.broadcast %add3A_70 : i32 to vector<16xi32>
    %lt3A_72 = arith.cmpi slt, %get3A_63, %lt3A_71 : vector<16xi32>
    %and3A_73 = arith.andi %ge3A_68, %lt3A_72 : vector<16xi1>
    %ne3A_74 = arith.cmpi ne, %get3A_63, %get3A_66 : vector<16xi32>
    %and3A_75 = arith.andi %and3A_73, %ne3A_74 : vector<16xi1>
    %sub3A_76 = vector.broadcast %multiple_of3A_5 : i32 to vector<16xi32>
    %sub3A_77 = arith.subi %get3A_63, %sub3A_76 : vector<16xi32>
    %add3A_78 = arith.constant 32 : i32
    %add3A_79 = arith.addi %add3A_16, %add3A_78 : i32
    %add3A_80 = vector.broadcast %add3A_79 : i32 to vector<16xi32>
    %add3A_81 = arith.addi %add3A_80, %iota3A : vector<16xi32>
    %select_n3A_82 = arith.select %and3A_75, %sub3A_77, %add3A_81 : vector<16xi1>, vector<16xi32>
    %swap3A_83 = arith.constant 32 : index
    %swap3A_84 = tpu.vector_load %arg9[%swap3A_83] {strides = array<i32>} : memref<128xi32, #tpu.memory_space<vmem>>, vector<16xi32>,
    %swap3A_85 = vector.shape_cast %swap3A_84 : vector<16xi32> to vector<16xi32>
    %swap3A_86 = vector.shape_cast %select_n3A_82 : vector<16xi32> to vector<16xi32>
    tpu.vector_store %arg9[%swap3A_83], %swap3A_86 {strides = array<i32>} : memref<128xi32, #tpu.memory_space<vmem>>, vector<16xi32>,
    %get3A_87 = arith.constant 48 : index
    %get3A_88 = tpu.vector_load %arg9[%get3A_87] {strides = array<i32>} : memref<128xi32, #tpu.memory_space<vmem>>, vector<16xi32>,
    %get3A_89 = vector.shape_cast %get3A_88 : vector<16xi32> to vector<16xi32>
    %get3A_90 = arith.constant 48 : index
    %get3A_91 = tpu.vector_load %arg10[%get3A_90] {strides = array<i32>} : memref<128xi32, #tpu.memory_space<vmem>>, vector<16xi32>,
    %get3A_92 = vector.shape_cast %get3A_91 : vector<16xi32> to vector<16xi32>
    %ge3A_93 = vector.broadcast %multiple_of3A_5 : i32 to vector<16xi32>
    %ge3A_94 = arith.cmpi sge, %get3A_89, %ge3A_93 : vector<16xi32>
    %add3A_95 = arith.constant 16384 : i32
    %add3A_96 = arith.addi %multiple_of3A_5, %add3A_95 : i32
    %lt3A_97 = vector.broadcast %add3A_96 : i32 to vector<16xi32>
    %lt3A_98 = arith.cmpi slt, %get3A_89, %lt3A_97 : vector<16xi32>
    %and3A_99 = arith.andi %ge3A_94, %lt3A_98 : vector<16xi1>
    %ne3A_100 = arith.cmpi ne, %get3A_89, %get3A_92 : vector<16xi32>
    %and3A_101 = arith.andi %and3A_99, %ne3A_100 : vector<16xi1>
    %sub3A_102 = vector.broadcast %multiple_of3A_5 : i32 to vector<16xi32>
    %sub3A_103 = arith.subi %get3A_89, %sub3A_102 : vector<16xi32>
    %add3A_104 = arith.constant 48 : i32
    %add3A_105 = arith.addi %add3A_16, %add3A_104 : i32
    %add3A_106 = vector.broadcast %add3A_105 : i32 to vector<16xi32>
    %add3A_107 = arith.addi %add3A_106, %iota3A : vector<16xi32>
    %select_n3A_108 = arith.select %and3A_101, %sub3A_103, %add3A_107 : vector<16xi1>, vector<16xi32>
    %swap3A_109 = arith.constant 48 : index
    %swap3A_110 = tpu.vector_load %arg9[%swap3A_109] {strides = array<i32>} : memref<128xi32, #tpu.memory_space<vmem>>, vector<16xi32>,
    %swap3A_111 = vector.shape_cast %swap3A_110 : vector<16xi32> to vector<16xi32>
    %swap3A_112 = vector.shape_cast %select_n3A_108 : vector<16xi32> to vector<16xi32>
    tpu.vector_store %arg9[%swap3A_109], %swap3A_112 {strides = array<i32>} : memref<128xi32, #tpu.memory_space<vmem>>, vector<16xi32>,
    %get3A_113 = arith.constant 64 : index
    %get3A_114 = tpu.vector_load %arg9[%get3A_113] {strides = array<i32>} : memref<128xi32, #tpu.memory_space<vmem>>, vector<16xi32>,
    %get3A_115 = vector.shape_cast %get3A_114 : vector<16xi32> to vector<16xi32>
    %get3A_116 = arith.constant 64 : index
    %get3A_117 = tpu.vector_load %arg10[%get3A_116] {strides = array<i32>} : memref<128xi32, #tpu.memory_space<vmem>>, vector<16xi32>,
    %get3A_118 = vector.shape_cast %get3A_117 : vector<16xi32> to vector<16xi32>
    %ge3A_119 = vector.broadcast %multiple_of3A_5 : i32 to vector<16xi32>
    %ge3A_120 = arith.cmpi sge, %get3A_115, %ge3A_119 : vector<16xi32>
    %add3A_121 = arith.constant 16384 : i32
    %add3A_122 = arith.addi %multiple_of3A_5, %add3A_121 : i32
    %lt3A_123 = vector.broadcast %add3A_122 : i32 to vector<16xi32>
    %lt3A_124 = arith.cmpi slt, %get3A_115, %lt3A_123 : vector<16xi32>
    %and3A_125 = arith.andi %ge3A_120, %lt3A_124 : vector<16xi1>
    %ne3A_126 = arith.cmpi ne, %get3A_115, %get3A_118 : vector<16xi32>
    %and3A_127 = arith.andi %and3A_125, %ne3A_126 : vector<16xi1>
    %sub3A_128 = vector.broadcast %multiple_of3A_5 : i32 to vector<16xi32>
    %sub3A_129 = arith.subi %get3A_115, %sub3A_128 : vector<16xi32>
    %add3A_130 = arith.constant 64 : i32
    %add3A_131 = arith.addi %add3A_16, %add3A_130 : i32
    %add3A_132 = vector.broadcast %add3A_131 : i32 to vector<16xi32>
    %add3A_133 = arith.addi %add3A_132, %iota3A : vector<16xi32>
    %select_n3A_134 = arith.select %and3A_127, %sub3A_129, %add3A_133 : vector<16xi1>, vector<16xi32>
    %swap3A_135 = arith.constant 64 : index
    %swap3A_136 = tpu.vector_load %arg9[%swap3A_135] {strides = array<i32>} : memref<128xi32, #tpu.memory_space<vmem>>, vector<16xi32>,
    %swap3A_137 = vector.shape_cast %swap3A_136 : vector<16xi32> to vector<16xi32>
    %swap3A_138 = vector.shape_cast %select_n3A_134 : vector<16xi32> to vector<16xi32>
    tpu.vector_store %arg9[%swap3A_135], %swap3A_138 {strides = array<i32>} : memref<128xi32, #tpu.memory_space<vmem>>, vector<16xi32>,
    %get3A_139 = arith.constant 80 : index
    %get3A_140 = tpu.vector_load %arg9[%get3A_139] {strides = array<i32>} : memref<128xi32, #tpu.memory_space<vmem>>, vector<16xi32>,
    %get3A_141 = vector.shape_cast %get3A_140 : vector<16xi32> to vector<16xi32>
    %get3A_142 = arith.constant 80 : index
    %get3A_143 = tpu.vector_load %arg10[%get3A_142] {strides = array<i32>} : memref<128xi32, #tpu.memory_space<vmem>>, vector<16xi32>,
    %get3A_144 = vector.shape_cast %get3A_143 : vector<16xi32> to vector<16xi32>
    %ge3A_145 = vector.broadcast %multiple_of3A_5 : i32 to vector<16xi32>
    %ge3A_146 = arith.cmpi sge, %get3A_141, %ge3A_145 : vector<16xi32>
    %add3A_147 = arith.constant 16384 : i32
    %add3A_148 = arith.addi %multiple_of3A_5, %add3A_147 : i32
    %lt3A_149 = vector.broadcast %add3A_148 : i32 to vector<16xi32>
    %lt3A_150 = arith.cmpi slt, %get3A_141, %lt3A_149 : vector<16xi32>
    %and3A_151 = arith.andi %ge3A_146, %lt3A_150 : vector<16xi1>
    %ne3A_152 = arith.cmpi ne, %get3A_141, %get3A_144 : vector<16xi32>
    %and3A_153 = arith.andi %and3A_151, %ne3A_152 : vector<16xi1>
    %sub3A_154 = vector.broadcast %multiple_of3A_5 : i32 to vector<16xi32>
    %sub3A_155 = arith.subi %get3A_141, %sub3A_154 : vector<16xi32>
    %add3A_156 = arith.constant 80 : i32
    %add3A_157 = arith.addi %add3A_16, %add3A_156 : i32
    %add3A_158 = vector.broadcast %add3A_157 : i32 to vector<16xi32>
    %add3A_159 = arith.addi %add3A_158, %iota3A : vector<16xi32>
    %select_n3A_160 = arith.select %and3A_153, %sub3A_155, %add3A_159 : vector<16xi1>, vector<16xi32>
    %swap3A_161 = arith.constant 80 : index
    %swap3A_162 = tpu.vector_load %arg9[%swap3A_161] {strides = array<i32>} : memref<128xi32, #tpu.memory_space<vmem>>, vector<16xi32>,
    %swap3A_163 = vector.shape_cast %swap3A_162 : vector<16xi32> to vector<16xi32>
    %swap3A_164 = vector.shape_cast %select_n3A_160 : vector<16xi32> to vector<16xi32>
    tpu.vector_store %arg9[%swap3A_161], %swap3A_164 {strides = array<i32>} : memref<128xi32, #tpu.memory_space<vmem>>, vector<16xi32>,
    %get3A_165 = arith.constant 96 : index
    %get3A_166 = tpu.vector_load %arg9[%get3A_165] {strides = array<i32>} : memref<128xi32, #tpu.memory_space<vmem>>, vector<16xi32>,
    %get3A_167 = vector.shape_cast %get3A_166 : vector<16xi32> to vector<16xi32>
    %get3A_168 = arith.constant 96 : index
    %get3A_169 = tpu.vector_load %arg10[%get3A_168] {strides = array<i32>} : memref<128xi32, #tpu.memory_space<vmem>>, vector<16xi32>,
    %get3A_170 = vector.shape_cast %get3A_169 : vector<16xi32> to vector<16xi32>
    %ge3A_171 = vector.broadcast %multiple_of3A_5 : i32 to vector<16xi32>
    %ge3A_172 = arith.cmpi sge, %get3A_167, %ge3A_171 : vector<16xi32>
    %add3A_173 = arith.constant 16384 : i32
    %add3A_174 = arith.addi %multiple_of3A_5, %add3A_173 : i32
    %lt3A_175 = vector.broadcast %add3A_174 : i32 to vector<16xi32>
    %lt3A_176 = arith.cmpi slt, %get3A_167, %lt3A_175 : vector<16xi32>
    %and3A_177 = arith.andi %ge3A_172, %lt3A_176 : vector<16xi1>
    %ne3A_178 = arith.cmpi ne, %get3A_167, %get3A_170 : vector<16xi32>
    %and3A_179 = arith.andi %and3A_177, %ne3A_178 : vector<16xi1>
    %sub3A_180 = vector.broadcast %multiple_of3A_5 : i32 to vector<16xi32>
    %sub3A_181 = arith.subi %get3A_167, %sub3A_180 : vector<16xi32>
    %add3A_182 = arith.constant 96 : i32
    %add3A_183 = arith.addi %add3A_16, %add3A_182 : i32
    %add3A_184 = vector.broadcast %add3A_183 : i32 to vector<16xi32>
    %add3A_185 = arith.addi %add3A_184, %iota3A : vector<16xi32>
    %select_n3A_186 = arith.select %and3A_179, %sub3A_181, %add3A_185 : vector<16xi1>, vector<16xi32>
    %swap3A_187 = arith.constant 96 : index
    %swap3A_188 = tpu.vector_load %arg9[%swap3A_187] {strides = array<i32>} : memref<128xi32, #tpu.memory_space<vmem>>, vector<16xi32>,
    %swap3A_189 = vector.shape_cast %swap3A_188 : vector<16xi32> to vector<16xi32>
    %swap3A_190 = vector.shape_cast %select_n3A_186 : vector<16xi32> to vector<16xi32>
    tpu.vector_store %arg9[%swap3A_187], %swap3A_190 {strides = array<i32>} : memref<128xi32, #tpu.memory_space<vmem>>, vector<16xi32>,
    %get3A_191 = arith.constant 112 : index
    %get3A_192 = tpu.vector_load %arg9[%get3A_191] {strides = array<i32>} : memref<128xi32, #tpu.memory_space<vmem>>, vector<16xi32>,
    %get3A_193 = vector.shape_cast %get3A_192 : vector<16xi32> to vector<16xi32>
    %get3A_194 = arith.constant 112 : index
    %get3A_195 = tpu.vector_load %arg10[%get3A_194] {strides = array<i32>} : memref<128xi32, #tpu.memory_space<vmem>>, vector<16xi32>,
    %get3A_196 = vector.shape_cast %get3A_195 : vector<16xi32> to vector<16xi32>
    %ge3A_197 = vector.broadcast %multiple_of3A_5 : i32 to vector<16xi32>
    %ge3A_198 = arith.cmpi sge, %get3A_193, %ge3A_197 : vector<16xi32>
    %add3A_199 = arith.constant 16384 : i32
    %add3A_200 = arith.addi %multiple_of3A_5, %add3A_199 : i32
    %lt3A_201 = vector.broadcast %add3A_200 : i32 to vector<16xi32>
    %lt3A_202 = arith.cmpi slt, %get3A_193, %lt3A_201 : vector<16xi32>
    %and3A_203 = arith.andi %ge3A_198, %lt3A_202 : vector<16xi1>
    %ne3A_204 = arith.cmpi ne, %get3A_193, %get3A_196 : vector<16xi32>
    %and3A_205 = arith.andi %and3A_203, %ne3A_204 : vector<16xi1>
    %sub3A_206 = vector.broadcast %multiple_of3A_5 : i32 to vector<16xi32>
    %sub3A_207 = arith.subi %get3A_193, %sub3A_206 : vector<16xi32>
    %add3A_208 = arith.constant 112 : i32
    %add3A_209 = arith.addi %add3A_16, %add3A_208 : i32
    %add3A_210 = vector.broadcast %add3A_209 : i32 to vector<16xi32>
    %add3A_211 = arith.addi %add3A_210, %iota3A : vector<16xi32>
    %select_n3A_212 = arith.select %and3A_205, %sub3A_207, %add3A_211 : vector<16xi1>, vector<16xi32>
    %swap3A_213 = arith.constant 112 : index
    %swap3A_214 = tpu.vector_load %arg9[%swap3A_213] {strides = array<i32>} : memref<128xi32, #tpu.memory_space<vmem>>, vector<16xi32>,
    %swap3A_215 = vector.shape_cast %swap3A_214 : vector<16xi32> to vector<16xi32>
    %swap3A_216 = vector.shape_cast %select_n3A_212 : vector<16xi32> to vector<16xi32>
    tpu.vector_store %arg9[%swap3A_213], %swap3A_216 {strides = array<i32>} : memref<128xi32, #tpu.memory_space<vmem>>, vector<16xi32>,
    %barrier3A = arith.constant 0 : index
    tpu.barrier barrier_id(%barrier3A)
    "tpu.region"() ({
      %run_scoped3A = tpu.sem_alloc : memref<!tpu.dma_semaphore, #tpu.memory_space<semaphore_mem>>
      %dma_start3A_536 = arith.constant 0 : i32
      %dma_start3A_537 = tpu.memref_slice %arg7[%dma_start3A_536] : memref<18432xi32, #tpu.memory_space<vmem_shared>> -> memref<18432xi32, #tpu.memory_space<vmem_shared>>
      tpu.enqueue_indirect_dma source(%arg10 : memref<128xi32, #tpu.memory_space<vmem>>) target(%dma_start3A_537 : memref<18432xi32, #tpu.memory_space<vmem_shared>>) offsets(%arg9 : memref<128xi32, #tpu.memory_space<vmem>>) semaphore(%run_scoped3A : memref<!tpu.dma_semaphore, #tpu.memory_space<semaphore_mem>>)
      %dma_wait3A_538 = arith.constant 0 : i32
      %dma_wait3A_539 = tpu.memref_slice %arg7[%dma_wait3A_538] : memref<18432xi32, #tpu.memory_space<vmem_shared>> -> memref<18432xi32, #tpu.memory_space<vmem_shared>>
      tpu.wait_indirect_dma semaphore(%run_scoped3A : memref<!tpu.dma_semaphore, #tpu.memory_space<semaphore_mem>>) src(%arg10 : memref<128xi32, #tpu.memory_space<vmem>>) dst(%dma_wait3A_539 : memref<18432xi32, #tpu.memory_space<vmem_shared>>)
      tpu.yield
    }) : () -> ()
    %barrier3A_217 = arith.constant 0 : index
    tpu.barrier barrier_id(%barrier3A_217)
    "tpu.region"() ({
      %run_scoped3A = tpu.sem_alloc : memref<!tpu.dma_semaphore, #tpu.memory_space<semaphore_mem>>
      %dma_start3A_536 = tpu.memref_slice %arg7[%multiple_of3A_8] : memref<18432xi32, #tpu.memory_space<vmem_shared>> -> memref<1024xi32, #tpu.memory_space<vmem_shared>>
      %dma_start3A_537 = tpu.memref_slice %arg7[%multiple_of3A_8] : memref<18432xi32, #tpu.memory_space<vmem_shared>> -> memref<1024xi32, #tpu.memory_space<vmem_shared>>
      tpu.enqueue_dma source(%dma_start3A_537 : memref<1024xi32, #tpu.memory_space<vmem_shared>>) target(%arg8 : memref<1024xi32, #tpu.memory_space<vmem>>) target_semaphore(%run_scoped3A : memref<!tpu.dma_semaphore, #tpu.memory_space<semaphore_mem>>)
      %dma_wait3A_538 = tpu.memref_slice %arg7[%multiple_of3A_8] : memref<18432xi32, #tpu.memory_space<vmem_shared>> -> memref<1024xi32, #tpu.memory_space<vmem_shared>>
      %dma_wait3A_539 = tpu.memref_slice %arg7[%multiple_of3A_8] : memref<18432xi32, #tpu.memory_space<vmem_shared>> -> memref<1024xi32, #tpu.memory_space<vmem_shared>>
      tpu.wait_dma2 semaphore(%run_scoped3A : memref<!tpu.dma_semaphore, #tpu.memory_space<semaphore_mem>>) src(%dma_wait3A_539 : memref<1024xi32, #tpu.memory_space<vmem_shared>>) dst(%arg8 : memref<1024xi32, #tpu.memory_space<vmem>>)
      tpu.yield
    }) : () -> ()
    %dma_start3A = arith.constant 0 : i32
    %dma_start3A_218 = tpu.memref_slice %arg8[%dma_start3A] : memref<1024xi32, #tpu.memory_space<vmem>> -> memref<64xi32, #tpu.memory_space<vmem>>
    %dma_start3A_219 = arith.constant 0 : i32
    %dma_start3A_220 = arith.constant 0 : i32
    %dma_start3A_221 = tpu.memref_slice %arg2[%dma_start3A_219, %dma_start3A_220] : memref<32768x256xf32, #tpu.memory_space<hbm>> -> memref<32768x256xf32, #tpu.memory_space<hbm>>
    tpu.enqueue_indirect_dma source(%dma_start3A_221 : memref<32768x256xf32, #tpu.memory_space<hbm>>) target(%arg11 : memref<64x256xf32, #tpu.memory_space<vmem>>) offsets(%dma_start3A_218 : memref<64xi32, #tpu.memory_space<vmem>>) semaphore(%arg17 : memref<!tpu.dma_semaphore, #tpu.memory_space<semaphore_mem>>)
    %dma_start3A_222 = arith.constant 64 : i32
    %dma_start3A_223 = tpu.memref_slice %arg8[%dma_start3A_222] : memref<1024xi32, #tpu.memory_space<vmem>> -> memref<64xi32, #tpu.memory_space<vmem>>
    %dma_start3A_224 = arith.constant 0 : i32
    %dma_start3A_225 = arith.constant 0 : i32
    %dma_start3A_226 = tpu.memref_slice %arg2[%dma_start3A_224, %dma_start3A_225] : memref<32768x256xf32, #tpu.memory_space<hbm>> -> memref<32768x256xf32, #tpu.memory_space<hbm>>
    tpu.enqueue_indirect_dma source(%dma_start3A_226 : memref<32768x256xf32, #tpu.memory_space<hbm>>) target(%arg12 : memref<64x256xf32, #tpu.memory_space<vmem>>) offsets(%dma_start3A_223 : memref<64xi32, #tpu.memory_space<vmem>>) semaphore(%arg18 : memref<!tpu.dma_semaphore, #tpu.memory_space<semaphore_mem>>)
    %dma_start3A_227 = arith.constant 128 : i32
    %dma_start3A_228 = tpu.memref_slice %arg8[%dma_start3A_227] : memref<1024xi32, #tpu.memory_space<vmem>> -> memref<64xi32, #tpu.memory_space<vmem>>
    %dma_start3A_229 = arith.constant 0 : i32
    %dma_start3A_230 = arith.constant 0 : i32
    %dma_start3A_231 = tpu.memref_slice %arg2[%dma_start3A_229, %dma_start3A_230] : memref<32768x256xf32, #tpu.memory_space<hbm>> -> memref<32768x256xf32, #tpu.memory_space<hbm>>
    tpu.enqueue_indirect_dma source(%dma_start3A_231 : memref<32768x256xf32, #tpu.memory_space<hbm>>) target(%arg13 : memref<64x256xf32, #tpu.memory_space<vmem>>) offsets(%dma_start3A_228 : memref<64xi32, #tpu.memory_space<vmem>>) semaphore(%arg19 : memref<!tpu.dma_semaphore, #tpu.memory_space<semaphore_mem>>)
    %dma_start3A_232 = arith.constant 192 : i32
    %dma_start3A_233 = tpu.memref_slice %arg8[%dma_start3A_232] : memref<1024xi32, #tpu.memory_space<vmem>> -> memref<64xi32, #tpu.memory_space<vmem>>
    %dma_start3A_234 = arith.constant 0 : i32
    %dma_start3A_235 = arith.constant 0 : i32
    %dma_start3A_236 = tpu.memref_slice %arg2[%dma_start3A_234, %dma_start3A_235] : memref<32768x256xf32, #tpu.memory_space<hbm>> -> memref<32768x256xf32, #tpu.memory_space<hbm>>
    tpu.enqueue_indirect_dma source(%dma_start3A_236 : memref<32768x256xf32, #tpu.memory_space<hbm>>) target(%arg14 : memref<64x256xf32, #tpu.memory_space<vmem>>) offsets(%dma_start3A_233 : memref<64xi32, #tpu.memory_space<vmem>>) semaphore(%arg20 : memref<!tpu.dma_semaphore, #tpu.memory_space<semaphore_mem>>)
    %dma_start3A_237 = arith.constant 256 : i32
    %dma_start3A_238 = tpu.memref_slice %arg8[%dma_start3A_237] : memref<1024xi32, #tpu.memory_space<vmem>> -> memref<64xi32, #tpu.memory_space<vmem>>
    %dma_start3A_239 = arith.constant 0 : i32
    %dma_start3A_240 = arith.constant 0 : i32
    %dma_start3A_241 = tpu.memref_slice %arg2[%dma_start3A_239, %dma_start3A_240] : memref<32768x256xf32, #tpu.memory_space<hbm>> -> memref<32768x256xf32, #tpu.memory_space<hbm>>
    tpu.enqueue_indirect_dma source(%dma_start3A_241 : memref<32768x256xf32, #tpu.memory_space<hbm>>) target(%arg15 : memref<64x256xf32, #tpu.memory_space<vmem>>) offsets(%dma_start3A_238 : memref<64xi32, #tpu.memory_space<vmem>>) semaphore(%arg21 : memref<!tpu.dma_semaphore, #tpu.memory_space<semaphore_mem>>)
    %dma_start3A_242 = arith.constant 320 : i32
    %dma_start3A_243 = tpu.memref_slice %arg8[%dma_start3A_242] : memref<1024xi32, #tpu.memory_space<vmem>> -> memref<64xi32, #tpu.memory_space<vmem>>
    %dma_start3A_244 = arith.constant 0 : i32
    %dma_start3A_245 = arith.constant 0 : i32
    %dma_start3A_246 = tpu.memref_slice %arg2[%dma_start3A_244, %dma_start3A_245] : memref<32768x256xf32, #tpu.memory_space<hbm>> -> memref<32768x256xf32, #tpu.memory_space<hbm>>
    tpu.enqueue_indirect_dma source(%dma_start3A_246 : memref<32768x256xf32, #tpu.memory_space<hbm>>) target(%arg16 : memref<64x256xf32, #tpu.memory_space<vmem>>) offsets(%dma_start3A_243 : memref<64xi32, #tpu.memory_space<vmem>>) semaphore(%arg22 : memref<!tpu.dma_semaphore, #tpu.memory_space<semaphore_mem>>)
    %dma_wait3A = arith.constant 0 : i32
    %dma_wait3A_247 = tpu.memref_slice %arg8[%dma_wait3A] : memref<1024xi32, #tpu.memory_space<vmem>> -> memref<64xi32, #tpu.memory_space<vmem>>
    %dma_wait3A_248 = arith.constant 0 : i32
    %dma_wait3A_249 = arith.constant 0 : i32
    %dma_wait3A_250 = tpu.memref_slice %arg2[%dma_wait3A_248, %dma_wait3A_249] : memref<32768x256xf32, #tpu.memory_space<hbm>> -> memref<32768x256xf32, #tpu.memory_space<hbm>>
    tpu.wait_indirect_dma semaphore(%arg17 : memref<!tpu.dma_semaphore, #tpu.memory_space<semaphore_mem>>) src(%dma_wait3A_250 : memref<32768x256xf32, #tpu.memory_space<hbm>>) dst(%arg11 : memref<64x256xf32, #tpu.memory_space<vmem>>)
    %add3A_251 = arith.constant 0 : i32
    %add3A_252 = arith.addi %multiple_of3A, %add3A_251 : i32
    %dma_start3A_253 = arith.constant 0 : i32
    %dma_start3A_254 = tpu.memref_slice %arg6[%add3A_252, %dma_start3A_253] : memref<32768x256xf32, #tpu.memory_space<hbm>> -> memref<64x256xf32, #tpu.memory_space<hbm>>
    %dma_start3A_255 = arith.constant 0 : i32
    %dma_start3A_256 = tpu.memref_slice %arg6[%add3A_252, %dma_start3A_255] : memref<32768x256xf32, #tpu.memory_space<hbm>> -> memref<64x256xf32, #tpu.memory_space<hbm>>
    tpu.enqueue_dma source(%arg11 : memref<64x256xf32, #tpu.memory_space<vmem>>) target(%dma_start3A_256 : memref<64x256xf32, #tpu.memory_space<hbm>>) target_semaphore(%arg23 : memref<!tpu.dma_semaphore, #tpu.memory_space<semaphore_mem>>)
    %dma_wait3A_257 = arith.constant 0 : i32
    %dma_wait3A_258 = tpu.memref_slice %arg6[%add3A_252, %dma_wait3A_257] : memref<32768x256xf32, #tpu.memory_space<hbm>> -> memref<64x256xf32, #tpu.memory_space<hbm>>
    %dma_wait3A_259 = arith.constant 0 : i32
    %dma_wait3A_260 = tpu.memref_slice %arg6[%add3A_252, %dma_wait3A_259] : memref<32768x256xf32, #tpu.memory_space<hbm>> -> memref<64x256xf32, #tpu.memory_space<hbm>>
    tpu.wait_dma2 semaphore(%arg23 : memref<!tpu.dma_semaphore, #tpu.memory_space<semaphore_mem>>) src(%arg11 : memref<64x256xf32, #tpu.memory_space<vmem>>) dst(%dma_wait3A_260 : memref<64x256xf32, #tpu.memory_space<hbm>>)
    %dma_start3A_261 = arith.constant 384 : i32
    %dma_start3A_262 = tpu.memref_slice %arg8[%dma_start3A_261] : memref<1024xi32, #tpu.memory_space<vmem>> -> memref<64xi32, #tpu.memory_space<vmem>>
    %dma_start3A_263 = arith.constant 0 : i32
    %dma_start3A_264 = arith.constant 0 : i32
    %dma_start3A_265 = tpu.memref_slice %arg2[%dma_start3A_263, %dma_start3A_264] : memref<32768x256xf32, #tpu.memory_space<hbm>> -> memref<32768x256xf32, #tpu.memory_space<hbm>>
    tpu.enqueue_indirect_dma source(%dma_start3A_265 : memref<32768x256xf32, #tpu.memory_space<hbm>>) target(%arg11 : memref<64x256xf32, #tpu.memory_space<vmem>>) offsets(%dma_start3A_262 : memref<64xi32, #tpu.memory_space<vmem>>) semaphore(%arg17 : memref<!tpu.dma_semaphore, #tpu.memory_space<semaphore_mem>>)
    %dma_wait3A_266 = arith.constant 64 : i32
    %dma_wait3A_267 = tpu.memref_slice %arg8[%dma_wait3A_266] : memref<1024xi32, #tpu.memory_space<vmem>> -> memref<64xi32, #tpu.memory_space<vmem>>
    %dma_wait3A_268 = arith.constant 0 : i32
    %dma_wait3A_269 = arith.constant 0 : i32
    %dma_wait3A_270 = tpu.memref_slice %arg2[%dma_wait3A_268, %dma_wait3A_269] : memref<32768x256xf32, #tpu.memory_space<hbm>> -> memref<32768x256xf32, #tpu.memory_space<hbm>>
    tpu.wait_indirect_dma semaphore(%arg18 : memref<!tpu.dma_semaphore, #tpu.memory_space<semaphore_mem>>) src(%dma_wait3A_270 : memref<32768x256xf32, #tpu.memory_space<hbm>>) dst(%arg12 : memref<64x256xf32, #tpu.memory_space<vmem>>)
    %add3A_271 = arith.constant 64 : i32
    %add3A_272 = arith.addi %multiple_of3A, %add3A_271 : i32
    %dma_start3A_273 = arith.constant 0 : i32
    %dma_start3A_274 = tpu.memref_slice %arg6[%add3A_272, %dma_start3A_273] : memref<32768x256xf32, #tpu.memory_space<hbm>> -> memref<64x256xf32, #tpu.memory_space<hbm>>
    %dma_start3A_275 = arith.constant 0 : i32
    %dma_start3A_276 = tpu.memref_slice %arg6[%add3A_272, %dma_start3A_275] : memref<32768x256xf32, #tpu.memory_space<hbm>> -> memref<64x256xf32, #tpu.memory_space<hbm>>
    tpu.enqueue_dma source(%arg12 : memref<64x256xf32, #tpu.memory_space<vmem>>) target(%dma_start3A_276 : memref<64x256xf32, #tpu.memory_space<hbm>>) target_semaphore(%arg24 : memref<!tpu.dma_semaphore, #tpu.memory_space<semaphore_mem>>)
    %dma_wait3A_277 = arith.constant 0 : i32
    %dma_wait3A_278 = tpu.memref_slice %arg6[%add3A_272, %dma_wait3A_277] : memref<32768x256xf32, #tpu.memory_space<hbm>> -> memref<64x256xf32, #tpu.memory_space<hbm>>
    %dma_wait3A_279 = arith.constant 0 : i32
    %dma_wait3A_280 = tpu.memref_slice %arg6[%add3A_272, %dma_wait3A_279] : memref<32768x256xf32, #tpu.memory_space<hbm>> -> memref<64x256xf32, #tpu.memory_space<hbm>>
    tpu.wait_dma2 semaphore(%arg24 : memref<!tpu.dma_semaphore, #tpu.memory_space<semaphore_mem>>) src(%arg12 : memref<64x256xf32, #tpu.memory_space<vmem>>) dst(%dma_wait3A_280 : memref<64x256xf32, #tpu.memory_space<hbm>>)
    %dma_start3A_281 = arith.constant 448 : i32
    %dma_start3A_282 = tpu.memref_slice %arg8[%dma_start3A_281] : memref<1024xi32, #tpu.memory_space<vmem>> -> memref<64xi32, #tpu.memory_space<vmem>>
    %dma_start3A_283 = arith.constant 0 : i32
    %dma_start3A_284 = arith.constant 0 : i32
    %dma_start3A_285 = tpu.memref_slice %arg2[%dma_start3A_283, %dma_start3A_284] : memref<32768x256xf32, #tpu.memory_space<hbm>> -> memref<32768x256xf32, #tpu.memory_space<hbm>>
    tpu.enqueue_indirect_dma source(%dma_start3A_285 : memref<32768x256xf32, #tpu.memory_space<hbm>>) target(%arg12 : memref<64x256xf32, #tpu.memory_space<vmem>>) offsets(%dma_start3A_282 : memref<64xi32, #tpu.memory_space<vmem>>) semaphore(%arg18 : memref<!tpu.dma_semaphore, #tpu.memory_space<semaphore_mem>>)
    %dma_wait3A_286 = arith.constant 128 : i32
    %dma_wait3A_287 = tpu.memref_slice %arg8[%dma_wait3A_286] : memref<1024xi32, #tpu.memory_space<vmem>> -> memref<64xi32, #tpu.memory_space<vmem>>
    %dma_wait3A_288 = arith.constant 0 : i32
    %dma_wait3A_289 = arith.constant 0 : i32
    %dma_wait3A_290 = tpu.memref_slice %arg2[%dma_wait3A_288, %dma_wait3A_289] : memref<32768x256xf32, #tpu.memory_space<hbm>> -> memref<32768x256xf32, #tpu.memory_space<hbm>>
    tpu.wait_indirect_dma semaphore(%arg19 : memref<!tpu.dma_semaphore, #tpu.memory_space<semaphore_mem>>) src(%dma_wait3A_290 : memref<32768x256xf32, #tpu.memory_space<hbm>>) dst(%arg13 : memref<64x256xf32, #tpu.memory_space<vmem>>)
    %add3A_291 = arith.constant 128 : i32
    %add3A_292 = arith.addi %multiple_of3A, %add3A_291 : i32
    %dma_start3A_293 = arith.constant 0 : i32
    %dma_start3A_294 = tpu.memref_slice %arg6[%add3A_292, %dma_start3A_293] : memref<32768x256xf32, #tpu.memory_space<hbm>> -> memref<64x256xf32, #tpu.memory_space<hbm>>
    %dma_start3A_295 = arith.constant 0 : i32
    %dma_start3A_296 = tpu.memref_slice %arg6[%add3A_292, %dma_start3A_295] : memref<32768x256xf32, #tpu.memory_space<hbm>> -> memref<64x256xf32, #tpu.memory_space<hbm>>
    tpu.enqueue_dma source(%arg13 : memref<64x256xf32, #tpu.memory_space<vmem>>) target(%dma_start3A_296 : memref<64x256xf32, #tpu.memory_space<hbm>>) target_semaphore(%arg25 : memref<!tpu.dma_semaphore, #tpu.memory_space<semaphore_mem>>)
    %dma_wait3A_297 = arith.constant 0 : i32
    %dma_wait3A_298 = tpu.memref_slice %arg6[%add3A_292, %dma_wait3A_297] : memref<32768x256xf32, #tpu.memory_space<hbm>> -> memref<64x256xf32, #tpu.memory_space<hbm>>
    %dma_wait3A_299 = arith.constant 0 : i32
    %dma_wait3A_300 = tpu.memref_slice %arg6[%add3A_292, %dma_wait3A_299] : memref<32768x256xf32, #tpu.memory_space<hbm>> -> memref<64x256xf32, #tpu.memory_space<hbm>>
    tpu.wait_dma2 semaphore(%arg25 : memref<!tpu.dma_semaphore, #tpu.memory_space<semaphore_mem>>) src(%arg13 : memref<64x256xf32, #tpu.memory_space<vmem>>) dst(%dma_wait3A_300 : memref<64x256xf32, #tpu.memory_space<hbm>>)
    %dma_start3A_301 = arith.constant 512 : i32
    %dma_start3A_302 = tpu.memref_slice %arg8[%dma_start3A_301] : memref<1024xi32, #tpu.memory_space<vmem>> -> memref<64xi32, #tpu.memory_space<vmem>>
    %dma_start3A_303 = arith.constant 0 : i32
    %dma_start3A_304 = arith.constant 0 : i32
    %dma_start3A_305 = tpu.memref_slice %arg2[%dma_start3A_303, %dma_start3A_304] : memref<32768x256xf32, #tpu.memory_space<hbm>> -> memref<32768x256xf32, #tpu.memory_space<hbm>>
    tpu.enqueue_indirect_dma source(%dma_start3A_305 : memref<32768x256xf32, #tpu.memory_space<hbm>>) target(%arg13 : memref<64x256xf32, #tpu.memory_space<vmem>>) offsets(%dma_start3A_302 : memref<64xi32, #tpu.memory_space<vmem>>) semaphore(%arg19 : memref<!tpu.dma_semaphore, #tpu.memory_space<semaphore_mem>>)
    %dma_wait3A_306 = arith.constant 192 : i32
    %dma_wait3A_307 = tpu.memref_slice %arg8[%dma_wait3A_306] : memref<1024xi32, #tpu.memory_space<vmem>> -> memref<64xi32, #tpu.memory_space<vmem>>
    %dma_wait3A_308 = arith.constant 0 : i32
    %dma_wait3A_309 = arith.constant 0 : i32
    %dma_wait3A_310 = tpu.memref_slice %arg2[%dma_wait3A_308, %dma_wait3A_309] : memref<32768x256xf32, #tpu.memory_space<hbm>> -> memref<32768x256xf32, #tpu.memory_space<hbm>>
    tpu.wait_indirect_dma semaphore(%arg20 : memref<!tpu.dma_semaphore, #tpu.memory_space<semaphore_mem>>) src(%dma_wait3A_310 : memref<32768x256xf32, #tpu.memory_space<hbm>>) dst(%arg14 : memref<64x256xf32, #tpu.memory_space<vmem>>)
    %add3A_311 = arith.constant 192 : i32
    %add3A_312 = arith.addi %multiple_of3A, %add3A_311 : i32
    %dma_start3A_313 = arith.constant 0 : i32
    %dma_start3A_314 = tpu.memref_slice %arg6[%add3A_312, %dma_start3A_313] : memref<32768x256xf32, #tpu.memory_space<hbm>> -> memref<64x256xf32, #tpu.memory_space<hbm>>
    %dma_start3A_315 = arith.constant 0 : i32
    %dma_start3A_316 = tpu.memref_slice %arg6[%add3A_312, %dma_start3A_315] : memref<32768x256xf32, #tpu.memory_space<hbm>> -> memref<64x256xf32, #tpu.memory_space<hbm>>
    tpu.enqueue_dma source(%arg14 : memref<64x256xf32, #tpu.memory_space<vmem>>) target(%dma_start3A_316 : memref<64x256xf32, #tpu.memory_space<hbm>>) target_semaphore(%arg26 : memref<!tpu.dma_semaphore, #tpu.memory_space<semaphore_mem>>)
    %dma_wait3A_317 = arith.constant 0 : i32
    %dma_wait3A_318 = tpu.memref_slice %arg6[%add3A_312, %dma_wait3A_317] : memref<32768x256xf32, #tpu.memory_space<hbm>> -> memref<64x256xf32, #tpu.memory_space<hbm>>
    %dma_wait3A_319 = arith.constant 0 : i32
    %dma_wait3A_320 = tpu.memref_slice %arg6[%add3A_312, %dma_wait3A_319] : memref<32768x256xf32, #tpu.memory_space<hbm>> -> memref<64x256xf32, #tpu.memory_space<hbm>>
    tpu.wait_dma2 semaphore(%arg26 : memref<!tpu.dma_semaphore, #tpu.memory_space<semaphore_mem>>) src(%arg14 : memref<64x256xf32, #tpu.memory_space<vmem>>) dst(%dma_wait3A_320 : memref<64x256xf32, #tpu.memory_space<hbm>>)
    %dma_start3A_321 = arith.constant 576 : i32
    %dma_start3A_322 = tpu.memref_slice %arg8[%dma_start3A_321] : memref<1024xi32, #tpu.memory_space<vmem>> -> memref<64xi32, #tpu.memory_space<vmem>>
    %dma_start3A_323 = arith.constant 0 : i32
    %dma_start3A_324 = arith.constant 0 : i32
    %dma_start3A_325 = tpu.memref_slice %arg2[%dma_start3A_323, %dma_start3A_324] : memref<32768x256xf32, #tpu.memory_space<hbm>> -> memref<32768x256xf32, #tpu.memory_space<hbm>>
    tpu.enqueue_indirect_dma source(%dma_start3A_325 : memref<32768x256xf32, #tpu.memory_space<hbm>>) target(%arg14 : memref<64x256xf32, #tpu.memory_space<vmem>>) offsets(%dma_start3A_322 : memref<64xi32, #tpu.memory_space<vmem>>) semaphore(%arg20 : memref<!tpu.dma_semaphore, #tpu.memory_space<semaphore_mem>>)
    %dma_wait3A_326 = arith.constant 256 : i32
    %dma_wait3A_327 = tpu.memref_slice %arg8[%dma_wait3A_326] : memref<1024xi32, #tpu.memory_space<vmem>> -> memref<64xi32, #tpu.memory_space<vmem>>
    %dma_wait3A_328 = arith.constant 0 : i32
    %dma_wait3A_329 = arith.constant 0 : i32
    %dma_wait3A_330 = tpu.memref_slice %arg2[%dma_wait3A_328, %dma_wait3A_329] : memref<32768x256xf32, #tpu.memory_space<hbm>> -> memref<32768x256xf32, #tpu.memory_space<hbm>>
    tpu.wait_indirect_dma semaphore(%arg21 : memref<!tpu.dma_semaphore, #tpu.memory_space<semaphore_mem>>) src(%dma_wait3A_330 : memref<32768x256xf32, #tpu.memory_space<hbm>>) dst(%arg15 : memref<64x256xf32, #tpu.memory_space<vmem>>)
    %add3A_331 = arith.constant 256 : i32
    %add3A_332 = arith.addi %multiple_of3A, %add3A_331 : i32
    %dma_start3A_333 = arith.constant 0 : i32
    %dma_start3A_334 = tpu.memref_slice %arg6[%add3A_332, %dma_start3A_333] : memref<32768x256xf32, #tpu.memory_space<hbm>> -> memref<64x256xf32, #tpu.memory_space<hbm>>
    %dma_start3A_335 = arith.constant 0 : i32
    %dma_start3A_336 = tpu.memref_slice %arg6[%add3A_332, %dma_start3A_335] : memref<32768x256xf32, #tpu.memory_space<hbm>> -> memref<64x256xf32, #tpu.memory_space<hbm>>
    tpu.enqueue_dma source(%arg15 : memref<64x256xf32, #tpu.memory_space<vmem>>) target(%dma_start3A_336 : memref<64x256xf32, #tpu.memory_space<hbm>>) target_semaphore(%arg27 : memref<!tpu.dma_semaphore, #tpu.memory_space<semaphore_mem>>)
    %dma_wait3A_337 = arith.constant 0 : i32
    %dma_wait3A_338 = tpu.memref_slice %arg6[%add3A_332, %dma_wait3A_337] : memref<32768x256xf32, #tpu.memory_space<hbm>> -> memref<64x256xf32, #tpu.memory_space<hbm>>
    %dma_wait3A_339 = arith.constant 0 : i32
    %dma_wait3A_340 = tpu.memref_slice %arg6[%add3A_332, %dma_wait3A_339] : memref<32768x256xf32, #tpu.memory_space<hbm>> -> memref<64x256xf32, #tpu.memory_space<hbm>>
    tpu.wait_dma2 semaphore(%arg27 : memref<!tpu.dma_semaphore, #tpu.memory_space<semaphore_mem>>) src(%arg15 : memref<64x256xf32, #tpu.memory_space<vmem>>) dst(%dma_wait3A_340 : memref<64x256xf32, #tpu.memory_space<hbm>>)
    %dma_start3A_341 = arith.constant 640 : i32
    %dma_start3A_342 = tpu.memref_slice %arg8[%dma_start3A_341] : memref<1024xi32, #tpu.memory_space<vmem>> -> memref<64xi32, #tpu.memory_space<vmem>>
    %dma_start3A_343 = arith.constant 0 : i32
    %dma_start3A_344 = arith.constant 0 : i32
    %dma_start3A_345 = tpu.memref_slice %arg2[%dma_start3A_343, %dma_start3A_344] : memref<32768x256xf32, #tpu.memory_space<hbm>> -> memref<32768x256xf32, #tpu.memory_space<hbm>>
    tpu.enqueue_indirect_dma source(%dma_start3A_345 : memref<32768x256xf32, #tpu.memory_space<hbm>>) target(%arg15 : memref<64x256xf32, #tpu.memory_space<vmem>>) offsets(%dma_start3A_342 : memref<64xi32, #tpu.memory_space<vmem>>) semaphore(%arg21 : memref<!tpu.dma_semaphore, #tpu.memory_space<semaphore_mem>>)
    %dma_wait3A_346 = arith.constant 320 : i32
    %dma_wait3A_347 = tpu.memref_slice %arg8[%dma_wait3A_346] : memref<1024xi32, #tpu.memory_space<vmem>> -> memref<64xi32, #tpu.memory_space<vmem>>
    %dma_wait3A_348 = arith.constant 0 : i32
    %dma_wait3A_349 = arith.constant 0 : i32
    %dma_wait3A_350 = tpu.memref_slice %arg2[%dma_wait3A_348, %dma_wait3A_349] : memref<32768x256xf32, #tpu.memory_space<hbm>> -> memref<32768x256xf32, #tpu.memory_space<hbm>>
    tpu.wait_indirect_dma semaphore(%arg22 : memref<!tpu.dma_semaphore, #tpu.memory_space<semaphore_mem>>) src(%dma_wait3A_350 : memref<32768x256xf32, #tpu.memory_space<hbm>>) dst(%arg16 : memref<64x256xf32, #tpu.memory_space<vmem>>)
    %add3A_351 = arith.constant 320 : i32
    %add3A_352 = arith.addi %multiple_of3A, %add3A_351 : i32
    %dma_start3A_353 = arith.constant 0 : i32
    %dma_start3A_354 = tpu.memref_slice %arg6[%add3A_352, %dma_start3A_353] : memref<32768x256xf32, #tpu.memory_space<hbm>> -> memref<64x256xf32, #tpu.memory_space<hbm>>
    %dma_start3A_355 = arith.constant 0 : i32
    %dma_start3A_356 = tpu.memref_slice %arg6[%add3A_352, %dma_start3A_355] : memref<32768x256xf32, #tpu.memory_space<hbm>> -> memref<64x256xf32, #tpu.memory_space<hbm>>
    tpu.enqueue_dma source(%arg16 : memref<64x256xf32, #tpu.memory_space<vmem>>) target(%dma_start3A_356 : memref<64x256xf32, #tpu.memory_space<hbm>>) target_semaphore(%arg28 : memref<!tpu.dma_semaphore, #tpu.memory_space<semaphore_mem>>)
    %dma_wait3A_357 = arith.constant 0 : i32
    %dma_wait3A_358 = tpu.memref_slice %arg6[%add3A_352, %dma_wait3A_357] : memref<32768x256xf32, #tpu.memory_space<hbm>> -> memref<64x256xf32, #tpu.memory_space<hbm>>
    %dma_wait3A_359 = arith.constant 0 : i32
    %dma_wait3A_360 = tpu.memref_slice %arg6[%add3A_352, %dma_wait3A_359] : memref<32768x256xf32, #tpu.memory_space<hbm>> -> memref<64x256xf32, #tpu.memory_space<hbm>>
    tpu.wait_dma2 semaphore(%arg28 : memref<!tpu.dma_semaphore, #tpu.memory_space<semaphore_mem>>) src(%arg16 : memref<64x256xf32, #tpu.memory_space<vmem>>) dst(%dma_wait3A_360 : memref<64x256xf32, #tpu.memory_space<hbm>>)
    %dma_start3A_361 = arith.constant 704 : i32
    %dma_start3A_362 = tpu.memref_slice %arg8[%dma_start3A_361] : memref<1024xi32, #tpu.memory_space<vmem>> -> memref<64xi32, #tpu.memory_space<vmem>>
    %dma_start3A_363 = arith.constant 0 : i32
    %dma_start3A_364 = arith.constant 0 : i32
    %dma_start3A_365 = tpu.memref_slice %arg2[%dma_start3A_363, %dma_start3A_364] : memref<32768x256xf32, #tpu.memory_space<hbm>> -> memref<32768x256xf32, #tpu.memory_space<hbm>>
    tpu.enqueue_indirect_dma source(%dma_start3A_365 : memref<32768x256xf32, #tpu.memory_space<hbm>>) target(%arg16 : memref<64x256xf32, #tpu.memory_space<vmem>>) offsets(%dma_start3A_362 : memref<64xi32, #tpu.memory_space<vmem>>) semaphore(%arg22 : memref<!tpu.dma_semaphore, #tpu.memory_space<semaphore_mem>>)
    %dma_wait3A_366 = arith.constant 384 : i32
    %dma_wait3A_367 = tpu.memref_slice %arg8[%dma_wait3A_366] : memref<1024xi32, #tpu.memory_space<vmem>> -> memref<64xi32, #tpu.memory_space<vmem>>
    %dma_wait3A_368 = arith.constant 0 : i32
    %dma_wait3A_369 = arith.constant 0 : i32
    %dma_wait3A_370 = tpu.memref_slice %arg2[%dma_wait3A_368, %dma_wait3A_369] : memref<32768x256xf32, #tpu.memory_space<hbm>> -> memref<32768x256xf32, #tpu.memory_space<hbm>>
    tpu.wait_indirect_dma semaphore(%arg17 : memref<!tpu.dma_semaphore, #tpu.memory_space<semaphore_mem>>) src(%dma_wait3A_370 : memref<32768x256xf32, #tpu.memory_space<hbm>>) dst(%arg11 : memref<64x256xf32, #tpu.memory_space<vmem>>)
    %add3A_371 = arith.constant 384 : i32
    %add3A_372 = arith.addi %multiple_of3A, %add3A_371 : i32
    %dma_start3A_373 = arith.constant 0 : i32
    %dma_start3A_374 = tpu.memref_slice %arg6[%add3A_372, %dma_start3A_373] : memref<32768x256xf32, #tpu.memory_space<hbm>> -> memref<64x256xf32, #tpu.memory_space<hbm>>
    %dma_start3A_375 = arith.constant 0 : i32
    %dma_start3A_376 = tpu.memref_slice %arg6[%add3A_372, %dma_start3A_375] : memref<32768x256xf32, #tpu.memory_space<hbm>> -> memref<64x256xf32, #tpu.memory_space<hbm>>
    tpu.enqueue_dma source(%arg11 : memref<64x256xf32, #tpu.memory_space<vmem>>) target(%dma_start3A_376 : memref<64x256xf32, #tpu.memory_space<hbm>>) target_semaphore(%arg23 : memref<!tpu.dma_semaphore, #tpu.memory_space<semaphore_mem>>)
    %dma_wait3A_377 = arith.constant 0 : i32
    %dma_wait3A_378 = tpu.memref_slice %arg6[%add3A_372, %dma_wait3A_377] : memref<32768x256xf32, #tpu.memory_space<hbm>> -> memref<64x256xf32, #tpu.memory_space<hbm>>
    %dma_wait3A_379 = arith.constant 0 : i32
    %dma_wait3A_380 = tpu.memref_slice %arg6[%add3A_372, %dma_wait3A_379] : memref<32768x256xf32, #tpu.memory_space<hbm>> -> memref<64x256xf32, #tpu.memory_space<hbm>>
    tpu.wait_dma2 semaphore(%arg23 : memref<!tpu.dma_semaphore, #tpu.memory_space<semaphore_mem>>) src(%arg11 : memref<64x256xf32, #tpu.memory_space<vmem>>) dst(%dma_wait3A_380 : memref<64x256xf32, #tpu.memory_space<hbm>>)
    %dma_start3A_381 = arith.constant 768 : i32
    %dma_start3A_382 = tpu.memref_slice %arg8[%dma_start3A_381] : memref<1024xi32, #tpu.memory_space<vmem>> -> memref<64xi32, #tpu.memory_space<vmem>>
    %dma_start3A_383 = arith.constant 0 : i32
    %dma_start3A_384 = arith.constant 0 : i32
    %dma_start3A_385 = tpu.memref_slice %arg2[%dma_start3A_383, %dma_start3A_384] : memref<32768x256xf32, #tpu.memory_space<hbm>> -> memref<32768x256xf32, #tpu.memory_space<hbm>>
    tpu.enqueue_indirect_dma source(%dma_start3A_385 : memref<32768x256xf32, #tpu.memory_space<hbm>>) target(%arg11 : memref<64x256xf32, #tpu.memory_space<vmem>>) offsets(%dma_start3A_382 : memref<64xi32, #tpu.memory_space<vmem>>) semaphore(%arg17 : memref<!tpu.dma_semaphore, #tpu.memory_space<semaphore_mem>>)
    %dma_wait3A_386 = arith.constant 448 : i32
    %dma_wait3A_387 = tpu.memref_slice %arg8[%dma_wait3A_386] : memref<1024xi32, #tpu.memory_space<vmem>> -> memref<64xi32, #tpu.memory_space<vmem>>
    %dma_wait3A_388 = arith.constant 0 : i32
    %dma_wait3A_389 = arith.constant 0 : i32
    %dma_wait3A_390 = tpu.memref_slice %arg2[%dma_wait3A_388, %dma_wait3A_389] : memref<32768x256xf32, #tpu.memory_space<hbm>> -> memref<32768x256xf32, #tpu.memory_space<hbm>>
    tpu.wait_indirect_dma semaphore(%arg18 : memref<!tpu.dma_semaphore, #tpu.memory_space<semaphore_mem>>) src(%dma_wait3A_390 : memref<32768x256xf32, #tpu.memory_space<hbm>>) dst(%arg12 : memref<64x256xf32, #tpu.memory_space<vmem>>)
    %add3A_391 = arith.constant 448 : i32
    %add3A_392 = arith.addi %multiple_of3A, %add3A_391 : i32
    %dma_start3A_393 = arith.constant 0 : i32
    %dma_start3A_394 = tpu.memref_slice %arg6[%add3A_392, %dma_start3A_393] : memref<32768x256xf32, #tpu.memory_space<hbm>> -> memref<64x256xf32, #tpu.memory_space<hbm>>
    %dma_start3A_395 = arith.constant 0 : i32
    %dma_start3A_396 = tpu.memref_slice %arg6[%add3A_392, %dma_start3A_395] : memref<32768x256xf32, #tpu.memory_space<hbm>> -> memref<64x256xf32, #tpu.memory_space<hbm>>
    tpu.enqueue_dma source(%arg12 : memref<64x256xf32, #tpu.memory_space<vmem>>) target(%dma_start3A_396 : memref<64x256xf32, #tpu.memory_space<hbm>>) target_semaphore(%arg24 : memref<!tpu.dma_semaphore, #tpu.memory_space<semaphore_mem>>)
    %dma_wait3A_397 = arith.constant 0 : i32
    %dma_wait3A_398 = tpu.memref_slice %arg6[%add3A_392, %dma_wait3A_397] : memref<32768x256xf32, #tpu.memory_space<hbm>> -> memref<64x256xf32, #tpu.memory_space<hbm>>
    %dma_wait3A_399 = arith.constant 0 : i32
    %dma_wait3A_400 = tpu.memref_slice %arg6[%add3A_392, %dma_wait3A_399] : memref<32768x256xf32, #tpu.memory_space<hbm>> -> memref<64x256xf32, #tpu.memory_space<hbm>>
    tpu.wait_dma2 semaphore(%arg24 : memref<!tpu.dma_semaphore, #tpu.memory_space<semaphore_mem>>) src(%arg12 : memref<64x256xf32, #tpu.memory_space<vmem>>) dst(%dma_wait3A_400 : memref<64x256xf32, #tpu.memory_space<hbm>>)
    %dma_start3A_401 = arith.constant 832 : i32
    %dma_start3A_402 = tpu.memref_slice %arg8[%dma_start3A_401] : memref<1024xi32, #tpu.memory_space<vmem>> -> memref<64xi32, #tpu.memory_space<vmem>>
    %dma_start3A_403 = arith.constant 0 : i32
    %dma_start3A_404 = arith.constant 0 : i32
    %dma_start3A_405 = tpu.memref_slice %arg2[%dma_start3A_403, %dma_start3A_404] : memref<32768x256xf32, #tpu.memory_space<hbm>> -> memref<32768x256xf32, #tpu.memory_space<hbm>>
    tpu.enqueue_indirect_dma source(%dma_start3A_405 : memref<32768x256xf32, #tpu.memory_space<hbm>>) target(%arg12 : memref<64x256xf32, #tpu.memory_space<vmem>>) offsets(%dma_start3A_402 : memref<64xi32, #tpu.memory_space<vmem>>) semaphore(%arg18 : memref<!tpu.dma_semaphore, #tpu.memory_space<semaphore_mem>>)
    %dma_wait3A_406 = arith.constant 512 : i32
    %dma_wait3A_407 = tpu.memref_slice %arg8[%dma_wait3A_406] : memref<1024xi32, #tpu.memory_space<vmem>> -> memref<64xi32, #tpu.memory_space<vmem>>
    %dma_wait3A_408 = arith.constant 0 : i32
    %dma_wait3A_409 = arith.constant 0 : i32
    %dma_wait3A_410 = tpu.memref_slice %arg2[%dma_wait3A_408, %dma_wait3A_409] : memref<32768x256xf32, #tpu.memory_space<hbm>> -> memref<32768x256xf32, #tpu.memory_space<hbm>>
    tpu.wait_indirect_dma semaphore(%arg19 : memref<!tpu.dma_semaphore, #tpu.memory_space<semaphore_mem>>) src(%dma_wait3A_410 : memref<32768x256xf32, #tpu.memory_space<hbm>>) dst(%arg13 : memref<64x256xf32, #tpu.memory_space<vmem>>)
    %add3A_411 = arith.constant 512 : i32
    %add3A_412 = arith.addi %multiple_of3A, %add3A_411 : i32
    %dma_start3A_413 = arith.constant 0 : i32
    %dma_start3A_414 = tpu.memref_slice %arg6[%add3A_412, %dma_start3A_413] : memref<32768x256xf32, #tpu.memory_space<hbm>> -> memref<64x256xf32, #tpu.memory_space<hbm>>
    %dma_start3A_415 = arith.constant 0 : i32
    %dma_start3A_416 = tpu.memref_slice %arg6[%add3A_412, %dma_start3A_415] : memref<32768x256xf32, #tpu.memory_space<hbm>> -> memref<64x256xf32, #tpu.memory_space<hbm>>
    tpu.enqueue_dma source(%arg13 : memref<64x256xf32, #tpu.memory_space<vmem>>) target(%dma_start3A_416 : memref<64x256xf32, #tpu.memory_space<hbm>>) target_semaphore(%arg25 : memref<!tpu.dma_semaphore, #tpu.memory_space<semaphore_mem>>)
    %dma_wait3A_417 = arith.constant 0 : i32
    %dma_wait3A_418 = tpu.memref_slice %arg6[%add3A_412, %dma_wait3A_417] : memref<32768x256xf32, #tpu.memory_space<hbm>> -> memref<64x256xf32, #tpu.memory_space<hbm>>
    %dma_wait3A_419 = arith.constant 0 : i32
    %dma_wait3A_420 = tpu.memref_slice %arg6[%add3A_412, %dma_wait3A_419] : memref<32768x256xf32, #tpu.memory_space<hbm>> -> memref<64x256xf32, #tpu.memory_space<hbm>>
    tpu.wait_dma2 semaphore(%arg25 : memref<!tpu.dma_semaphore, #tpu.memory_space<semaphore_mem>>) src(%arg13 : memref<64x256xf32, #tpu.memory_space<vmem>>) dst(%dma_wait3A_420 : memref<64x256xf32, #tpu.memory_space<hbm>>)
    %dma_start3A_421 = arith.constant 896 : i32
    %dma_start3A_422 = tpu.memref_slice %arg8[%dma_start3A_421] : memref<1024xi32, #tpu.memory_space<vmem>> -> memref<64xi32, #tpu.memory_space<vmem>>
    %dma_start3A_423 = arith.constant 0 : i32
    %dma_start3A_424 = arith.constant 0 : i32
    %dma_start3A_425 = tpu.memref_slice %arg2[%dma_start3A_423, %dma_start3A_424] : memref<32768x256xf32, #tpu.memory_space<hbm>> -> memref<32768x256xf32, #tpu.memory_space<hbm>>
    tpu.enqueue_indirect_dma source(%dma_start3A_425 : memref<32768x256xf32, #tpu.memory_space<hbm>>) target(%arg13 : memref<64x256xf32, #tpu.memory_space<vmem>>) offsets(%dma_start3A_422 : memref<64xi32, #tpu.memory_space<vmem>>) semaphore(%arg19 : memref<!tpu.dma_semaphore, #tpu.memory_space<semaphore_mem>>)
    %dma_wait3A_426 = arith.constant 576 : i32
    %dma_wait3A_427 = tpu.memref_slice %arg8[%dma_wait3A_426] : memref<1024xi32, #tpu.memory_space<vmem>> -> memref<64xi32, #tpu.memory_space<vmem>>
    %dma_wait3A_428 = arith.constant 0 : i32
    %dma_wait3A_429 = arith.constant 0 : i32
    %dma_wait3A_430 = tpu.memref_slice %arg2[%dma_wait3A_428, %dma_wait3A_429] : memref<32768x256xf32, #tpu.memory_space<hbm>> -> memref<32768x256xf32, #tpu.memory_space<hbm>>
    tpu.wait_indirect_dma semaphore(%arg20 : memref<!tpu.dma_semaphore, #tpu.memory_space<semaphore_mem>>) src(%dma_wait3A_430 : memref<32768x256xf32, #tpu.memory_space<hbm>>) dst(%arg14 : memref<64x256xf32, #tpu.memory_space<vmem>>)
    %add3A_431 = arith.constant 576 : i32
    %add3A_432 = arith.addi %multiple_of3A, %add3A_431 : i32
    %dma_start3A_433 = arith.constant 0 : i32
    %dma_start3A_434 = tpu.memref_slice %arg6[%add3A_432, %dma_start3A_433] : memref<32768x256xf32, #tpu.memory_space<hbm>> -> memref<64x256xf32, #tpu.memory_space<hbm>>
    %dma_start3A_435 = arith.constant 0 : i32
    %dma_start3A_436 = tpu.memref_slice %arg6[%add3A_432, %dma_start3A_435] : memref<32768x256xf32, #tpu.memory_space<hbm>> -> memref<64x256xf32, #tpu.memory_space<hbm>>
    tpu.enqueue_dma source(%arg14 : memref<64x256xf32, #tpu.memory_space<vmem>>) target(%dma_start3A_436 : memref<64x256xf32, #tpu.memory_space<hbm>>) target_semaphore(%arg26 : memref<!tpu.dma_semaphore, #tpu.memory_space<semaphore_mem>>)
    %dma_wait3A_437 = arith.constant 0 : i32
    %dma_wait3A_438 = tpu.memref_slice %arg6[%add3A_432, %dma_wait3A_437] : memref<32768x256xf32, #tpu.memory_space<hbm>> -> memref<64x256xf32, #tpu.memory_space<hbm>>
    %dma_wait3A_439 = arith.constant 0 : i32
    %dma_wait3A_440 = tpu.memref_slice %arg6[%add3A_432, %dma_wait3A_439] : memref<32768x256xf32, #tpu.memory_space<hbm>> -> memref<64x256xf32, #tpu.memory_space<hbm>>
    tpu.wait_dma2 semaphore(%arg26 : memref<!tpu.dma_semaphore, #tpu.memory_space<semaphore_mem>>) src(%arg14 : memref<64x256xf32, #tpu.memory_space<vmem>>) dst(%dma_wait3A_440 : memref<64x256xf32, #tpu.memory_space<hbm>>)
    %dma_start3A_441 = arith.constant 960 : i32
    %dma_start3A_442 = tpu.memref_slice %arg8[%dma_start3A_441] : memref<1024xi32, #tpu.memory_space<vmem>> -> memref<64xi32, #tpu.memory_space<vmem>>
    %dma_start3A_443 = arith.constant 0 : i32
    %dma_start3A_444 = arith.constant 0 : i32
    %dma_start3A_445 = tpu.memref_slice %arg2[%dma_start3A_443, %dma_start3A_444] : memref<32768x256xf32, #tpu.memory_space<hbm>> -> memref<32768x256xf32, #tpu.memory_space<hbm>>
    tpu.enqueue_indirect_dma source(%dma_start3A_445 : memref<32768x256xf32, #tpu.memory_space<hbm>>) target(%arg14 : memref<64x256xf32, #tpu.memory_space<vmem>>) offsets(%dma_start3A_442 : memref<64xi32, #tpu.memory_space<vmem>>) semaphore(%arg20 : memref<!tpu.dma_semaphore, #tpu.memory_space<semaphore_mem>>)
    %dma_wait3A_446 = arith.constant 640 : i32
    %dma_wait3A_447 = tpu.memref_slice %arg8[%dma_wait3A_446] : memref<1024xi32, #tpu.memory_space<vmem>> -> memref<64xi32, #tpu.memory_space<vmem>>
    %dma_wait3A_448 = arith.constant 0 : i32
    %dma_wait3A_449 = arith.constant 0 : i32
    %dma_wait3A_450 = tpu.memref_slice %arg2[%dma_wait3A_448, %dma_wait3A_449] : memref<32768x256xf32, #tpu.memory_space<hbm>> -> memref<32768x256xf32, #tpu.memory_space<hbm>>
    tpu.wait_indirect_dma semaphore(%arg21 : memref<!tpu.dma_semaphore, #tpu.memory_space<semaphore_mem>>) src(%dma_wait3A_450 : memref<32768x256xf32, #tpu.memory_space<hbm>>) dst(%arg15 : memref<64x256xf32, #tpu.memory_space<vmem>>)
    %add3A_451 = arith.constant 640 : i32
    %add3A_452 = arith.addi %multiple_of3A, %add3A_451 : i32
    %dma_start3A_453 = arith.constant 0 : i32
    %dma_start3A_454 = tpu.memref_slice %arg6[%add3A_452, %dma_start3A_453] : memref<32768x256xf32, #tpu.memory_space<hbm>> -> memref<64x256xf32, #tpu.memory_space<hbm>>
    %dma_start3A_455 = arith.constant 0 : i32
    %dma_start3A_456 = tpu.memref_slice %arg6[%add3A_452, %dma_start3A_455] : memref<32768x256xf32, #tpu.memory_space<hbm>> -> memref<64x256xf32, #tpu.memory_space<hbm>>
    tpu.enqueue_dma source(%arg15 : memref<64x256xf32, #tpu.memory_space<vmem>>) target(%dma_start3A_456 : memref<64x256xf32, #tpu.memory_space<hbm>>) target_semaphore(%arg27 : memref<!tpu.dma_semaphore, #tpu.memory_space<semaphore_mem>>)
    %dma_wait3A_457 = arith.constant 704 : i32
    %dma_wait3A_458 = tpu.memref_slice %arg8[%dma_wait3A_457] : memref<1024xi32, #tpu.memory_space<vmem>> -> memref<64xi32, #tpu.memory_space<vmem>>
    %dma_wait3A_459 = arith.constant 0 : i32
    %dma_wait3A_460 = arith.constant 0 : i32
    %dma_wait3A_461 = tpu.memref_slice %arg2[%dma_wait3A_459, %dma_wait3A_460] : memref<32768x256xf32, #tpu.memory_space<hbm>> -> memref<32768x256xf32, #tpu.memory_space<hbm>>
    tpu.wait_indirect_dma semaphore(%arg22 : memref<!tpu.dma_semaphore, #tpu.memory_space<semaphore_mem>>) src(%dma_wait3A_461 : memref<32768x256xf32, #tpu.memory_space<hbm>>) dst(%arg16 : memref<64x256xf32, #tpu.memory_space<vmem>>)
    %add3A_462 = arith.constant 704 : i32
    %add3A_463 = arith.addi %multiple_of3A, %add3A_462 : i32
    %dma_start3A_464 = arith.constant 0 : i32
    %dma_start3A_465 = tpu.memref_slice %arg6[%add3A_463, %dma_start3A_464] : memref<32768x256xf32, #tpu.memory_space<hbm>> -> memref<64x256xf32, #tpu.memory_space<hbm>>
    %dma_start3A_466 = arith.constant 0 : i32
    %dma_start3A_467 = tpu.memref_slice %arg6[%add3A_463, %dma_start3A_466] : memref<32768x256xf32, #tpu.memory_space<hbm>> -> memref<64x256xf32, #tpu.memory_space<hbm>>
    tpu.enqueue_dma source(%arg16 : memref<64x256xf32, #tpu.memory_space<vmem>>) target(%dma_start3A_467 : memref<64x256xf32, #tpu.memory_space<hbm>>) target_semaphore(%arg28 : memref<!tpu.dma_semaphore, #tpu.memory_space<semaphore_mem>>)
    %dma_wait3A_468 = arith.constant 768 : i32
    %dma_wait3A_469 = tpu.memref_slice %arg8[%dma_wait3A_468] : memref<1024xi32, #tpu.memory_space<vmem>> -> memref<64xi32, #tpu.memory_space<vmem>>
    %dma_wait3A_470 = arith.constant 0 : i32
    %dma_wait3A_471 = arith.constant 0 : i32
    %dma_wait3A_472 = tpu.memref_slice %arg2[%dma_wait3A_470, %dma_wait3A_471] : memref<32768x256xf32, #tpu.memory_space<hbm>> -> memref<32768x256xf32, #tpu.memory_space<hbm>>
    tpu.wait_indirect_dma semaphore(%arg17 : memref<!tpu.dma_semaphore, #tpu.memory_space<semaphore_mem>>) src(%dma_wait3A_472 : memref<32768x256xf32, #tpu.memory_space<hbm>>) dst(%arg11 : memref<64x256xf32, #tpu.memory_space<vmem>>)
    %add3A_473 = arith.constant 768 : i32
    %add3A_474 = arith.addi %multiple_of3A, %add3A_473 : i32
    %dma_start3A_475 = arith.constant 0 : i32
    %dma_start3A_476 = tpu.memref_slice %arg6[%add3A_474, %dma_start3A_475] : memref<32768x256xf32, #tpu.memory_space<hbm>> -> memref<64x256xf32, #tpu.memory_space<hbm>>
    %dma_start3A_477 = arith.constant 0 : i32
    %dma_start3A_478 = tpu.memref_slice %arg6[%add3A_474, %dma_start3A_477] : memref<32768x256xf32, #tpu.memory_space<hbm>> -> memref<64x256xf32, #tpu.memory_space<hbm>>
    tpu.enqueue_dma source(%arg11 : memref<64x256xf32, #tpu.memory_space<vmem>>) target(%dma_start3A_478 : memref<64x256xf32, #tpu.memory_space<hbm>>) target_semaphore(%arg23 : memref<!tpu.dma_semaphore, #tpu.memory_space<semaphore_mem>>)
    %dma_wait3A_479 = arith.constant 832 : i32
    %dma_wait3A_480 = tpu.memref_slice %arg8[%dma_wait3A_479] : memref<1024xi32, #tpu.memory_space<vmem>> -> memref<64xi32, #tpu.memory_space<vmem>>
    %dma_wait3A_481 = arith.constant 0 : i32
    %dma_wait3A_482 = arith.constant 0 : i32
    %dma_wait3A_483 = tpu.memref_slice %arg2[%dma_wait3A_481, %dma_wait3A_482] : memref<32768x256xf32, #tpu.memory_space<hbm>> -> memref<32768x256xf32, #tpu.memory_space<hbm>>
    tpu.wait_indirect_dma semaphore(%arg18 : memref<!tpu.dma_semaphore, #tpu.memory_space<semaphore_mem>>) src(%dma_wait3A_483 : memref<32768x256xf32, #tpu.memory_space<hbm>>) dst(%arg12 : memref<64x256xf32, #tpu.memory_space<vmem>>)
    %add3A_484 = arith.constant 832 : i32
    %add3A_485 = arith.addi %multiple_of3A, %add3A_484 : i32
    %dma_start3A_486 = arith.constant 0 : i32
    %dma_start3A_487 = tpu.memref_slice %arg6[%add3A_485, %dma_start3A_486] : memref<32768x256xf32, #tpu.memory_space<hbm>> -> memref<64x256xf32, #tpu.memory_space<hbm>>
    %dma_start3A_488 = arith.constant 0 : i32
    %dma_start3A_489 = tpu.memref_slice %arg6[%add3A_485, %dma_start3A_488] : memref<32768x256xf32, #tpu.memory_space<hbm>> -> memref<64x256xf32, #tpu.memory_space<hbm>>
    tpu.enqueue_dma source(%arg12 : memref<64x256xf32, #tpu.memory_space<vmem>>) target(%dma_start3A_489 : memref<64x256xf32, #tpu.memory_space<hbm>>) target_semaphore(%arg24 : memref<!tpu.dma_semaphore, #tpu.memory_space<semaphore_mem>>)
    %dma_wait3A_490 = arith.constant 896 : i32
    %dma_wait3A_491 = tpu.memref_slice %arg8[%dma_wait3A_490] : memref<1024xi32, #tpu.memory_space<vmem>> -> memref<64xi32, #tpu.memory_space<vmem>>
    %dma_wait3A_492 = arith.constant 0 : i32
    %dma_wait3A_493 = arith.constant 0 : i32
    %dma_wait3A_494 = tpu.memref_slice %arg2[%dma_wait3A_492, %dma_wait3A_493] : memref<32768x256xf32, #tpu.memory_space<hbm>> -> memref<32768x256xf32, #tpu.memory_space<hbm>>
    tpu.wait_indirect_dma semaphore(%arg19 : memref<!tpu.dma_semaphore, #tpu.memory_space<semaphore_mem>>) src(%dma_wait3A_494 : memref<32768x256xf32, #tpu.memory_space<hbm>>) dst(%arg13 : memref<64x256xf32, #tpu.memory_space<vmem>>)
    %add3A_495 = arith.constant 896 : i32
    %add3A_496 = arith.addi %multiple_of3A, %add3A_495 : i32
    %dma_start3A_497 = arith.constant 0 : i32
    %dma_start3A_498 = tpu.memref_slice %arg6[%add3A_496, %dma_start3A_497] : memref<32768x256xf32, #tpu.memory_space<hbm>> -> memref<64x256xf32, #tpu.memory_space<hbm>>
    %dma_start3A_499 = arith.constant 0 : i32
    %dma_start3A_500 = tpu.memref_slice %arg6[%add3A_496, %dma_start3A_499] : memref<32768x256xf32, #tpu.memory_space<hbm>> -> memref<64x256xf32, #tpu.memory_space<hbm>>
    tpu.enqueue_dma source(%arg13 : memref<64x256xf32, #tpu.memory_space<vmem>>) target(%dma_start3A_500 : memref<64x256xf32, #tpu.memory_space<hbm>>) target_semaphore(%arg25 : memref<!tpu.dma_semaphore, #tpu.memory_space<semaphore_mem>>)
    %dma_wait3A_501 = arith.constant 960 : i32
    %dma_wait3A_502 = tpu.memref_slice %arg8[%dma_wait3A_501] : memref<1024xi32, #tpu.memory_space<vmem>> -> memref<64xi32, #tpu.memory_space<vmem>>
    %dma_wait3A_503 = arith.constant 0 : i32
    %dma_wait3A_504 = arith.constant 0 : i32
    %dma_wait3A_505 = tpu.memref_slice %arg2[%dma_wait3A_503, %dma_wait3A_504] : memref<32768x256xf32, #tpu.memory_space<hbm>> -> memref<32768x256xf32, #tpu.memory_space<hbm>>
    tpu.wait_indirect_dma semaphore(%arg20 : memref<!tpu.dma_semaphore, #tpu.memory_space<semaphore_mem>>) src(%dma_wait3A_505 : memref<32768x256xf32, #tpu.memory_space<hbm>>) dst(%arg14 : memref<64x256xf32, #tpu.memory_space<vmem>>)
    %add3A_506 = arith.constant 960 : i32
    %add3A_507 = arith.addi %multiple_of3A, %add3A_506 : i32
    %dma_start3A_508 = arith.constant 0 : i32
    %dma_start3A_509 = tpu.memref_slice %arg6[%add3A_507, %dma_start3A_508] : memref<32768x256xf32, #tpu.memory_space<hbm>> -> memref<64x256xf32, #tpu.memory_space<hbm>>
    %dma_start3A_510 = arith.constant 0 : i32
    %dma_start3A_511 = tpu.memref_slice %arg6[%add3A_507, %dma_start3A_510] : memref<32768x256xf32, #tpu.memory_space<hbm>> -> memref<64x256xf32, #tpu.memory_space<hbm>>
    tpu.enqueue_dma source(%arg14 : memref<64x256xf32, #tpu.memory_space<vmem>>) target(%dma_start3A_511 : memref<64x256xf32, #tpu.memory_space<hbm>>) target_semaphore(%arg26 : memref<!tpu.dma_semaphore, #tpu.memory_space<semaphore_mem>>)
    %dma_wait3A_512 = arith.constant 0 : i32
    %dma_wait3A_513 = tpu.memref_slice %arg6[%add3A_452, %dma_wait3A_512] : memref<32768x256xf32, #tpu.memory_space<hbm>> -> memref<64x256xf32, #tpu.memory_space<hbm>>
    %dma_wait3A_514 = arith.constant 0 : i32
    %dma_wait3A_515 = tpu.memref_slice %arg6[%add3A_452, %dma_wait3A_514] : memref<32768x256xf32, #tpu.memory_space<hbm>> -> memref<64x256xf32, #tpu.memory_space<hbm>>
    tpu.wait_dma2 semaphore(%arg27 : memref<!tpu.dma_semaphore, #tpu.memory_space<semaphore_mem>>) src(%arg15 : memref<64x256xf32, #tpu.memory_space<vmem>>) dst(%dma_wait3A_515 : memref<64x256xf32, #tpu.memory_space<hbm>>)
    %dma_wait3A_516 = arith.constant 0 : i32
    %dma_wait3A_517 = tpu.memref_slice %arg6[%add3A_463, %dma_wait3A_516] : memref<32768x256xf32, #tpu.memory_space<hbm>> -> memref<64x256xf32, #tpu.memory_space<hbm>>
    %dma_wait3A_518 = arith.constant 0 : i32
    %dma_wait3A_519 = tpu.memref_slice %arg6[%add3A_463, %dma_wait3A_518] : memref<32768x256xf32, #tpu.memory_space<hbm>> -> memref<64x256xf32, #tpu.memory_space<hbm>>
    tpu.wait_dma2 semaphore(%arg28 : memref<!tpu.dma_semaphore, #tpu.memory_space<semaphore_mem>>) src(%arg16 : memref<64x256xf32, #tpu.memory_space<vmem>>) dst(%dma_wait3A_519 : memref<64x256xf32, #tpu.memory_space<hbm>>)
    %dma_wait3A_520 = arith.constant 0 : i32
    %dma_wait3A_521 = tpu.memref_slice %arg6[%add3A_474, %dma_wait3A_520] : memref<32768x256xf32, #tpu.memory_space<hbm>> -> memref<64x256xf32, #tpu.memory_space<hbm>>
    %dma_wait3A_522 = arith.constant 0 : i32
    %dma_wait3A_523 = tpu.memref_slice %arg6[%add3A_474, %dma_wait3A_522] : memref<32768x256xf32, #tpu.memory_space<hbm>> -> memref<64x256xf32, #tpu.memory_space<hbm>>
    tpu.wait_dma2 semaphore(%arg23 : memref<!tpu.dma_semaphore, #tpu.memory_space<semaphore_mem>>) src(%arg11 : memref<64x256xf32, #tpu.memory_space<vmem>>) dst(%dma_wait3A_523 : memref<64x256xf32, #tpu.memory_space<hbm>>)
    %dma_wait3A_524 = arith.constant 0 : i32
    %dma_wait3A_525 = tpu.memref_slice %arg6[%add3A_485, %dma_wait3A_524] : memref<32768x256xf32, #tpu.memory_space<hbm>> -> memref<64x256xf32, #tpu.memory_space<hbm>>
    %dma_wait3A_526 = arith.constant 0 : i32
    %dma_wait3A_527 = tpu.memref_slice %arg6[%add3A_485, %dma_wait3A_526] : memref<32768x256xf32, #tpu.memory_space<hbm>> -> memref<64x256xf32, #tpu.memory_space<hbm>>
    tpu.wait_dma2 semaphore(%arg24 : memref<!tpu.dma_semaphore, #tpu.memory_space<semaphore_mem>>) src(%arg12 : memref<64x256xf32, #tpu.memory_space<vmem>>) dst(%dma_wait3A_527 : memref<64x256xf32, #tpu.memory_space<hbm>>)
    %dma_wait3A_528 = arith.constant 0 : i32
    %dma_wait3A_529 = tpu.memref_slice %arg6[%add3A_496, %dma_wait3A_528] : memref<32768x256xf32, #tpu.memory_space<hbm>> -> memref<64x256xf32, #tpu.memory_space<hbm>>
    %dma_wait3A_530 = arith.constant 0 : i32
    %dma_wait3A_531 = tpu.memref_slice %arg6[%add3A_496, %dma_wait3A_530] : memref<32768x256xf32, #tpu.memory_space<hbm>> -> memref<64x256xf32, #tpu.memory_space<hbm>>
    tpu.wait_dma2 semaphore(%arg25 : memref<!tpu.dma_semaphore, #tpu.memory_space<semaphore_mem>>) src(%arg13 : memref<64x256xf32, #tpu.memory_space<vmem>>) dst(%dma_wait3A_531 : memref<64x256xf32, #tpu.memory_space<hbm>>)
    %dma_wait3A_532 = arith.constant 0 : i32
    %dma_wait3A_533 = tpu.memref_slice %arg6[%add3A_507, %dma_wait3A_532] : memref<32768x256xf32, #tpu.memory_space<hbm>> -> memref<64x256xf32, #tpu.memory_space<hbm>>
    %dma_wait3A_534 = arith.constant 0 : i32
    %dma_wait3A_535 = tpu.memref_slice %arg6[%add3A_507, %dma_wait3A_534] : memref<32768x256xf32, #tpu.memory_space<hbm>> -> memref<64x256xf32, #tpu.memory_space<hbm>>
    tpu.wait_dma2 semaphore(%arg26 : memref<!tpu.dma_semaphore, #tpu.memory_space<semaphore_mem>>) src(%arg14 : memref<64x256xf32, #tpu.memory_space<vmem>>) dst(%dma_wait3A_535 : memref<64x256xf32, #tpu.memory_space<hbm>>)
    return
  }
}

module attributes {stable_mosaic.version = 14 : i64} {
  func.func @_fixes_body(%arg0: memref<17xi32, #tpu.memory_space<smem>>, %arg1: memref<16x128xi32, #tpu.memory_space<vmem>>, %arg2: memref<16x128xi32, #tpu.memory_space<vmem>>) attributes {dimension_semantics = [], scalar_prefetch = 0 : i64, scratch_operands = 0 : i64, tpu.core_type = #tpu.core_type<tc>} {
    %iota3A = tpu.iota {dimensions = array<i32: 1>} : vector<16x128xi32>
    %iota3A_0 = tpu.iota {dimensions = array<i32: 0>} : vector<16x128xi32>
    %broadcast_in_dim3A = arith.constant 0 : i32
    %broadcast_in_dim3A_1 = vector.broadcast %broadcast_in_dim3A : i32 to vector<16x128xi32>
    %broadcast_in_dim3A_2 = arith.constant 0 : i32
    %broadcast_in_dim3A_3 = vector.broadcast %broadcast_in_dim3A_2 : i32 to vector<16x128xi32>
    %eq3A = arith.constant 0 : i32
    %eq3A_4 = vector.broadcast %eq3A : i32 to vector<16x128xi32>
    %eq3A_5 = arith.cmpi eq, %iota3A_0, %eq3A_4 : vector<16x128xi32>
    %get3A = arith.constant 0 : index
    %get3A_6 = memref.load %arg0[%get3A] : memref<17xi32, #tpu.memory_space<smem>>
    %broadcast_in_dim3A_7 = vector.broadcast %get3A_6 : i32 to vector<16x128xi32>
    %select_n3A = arith.select %eq3A_5, %broadcast_in_dim3A_7, %broadcast_in_dim3A_1 : vector<16x128xi1>, vector<16x128xi32>
    %eq3A_8 = arith.constant 0 : i32
    %eq3A_9 = vector.broadcast %eq3A_8 : i32 to vector<16x128xi32>
    %eq3A_10 = arith.cmpi eq, %iota3A_0, %eq3A_9 : vector<16x128xi32>
    %get3A_11 = arith.constant 1 : index
    %get3A_12 = memref.load %arg0[%get3A_11] : memref<17xi32, #tpu.memory_space<smem>>
    %broadcast_in_dim3A_13 = vector.broadcast %get3A_12 : i32 to vector<16x128xi32>
    %select_n3A_14 = arith.select %eq3A_10, %broadcast_in_dim3A_13, %broadcast_in_dim3A_3 : vector<16x128xi1>, vector<16x128xi32>
    %eq3A_15 = arith.constant 1 : i32
    %eq3A_16 = vector.broadcast %eq3A_15 : i32 to vector<16x128xi32>
    %eq3A_17 = arith.cmpi eq, %iota3A_0, %eq3A_16 : vector<16x128xi32>
    %get3A_18 = arith.constant 1 : index
    %get3A_19 = memref.load %arg0[%get3A_18] : memref<17xi32, #tpu.memory_space<smem>>
    %broadcast_in_dim3A_20 = vector.broadcast %get3A_19 : i32 to vector<16x128xi32>
    %select_n3A_21 = arith.select %eq3A_17, %broadcast_in_dim3A_20, %select_n3A : vector<16x128xi1>, vector<16x128xi32>
    %eq3A_22 = arith.constant 1 : i32
    %eq3A_23 = vector.broadcast %eq3A_22 : i32 to vector<16x128xi32>
    %eq3A_24 = arith.cmpi eq, %iota3A_0, %eq3A_23 : vector<16x128xi32>
    %get3A_25 = arith.constant 2 : index
    %get3A_26 = memref.load %arg0[%get3A_25] : memref<17xi32, #tpu.memory_space<smem>>
    %broadcast_in_dim3A_27 = vector.broadcast %get3A_26 : i32 to vector<16x128xi32>
    %select_n3A_28 = arith.select %eq3A_24, %broadcast_in_dim3A_27, %select_n3A_14 : vector<16x128xi1>, vector<16x128xi32>
    %eq3A_29 = arith.constant 2 : i32
    %eq3A_30 = vector.broadcast %eq3A_29 : i32 to vector<16x128xi32>
    %eq3A_31 = arith.cmpi eq, %iota3A_0, %eq3A_30 : vector<16x128xi32>
    %get3A_32 = arith.constant 2 : index
    %get3A_33 = memref.load %arg0[%get3A_32] : memref<17xi32, #tpu.memory_space<smem>>
    %broadcast_in_dim3A_34 = vector.broadcast %get3A_33 : i32 to vector<16x128xi32>
    %select_n3A_35 = arith.select %eq3A_31, %broadcast_in_dim3A_34, %select_n3A_21 : vector<16x128xi1>, vector<16x128xi32>
    %eq3A_36 = arith.constant 2 : i32
    %eq3A_37 = vector.broadcast %eq3A_36 : i32 to vector<16x128xi32>
    %eq3A_38 = arith.cmpi eq, %iota3A_0, %eq3A_37 : vector<16x128xi32>
    %get3A_39 = arith.constant 3 : index
    %get3A_40 = memref.load %arg0[%get3A_39] : memref<17xi32, #tpu.memory_space<smem>>
    %broadcast_in_dim3A_41 = vector.broadcast %get3A_40 : i32 to vector<16x128xi32>
    %select_n3A_42 = arith.select %eq3A_38, %broadcast_in_dim3A_41, %select_n3A_28 : vector<16x128xi1>, vector<16x128xi32>
    %eq3A_43 = arith.constant 3 : i32
    %eq3A_44 = vector.broadcast %eq3A_43 : i32 to vector<16x128xi32>
    %eq3A_45 = arith.cmpi eq, %iota3A_0, %eq3A_44 : vector<16x128xi32>
    %get3A_46 = arith.constant 3 : index
    %get3A_47 = memref.load %arg0[%get3A_46] : memref<17xi32, #tpu.memory_space<smem>>
    %broadcast_in_dim3A_48 = vector.broadcast %get3A_47 : i32 to vector<16x128xi32>
    %select_n3A_49 = arith.select %eq3A_45, %broadcast_in_dim3A_48, %select_n3A_35 : vector<16x128xi1>, vector<16x128xi32>
    %eq3A_50 = arith.constant 3 : i32
    %eq3A_51 = vector.broadcast %eq3A_50 : i32 to vector<16x128xi32>
    %eq3A_52 = arith.cmpi eq, %iota3A_0, %eq3A_51 : vector<16x128xi32>
    %get3A_53 = arith.constant 4 : index
    %get3A_54 = memref.load %arg0[%get3A_53] : memref<17xi32, #tpu.memory_space<smem>>
    %broadcast_in_dim3A_55 = vector.broadcast %get3A_54 : i32 to vector<16x128xi32>
    %select_n3A_56 = arith.select %eq3A_52, %broadcast_in_dim3A_55, %select_n3A_42 : vector<16x128xi1>, vector<16x128xi32>
    %eq3A_57 = arith.constant 4 : i32
    %eq3A_58 = vector.broadcast %eq3A_57 : i32 to vector<16x128xi32>
    %eq3A_59 = arith.cmpi eq, %iota3A_0, %eq3A_58 : vector<16x128xi32>
    %get3A_60 = arith.constant 4 : index
    %get3A_61 = memref.load %arg0[%get3A_60] : memref<17xi32, #tpu.memory_space<smem>>
    %broadcast_in_dim3A_62 = vector.broadcast %get3A_61 : i32 to vector<16x128xi32>
    %select_n3A_63 = arith.select %eq3A_59, %broadcast_in_dim3A_62, %select_n3A_49 : vector<16x128xi1>, vector<16x128xi32>
    %eq3A_64 = arith.constant 4 : i32
    %eq3A_65 = vector.broadcast %eq3A_64 : i32 to vector<16x128xi32>
    %eq3A_66 = arith.cmpi eq, %iota3A_0, %eq3A_65 : vector<16x128xi32>
    %get3A_67 = arith.constant 5 : index
    %get3A_68 = memref.load %arg0[%get3A_67] : memref<17xi32, #tpu.memory_space<smem>>
    %broadcast_in_dim3A_69 = vector.broadcast %get3A_68 : i32 to vector<16x128xi32>
    %select_n3A_70 = arith.select %eq3A_66, %broadcast_in_dim3A_69, %select_n3A_56 : vector<16x128xi1>, vector<16x128xi32>
    %eq3A_71 = arith.constant 5 : i32
    %eq3A_72 = vector.broadcast %eq3A_71 : i32 to vector<16x128xi32>
    %eq3A_73 = arith.cmpi eq, %iota3A_0, %eq3A_72 : vector<16x128xi32>
    %get3A_74 = arith.constant 5 : index
    %get3A_75 = memref.load %arg0[%get3A_74] : memref<17xi32, #tpu.memory_space<smem>>
    %broadcast_in_dim3A_76 = vector.broadcast %get3A_75 : i32 to vector<16x128xi32>
    %select_n3A_77 = arith.select %eq3A_73, %broadcast_in_dim3A_76, %select_n3A_63 : vector<16x128xi1>, vector<16x128xi32>
    %eq3A_78 = arith.constant 5 : i32
    %eq3A_79 = vector.broadcast %eq3A_78 : i32 to vector<16x128xi32>
    %eq3A_80 = arith.cmpi eq, %iota3A_0, %eq3A_79 : vector<16x128xi32>
    %get3A_81 = arith.constant 6 : index
    %get3A_82 = memref.load %arg0[%get3A_81] : memref<17xi32, #tpu.memory_space<smem>>
    %broadcast_in_dim3A_83 = vector.broadcast %get3A_82 : i32 to vector<16x128xi32>
    %select_n3A_84 = arith.select %eq3A_80, %broadcast_in_dim3A_83, %select_n3A_70 : vector<16x128xi1>, vector<16x128xi32>
    %eq3A_85 = arith.constant 6 : i32
    %eq3A_86 = vector.broadcast %eq3A_85 : i32 to vector<16x128xi32>
    %eq3A_87 = arith.cmpi eq, %iota3A_0, %eq3A_86 : vector<16x128xi32>
    %get3A_88 = arith.constant 6 : index
    %get3A_89 = memref.load %arg0[%get3A_88] : memref<17xi32, #tpu.memory_space<smem>>
    %broadcast_in_dim3A_90 = vector.broadcast %get3A_89 : i32 to vector<16x128xi32>
    %select_n3A_91 = arith.select %eq3A_87, %broadcast_in_dim3A_90, %select_n3A_77 : vector<16x128xi1>, vector<16x128xi32>
    %eq3A_92 = arith.constant 6 : i32
    %eq3A_93 = vector.broadcast %eq3A_92 : i32 to vector<16x128xi32>
    %eq3A_94 = arith.cmpi eq, %iota3A_0, %eq3A_93 : vector<16x128xi32>
    %get3A_95 = arith.constant 7 : index
    %get3A_96 = memref.load %arg0[%get3A_95] : memref<17xi32, #tpu.memory_space<smem>>
    %broadcast_in_dim3A_97 = vector.broadcast %get3A_96 : i32 to vector<16x128xi32>
    %select_n3A_98 = arith.select %eq3A_94, %broadcast_in_dim3A_97, %select_n3A_84 : vector<16x128xi1>, vector<16x128xi32>
    %eq3A_99 = arith.constant 7 : i32
    %eq3A_100 = vector.broadcast %eq3A_99 : i32 to vector<16x128xi32>
    %eq3A_101 = arith.cmpi eq, %iota3A_0, %eq3A_100 : vector<16x128xi32>
    %get3A_102 = arith.constant 7 : index
    %get3A_103 = memref.load %arg0[%get3A_102] : memref<17xi32, #tpu.memory_space<smem>>
    %broadcast_in_dim3A_104 = vector.broadcast %get3A_103 : i32 to vector<16x128xi32>
    %select_n3A_105 = arith.select %eq3A_101, %broadcast_in_dim3A_104, %select_n3A_91 : vector<16x128xi1>, vector<16x128xi32>
    %eq3A_106 = arith.constant 7 : i32
    %eq3A_107 = vector.broadcast %eq3A_106 : i32 to vector<16x128xi32>
    %eq3A_108 = arith.cmpi eq, %iota3A_0, %eq3A_107 : vector<16x128xi32>
    %get3A_109 = arith.constant 8 : index
    %get3A_110 = memref.load %arg0[%get3A_109] : memref<17xi32, #tpu.memory_space<smem>>
    %broadcast_in_dim3A_111 = vector.broadcast %get3A_110 : i32 to vector<16x128xi32>
    %select_n3A_112 = arith.select %eq3A_108, %broadcast_in_dim3A_111, %select_n3A_98 : vector<16x128xi1>, vector<16x128xi32>
    %eq3A_113 = arith.constant 8 : i32
    %eq3A_114 = vector.broadcast %eq3A_113 : i32 to vector<16x128xi32>
    %eq3A_115 = arith.cmpi eq, %iota3A_0, %eq3A_114 : vector<16x128xi32>
    %get3A_116 = arith.constant 8 : index
    %get3A_117 = memref.load %arg0[%get3A_116] : memref<17xi32, #tpu.memory_space<smem>>
    %broadcast_in_dim3A_118 = vector.broadcast %get3A_117 : i32 to vector<16x128xi32>
    %select_n3A_119 = arith.select %eq3A_115, %broadcast_in_dim3A_118, %select_n3A_105 : vector<16x128xi1>, vector<16x128xi32>
    %eq3A_120 = arith.constant 8 : i32
    %eq3A_121 = vector.broadcast %eq3A_120 : i32 to vector<16x128xi32>
    %eq3A_122 = arith.cmpi eq, %iota3A_0, %eq3A_121 : vector<16x128xi32>
    %get3A_123 = arith.constant 9 : index
    %get3A_124 = memref.load %arg0[%get3A_123] : memref<17xi32, #tpu.memory_space<smem>>
    %broadcast_in_dim3A_125 = vector.broadcast %get3A_124 : i32 to vector<16x128xi32>
    %select_n3A_126 = arith.select %eq3A_122, %broadcast_in_dim3A_125, %select_n3A_112 : vector<16x128xi1>, vector<16x128xi32>
    %eq3A_127 = arith.constant 9 : i32
    %eq3A_128 = vector.broadcast %eq3A_127 : i32 to vector<16x128xi32>
    %eq3A_129 = arith.cmpi eq, %iota3A_0, %eq3A_128 : vector<16x128xi32>
    %get3A_130 = arith.constant 9 : index
    %get3A_131 = memref.load %arg0[%get3A_130] : memref<17xi32, #tpu.memory_space<smem>>
    %broadcast_in_dim3A_132 = vector.broadcast %get3A_131 : i32 to vector<16x128xi32>
    %select_n3A_133 = arith.select %eq3A_129, %broadcast_in_dim3A_132, %select_n3A_119 : vector<16x128xi1>, vector<16x128xi32>
    %eq3A_134 = arith.constant 9 : i32
    %eq3A_135 = vector.broadcast %eq3A_134 : i32 to vector<16x128xi32>
    %eq3A_136 = arith.cmpi eq, %iota3A_0, %eq3A_135 : vector<16x128xi32>
    %get3A_137 = arith.constant 10 : index
    %get3A_138 = memref.load %arg0[%get3A_137] : memref<17xi32, #tpu.memory_space<smem>>
    %broadcast_in_dim3A_139 = vector.broadcast %get3A_138 : i32 to vector<16x128xi32>
    %select_n3A_140 = arith.select %eq3A_136, %broadcast_in_dim3A_139, %select_n3A_126 : vector<16x128xi1>, vector<16x128xi32>
    %eq3A_141 = arith.constant 10 : i32
    %eq3A_142 = vector.broadcast %eq3A_141 : i32 to vector<16x128xi32>
    %eq3A_143 = arith.cmpi eq, %iota3A_0, %eq3A_142 : vector<16x128xi32>
    %get3A_144 = arith.constant 10 : index
    %get3A_145 = memref.load %arg0[%get3A_144] : memref<17xi32, #tpu.memory_space<smem>>
    %broadcast_in_dim3A_146 = vector.broadcast %get3A_145 : i32 to vector<16x128xi32>
    %select_n3A_147 = arith.select %eq3A_143, %broadcast_in_dim3A_146, %select_n3A_133 : vector<16x128xi1>, vector<16x128xi32>
    %eq3A_148 = arith.constant 10 : i32
    %eq3A_149 = vector.broadcast %eq3A_148 : i32 to vector<16x128xi32>
    %eq3A_150 = arith.cmpi eq, %iota3A_0, %eq3A_149 : vector<16x128xi32>
    %get3A_151 = arith.constant 11 : index
    %get3A_152 = memref.load %arg0[%get3A_151] : memref<17xi32, #tpu.memory_space<smem>>
    %broadcast_in_dim3A_153 = vector.broadcast %get3A_152 : i32 to vector<16x128xi32>
    %select_n3A_154 = arith.select %eq3A_150, %broadcast_in_dim3A_153, %select_n3A_140 : vector<16x128xi1>, vector<16x128xi32>
    %eq3A_155 = arith.constant 11 : i32
    %eq3A_156 = vector.broadcast %eq3A_155 : i32 to vector<16x128xi32>
    %eq3A_157 = arith.cmpi eq, %iota3A_0, %eq3A_156 : vector<16x128xi32>
    %get3A_158 = arith.constant 11 : index
    %get3A_159 = memref.load %arg0[%get3A_158] : memref<17xi32, #tpu.memory_space<smem>>
    %broadcast_in_dim3A_160 = vector.broadcast %get3A_159 : i32 to vector<16x128xi32>
    %select_n3A_161 = arith.select %eq3A_157, %broadcast_in_dim3A_160, %select_n3A_147 : vector<16x128xi1>, vector<16x128xi32>
    %eq3A_162 = arith.constant 11 : i32
    %eq3A_163 = vector.broadcast %eq3A_162 : i32 to vector<16x128xi32>
    %eq3A_164 = arith.cmpi eq, %iota3A_0, %eq3A_163 : vector<16x128xi32>
    %get3A_165 = arith.constant 12 : index
    %get3A_166 = memref.load %arg0[%get3A_165] : memref<17xi32, #tpu.memory_space<smem>>
    %broadcast_in_dim3A_167 = vector.broadcast %get3A_166 : i32 to vector<16x128xi32>
    %select_n3A_168 = arith.select %eq3A_164, %broadcast_in_dim3A_167, %select_n3A_154 : vector<16x128xi1>, vector<16x128xi32>
    %eq3A_169 = arith.constant 12 : i32
    %eq3A_170 = vector.broadcast %eq3A_169 : i32 to vector<16x128xi32>
    %eq3A_171 = arith.cmpi eq, %iota3A_0, %eq3A_170 : vector<16x128xi32>
    %get3A_172 = arith.constant 12 : index
    %get3A_173 = memref.load %arg0[%get3A_172] : memref<17xi32, #tpu.memory_space<smem>>
    %broadcast_in_dim3A_174 = vector.broadcast %get3A_173 : i32 to vector<16x128xi32>
    %select_n3A_175 = arith.select %eq3A_171, %broadcast_in_dim3A_174, %select_n3A_161 : vector<16x128xi1>, vector<16x128xi32>
    %eq3A_176 = arith.constant 12 : i32
    %eq3A_177 = vector.broadcast %eq3A_176 : i32 to vector<16x128xi32>
    %eq3A_178 = arith.cmpi eq, %iota3A_0, %eq3A_177 : vector<16x128xi32>
    %get3A_179 = arith.constant 13 : index
    %get3A_180 = memref.load %arg0[%get3A_179] : memref<17xi32, #tpu.memory_space<smem>>
    %broadcast_in_dim3A_181 = vector.broadcast %get3A_180 : i32 to vector<16x128xi32>
    %select_n3A_182 = arith.select %eq3A_178, %broadcast_in_dim3A_181, %select_n3A_168 : vector<16x128xi1>, vector<16x128xi32>
    %eq3A_183 = arith.constant 13 : i32
    %eq3A_184 = vector.broadcast %eq3A_183 : i32 to vector<16x128xi32>
    %eq3A_185 = arith.cmpi eq, %iota3A_0, %eq3A_184 : vector<16x128xi32>
    %get3A_186 = arith.constant 13 : index
    %get3A_187 = memref.load %arg0[%get3A_186] : memref<17xi32, #tpu.memory_space<smem>>
    %broadcast_in_dim3A_188 = vector.broadcast %get3A_187 : i32 to vector<16x128xi32>
    %select_n3A_189 = arith.select %eq3A_185, %broadcast_in_dim3A_188, %select_n3A_175 : vector<16x128xi1>, vector<16x128xi32>
    %eq3A_190 = arith.constant 13 : i32
    %eq3A_191 = vector.broadcast %eq3A_190 : i32 to vector<16x128xi32>
    %eq3A_192 = arith.cmpi eq, %iota3A_0, %eq3A_191 : vector<16x128xi32>
    %get3A_193 = arith.constant 14 : index
    %get3A_194 = memref.load %arg0[%get3A_193] : memref<17xi32, #tpu.memory_space<smem>>
    %broadcast_in_dim3A_195 = vector.broadcast %get3A_194 : i32 to vector<16x128xi32>
    %select_n3A_196 = arith.select %eq3A_192, %broadcast_in_dim3A_195, %select_n3A_182 : vector<16x128xi1>, vector<16x128xi32>
    %eq3A_197 = arith.constant 14 : i32
    %eq3A_198 = vector.broadcast %eq3A_197 : i32 to vector<16x128xi32>
    %eq3A_199 = arith.cmpi eq, %iota3A_0, %eq3A_198 : vector<16x128xi32>
    %get3A_200 = arith.constant 14 : index
    %get3A_201 = memref.load %arg0[%get3A_200] : memref<17xi32, #tpu.memory_space<smem>>
    %broadcast_in_dim3A_202 = vector.broadcast %get3A_201 : i32 to vector<16x128xi32>
    %select_n3A_203 = arith.select %eq3A_199, %broadcast_in_dim3A_202, %select_n3A_189 : vector<16x128xi1>, vector<16x128xi32>
    %eq3A_204 = arith.constant 14 : i32
    %eq3A_205 = vector.broadcast %eq3A_204 : i32 to vector<16x128xi32>
    %eq3A_206 = arith.cmpi eq, %iota3A_0, %eq3A_205 : vector<16x128xi32>
    %get3A_207 = arith.constant 15 : index
    %get3A_208 = memref.load %arg0[%get3A_207] : memref<17xi32, #tpu.memory_space<smem>>
    %broadcast_in_dim3A_209 = vector.broadcast %get3A_208 : i32 to vector<16x128xi32>
    %select_n3A_210 = arith.select %eq3A_206, %broadcast_in_dim3A_209, %select_n3A_196 : vector<16x128xi1>, vector<16x128xi32>
    %eq3A_211 = arith.constant 15 : i32
    %eq3A_212 = vector.broadcast %eq3A_211 : i32 to vector<16x128xi32>
    %eq3A_213 = arith.cmpi eq, %iota3A_0, %eq3A_212 : vector<16x128xi32>
    %get3A_214 = arith.constant 15 : index
    %get3A_215 = memref.load %arg0[%get3A_214] : memref<17xi32, #tpu.memory_space<smem>>
    %broadcast_in_dim3A_216 = vector.broadcast %get3A_215 : i32 to vector<16x128xi32>
    %select_n3A_217 = arith.select %eq3A_213, %broadcast_in_dim3A_216, %select_n3A_203 : vector<16x128xi1>, vector<16x128xi32>
    %eq3A_218 = arith.constant 15 : i32
    %eq3A_219 = vector.broadcast %eq3A_218 : i32 to vector<16x128xi32>
    %eq3A_220 = arith.cmpi eq, %iota3A_0, %eq3A_219 : vector<16x128xi32>
    %get3A_221 = arith.constant 16 : index
    %get3A_222 = memref.load %arg0[%get3A_221] : memref<17xi32, #tpu.memory_space<smem>>
    %broadcast_in_dim3A_223 = vector.broadcast %get3A_222 : i32 to vector<16x128xi32>
    %select_n3A_224 = arith.select %eq3A_220, %broadcast_in_dim3A_223, %select_n3A_210 : vector<16x128xi1>, vector<16x128xi32>
    %sub3A = arith.subi %select_n3A_224, %select_n3A_217 : vector<16x128xi32>
    %mul3A = arith.constant 64 : i32
    %mul3A_225 = vector.broadcast %mul3A : i32 to vector<16x128xi32>
    %mul3A_226 = arith.muli %iota3A_0, %mul3A_225 : vector<16x128xi32>
    %jit3A = arith.constant 2 : i32
    %div3A = vector.broadcast %jit3A : i32 to vector<16x128xi32>
    %div3A_227 = arith.divsi %iota3A, %div3A : vector<16x128xi32>
    %sign3A = arith.constant 0 : i32
    %sign3A_228 = vector.broadcast %sign3A : i32 to vector<16x128xi32>
    %sign3A_229 = arith.cmpi sgt, %iota3A, %sign3A_228 : vector<16x128xi32>
    %sign3A_230 = arith.extui %sign3A_229 : vector<16x128xi1> to vector<16x128xi32>
    %sign3A_231 = arith.constant 0 : i32
    %sign3A_232 = vector.broadcast %sign3A_231 : i32 to vector<16x128xi32>
    %sign3A_233 = arith.cmpi slt, %iota3A, %sign3A_232 : vector<16x128xi32>
    %sign3A_234 = arith.extui %sign3A_233 : vector<16x128xi1> to vector<16x128xi32>
    %sign3A_235 = arith.subi %sign3A_230, %sign3A_234 : vector<16x128xi32>
    %sign3A_236 = arith.constant 0 : i32
    %sign3A_237 = arith.cmpi sgt, %jit3A, %sign3A_236 : i32
    %sign3A_238 = arith.extui %sign3A_237 : i1 to i32
    %sign3A_239 = arith.constant 0 : i32
    %sign3A_240 = arith.cmpi slt, %jit3A, %sign3A_239 : i32
    %sign3A_241 = arith.extui %sign3A_240 : i1 to i32
    %sign3A_242 = arith.subi %sign3A_238, %sign3A_241 : i32
    %ne3A = vector.broadcast %sign3A_242 : i32 to vector<16x128xi32>
    %ne3A_243 = arith.cmpi ne, %sign3A_235, %ne3A : vector<16x128xi32>
    %rem3A = vector.broadcast %jit3A : i32 to vector<16x128xi32>
    %rem3A_244 = arith.remsi %iota3A, %rem3A : vector<16x128xi32>
    %ne3A_245 = arith.constant 0 : i32
    %ne3A_246 = vector.broadcast %ne3A_245 : i32 to vector<16x128xi32>
    %ne3A_247 = arith.cmpi ne, %rem3A_244, %ne3A_246 : vector<16x128xi32>
    %and3A = arith.andi %ne3A_243, %ne3A_247 : vector<16x128xi1>
    %sub3A_248 = arith.constant 1 : i32
    %sub3A_249 = vector.broadcast %sub3A_248 : i32 to vector<16x128xi32>
    %sub3A_250 = arith.subi %div3A_227, %sub3A_249 : vector<16x128xi32>
    %select_n3A_251 = arith.select %and3A, %sub3A_250, %div3A_227 : vector<16x128xi1>, vector<16x128xi32>
    %add3A = arith.addi %mul3A_226, %select_n3A_251 : vector<16x128xi32>
    %and3A_252 = arith.constant 1 : i32
    %and3A_253 = vector.broadcast %and3A_252 : i32 to vector<16x128xi32>
    %and3A_254 = arith.andi %iota3A, %and3A_253 : vector<16x128xi32>
    %broadcast_in_dim3A_255 = arith.constant 0 : i32
    %broadcast_in_dim3A_256 = vector.broadcast %broadcast_in_dim3A_255 : i32 to vector<16x128xi32>
    %add3A_257 = arith.constant 42 : i32
    %add3A_258 = vector.broadcast %add3A_257 : i32 to vector<16x128xi32>
    %add3A_259 = arith.addi %broadcast_in_dim3A_256, %add3A_258 : vector<16x128xi32>
    %xor3A = arith.xori %broadcast_in_dim3A_256, %add3A_259 : vector<16x128xi32>
    %xor3A_260 = arith.constant 466688986 : i32
    %xor3A_261 = vector.broadcast %xor3A_260 : i32 to vector<16x128xi32>
    %xor3A_262 = arith.xori %xor3A, %xor3A_261 : vector<16x128xi32>
    %add3A_263 = arith.addi %broadcast_in_dim3A_256, %broadcast_in_dim3A_256 : vector<16x128xi32>
    %add3A_264 = arith.addi %add3A, %add3A_259 : vector<16x128xi32>
    %add3A_265 = arith.addi %add3A_263, %add3A_264 : vector<16x128xi32>
    %shift_left3A = arith.constant 13 : i32
    %shift_left3A_266 = vector.broadcast %shift_left3A : i32 to vector<16x128xi32>
    %shift_left3A_267 = arith.shli %add3A_264, %shift_left3A_266 : vector<16x128xi32>
    %shift_right_logical3A = arith.constant 19 : i32
    %shift_right_logical3A_268 = vector.broadcast %shift_right_logical3A : i32 to vector<16x128xi32>
    %shift_right_logical3A_269 = arith.shrui %add3A_264, %shift_right_logical3A_268 : vector<16x128xi32>
    %or3A = arith.ori %shift_left3A_267, %shift_right_logical3A_269 : vector<16x128xi32>
    %xor3A_270 = arith.xori %add3A_265, %or3A : vector<16x128xi32>
    %add3A_271 = arith.addi %add3A_265, %xor3A_270 : vector<16x128xi32>
    %shift_left3A_272 = arith.constant 15 : i32
    %shift_left3A_273 = vector.broadcast %shift_left3A_272 : i32 to vector<16x128xi32>
    %shift_left3A_274 = arith.shli %xor3A_270, %shift_left3A_273 : vector<16x128xi32>
    %shift_right_logical3A_275 = arith.constant 17 : i32
    %shift_right_logical3A_276 = vector.broadcast %shift_right_logical3A_275 : i32 to vector<16x128xi32>
    %shift_right_logical3A_277 = arith.shrui %xor3A_270, %shift_right_logical3A_276 : vector<16x128xi32>
    %or3A_278 = arith.ori %shift_left3A_274, %shift_right_logical3A_277 : vector<16x128xi32>
    %xor3A_279 = arith.xori %add3A_271, %or3A_278 : vector<16x128xi32>
    %add3A_280 = arith.addi %add3A_271, %xor3A_279 : vector<16x128xi32>
    %shift_left3A_281 = arith.constant 26 : i32
    %shift_left3A_282 = vector.broadcast %shift_left3A_281 : i32 to vector<16x128xi32>
    %shift_left3A_283 = arith.shli %xor3A_279, %shift_left3A_282 : vector<16x128xi32>
    %shift_right_logical3A_284 = arith.constant 6 : i32
    %shift_right_logical3A_285 = vector.broadcast %shift_right_logical3A_284 : i32 to vector<16x128xi32>
    %shift_right_logical3A_286 = arith.shrui %xor3A_279, %shift_right_logical3A_285 : vector<16x128xi32>
    %or3A_287 = arith.ori %shift_left3A_283, %shift_right_logical3A_286 : vector<16x128xi32>
    %xor3A_288 = arith.xori %add3A_280, %or3A_287 : vector<16x128xi32>
    %add3A_289 = arith.addi %add3A_280, %xor3A_288 : vector<16x128xi32>
    %shift_left3A_290 = arith.constant 6 : i32
    %shift_left3A_291 = vector.broadcast %shift_left3A_290 : i32 to vector<16x128xi32>
    %shift_left3A_292 = arith.shli %xor3A_288, %shift_left3A_291 : vector<16x128xi32>
    %shift_right_logical3A_293 = arith.constant 26 : i32
    %shift_right_logical3A_294 = vector.broadcast %shift_right_logical3A_293 : i32 to vector<16x128xi32>
    %shift_right_logical3A_295 = arith.shrui %xor3A_288, %shift_right_logical3A_294 : vector<16x128xi32>
    %or3A_296 = arith.ori %shift_left3A_292, %shift_right_logical3A_295 : vector<16x128xi32>
    %xor3A_297 = arith.xori %add3A_289, %or3A_296 : vector<16x128xi32>
    %add3A_298 = arith.addi %add3A_289, %add3A_259 : vector<16x128xi32>
    %add3A_299 = arith.addi %xor3A_297, %xor3A_262 : vector<16x128xi32>
    %add3A_300 = arith.constant 1 : i32
    %add3A_301 = vector.broadcast %add3A_300 : i32 to vector<16x128xi32>
    %add3A_302 = arith.addi %add3A_299, %add3A_301 : vector<16x128xi32>
    %add3A_303 = arith.addi %add3A_298, %add3A_302 : vector<16x128xi32>
    %shift_left3A_304 = arith.constant 17 : i32
    %shift_left3A_305 = vector.broadcast %shift_left3A_304 : i32 to vector<16x128xi32>
    %shift_left3A_306 = arith.shli %add3A_302, %shift_left3A_305 : vector<16x128xi32>
    %shift_right_logical3A_307 = arith.constant 15 : i32
    %shift_right_logical3A_308 = vector.broadcast %shift_right_logical3A_307 : i32 to vector<16x128xi32>
    %shift_right_logical3A_309 = arith.shrui %add3A_302, %shift_right_logical3A_308 : vector<16x128xi32>
    %or3A_310 = arith.ori %shift_left3A_306, %shift_right_logical3A_309 : vector<16x128xi32>
    %xor3A_311 = arith.xori %add3A_303, %or3A_310 : vector<16x128xi32>
    %add3A_312 = arith.addi %add3A_303, %xor3A_311 : vector<16x128xi32>
    %shift_left3A_313 = arith.constant 29 : i32
    %shift_left3A_314 = vector.broadcast %shift_left3A_313 : i32 to vector<16x128xi32>
    %shift_left3A_315 = arith.shli %xor3A_311, %shift_left3A_314 : vector<16x128xi32>
    %shift_right_logical3A_316 = arith.constant 3 : i32
    %shift_right_logical3A_317 = vector.broadcast %shift_right_logical3A_316 : i32 to vector<16x128xi32>
    %shift_right_logical3A_318 = arith.shrui %xor3A_311, %shift_right_logical3A_317 : vector<16x128xi32>
    %or3A_319 = arith.ori %shift_left3A_315, %shift_right_logical3A_318 : vector<16x128xi32>
    %xor3A_320 = arith.xori %add3A_312, %or3A_319 : vector<16x128xi32>
    %add3A_321 = arith.addi %add3A_312, %xor3A_320 : vector<16x128xi32>
    %shift_left3A_322 = arith.constant 16 : i32
    %shift_left3A_323 = vector.broadcast %shift_left3A_322 : i32 to vector<16x128xi32>
    %shift_left3A_324 = arith.shli %xor3A_320, %shift_left3A_323 : vector<16x128xi32>
    %shift_right_logical3A_325 = arith.constant 16 : i32
    %shift_right_logical3A_326 = vector.broadcast %shift_right_logical3A_325 : i32 to vector<16x128xi32>
    %shift_right_logical3A_327 = arith.shrui %xor3A_320, %shift_right_logical3A_326 : vector<16x128xi32>
    %or3A_328 = arith.ori %shift_left3A_324, %shift_right_logical3A_327 : vector<16x128xi32>
    %xor3A_329 = arith.xori %add3A_321, %or3A_328 : vector<16x128xi32>
    %add3A_330 = arith.addi %add3A_321, %xor3A_329 : vector<16x128xi32>
    %shift_left3A_331 = arith.constant 24 : i32
    %shift_left3A_332 = vector.broadcast %shift_left3A_331 : i32 to vector<16x128xi32>
    %shift_left3A_333 = arith.shli %xor3A_329, %shift_left3A_332 : vector<16x128xi32>
    %shift_right_logical3A_334 = arith.constant 8 : i32
    %shift_right_logical3A_335 = vector.broadcast %shift_right_logical3A_334 : i32 to vector<16x128xi32>
    %shift_right_logical3A_336 = arith.shrui %xor3A_329, %shift_right_logical3A_335 : vector<16x128xi32>
    %or3A_337 = arith.ori %shift_left3A_333, %shift_right_logical3A_336 : vector<16x128xi32>
    %xor3A_338 = arith.xori %add3A_330, %or3A_337 : vector<16x128xi32>
    %add3A_339 = arith.addi %add3A_330, %xor3A_262 : vector<16x128xi32>
    %add3A_340 = arith.addi %xor3A_338, %broadcast_in_dim3A_256 : vector<16x128xi32>
    %add3A_341 = arith.constant 2 : i32
    %add3A_342 = vector.broadcast %add3A_341 : i32 to vector<16x128xi32>
    %add3A_343 = arith.addi %add3A_340, %add3A_342 : vector<16x128xi32>
    %add3A_344 = arith.addi %add3A_339, %add3A_343 : vector<16x128xi32>
    %shift_left3A_345 = arith.constant 13 : i32
    %shift_left3A_346 = vector.broadcast %shift_left3A_345 : i32 to vector<16x128xi32>
    %shift_left3A_347 = arith.shli %add3A_343, %shift_left3A_346 : vector<16x128xi32>
    %shift_right_logical3A_348 = arith.constant 19 : i32
    %shift_right_logical3A_349 = vector.broadcast %shift_right_logical3A_348 : i32 to vector<16x128xi32>
    %shift_right_logical3A_350 = arith.shrui %add3A_343, %shift_right_logical3A_349 : vector<16x128xi32>
    %or3A_351 = arith.ori %shift_left3A_347, %shift_right_logical3A_350 : vector<16x128xi32>
    %xor3A_352 = arith.xori %add3A_344, %or3A_351 : vector<16x128xi32>
    %add3A_353 = arith.addi %add3A_344, %xor3A_352 : vector<16x128xi32>
    %shift_left3A_354 = arith.constant 15 : i32
    %shift_left3A_355 = vector.broadcast %shift_left3A_354 : i32 to vector<16x128xi32>
    %shift_left3A_356 = arith.shli %xor3A_352, %shift_left3A_355 : vector<16x128xi32>
    %shift_right_logical3A_357 = arith.constant 17 : i32
    %shift_right_logical3A_358 = vector.broadcast %shift_right_logical3A_357 : i32 to vector<16x128xi32>
    %shift_right_logical3A_359 = arith.shrui %xor3A_352, %shift_right_logical3A_358 : vector<16x128xi32>
    %or3A_360 = arith.ori %shift_left3A_356, %shift_right_logical3A_359 : vector<16x128xi32>
    %xor3A_361 = arith.xori %add3A_353, %or3A_360 : vector<16x128xi32>
    %add3A_362 = arith.addi %add3A_353, %xor3A_361 : vector<16x128xi32>
    %shift_left3A_363 = arith.constant 26 : i32
    %shift_left3A_364 = vector.broadcast %shift_left3A_363 : i32 to vector<16x128xi32>
    %shift_left3A_365 = arith.shli %xor3A_361, %shift_left3A_364 : vector<16x128xi32>
    %shift_right_logical3A_366 = arith.constant 6 : i32
    %shift_right_logical3A_367 = vector.broadcast %shift_right_logical3A_366 : i32 to vector<16x128xi32>
    %shift_right_logical3A_368 = arith.shrui %xor3A_361, %shift_right_logical3A_367 : vector<16x128xi32>
    %or3A_369 = arith.ori %shift_left3A_365, %shift_right_logical3A_368 : vector<16x128xi32>
    %xor3A_370 = arith.xori %add3A_362, %or3A_369 : vector<16x128xi32>
    %add3A_371 = arith.addi %add3A_362, %xor3A_370 : vector<16x128xi32>
    %shift_left3A_372 = arith.constant 6 : i32
    %shift_left3A_373 = vector.broadcast %shift_left3A_372 : i32 to vector<16x128xi32>
    %shift_left3A_374 = arith.shli %xor3A_370, %shift_left3A_373 : vector<16x128xi32>
    %shift_right_logical3A_375 = arith.constant 26 : i32
    %shift_right_logical3A_376 = vector.broadcast %shift_right_logical3A_375 : i32 to vector<16x128xi32>
    %shift_right_logical3A_377 = arith.shrui %xor3A_370, %shift_right_logical3A_376 : vector<16x128xi32>
    %or3A_378 = arith.ori %shift_left3A_374, %shift_right_logical3A_377 : vector<16x128xi32>
    %xor3A_379 = arith.xori %add3A_371, %or3A_378 : vector<16x128xi32>
    %add3A_380 = arith.addi %add3A_371, %broadcast_in_dim3A_256 : vector<16x128xi32>
    %add3A_381 = arith.addi %xor3A_379, %add3A_259 : vector<16x128xi32>
    %add3A_382 = arith.constant 3 : i32
    %add3A_383 = vector.broadcast %add3A_382 : i32 to vector<16x128xi32>
    %add3A_384 = arith.addi %add3A_381, %add3A_383 : vector<16x128xi32>
    %add3A_385 = arith.addi %add3A_380, %add3A_384 : vector<16x128xi32>
    %shift_left3A_386 = arith.constant 17 : i32
    %shift_left3A_387 = vector.broadcast %shift_left3A_386 : i32 to vector<16x128xi32>
    %shift_left3A_388 = arith.shli %add3A_384, %shift_left3A_387 : vector<16x128xi32>
    %shift_right_logical3A_389 = arith.constant 15 : i32
    %shift_right_logical3A_390 = vector.broadcast %shift_right_logical3A_389 : i32 to vector<16x128xi32>
    %shift_right_logical3A_391 = arith.shrui %add3A_384, %shift_right_logical3A_390 : vector<16x128xi32>
    %or3A_392 = arith.ori %shift_left3A_388, %shift_right_logical3A_391 : vector<16x128xi32>
    %xor3A_393 = arith.xori %add3A_385, %or3A_392 : vector<16x128xi32>
    %add3A_394 = arith.addi %add3A_385, %xor3A_393 : vector<16x128xi32>
    %shift_left3A_395 = arith.constant 29 : i32
    %shift_left3A_396 = vector.broadcast %shift_left3A_395 : i32 to vector<16x128xi32>
    %shift_left3A_397 = arith.shli %xor3A_393, %shift_left3A_396 : vector<16x128xi32>
    %shift_right_logical3A_398 = arith.constant 3 : i32
    %shift_right_logical3A_399 = vector.broadcast %shift_right_logical3A_398 : i32 to vector<16x128xi32>
    %shift_right_logical3A_400 = arith.shrui %xor3A_393, %shift_right_logical3A_399 : vector<16x128xi32>
    %or3A_401 = arith.ori %shift_left3A_397, %shift_right_logical3A_400 : vector<16x128xi32>
    %xor3A_402 = arith.xori %add3A_394, %or3A_401 : vector<16x128xi32>
    %add3A_403 = arith.addi %add3A_394, %xor3A_402 : vector<16x128xi32>
    %shift_left3A_404 = arith.constant 16 : i32
    %shift_left3A_405 = vector.broadcast %shift_left3A_404 : i32 to vector<16x128xi32>
    %shift_left3A_406 = arith.shli %xor3A_402, %shift_left3A_405 : vector<16x128xi32>
    %shift_right_logical3A_407 = arith.constant 16 : i32
    %shift_right_logical3A_408 = vector.broadcast %shift_right_logical3A_407 : i32 to vector<16x128xi32>
    %shift_right_logical3A_409 = arith.shrui %xor3A_402, %shift_right_logical3A_408 : vector<16x128xi32>
    %or3A_410 = arith.ori %shift_left3A_406, %shift_right_logical3A_409 : vector<16x128xi32>
    %xor3A_411 = arith.xori %add3A_403, %or3A_410 : vector<16x128xi32>
    %add3A_412 = arith.addi %add3A_403, %xor3A_411 : vector<16x128xi32>
    %shift_left3A_413 = arith.constant 24 : i32
    %shift_left3A_414 = vector.broadcast %shift_left3A_413 : i32 to vector<16x128xi32>
    %shift_left3A_415 = arith.shli %xor3A_411, %shift_left3A_414 : vector<16x128xi32>
    %shift_right_logical3A_416 = arith.constant 8 : i32
    %shift_right_logical3A_417 = vector.broadcast %shift_right_logical3A_416 : i32 to vector<16x128xi32>
    %shift_right_logical3A_418 = arith.shrui %xor3A_411, %shift_right_logical3A_417 : vector<16x128xi32>
    %or3A_419 = arith.ori %shift_left3A_415, %shift_right_logical3A_418 : vector<16x128xi32>
    %xor3A_420 = arith.xori %add3A_412, %or3A_419 : vector<16x128xi32>
    %add3A_421 = arith.addi %add3A_412, %add3A_259 : vector<16x128xi32>
    %add3A_422 = arith.addi %xor3A_420, %xor3A_262 : vector<16x128xi32>
    %add3A_423 = arith.constant 4 : i32
    %add3A_424 = vector.broadcast %add3A_423 : i32 to vector<16x128xi32>
    %add3A_425 = arith.addi %add3A_422, %add3A_424 : vector<16x128xi32>
    %add3A_426 = arith.addi %add3A_421, %add3A_425 : vector<16x128xi32>
    %shift_left3A_427 = arith.constant 13 : i32
    %shift_left3A_428 = vector.broadcast %shift_left3A_427 : i32 to vector<16x128xi32>
    %shift_left3A_429 = arith.shli %add3A_425, %shift_left3A_428 : vector<16x128xi32>
    %shift_right_logical3A_430 = arith.constant 19 : i32
    %shift_right_logical3A_431 = vector.broadcast %shift_right_logical3A_430 : i32 to vector<16x128xi32>
    %shift_right_logical3A_432 = arith.shrui %add3A_425, %shift_right_logical3A_431 : vector<16x128xi32>
    %or3A_433 = arith.ori %shift_left3A_429, %shift_right_logical3A_432 : vector<16x128xi32>
    %xor3A_434 = arith.xori %add3A_426, %or3A_433 : vector<16x128xi32>
    %add3A_435 = arith.addi %add3A_426, %xor3A_434 : vector<16x128xi32>
    %shift_left3A_436 = arith.constant 15 : i32
    %shift_left3A_437 = vector.broadcast %shift_left3A_436 : i32 to vector<16x128xi32>
    %shift_left3A_438 = arith.shli %xor3A_434, %shift_left3A_437 : vector<16x128xi32>
    %shift_right_logical3A_439 = arith.constant 17 : i32
    %shift_right_logical3A_440 = vector.broadcast %shift_right_logical3A_439 : i32 to vector<16x128xi32>
    %shift_right_logical3A_441 = arith.shrui %xor3A_434, %shift_right_logical3A_440 : vector<16x128xi32>
    %or3A_442 = arith.ori %shift_left3A_438, %shift_right_logical3A_441 : vector<16x128xi32>
    %xor3A_443 = arith.xori %add3A_435, %or3A_442 : vector<16x128xi32>
    %add3A_444 = arith.addi %add3A_435, %xor3A_443 : vector<16x128xi32>
    %shift_left3A_445 = arith.constant 26 : i32
    %shift_left3A_446 = vector.broadcast %shift_left3A_445 : i32 to vector<16x128xi32>
    %shift_left3A_447 = arith.shli %xor3A_443, %shift_left3A_446 : vector<16x128xi32>
    %shift_right_logical3A_448 = arith.constant 6 : i32
    %shift_right_logical3A_449 = vector.broadcast %shift_right_logical3A_448 : i32 to vector<16x128xi32>
    %shift_right_logical3A_450 = arith.shrui %xor3A_443, %shift_right_logical3A_449 : vector<16x128xi32>
    %or3A_451 = arith.ori %shift_left3A_447, %shift_right_logical3A_450 : vector<16x128xi32>
    %xor3A_452 = arith.xori %add3A_444, %or3A_451 : vector<16x128xi32>
    %add3A_453 = arith.addi %add3A_444, %xor3A_452 : vector<16x128xi32>
    %shift_left3A_454 = arith.constant 6 : i32
    %shift_left3A_455 = vector.broadcast %shift_left3A_454 : i32 to vector<16x128xi32>
    %shift_left3A_456 = arith.shli %xor3A_452, %shift_left3A_455 : vector<16x128xi32>
    %shift_right_logical3A_457 = arith.constant 26 : i32
    %shift_right_logical3A_458 = vector.broadcast %shift_right_logical3A_457 : i32 to vector<16x128xi32>
    %shift_right_logical3A_459 = arith.shrui %xor3A_452, %shift_right_logical3A_458 : vector<16x128xi32>
    %or3A_460 = arith.ori %shift_left3A_456, %shift_right_logical3A_459 : vector<16x128xi32>
    %xor3A_461 = arith.xori %add3A_453, %or3A_460 : vector<16x128xi32>
    %add3A_462 = arith.addi %add3A_453, %xor3A_262 : vector<16x128xi32>
    %add3A_463 = arith.addi %xor3A_461, %broadcast_in_dim3A_256 : vector<16x128xi32>
    %add3A_464 = arith.constant 5 : i32
    %add3A_465 = vector.broadcast %add3A_464 : i32 to vector<16x128xi32>
    %add3A_466 = arith.addi %add3A_463, %add3A_465 : vector<16x128xi32>
    %xor3A_467 = arith.xori %add3A_462, %add3A_466 : vector<16x128xi32>
    %xor3A_468 = arith.constant 466688986 : i32
    %xor3A_469 = vector.broadcast %xor3A_468 : i32 to vector<16x128xi32>
    %xor3A_470 = arith.xori %xor3A_467, %xor3A_469 : vector<16x128xi32>
    %add3A_471 = arith.addi %broadcast_in_dim3A_256, %add3A_462 : vector<16x128xi32>
    %add3A_472 = arith.addi %broadcast_in_dim3A_256, %add3A_466 : vector<16x128xi32>
    %add3A_473 = arith.addi %add3A_471, %add3A_472 : vector<16x128xi32>
    %shift_left3A_474 = arith.constant 13 : i32
    %shift_left3A_475 = vector.broadcast %shift_left3A_474 : i32 to vector<16x128xi32>
    %shift_left3A_476 = arith.shli %add3A_472, %shift_left3A_475 : vector<16x128xi32>
    %shift_right_logical3A_477 = arith.constant 19 : i32
    %shift_right_logical3A_478 = vector.broadcast %shift_right_logical3A_477 : i32 to vector<16x128xi32>
    %shift_right_logical3A_479 = arith.shrui %add3A_472, %shift_right_logical3A_478 : vector<16x128xi32>
    %or3A_480 = arith.ori %shift_left3A_476, %shift_right_logical3A_479 : vector<16x128xi32>
    %xor3A_481 = arith.xori %add3A_473, %or3A_480 : vector<16x128xi32>
    %add3A_482 = arith.addi %add3A_473, %xor3A_481 : vector<16x128xi32>
    %shift_left3A_483 = arith.constant 15 : i32
    %shift_left3A_484 = vector.broadcast %shift_left3A_483 : i32 to vector<16x128xi32>
    %shift_left3A_485 = arith.shli %xor3A_481, %shift_left3A_484 : vector<16x128xi32>
    %shift_right_logical3A_486 = arith.constant 17 : i32
    %shift_right_logical3A_487 = vector.broadcast %shift_right_logical3A_486 : i32 to vector<16x128xi32>
    %shift_right_logical3A_488 = arith.shrui %xor3A_481, %shift_right_logical3A_487 : vector<16x128xi32>
    %or3A_489 = arith.ori %shift_left3A_485, %shift_right_logical3A_488 : vector<16x128xi32>
    %xor3A_490 = arith.xori %add3A_482, %or3A_489 : vector<16x128xi32>
    %add3A_491 = arith.addi %add3A_482, %xor3A_490 : vector<16x128xi32>
    %shift_left3A_492 = arith.constant 26 : i32
    %shift_left3A_493 = vector.broadcast %shift_left3A_492 : i32 to vector<16x128xi32>
    %shift_left3A_494 = arith.shli %xor3A_490, %shift_left3A_493 : vector<16x128xi32>
    %shift_right_logical3A_495 = arith.constant 6 : i32
    %shift_right_logical3A_496 = vector.broadcast %shift_right_logical3A_495 : i32 to vector<16x128xi32>
    %shift_right_logical3A_497 = arith.shrui %xor3A_490, %shift_right_logical3A_496 : vector<16x128xi32>
    %or3A_498 = arith.ori %shift_left3A_494, %shift_right_logical3A_497 : vector<16x128xi32>
    %xor3A_499 = arith.xori %add3A_491, %or3A_498 : vector<16x128xi32>
    %add3A_500 = arith.addi %add3A_491, %xor3A_499 : vector<16x128xi32>
    %shift_left3A_501 = arith.constant 6 : i32
    %shift_left3A_502 = vector.broadcast %shift_left3A_501 : i32 to vector<16x128xi32>
    %shift_left3A_503 = arith.shli %xor3A_499, %shift_left3A_502 : vector<16x128xi32>
    %shift_right_logical3A_504 = arith.constant 26 : i32
    %shift_right_logical3A_505 = vector.broadcast %shift_right_logical3A_504 : i32 to vector<16x128xi32>
    %shift_right_logical3A_506 = arith.shrui %xor3A_499, %shift_right_logical3A_505 : vector<16x128xi32>
    %or3A_507 = arith.ori %shift_left3A_503, %shift_right_logical3A_506 : vector<16x128xi32>
    %xor3A_508 = arith.xori %add3A_500, %or3A_507 : vector<16x128xi32>
    %add3A_509 = arith.addi %add3A_500, %add3A_466 : vector<16x128xi32>
    %add3A_510 = arith.addi %xor3A_508, %xor3A_470 : vector<16x128xi32>
    %add3A_511 = arith.constant 1 : i32
    %add3A_512 = vector.broadcast %add3A_511 : i32 to vector<16x128xi32>
    %add3A_513 = arith.addi %add3A_510, %add3A_512 : vector<16x128xi32>
    %add3A_514 = arith.addi %add3A_509, %add3A_513 : vector<16x128xi32>
    %shift_left3A_515 = arith.constant 17 : i32
    %shift_left3A_516 = vector.broadcast %shift_left3A_515 : i32 to vector<16x128xi32>
    %shift_left3A_517 = arith.shli %add3A_513, %shift_left3A_516 : vector<16x128xi32>
    %shift_right_logical3A_518 = arith.constant 15 : i32
    %shift_right_logical3A_519 = vector.broadcast %shift_right_logical3A_518 : i32 to vector<16x128xi32>
    %shift_right_logical3A_520 = arith.shrui %add3A_513, %shift_right_logical3A_519 : vector<16x128xi32>
    %or3A_521 = arith.ori %shift_left3A_517, %shift_right_logical3A_520 : vector<16x128xi32>
    %xor3A_522 = arith.xori %add3A_514, %or3A_521 : vector<16x128xi32>
    %add3A_523 = arith.addi %add3A_514, %xor3A_522 : vector<16x128xi32>
    %shift_left3A_524 = arith.constant 29 : i32
    %shift_left3A_525 = vector.broadcast %shift_left3A_524 : i32 to vector<16x128xi32>
    %shift_left3A_526 = arith.shli %xor3A_522, %shift_left3A_525 : vector<16x128xi32>
    %shift_right_logical3A_527 = arith.constant 3 : i32
    %shift_right_logical3A_528 = vector.broadcast %shift_right_logical3A_527 : i32 to vector<16x128xi32>
    %shift_right_logical3A_529 = arith.shrui %xor3A_522, %shift_right_logical3A_528 : vector<16x128xi32>
    %or3A_530 = arith.ori %shift_left3A_526, %shift_right_logical3A_529 : vector<16x128xi32>
    %xor3A_531 = arith.xori %add3A_523, %or3A_530 : vector<16x128xi32>
    %add3A_532 = arith.addi %add3A_523, %xor3A_531 : vector<16x128xi32>
    %shift_left3A_533 = arith.constant 16 : i32
    %shift_left3A_534 = vector.broadcast %shift_left3A_533 : i32 to vector<16x128xi32>
    %shift_left3A_535 = arith.shli %xor3A_531, %shift_left3A_534 : vector<16x128xi32>
    %shift_right_logical3A_536 = arith.constant 16 : i32
    %shift_right_logical3A_537 = vector.broadcast %shift_right_logical3A_536 : i32 to vector<16x128xi32>
    %shift_right_logical3A_538 = arith.shrui %xor3A_531, %shift_right_logical3A_537 : vector<16x128xi32>
    %or3A_539 = arith.ori %shift_left3A_535, %shift_right_logical3A_538 : vector<16x128xi32>
    %xor3A_540 = arith.xori %add3A_532, %or3A_539 : vector<16x128xi32>
    %add3A_541 = arith.addi %add3A_532, %xor3A_540 : vector<16x128xi32>
    %shift_left3A_542 = arith.constant 24 : i32
    %shift_left3A_543 = vector.broadcast %shift_left3A_542 : i32 to vector<16x128xi32>
    %shift_left3A_544 = arith.shli %xor3A_540, %shift_left3A_543 : vector<16x128xi32>
    %shift_right_logical3A_545 = arith.constant 8 : i32
    %shift_right_logical3A_546 = vector.broadcast %shift_right_logical3A_545 : i32 to vector<16x128xi32>
    %shift_right_logical3A_547 = arith.shrui %xor3A_540, %shift_right_logical3A_546 : vector<16x128xi32>
    %or3A_548 = arith.ori %shift_left3A_544, %shift_right_logical3A_547 : vector<16x128xi32>
    %xor3A_549 = arith.xori %add3A_541, %or3A_548 : vector<16x128xi32>
    %add3A_550 = arith.addi %add3A_541, %xor3A_470 : vector<16x128xi32>
    %add3A_551 = arith.addi %xor3A_549, %add3A_462 : vector<16x128xi32>
    %add3A_552 = arith.constant 2 : i32
    %add3A_553 = vector.broadcast %add3A_552 : i32 to vector<16x128xi32>
    %add3A_554 = arith.addi %add3A_551, %add3A_553 : vector<16x128xi32>
    %add3A_555 = arith.addi %add3A_550, %add3A_554 : vector<16x128xi32>
    %shift_left3A_556 = arith.constant 13 : i32
    %shift_left3A_557 = vector.broadcast %shift_left3A_556 : i32 to vector<16x128xi32>
    %shift_left3A_558 = arith.shli %add3A_554, %shift_left3A_557 : vector<16x128xi32>
    %shift_right_logical3A_559 = arith.constant 19 : i32
    %shift_right_logical3A_560 = vector.broadcast %shift_right_logical3A_559 : i32 to vector<16x128xi32>
    %shift_right_logical3A_561 = arith.shrui %add3A_554, %shift_right_logical3A_560 : vector<16x128xi32>
    %or3A_562 = arith.ori %shift_left3A_558, %shift_right_logical3A_561 : vector<16x128xi32>
    %xor3A_563 = arith.xori %add3A_555, %or3A_562 : vector<16x128xi32>
    %add3A_564 = arith.addi %add3A_555, %xor3A_563 : vector<16x128xi32>
    %shift_left3A_565 = arith.constant 15 : i32
    %shift_left3A_566 = vector.broadcast %shift_left3A_565 : i32 to vector<16x128xi32>
    %shift_left3A_567 = arith.shli %xor3A_563, %shift_left3A_566 : vector<16x128xi32>
    %shift_right_logical3A_568 = arith.constant 17 : i32
    %shift_right_logical3A_569 = vector.broadcast %shift_right_logical3A_568 : i32 to vector<16x128xi32>
    %shift_right_logical3A_570 = arith.shrui %xor3A_563, %shift_right_logical3A_569 : vector<16x128xi32>
    %or3A_571 = arith.ori %shift_left3A_567, %shift_right_logical3A_570 : vector<16x128xi32>
    %xor3A_572 = arith.xori %add3A_564, %or3A_571 : vector<16x128xi32>
    %add3A_573 = arith.addi %add3A_564, %xor3A_572 : vector<16x128xi32>
    %shift_left3A_574 = arith.constant 26 : i32
    %shift_left3A_575 = vector.broadcast %shift_left3A_574 : i32 to vector<16x128xi32>
    %shift_left3A_576 = arith.shli %xor3A_572, %shift_left3A_575 : vector<16x128xi32>
    %shift_right_logical3A_577 = arith.constant 6 : i32
    %shift_right_logical3A_578 = vector.broadcast %shift_right_logical3A_577 : i32 to vector<16x128xi32>
    %shift_right_logical3A_579 = arith.shrui %xor3A_572, %shift_right_logical3A_578 : vector<16x128xi32>
    %or3A_580 = arith.ori %shift_left3A_576, %shift_right_logical3A_579 : vector<16x128xi32>
    %xor3A_581 = arith.xori %add3A_573, %or3A_580 : vector<16x128xi32>
    %add3A_582 = arith.addi %add3A_573, %xor3A_581 : vector<16x128xi32>
    %shift_left3A_583 = arith.constant 6 : i32
    %shift_left3A_584 = vector.broadcast %shift_left3A_583 : i32 to vector<16x128xi32>
    %shift_left3A_585 = arith.shli %xor3A_581, %shift_left3A_584 : vector<16x128xi32>
    %shift_right_logical3A_586 = arith.constant 26 : i32
    %shift_right_logical3A_587 = vector.broadcast %shift_right_logical3A_586 : i32 to vector<16x128xi32>
    %shift_right_logical3A_588 = arith.shrui %xor3A_581, %shift_right_logical3A_587 : vector<16x128xi32>
    %or3A_589 = arith.ori %shift_left3A_585, %shift_right_logical3A_588 : vector<16x128xi32>
    %xor3A_590 = arith.xori %add3A_582, %or3A_589 : vector<16x128xi32>
    %add3A_591 = arith.addi %add3A_582, %add3A_462 : vector<16x128xi32>
    %add3A_592 = arith.addi %xor3A_590, %add3A_466 : vector<16x128xi32>
    %add3A_593 = arith.constant 3 : i32
    %add3A_594 = vector.broadcast %add3A_593 : i32 to vector<16x128xi32>
    %add3A_595 = arith.addi %add3A_592, %add3A_594 : vector<16x128xi32>
    %add3A_596 = arith.addi %add3A_591, %add3A_595 : vector<16x128xi32>
    %shift_left3A_597 = arith.constant 17 : i32
    %shift_left3A_598 = vector.broadcast %shift_left3A_597 : i32 to vector<16x128xi32>
    %shift_left3A_599 = arith.shli %add3A_595, %shift_left3A_598 : vector<16x128xi32>
    %shift_right_logical3A_600 = arith.constant 15 : i32
    %shift_right_logical3A_601 = vector.broadcast %shift_right_logical3A_600 : i32 to vector<16x128xi32>
    %shift_right_logical3A_602 = arith.shrui %add3A_595, %shift_right_logical3A_601 : vector<16x128xi32>
    %or3A_603 = arith.ori %shift_left3A_599, %shift_right_logical3A_602 : vector<16x128xi32>
    %xor3A_604 = arith.xori %add3A_596, %or3A_603 : vector<16x128xi32>
    %add3A_605 = arith.addi %add3A_596, %xor3A_604 : vector<16x128xi32>
    %shift_left3A_606 = arith.constant 29 : i32
    %shift_left3A_607 = vector.broadcast %shift_left3A_606 : i32 to vector<16x128xi32>
    %shift_left3A_608 = arith.shli %xor3A_604, %shift_left3A_607 : vector<16x128xi32>
    %shift_right_logical3A_609 = arith.constant 3 : i32
    %shift_right_logical3A_610 = vector.broadcast %shift_right_logical3A_609 : i32 to vector<16x128xi32>
    %shift_right_logical3A_611 = arith.shrui %xor3A_604, %shift_right_logical3A_610 : vector<16x128xi32>
    %or3A_612 = arith.ori %shift_left3A_608, %shift_right_logical3A_611 : vector<16x128xi32>
    %xor3A_613 = arith.xori %add3A_605, %or3A_612 : vector<16x128xi32>
    %add3A_614 = arith.addi %add3A_605, %xor3A_613 : vector<16x128xi32>
    %shift_left3A_615 = arith.constant 16 : i32
    %shift_left3A_616 = vector.broadcast %shift_left3A_615 : i32 to vector<16x128xi32>
    %shift_left3A_617 = arith.shli %xor3A_613, %shift_left3A_616 : vector<16x128xi32>
    %shift_right_logical3A_618 = arith.constant 16 : i32
    %shift_right_logical3A_619 = vector.broadcast %shift_right_logical3A_618 : i32 to vector<16x128xi32>
    %shift_right_logical3A_620 = arith.shrui %xor3A_613, %shift_right_logical3A_619 : vector<16x128xi32>
    %or3A_621 = arith.ori %shift_left3A_617, %shift_right_logical3A_620 : vector<16x128xi32>
    %xor3A_622 = arith.xori %add3A_614, %or3A_621 : vector<16x128xi32>
    %add3A_623 = arith.addi %add3A_614, %xor3A_622 : vector<16x128xi32>
    %shift_left3A_624 = arith.constant 24 : i32
    %shift_left3A_625 = vector.broadcast %shift_left3A_624 : i32 to vector<16x128xi32>
    %shift_left3A_626 = arith.shli %xor3A_622, %shift_left3A_625 : vector<16x128xi32>
    %shift_right_logical3A_627 = arith.constant 8 : i32
    %shift_right_logical3A_628 = vector.broadcast %shift_right_logical3A_627 : i32 to vector<16x128xi32>
    %shift_right_logical3A_629 = arith.shrui %xor3A_622, %shift_right_logical3A_628 : vector<16x128xi32>
    %or3A_630 = arith.ori %shift_left3A_626, %shift_right_logical3A_629 : vector<16x128xi32>
    %xor3A_631 = arith.xori %add3A_623, %or3A_630 : vector<16x128xi32>
    %add3A_632 = arith.addi %add3A_623, %add3A_466 : vector<16x128xi32>
    %add3A_633 = arith.addi %xor3A_631, %xor3A_470 : vector<16x128xi32>
    %add3A_634 = arith.constant 4 : i32
    %add3A_635 = vector.broadcast %add3A_634 : i32 to vector<16x128xi32>
    %add3A_636 = arith.addi %add3A_633, %add3A_635 : vector<16x128xi32>
    %add3A_637 = arith.addi %add3A_632, %add3A_636 : vector<16x128xi32>
    %shift_left3A_638 = arith.constant 13 : i32
    %shift_left3A_639 = vector.broadcast %shift_left3A_638 : i32 to vector<16x128xi32>
    %shift_left3A_640 = arith.shli %add3A_636, %shift_left3A_639 : vector<16x128xi32>
    %shift_right_logical3A_641 = arith.constant 19 : i32
    %shift_right_logical3A_642 = vector.broadcast %shift_right_logical3A_641 : i32 to vector<16x128xi32>
    %shift_right_logical3A_643 = arith.shrui %add3A_636, %shift_right_logical3A_642 : vector<16x128xi32>
    %or3A_644 = arith.ori %shift_left3A_640, %shift_right_logical3A_643 : vector<16x128xi32>
    %xor3A_645 = arith.xori %add3A_637, %or3A_644 : vector<16x128xi32>
    %add3A_646 = arith.addi %add3A_637, %xor3A_645 : vector<16x128xi32>
    %shift_left3A_647 = arith.constant 15 : i32
    %shift_left3A_648 = vector.broadcast %shift_left3A_647 : i32 to vector<16x128xi32>
    %shift_left3A_649 = arith.shli %xor3A_645, %shift_left3A_648 : vector<16x128xi32>
    %shift_right_logical3A_650 = arith.constant 17 : i32
    %shift_right_logical3A_651 = vector.broadcast %shift_right_logical3A_650 : i32 to vector<16x128xi32>
    %shift_right_logical3A_652 = arith.shrui %xor3A_645, %shift_right_logical3A_651 : vector<16x128xi32>
    %or3A_653 = arith.ori %shift_left3A_649, %shift_right_logical3A_652 : vector<16x128xi32>
    %xor3A_654 = arith.xori %add3A_646, %or3A_653 : vector<16x128xi32>
    %add3A_655 = arith.addi %add3A_646, %xor3A_654 : vector<16x128xi32>
    %shift_left3A_656 = arith.constant 26 : i32
    %shift_left3A_657 = vector.broadcast %shift_left3A_656 : i32 to vector<16x128xi32>
    %shift_left3A_658 = arith.shli %xor3A_654, %shift_left3A_657 : vector<16x128xi32>
    %shift_right_logical3A_659 = arith.constant 6 : i32
    %shift_right_logical3A_660 = vector.broadcast %shift_right_logical3A_659 : i32 to vector<16x128xi32>
    %shift_right_logical3A_661 = arith.shrui %xor3A_654, %shift_right_logical3A_660 : vector<16x128xi32>
    %or3A_662 = arith.ori %shift_left3A_658, %shift_right_logical3A_661 : vector<16x128xi32>
    %xor3A_663 = arith.xori %add3A_655, %or3A_662 : vector<16x128xi32>
    %add3A_664 = arith.addi %add3A_655, %xor3A_663 : vector<16x128xi32>
    %shift_left3A_665 = arith.constant 6 : i32
    %shift_left3A_666 = vector.broadcast %shift_left3A_665 : i32 to vector<16x128xi32>
    %shift_left3A_667 = arith.shli %xor3A_663, %shift_left3A_666 : vector<16x128xi32>
    %shift_right_logical3A_668 = arith.constant 26 : i32
    %shift_right_logical3A_669 = vector.broadcast %shift_right_logical3A_668 : i32 to vector<16x128xi32>
    %shift_right_logical3A_670 = arith.shrui %xor3A_663, %shift_right_logical3A_669 : vector<16x128xi32>
    %or3A_671 = arith.ori %shift_left3A_667, %shift_right_logical3A_670 : vector<16x128xi32>
    %xor3A_672 = arith.xori %add3A_664, %or3A_671 : vector<16x128xi32>
    %add3A_673 = arith.addi %add3A_664, %xor3A_470 : vector<16x128xi32>
    %add3A_674 = arith.addi %xor3A_672, %add3A_462 : vector<16x128xi32>
    %add3A_675 = arith.constant 5 : i32
    %add3A_676 = vector.broadcast %add3A_675 : i32 to vector<16x128xi32>
    %add3A_677 = arith.addi %add3A_674, %add3A_676 : vector<16x128xi32>
    %add3A_678 = arith.constant 1 : i32
    %add3A_679 = vector.broadcast %add3A_678 : i32 to vector<16x128xi32>
    %add3A_680 = arith.addi %broadcast_in_dim3A_256, %add3A_679 : vector<16x128xi32>
    %xor3A_681 = arith.xori %add3A_462, %add3A_466 : vector<16x128xi32>
    %xor3A_682 = arith.constant 466688986 : i32
    %xor3A_683 = vector.broadcast %xor3A_682 : i32 to vector<16x128xi32>
    %xor3A_684 = arith.xori %xor3A_681, %xor3A_683 : vector<16x128xi32>
    %add3A_685 = arith.addi %broadcast_in_dim3A_256, %add3A_462 : vector<16x128xi32>
    %add3A_686 = arith.addi %add3A_680, %add3A_466 : vector<16x128xi32>
    %add3A_687 = arith.addi %add3A_685, %add3A_686 : vector<16x128xi32>
    %shift_left3A_688 = arith.constant 13 : i32
    %shift_left3A_689 = vector.broadcast %shift_left3A_688 : i32 to vector<16x128xi32>
    %shift_left3A_690 = arith.shli %add3A_686, %shift_left3A_689 : vector<16x128xi32>
    %shift_right_logical3A_691 = arith.constant 19 : i32
    %shift_right_logical3A_692 = vector.broadcast %shift_right_logical3A_691 : i32 to vector<16x128xi32>
    %shift_right_logical3A_693 = arith.shrui %add3A_686, %shift_right_logical3A_692 : vector<16x128xi32>
    %or3A_694 = arith.ori %shift_left3A_690, %shift_right_logical3A_693 : vector<16x128xi32>
    %xor3A_695 = arith.xori %add3A_687, %or3A_694 : vector<16x128xi32>
    %add3A_696 = arith.addi %add3A_687, %xor3A_695 : vector<16x128xi32>
    %shift_left3A_697 = arith.constant 15 : i32
    %shift_left3A_698 = vector.broadcast %shift_left3A_697 : i32 to vector<16x128xi32>
    %shift_left3A_699 = arith.shli %xor3A_695, %shift_left3A_698 : vector<16x128xi32>
    %shift_right_logical3A_700 = arith.constant 17 : i32
    %shift_right_logical3A_701 = vector.broadcast %shift_right_logical3A_700 : i32 to vector<16x128xi32>
    %shift_right_logical3A_702 = arith.shrui %xor3A_695, %shift_right_logical3A_701 : vector<16x128xi32>
    %or3A_703 = arith.ori %shift_left3A_699, %shift_right_logical3A_702 : vector<16x128xi32>
    %xor3A_704 = arith.xori %add3A_696, %or3A_703 : vector<16x128xi32>
    %add3A_705 = arith.addi %add3A_696, %xor3A_704 : vector<16x128xi32>
    %shift_left3A_706 = arith.constant 26 : i32
    %shift_left3A_707 = vector.broadcast %shift_left3A_706 : i32 to vector<16x128xi32>
    %shift_left3A_708 = arith.shli %xor3A_704, %shift_left3A_707 : vector<16x128xi32>
    %shift_right_logical3A_709 = arith.constant 6 : i32
    %shift_right_logical3A_710 = vector.broadcast %shift_right_logical3A_709 : i32 to vector<16x128xi32>
    %shift_right_logical3A_711 = arith.shrui %xor3A_704, %shift_right_logical3A_710 : vector<16x128xi32>
    %or3A_712 = arith.ori %shift_left3A_708, %shift_right_logical3A_711 : vector<16x128xi32>
    %xor3A_713 = arith.xori %add3A_705, %or3A_712 : vector<16x128xi32>
    %add3A_714 = arith.addi %add3A_705, %xor3A_713 : vector<16x128xi32>
    %shift_left3A_715 = arith.constant 6 : i32
    %shift_left3A_716 = vector.broadcast %shift_left3A_715 : i32 to vector<16x128xi32>
    %shift_left3A_717 = arith.shli %xor3A_713, %shift_left3A_716 : vector<16x128xi32>
    %shift_right_logical3A_718 = arith.constant 26 : i32
    %shift_right_logical3A_719 = vector.broadcast %shift_right_logical3A_718 : i32 to vector<16x128xi32>
    %shift_right_logical3A_720 = arith.shrui %xor3A_713, %shift_right_logical3A_719 : vector<16x128xi32>
    %or3A_721 = arith.ori %shift_left3A_717, %shift_right_logical3A_720 : vector<16x128xi32>
    %xor3A_722 = arith.xori %add3A_714, %or3A_721 : vector<16x128xi32>
    %add3A_723 = arith.addi %add3A_714, %add3A_466 : vector<16x128xi32>
    %add3A_724 = arith.addi %xor3A_722, %xor3A_684 : vector<16x128xi32>
    %add3A_725 = arith.constant 1 : i32
    %add3A_726 = vector.broadcast %add3A_725 : i32 to vector<16x128xi32>
    %add3A_727 = arith.addi %add3A_724, %add3A_726 : vector<16x128xi32>
    %add3A_728 = arith.addi %add3A_723, %add3A_727 : vector<16x128xi32>
    %shift_left3A_729 = arith.constant 17 : i32
    %shift_left3A_730 = vector.broadcast %shift_left3A_729 : i32 to vector<16x128xi32>
    %shift_left3A_731 = arith.shli %add3A_727, %shift_left3A_730 : vector<16x128xi32>
    %shift_right_logical3A_732 = arith.constant 15 : i32
    %shift_right_logical3A_733 = vector.broadcast %shift_right_logical3A_732 : i32 to vector<16x128xi32>
    %shift_right_logical3A_734 = arith.shrui %add3A_727, %shift_right_logical3A_733 : vector<16x128xi32>
    %or3A_735 = arith.ori %shift_left3A_731, %shift_right_logical3A_734 : vector<16x128xi32>
    %xor3A_736 = arith.xori %add3A_728, %or3A_735 : vector<16x128xi32>
    %add3A_737 = arith.addi %add3A_728, %xor3A_736 : vector<16x128xi32>
    %shift_left3A_738 = arith.constant 29 : i32
    %shift_left3A_739 = vector.broadcast %shift_left3A_738 : i32 to vector<16x128xi32>
    %shift_left3A_740 = arith.shli %xor3A_736, %shift_left3A_739 : vector<16x128xi32>
    %shift_right_logical3A_741 = arith.constant 3 : i32
    %shift_right_logical3A_742 = vector.broadcast %shift_right_logical3A_741 : i32 to vector<16x128xi32>
    %shift_right_logical3A_743 = arith.shrui %xor3A_736, %shift_right_logical3A_742 : vector<16x128xi32>
    %or3A_744 = arith.ori %shift_left3A_740, %shift_right_logical3A_743 : vector<16x128xi32>
    %xor3A_745 = arith.xori %add3A_737, %or3A_744 : vector<16x128xi32>
    %add3A_746 = arith.addi %add3A_737, %xor3A_745 : vector<16x128xi32>
    %shift_left3A_747 = arith.constant 16 : i32
    %shift_left3A_748 = vector.broadcast %shift_left3A_747 : i32 to vector<16x128xi32>
    %shift_left3A_749 = arith.shli %xor3A_745, %shift_left3A_748 : vector<16x128xi32>
    %shift_right_logical3A_750 = arith.constant 16 : i32
    %shift_right_logical3A_751 = vector.broadcast %shift_right_logical3A_750 : i32 to vector<16x128xi32>
    %shift_right_logical3A_752 = arith.shrui %xor3A_745, %shift_right_logical3A_751 : vector<16x128xi32>
    %or3A_753 = arith.ori %shift_left3A_749, %shift_right_logical3A_752 : vector<16x128xi32>
    %xor3A_754 = arith.xori %add3A_746, %or3A_753 : vector<16x128xi32>
    %add3A_755 = arith.addi %add3A_746, %xor3A_754 : vector<16x128xi32>
    %shift_left3A_756 = arith.constant 24 : i32
    %shift_left3A_757 = vector.broadcast %shift_left3A_756 : i32 to vector<16x128xi32>
    %shift_left3A_758 = arith.shli %xor3A_754, %shift_left3A_757 : vector<16x128xi32>
    %shift_right_logical3A_759 = arith.constant 8 : i32
    %shift_right_logical3A_760 = vector.broadcast %shift_right_logical3A_759 : i32 to vector<16x128xi32>
    %shift_right_logical3A_761 = arith.shrui %xor3A_754, %shift_right_logical3A_760 : vector<16x128xi32>
    %or3A_762 = arith.ori %shift_left3A_758, %shift_right_logical3A_761 : vector<16x128xi32>
    %xor3A_763 = arith.xori %add3A_755, %or3A_762 : vector<16x128xi32>
    %add3A_764 = arith.addi %add3A_755, %xor3A_684 : vector<16x128xi32>
    %add3A_765 = arith.addi %xor3A_763, %add3A_462 : vector<16x128xi32>
    %add3A_766 = arith.constant 2 : i32
    %add3A_767 = vector.broadcast %add3A_766 : i32 to vector<16x128xi32>
    %add3A_768 = arith.addi %add3A_765, %add3A_767 : vector<16x128xi32>
    %add3A_769 = arith.addi %add3A_764, %add3A_768 : vector<16x128xi32>
    %shift_left3A_770 = arith.constant 13 : i32
    %shift_left3A_771 = vector.broadcast %shift_left3A_770 : i32 to vector<16x128xi32>
    %shift_left3A_772 = arith.shli %add3A_768, %shift_left3A_771 : vector<16x128xi32>
    %shift_right_logical3A_773 = arith.constant 19 : i32
    %shift_right_logical3A_774 = vector.broadcast %shift_right_logical3A_773 : i32 to vector<16x128xi32>
    %shift_right_logical3A_775 = arith.shrui %add3A_768, %shift_right_logical3A_774 : vector<16x128xi32>
    %or3A_776 = arith.ori %shift_left3A_772, %shift_right_logical3A_775 : vector<16x128xi32>
    %xor3A_777 = arith.xori %add3A_769, %or3A_776 : vector<16x128xi32>
    %add3A_778 = arith.addi %add3A_769, %xor3A_777 : vector<16x128xi32>
    %shift_left3A_779 = arith.constant 15 : i32
    %shift_left3A_780 = vector.broadcast %shift_left3A_779 : i32 to vector<16x128xi32>
    %shift_left3A_781 = arith.shli %xor3A_777, %shift_left3A_780 : vector<16x128xi32>
    %shift_right_logical3A_782 = arith.constant 17 : i32
    %shift_right_logical3A_783 = vector.broadcast %shift_right_logical3A_782 : i32 to vector<16x128xi32>
    %shift_right_logical3A_784 = arith.shrui %xor3A_777, %shift_right_logical3A_783 : vector<16x128xi32>
    %or3A_785 = arith.ori %shift_left3A_781, %shift_right_logical3A_784 : vector<16x128xi32>
    %xor3A_786 = arith.xori %add3A_778, %or3A_785 : vector<16x128xi32>
    %add3A_787 = arith.addi %add3A_778, %xor3A_786 : vector<16x128xi32>
    %shift_left3A_788 = arith.constant 26 : i32
    %shift_left3A_789 = vector.broadcast %shift_left3A_788 : i32 to vector<16x128xi32>
    %shift_left3A_790 = arith.shli %xor3A_786, %shift_left3A_789 : vector<16x128xi32>
    %shift_right_logical3A_791 = arith.constant 6 : i32
    %shift_right_logical3A_792 = vector.broadcast %shift_right_logical3A_791 : i32 to vector<16x128xi32>
    %shift_right_logical3A_793 = arith.shrui %xor3A_786, %shift_right_logical3A_792 : vector<16x128xi32>
    %or3A_794 = arith.ori %shift_left3A_790, %shift_right_logical3A_793 : vector<16x128xi32>
    %xor3A_795 = arith.xori %add3A_787, %or3A_794 : vector<16x128xi32>
    %add3A_796 = arith.addi %add3A_787, %xor3A_795 : vector<16x128xi32>
    %shift_left3A_797 = arith.constant 6 : i32
    %shift_left3A_798 = vector.broadcast %shift_left3A_797 : i32 to vector<16x128xi32>
    %shift_left3A_799 = arith.shli %xor3A_795, %shift_left3A_798 : vector<16x128xi32>
    %shift_right_logical3A_800 = arith.constant 26 : i32
    %shift_right_logical3A_801 = vector.broadcast %shift_right_logical3A_800 : i32 to vector<16x128xi32>
    %shift_right_logical3A_802 = arith.shrui %xor3A_795, %shift_right_logical3A_801 : vector<16x128xi32>
    %or3A_803 = arith.ori %shift_left3A_799, %shift_right_logical3A_802 : vector<16x128xi32>
    %xor3A_804 = arith.xori %add3A_796, %or3A_803 : vector<16x128xi32>
    %add3A_805 = arith.addi %add3A_796, %add3A_462 : vector<16x128xi32>
    %add3A_806 = arith.addi %xor3A_804, %add3A_466 : vector<16x128xi32>
    %add3A_807 = arith.constant 3 : i32
    %add3A_808 = vector.broadcast %add3A_807 : i32 to vector<16x128xi32>
    %add3A_809 = arith.addi %add3A_806, %add3A_808 : vector<16x128xi32>
    %add3A_810 = arith.addi %add3A_805, %add3A_809 : vector<16x128xi32>
    %shift_left3A_811 = arith.constant 17 : i32
    %shift_left3A_812 = vector.broadcast %shift_left3A_811 : i32 to vector<16x128xi32>
    %shift_left3A_813 = arith.shli %add3A_809, %shift_left3A_812 : vector<16x128xi32>
    %shift_right_logical3A_814 = arith.constant 15 : i32
    %shift_right_logical3A_815 = vector.broadcast %shift_right_logical3A_814 : i32 to vector<16x128xi32>
    %shift_right_logical3A_816 = arith.shrui %add3A_809, %shift_right_logical3A_815 : vector<16x128xi32>
    %or3A_817 = arith.ori %shift_left3A_813, %shift_right_logical3A_816 : vector<16x128xi32>
    %xor3A_818 = arith.xori %add3A_810, %or3A_817 : vector<16x128xi32>
    %add3A_819 = arith.addi %add3A_810, %xor3A_818 : vector<16x128xi32>
    %shift_left3A_820 = arith.constant 29 : i32
    %shift_left3A_821 = vector.broadcast %shift_left3A_820 : i32 to vector<16x128xi32>
    %shift_left3A_822 = arith.shli %xor3A_818, %shift_left3A_821 : vector<16x128xi32>
    %shift_right_logical3A_823 = arith.constant 3 : i32
    %shift_right_logical3A_824 = vector.broadcast %shift_right_logical3A_823 : i32 to vector<16x128xi32>
    %shift_right_logical3A_825 = arith.shrui %xor3A_818, %shift_right_logical3A_824 : vector<16x128xi32>
    %or3A_826 = arith.ori %shift_left3A_822, %shift_right_logical3A_825 : vector<16x128xi32>
    %xor3A_827 = arith.xori %add3A_819, %or3A_826 : vector<16x128xi32>
    %add3A_828 = arith.addi %add3A_819, %xor3A_827 : vector<16x128xi32>
    %shift_left3A_829 = arith.constant 16 : i32
    %shift_left3A_830 = vector.broadcast %shift_left3A_829 : i32 to vector<16x128xi32>
    %shift_left3A_831 = arith.shli %xor3A_827, %shift_left3A_830 : vector<16x128xi32>
    %shift_right_logical3A_832 = arith.constant 16 : i32
    %shift_right_logical3A_833 = vector.broadcast %shift_right_logical3A_832 : i32 to vector<16x128xi32>
    %shift_right_logical3A_834 = arith.shrui %xor3A_827, %shift_right_logical3A_833 : vector<16x128xi32>
    %or3A_835 = arith.ori %shift_left3A_831, %shift_right_logical3A_834 : vector<16x128xi32>
    %xor3A_836 = arith.xori %add3A_828, %or3A_835 : vector<16x128xi32>
    %add3A_837 = arith.addi %add3A_828, %xor3A_836 : vector<16x128xi32>
    %shift_left3A_838 = arith.constant 24 : i32
    %shift_left3A_839 = vector.broadcast %shift_left3A_838 : i32 to vector<16x128xi32>
    %shift_left3A_840 = arith.shli %xor3A_836, %shift_left3A_839 : vector<16x128xi32>
    %shift_right_logical3A_841 = arith.constant 8 : i32
    %shift_right_logical3A_842 = vector.broadcast %shift_right_logical3A_841 : i32 to vector<16x128xi32>
    %shift_right_logical3A_843 = arith.shrui %xor3A_836, %shift_right_logical3A_842 : vector<16x128xi32>
    %or3A_844 = arith.ori %shift_left3A_840, %shift_right_logical3A_843 : vector<16x128xi32>
    %xor3A_845 = arith.xori %add3A_837, %or3A_844 : vector<16x128xi32>
    %add3A_846 = arith.addi %add3A_837, %add3A_466 : vector<16x128xi32>
    %add3A_847 = arith.addi %xor3A_845, %xor3A_684 : vector<16x128xi32>
    %add3A_848 = arith.constant 4 : i32
    %add3A_849 = vector.broadcast %add3A_848 : i32 to vector<16x128xi32>
    %add3A_850 = arith.addi %add3A_847, %add3A_849 : vector<16x128xi32>
    %add3A_851 = arith.addi %add3A_846, %add3A_850 : vector<16x128xi32>
    %shift_left3A_852 = arith.constant 13 : i32
    %shift_left3A_853 = vector.broadcast %shift_left3A_852 : i32 to vector<16x128xi32>
    %shift_left3A_854 = arith.shli %add3A_850, %shift_left3A_853 : vector<16x128xi32>
    %shift_right_logical3A_855 = arith.constant 19 : i32
    %shift_right_logical3A_856 = vector.broadcast %shift_right_logical3A_855 : i32 to vector<16x128xi32>
    %shift_right_logical3A_857 = arith.shrui %add3A_850, %shift_right_logical3A_856 : vector<16x128xi32>
    %or3A_858 = arith.ori %shift_left3A_854, %shift_right_logical3A_857 : vector<16x128xi32>
    %xor3A_859 = arith.xori %add3A_851, %or3A_858 : vector<16x128xi32>
    %add3A_860 = arith.addi %add3A_851, %xor3A_859 : vector<16x128xi32>
    %shift_left3A_861 = arith.constant 15 : i32
    %shift_left3A_862 = vector.broadcast %shift_left3A_861 : i32 to vector<16x128xi32>
    %shift_left3A_863 = arith.shli %xor3A_859, %shift_left3A_862 : vector<16x128xi32>
    %shift_right_logical3A_864 = arith.constant 17 : i32
    %shift_right_logical3A_865 = vector.broadcast %shift_right_logical3A_864 : i32 to vector<16x128xi32>
    %shift_right_logical3A_866 = arith.shrui %xor3A_859, %shift_right_logical3A_865 : vector<16x128xi32>
    %or3A_867 = arith.ori %shift_left3A_863, %shift_right_logical3A_866 : vector<16x128xi32>
    %xor3A_868 = arith.xori %add3A_860, %or3A_867 : vector<16x128xi32>
    %add3A_869 = arith.addi %add3A_860, %xor3A_868 : vector<16x128xi32>
    %shift_left3A_870 = arith.constant 26 : i32
    %shift_left3A_871 = vector.broadcast %shift_left3A_870 : i32 to vector<16x128xi32>
    %shift_left3A_872 = arith.shli %xor3A_868, %shift_left3A_871 : vector<16x128xi32>
    %shift_right_logical3A_873 = arith.constant 6 : i32
    %shift_right_logical3A_874 = vector.broadcast %shift_right_logical3A_873 : i32 to vector<16x128xi32>
    %shift_right_logical3A_875 = arith.shrui %xor3A_868, %shift_right_logical3A_874 : vector<16x128xi32>
    %or3A_876 = arith.ori %shift_left3A_872, %shift_right_logical3A_875 : vector<16x128xi32>
    %xor3A_877 = arith.xori %add3A_869, %or3A_876 : vector<16x128xi32>
    %add3A_878 = arith.addi %add3A_869, %xor3A_877 : vector<16x128xi32>
    %shift_left3A_879 = arith.constant 6 : i32
    %shift_left3A_880 = vector.broadcast %shift_left3A_879 : i32 to vector<16x128xi32>
    %shift_left3A_881 = arith.shli %xor3A_877, %shift_left3A_880 : vector<16x128xi32>
    %shift_right_logical3A_882 = arith.constant 26 : i32
    %shift_right_logical3A_883 = vector.broadcast %shift_right_logical3A_882 : i32 to vector<16x128xi32>
    %shift_right_logical3A_884 = arith.shrui %xor3A_877, %shift_right_logical3A_883 : vector<16x128xi32>
    %or3A_885 = arith.ori %shift_left3A_881, %shift_right_logical3A_884 : vector<16x128xi32>
    %xor3A_886 = arith.xori %add3A_878, %or3A_885 : vector<16x128xi32>
    %add3A_887 = arith.addi %add3A_878, %xor3A_684 : vector<16x128xi32>
    %add3A_888 = arith.addi %xor3A_886, %add3A_462 : vector<16x128xi32>
    %add3A_889 = arith.constant 5 : i32
    %add3A_890 = vector.broadcast %add3A_889 : i32 to vector<16x128xi32>
    %add3A_891 = arith.addi %add3A_888, %add3A_890 : vector<16x128xi32>
    %xor3A_892 = arith.xori %add3A_673, %add3A_677 : vector<16x128xi32>
    %xor3A_893 = arith.constant 466688986 : i32
    %xor3A_894 = vector.broadcast %xor3A_893 : i32 to vector<16x128xi32>
    %xor3A_895 = arith.xori %xor3A_892, %xor3A_894 : vector<16x128xi32>
    %add3A_896 = arith.addi %broadcast_in_dim3A_256, %add3A_673 : vector<16x128xi32>
    %add3A_897 = arith.addi %and3A_254, %add3A_677 : vector<16x128xi32>
    %add3A_898 = arith.addi %add3A_896, %add3A_897 : vector<16x128xi32>
    %shift_left3A_899 = arith.constant 13 : i32
    %shift_left3A_900 = vector.broadcast %shift_left3A_899 : i32 to vector<16x128xi32>
    %shift_left3A_901 = arith.shli %add3A_897, %shift_left3A_900 : vector<16x128xi32>
    %shift_right_logical3A_902 = arith.constant 19 : i32
    %shift_right_logical3A_903 = vector.broadcast %shift_right_logical3A_902 : i32 to vector<16x128xi32>
    %shift_right_logical3A_904 = arith.shrui %add3A_897, %shift_right_logical3A_903 : vector<16x128xi32>
    %or3A_905 = arith.ori %shift_left3A_901, %shift_right_logical3A_904 : vector<16x128xi32>
    %xor3A_906 = arith.xori %add3A_898, %or3A_905 : vector<16x128xi32>
    %add3A_907 = arith.addi %add3A_898, %xor3A_906 : vector<16x128xi32>
    %shift_left3A_908 = arith.constant 15 : i32
    %shift_left3A_909 = vector.broadcast %shift_left3A_908 : i32 to vector<16x128xi32>
    %shift_left3A_910 = arith.shli %xor3A_906, %shift_left3A_909 : vector<16x128xi32>
    %shift_right_logical3A_911 = arith.constant 17 : i32
    %shift_right_logical3A_912 = vector.broadcast %shift_right_logical3A_911 : i32 to vector<16x128xi32>
    %shift_right_logical3A_913 = arith.shrui %xor3A_906, %shift_right_logical3A_912 : vector<16x128xi32>
    %or3A_914 = arith.ori %shift_left3A_910, %shift_right_logical3A_913 : vector<16x128xi32>
    %xor3A_915 = arith.xori %add3A_907, %or3A_914 : vector<16x128xi32>
    %add3A_916 = arith.addi %add3A_907, %xor3A_915 : vector<16x128xi32>
    %shift_left3A_917 = arith.constant 26 : i32
    %shift_left3A_918 = vector.broadcast %shift_left3A_917 : i32 to vector<16x128xi32>
    %shift_left3A_919 = arith.shli %xor3A_915, %shift_left3A_918 : vector<16x128xi32>
    %shift_right_logical3A_920 = arith.constant 6 : i32
    %shift_right_logical3A_921 = vector.broadcast %shift_right_logical3A_920 : i32 to vector<16x128xi32>
    %shift_right_logical3A_922 = arith.shrui %xor3A_915, %shift_right_logical3A_921 : vector<16x128xi32>
    %or3A_923 = arith.ori %shift_left3A_919, %shift_right_logical3A_922 : vector<16x128xi32>
    %xor3A_924 = arith.xori %add3A_916, %or3A_923 : vector<16x128xi32>
    %add3A_925 = arith.addi %add3A_916, %xor3A_924 : vector<16x128xi32>
    %shift_left3A_926 = arith.constant 6 : i32
    %shift_left3A_927 = vector.broadcast %shift_left3A_926 : i32 to vector<16x128xi32>
    %shift_left3A_928 = arith.shli %xor3A_924, %shift_left3A_927 : vector<16x128xi32>
    %shift_right_logical3A_929 = arith.constant 26 : i32
    %shift_right_logical3A_930 = vector.broadcast %shift_right_logical3A_929 : i32 to vector<16x128xi32>
    %shift_right_logical3A_931 = arith.shrui %xor3A_924, %shift_right_logical3A_930 : vector<16x128xi32>
    %or3A_932 = arith.ori %shift_left3A_928, %shift_right_logical3A_931 : vector<16x128xi32>
    %xor3A_933 = arith.xori %add3A_925, %or3A_932 : vector<16x128xi32>
    %add3A_934 = arith.addi %add3A_925, %add3A_677 : vector<16x128xi32>
    %add3A_935 = arith.addi %xor3A_933, %xor3A_895 : vector<16x128xi32>
    %add3A_936 = arith.constant 1 : i32
    %add3A_937 = vector.broadcast %add3A_936 : i32 to vector<16x128xi32>
    %add3A_938 = arith.addi %add3A_935, %add3A_937 : vector<16x128xi32>
    %add3A_939 = arith.addi %add3A_934, %add3A_938 : vector<16x128xi32>
    %shift_left3A_940 = arith.constant 17 : i32
    %shift_left3A_941 = vector.broadcast %shift_left3A_940 : i32 to vector<16x128xi32>
    %shift_left3A_942 = arith.shli %add3A_938, %shift_left3A_941 : vector<16x128xi32>
    %shift_right_logical3A_943 = arith.constant 15 : i32
    %shift_right_logical3A_944 = vector.broadcast %shift_right_logical3A_943 : i32 to vector<16x128xi32>
    %shift_right_logical3A_945 = arith.shrui %add3A_938, %shift_right_logical3A_944 : vector<16x128xi32>
    %or3A_946 = arith.ori %shift_left3A_942, %shift_right_logical3A_945 : vector<16x128xi32>
    %xor3A_947 = arith.xori %add3A_939, %or3A_946 : vector<16x128xi32>
    %add3A_948 = arith.addi %add3A_939, %xor3A_947 : vector<16x128xi32>
    %shift_left3A_949 = arith.constant 29 : i32
    %shift_left3A_950 = vector.broadcast %shift_left3A_949 : i32 to vector<16x128xi32>
    %shift_left3A_951 = arith.shli %xor3A_947, %shift_left3A_950 : vector<16x128xi32>
    %shift_right_logical3A_952 = arith.constant 3 : i32
    %shift_right_logical3A_953 = vector.broadcast %shift_right_logical3A_952 : i32 to vector<16x128xi32>
    %shift_right_logical3A_954 = arith.shrui %xor3A_947, %shift_right_logical3A_953 : vector<16x128xi32>
    %or3A_955 = arith.ori %shift_left3A_951, %shift_right_logical3A_954 : vector<16x128xi32>
    %xor3A_956 = arith.xori %add3A_948, %or3A_955 : vector<16x128xi32>
    %add3A_957 = arith.addi %add3A_948, %xor3A_956 : vector<16x128xi32>
    %shift_left3A_958 = arith.constant 16 : i32
    %shift_left3A_959 = vector.broadcast %shift_left3A_958 : i32 to vector<16x128xi32>
    %shift_left3A_960 = arith.shli %xor3A_956, %shift_left3A_959 : vector<16x128xi32>
    %shift_right_logical3A_961 = arith.constant 16 : i32
    %shift_right_logical3A_962 = vector.broadcast %shift_right_logical3A_961 : i32 to vector<16x128xi32>
    %shift_right_logical3A_963 = arith.shrui %xor3A_956, %shift_right_logical3A_962 : vector<16x128xi32>
    %or3A_964 = arith.ori %shift_left3A_960, %shift_right_logical3A_963 : vector<16x128xi32>
    %xor3A_965 = arith.xori %add3A_957, %or3A_964 : vector<16x128xi32>
    %add3A_966 = arith.addi %add3A_957, %xor3A_965 : vector<16x128xi32>
    %shift_left3A_967 = arith.constant 24 : i32
    %shift_left3A_968 = vector.broadcast %shift_left3A_967 : i32 to vector<16x128xi32>
    %shift_left3A_969 = arith.shli %xor3A_965, %shift_left3A_968 : vector<16x128xi32>
    %shift_right_logical3A_970 = arith.constant 8 : i32
    %shift_right_logical3A_971 = vector.broadcast %shift_right_logical3A_970 : i32 to vector<16x128xi32>
    %shift_right_logical3A_972 = arith.shrui %xor3A_965, %shift_right_logical3A_971 : vector<16x128xi32>
    %or3A_973 = arith.ori %shift_left3A_969, %shift_right_logical3A_972 : vector<16x128xi32>
    %xor3A_974 = arith.xori %add3A_966, %or3A_973 : vector<16x128xi32>
    %add3A_975 = arith.addi %add3A_966, %xor3A_895 : vector<16x128xi32>
    %add3A_976 = arith.addi %xor3A_974, %add3A_673 : vector<16x128xi32>
    %add3A_977 = arith.constant 2 : i32
    %add3A_978 = vector.broadcast %add3A_977 : i32 to vector<16x128xi32>
    %add3A_979 = arith.addi %add3A_976, %add3A_978 : vector<16x128xi32>
    %add3A_980 = arith.addi %add3A_975, %add3A_979 : vector<16x128xi32>
    %shift_left3A_981 = arith.constant 13 : i32
    %shift_left3A_982 = vector.broadcast %shift_left3A_981 : i32 to vector<16x128xi32>
    %shift_left3A_983 = arith.shli %add3A_979, %shift_left3A_982 : vector<16x128xi32>
    %shift_right_logical3A_984 = arith.constant 19 : i32
    %shift_right_logical3A_985 = vector.broadcast %shift_right_logical3A_984 : i32 to vector<16x128xi32>
    %shift_right_logical3A_986 = arith.shrui %add3A_979, %shift_right_logical3A_985 : vector<16x128xi32>
    %or3A_987 = arith.ori %shift_left3A_983, %shift_right_logical3A_986 : vector<16x128xi32>
    %xor3A_988 = arith.xori %add3A_980, %or3A_987 : vector<16x128xi32>
    %add3A_989 = arith.addi %add3A_980, %xor3A_988 : vector<16x128xi32>
    %shift_left3A_990 = arith.constant 15 : i32
    %shift_left3A_991 = vector.broadcast %shift_left3A_990 : i32 to vector<16x128xi32>
    %shift_left3A_992 = arith.shli %xor3A_988, %shift_left3A_991 : vector<16x128xi32>
    %shift_right_logical3A_993 = arith.constant 17 : i32
    %shift_right_logical3A_994 = vector.broadcast %shift_right_logical3A_993 : i32 to vector<16x128xi32>
    %shift_right_logical3A_995 = arith.shrui %xor3A_988, %shift_right_logical3A_994 : vector<16x128xi32>
    %or3A_996 = arith.ori %shift_left3A_992, %shift_right_logical3A_995 : vector<16x128xi32>
    %xor3A_997 = arith.xori %add3A_989, %or3A_996 : vector<16x128xi32>
    %add3A_998 = arith.addi %add3A_989, %xor3A_997 : vector<16x128xi32>
    %shift_left3A_999 = arith.constant 26 : i32
    %shift_left3A_1000 = vector.broadcast %shift_left3A_999 : i32 to vector<16x128xi32>
    %shift_left3A_1001 = arith.shli %xor3A_997, %shift_left3A_1000 : vector<16x128xi32>
    %shift_right_logical3A_1002 = arith.constant 6 : i32
    %shift_right_logical3A_1003 = vector.broadcast %shift_right_logical3A_1002 : i32 to vector<16x128xi32>
    %shift_right_logical3A_1004 = arith.shrui %xor3A_997, %shift_right_logical3A_1003 : vector<16x128xi32>
    %or3A_1005 = arith.ori %shift_left3A_1001, %shift_right_logical3A_1004 : vector<16x128xi32>
    %xor3A_1006 = arith.xori %add3A_998, %or3A_1005 : vector<16x128xi32>
    %add3A_1007 = arith.addi %add3A_998, %xor3A_1006 : vector<16x128xi32>
    %shift_left3A_1008 = arith.constant 6 : i32
    %shift_left3A_1009 = vector.broadcast %shift_left3A_1008 : i32 to vector<16x128xi32>
    %shift_left3A_1010 = arith.shli %xor3A_1006, %shift_left3A_1009 : vector<16x128xi32>
    %shift_right_logical3A_1011 = arith.constant 26 : i32
    %shift_right_logical3A_1012 = vector.broadcast %shift_right_logical3A_1011 : i32 to vector<16x128xi32>
    %shift_right_logical3A_1013 = arith.shrui %xor3A_1006, %shift_right_logical3A_1012 : vector<16x128xi32>
    %or3A_1014 = arith.ori %shift_left3A_1010, %shift_right_logical3A_1013 : vector<16x128xi32>
    %xor3A_1015 = arith.xori %add3A_1007, %or3A_1014 : vector<16x128xi32>
    %add3A_1016 = arith.addi %add3A_1007, %add3A_673 : vector<16x128xi32>
    %add3A_1017 = arith.addi %xor3A_1015, %add3A_677 : vector<16x128xi32>
    %add3A_1018 = arith.constant 3 : i32
    %add3A_1019 = vector.broadcast %add3A_1018 : i32 to vector<16x128xi32>
    %add3A_1020 = arith.addi %add3A_1017, %add3A_1019 : vector<16x128xi32>
    %add3A_1021 = arith.addi %add3A_1016, %add3A_1020 : vector<16x128xi32>
    %shift_left3A_1022 = arith.constant 17 : i32
    %shift_left3A_1023 = vector.broadcast %shift_left3A_1022 : i32 to vector<16x128xi32>
    %shift_left3A_1024 = arith.shli %add3A_1020, %shift_left3A_1023 : vector<16x128xi32>
    %shift_right_logical3A_1025 = arith.constant 15 : i32
    %shift_right_logical3A_1026 = vector.broadcast %shift_right_logical3A_1025 : i32 to vector<16x128xi32>
    %shift_right_logical3A_1027 = arith.shrui %add3A_1020, %shift_right_logical3A_1026 : vector<16x128xi32>
    %or3A_1028 = arith.ori %shift_left3A_1024, %shift_right_logical3A_1027 : vector<16x128xi32>
    %xor3A_1029 = arith.xori %add3A_1021, %or3A_1028 : vector<16x128xi32>
    %add3A_1030 = arith.addi %add3A_1021, %xor3A_1029 : vector<16x128xi32>
    %shift_left3A_1031 = arith.constant 29 : i32
    %shift_left3A_1032 = vector.broadcast %shift_left3A_1031 : i32 to vector<16x128xi32>
    %shift_left3A_1033 = arith.shli %xor3A_1029, %shift_left3A_1032 : vector<16x128xi32>
    %shift_right_logical3A_1034 = arith.constant 3 : i32
    %shift_right_logical3A_1035 = vector.broadcast %shift_right_logical3A_1034 : i32 to vector<16x128xi32>
    %shift_right_logical3A_1036 = arith.shrui %xor3A_1029, %shift_right_logical3A_1035 : vector<16x128xi32>
    %or3A_1037 = arith.ori %shift_left3A_1033, %shift_right_logical3A_1036 : vector<16x128xi32>
    %xor3A_1038 = arith.xori %add3A_1030, %or3A_1037 : vector<16x128xi32>
    %add3A_1039 = arith.addi %add3A_1030, %xor3A_1038 : vector<16x128xi32>
    %shift_left3A_1040 = arith.constant 16 : i32
    %shift_left3A_1041 = vector.broadcast %shift_left3A_1040 : i32 to vector<16x128xi32>
    %shift_left3A_1042 = arith.shli %xor3A_1038, %shift_left3A_1041 : vector<16x128xi32>
    %shift_right_logical3A_1043 = arith.constant 16 : i32
    %shift_right_logical3A_1044 = vector.broadcast %shift_right_logical3A_1043 : i32 to vector<16x128xi32>
    %shift_right_logical3A_1045 = arith.shrui %xor3A_1038, %shift_right_logical3A_1044 : vector<16x128xi32>
    %or3A_1046 = arith.ori %shift_left3A_1042, %shift_right_logical3A_1045 : vector<16x128xi32>
    %xor3A_1047 = arith.xori %add3A_1039, %or3A_1046 : vector<16x128xi32>
    %add3A_1048 = arith.addi %add3A_1039, %xor3A_1047 : vector<16x128xi32>
    %shift_left3A_1049 = arith.constant 24 : i32
    %shift_left3A_1050 = vector.broadcast %shift_left3A_1049 : i32 to vector<16x128xi32>
    %shift_left3A_1051 = arith.shli %xor3A_1047, %shift_left3A_1050 : vector<16x128xi32>
    %shift_right_logical3A_1052 = arith.constant 8 : i32
    %shift_right_logical3A_1053 = vector.broadcast %shift_right_logical3A_1052 : i32 to vector<16x128xi32>
    %shift_right_logical3A_1054 = arith.shrui %xor3A_1047, %shift_right_logical3A_1053 : vector<16x128xi32>
    %or3A_1055 = arith.ori %shift_left3A_1051, %shift_right_logical3A_1054 : vector<16x128xi32>
    %xor3A_1056 = arith.xori %add3A_1048, %or3A_1055 : vector<16x128xi32>
    %add3A_1057 = arith.addi %add3A_1048, %add3A_677 : vector<16x128xi32>
    %add3A_1058 = arith.addi %xor3A_1056, %xor3A_895 : vector<16x128xi32>
    %add3A_1059 = arith.constant 4 : i32
    %add3A_1060 = vector.broadcast %add3A_1059 : i32 to vector<16x128xi32>
    %add3A_1061 = arith.addi %add3A_1058, %add3A_1060 : vector<16x128xi32>
    %add3A_1062 = arith.addi %add3A_1057, %add3A_1061 : vector<16x128xi32>
    %shift_left3A_1063 = arith.constant 13 : i32
    %shift_left3A_1064 = vector.broadcast %shift_left3A_1063 : i32 to vector<16x128xi32>
    %shift_left3A_1065 = arith.shli %add3A_1061, %shift_left3A_1064 : vector<16x128xi32>
    %shift_right_logical3A_1066 = arith.constant 19 : i32
    %shift_right_logical3A_1067 = vector.broadcast %shift_right_logical3A_1066 : i32 to vector<16x128xi32>
    %shift_right_logical3A_1068 = arith.shrui %add3A_1061, %shift_right_logical3A_1067 : vector<16x128xi32>
    %or3A_1069 = arith.ori %shift_left3A_1065, %shift_right_logical3A_1068 : vector<16x128xi32>
    %xor3A_1070 = arith.xori %add3A_1062, %or3A_1069 : vector<16x128xi32>
    %add3A_1071 = arith.addi %add3A_1062, %xor3A_1070 : vector<16x128xi32>
    %shift_left3A_1072 = arith.constant 15 : i32
    %shift_left3A_1073 = vector.broadcast %shift_left3A_1072 : i32 to vector<16x128xi32>
    %shift_left3A_1074 = arith.shli %xor3A_1070, %shift_left3A_1073 : vector<16x128xi32>
    %shift_right_logical3A_1075 = arith.constant 17 : i32
    %shift_right_logical3A_1076 = vector.broadcast %shift_right_logical3A_1075 : i32 to vector<16x128xi32>
    %shift_right_logical3A_1077 = arith.shrui %xor3A_1070, %shift_right_logical3A_1076 : vector<16x128xi32>
    %or3A_1078 = arith.ori %shift_left3A_1074, %shift_right_logical3A_1077 : vector<16x128xi32>
    %xor3A_1079 = arith.xori %add3A_1071, %or3A_1078 : vector<16x128xi32>
    %add3A_1080 = arith.addi %add3A_1071, %xor3A_1079 : vector<16x128xi32>
    %shift_left3A_1081 = arith.constant 26 : i32
    %shift_left3A_1082 = vector.broadcast %shift_left3A_1081 : i32 to vector<16x128xi32>
    %shift_left3A_1083 = arith.shli %xor3A_1079, %shift_left3A_1082 : vector<16x128xi32>
    %shift_right_logical3A_1084 = arith.constant 6 : i32
    %shift_right_logical3A_1085 = vector.broadcast %shift_right_logical3A_1084 : i32 to vector<16x128xi32>
    %shift_right_logical3A_1086 = arith.shrui %xor3A_1079, %shift_right_logical3A_1085 : vector<16x128xi32>
    %or3A_1087 = arith.ori %shift_left3A_1083, %shift_right_logical3A_1086 : vector<16x128xi32>
    %xor3A_1088 = arith.xori %add3A_1080, %or3A_1087 : vector<16x128xi32>
    %add3A_1089 = arith.addi %add3A_1080, %xor3A_1088 : vector<16x128xi32>
    %shift_left3A_1090 = arith.constant 6 : i32
    %shift_left3A_1091 = vector.broadcast %shift_left3A_1090 : i32 to vector<16x128xi32>
    %shift_left3A_1092 = arith.shli %xor3A_1088, %shift_left3A_1091 : vector<16x128xi32>
    %shift_right_logical3A_1093 = arith.constant 26 : i32
    %shift_right_logical3A_1094 = vector.broadcast %shift_right_logical3A_1093 : i32 to vector<16x128xi32>
    %shift_right_logical3A_1095 = arith.shrui %xor3A_1088, %shift_right_logical3A_1094 : vector<16x128xi32>
    %or3A_1096 = arith.ori %shift_left3A_1092, %shift_right_logical3A_1095 : vector<16x128xi32>
    %xor3A_1097 = arith.xori %add3A_1089, %or3A_1096 : vector<16x128xi32>
    %add3A_1098 = arith.addi %add3A_1089, %xor3A_895 : vector<16x128xi32>
    %add3A_1099 = arith.addi %xor3A_1097, %add3A_673 : vector<16x128xi32>
    %add3A_1100 = arith.constant 5 : i32
    %add3A_1101 = vector.broadcast %add3A_1100 : i32 to vector<16x128xi32>
    %add3A_1102 = arith.addi %add3A_1099, %add3A_1101 : vector<16x128xi32>
    %xor3A_1103 = arith.xori %add3A_1098, %add3A_1102 : vector<16x128xi32>
    %xor3A_1104 = arith.xori %add3A_887, %add3A_891 : vector<16x128xi32>
    %xor3A_1105 = arith.constant 466688986 : i32
    %xor3A_1106 = vector.broadcast %xor3A_1105 : i32 to vector<16x128xi32>
    %xor3A_1107 = arith.xori %xor3A_1104, %xor3A_1106 : vector<16x128xi32>
    %add3A_1108 = arith.addi %broadcast_in_dim3A_256, %add3A_887 : vector<16x128xi32>
    %add3A_1109 = arith.addi %and3A_254, %add3A_891 : vector<16x128xi32>
    %add3A_1110 = arith.addi %add3A_1108, %add3A_1109 : vector<16x128xi32>
    %shift_left3A_1111 = arith.constant 13 : i32
    %shift_left3A_1112 = vector.broadcast %shift_left3A_1111 : i32 to vector<16x128xi32>
    %shift_left3A_1113 = arith.shli %add3A_1109, %shift_left3A_1112 : vector<16x128xi32>
    %shift_right_logical3A_1114 = arith.constant 19 : i32
    %shift_right_logical3A_1115 = vector.broadcast %shift_right_logical3A_1114 : i32 to vector<16x128xi32>
    %shift_right_logical3A_1116 = arith.shrui %add3A_1109, %shift_right_logical3A_1115 : vector<16x128xi32>
    %or3A_1117 = arith.ori %shift_left3A_1113, %shift_right_logical3A_1116 : vector<16x128xi32>
    %xor3A_1118 = arith.xori %add3A_1110, %or3A_1117 : vector<16x128xi32>
    %add3A_1119 = arith.addi %add3A_1110, %xor3A_1118 : vector<16x128xi32>
    %shift_left3A_1120 = arith.constant 15 : i32
    %shift_left3A_1121 = vector.broadcast %shift_left3A_1120 : i32 to vector<16x128xi32>
    %shift_left3A_1122 = arith.shli %xor3A_1118, %shift_left3A_1121 : vector<16x128xi32>
    %shift_right_logical3A_1123 = arith.constant 17 : i32
    %shift_right_logical3A_1124 = vector.broadcast %shift_right_logical3A_1123 : i32 to vector<16x128xi32>
    %shift_right_logical3A_1125 = arith.shrui %xor3A_1118, %shift_right_logical3A_1124 : vector<16x128xi32>
    %or3A_1126 = arith.ori %shift_left3A_1122, %shift_right_logical3A_1125 : vector<16x128xi32>
    %xor3A_1127 = arith.xori %add3A_1119, %or3A_1126 : vector<16x128xi32>
    %add3A_1128 = arith.addi %add3A_1119, %xor3A_1127 : vector<16x128xi32>
    %shift_left3A_1129 = arith.constant 26 : i32
    %shift_left3A_1130 = vector.broadcast %shift_left3A_1129 : i32 to vector<16x128xi32>
    %shift_left3A_1131 = arith.shli %xor3A_1127, %shift_left3A_1130 : vector<16x128xi32>
    %shift_right_logical3A_1132 = arith.constant 6 : i32
    %shift_right_logical3A_1133 = vector.broadcast %shift_right_logical3A_1132 : i32 to vector<16x128xi32>
    %shift_right_logical3A_1134 = arith.shrui %xor3A_1127, %shift_right_logical3A_1133 : vector<16x128xi32>
    %or3A_1135 = arith.ori %shift_left3A_1131, %shift_right_logical3A_1134 : vector<16x128xi32>
    %xor3A_1136 = arith.xori %add3A_1128, %or3A_1135 : vector<16x128xi32>
    %add3A_1137 = arith.addi %add3A_1128, %xor3A_1136 : vector<16x128xi32>
    %shift_left3A_1138 = arith.constant 6 : i32
    %shift_left3A_1139 = vector.broadcast %shift_left3A_1138 : i32 to vector<16x128xi32>
    %shift_left3A_1140 = arith.shli %xor3A_1136, %shift_left3A_1139 : vector<16x128xi32>
    %shift_right_logical3A_1141 = arith.constant 26 : i32
    %shift_right_logical3A_1142 = vector.broadcast %shift_right_logical3A_1141 : i32 to vector<16x128xi32>
    %shift_right_logical3A_1143 = arith.shrui %xor3A_1136, %shift_right_logical3A_1142 : vector<16x128xi32>
    %or3A_1144 = arith.ori %shift_left3A_1140, %shift_right_logical3A_1143 : vector<16x128xi32>
    %xor3A_1145 = arith.xori %add3A_1137, %or3A_1144 : vector<16x128xi32>
    %add3A_1146 = arith.addi %add3A_1137, %add3A_891 : vector<16x128xi32>
    %add3A_1147 = arith.addi %xor3A_1145, %xor3A_1107 : vector<16x128xi32>
    %add3A_1148 = arith.constant 1 : i32
    %add3A_1149 = vector.broadcast %add3A_1148 : i32 to vector<16x128xi32>
    %add3A_1150 = arith.addi %add3A_1147, %add3A_1149 : vector<16x128xi32>
    %add3A_1151 = arith.addi %add3A_1146, %add3A_1150 : vector<16x128xi32>
    %shift_left3A_1152 = arith.constant 17 : i32
    %shift_left3A_1153 = vector.broadcast %shift_left3A_1152 : i32 to vector<16x128xi32>
    %shift_left3A_1154 = arith.shli %add3A_1150, %shift_left3A_1153 : vector<16x128xi32>
    %shift_right_logical3A_1155 = arith.constant 15 : i32
    %shift_right_logical3A_1156 = vector.broadcast %shift_right_logical3A_1155 : i32 to vector<16x128xi32>
    %shift_right_logical3A_1157 = arith.shrui %add3A_1150, %shift_right_logical3A_1156 : vector<16x128xi32>
    %or3A_1158 = arith.ori %shift_left3A_1154, %shift_right_logical3A_1157 : vector<16x128xi32>
    %xor3A_1159 = arith.xori %add3A_1151, %or3A_1158 : vector<16x128xi32>
    %add3A_1160 = arith.addi %add3A_1151, %xor3A_1159 : vector<16x128xi32>
    %shift_left3A_1161 = arith.constant 29 : i32
    %shift_left3A_1162 = vector.broadcast %shift_left3A_1161 : i32 to vector<16x128xi32>
    %shift_left3A_1163 = arith.shli %xor3A_1159, %shift_left3A_1162 : vector<16x128xi32>
    %shift_right_logical3A_1164 = arith.constant 3 : i32
    %shift_right_logical3A_1165 = vector.broadcast %shift_right_logical3A_1164 : i32 to vector<16x128xi32>
    %shift_right_logical3A_1166 = arith.shrui %xor3A_1159, %shift_right_logical3A_1165 : vector<16x128xi32>
    %or3A_1167 = arith.ori %shift_left3A_1163, %shift_right_logical3A_1166 : vector<16x128xi32>
    %xor3A_1168 = arith.xori %add3A_1160, %or3A_1167 : vector<16x128xi32>
    %add3A_1169 = arith.addi %add3A_1160, %xor3A_1168 : vector<16x128xi32>
    %shift_left3A_1170 = arith.constant 16 : i32
    %shift_left3A_1171 = vector.broadcast %shift_left3A_1170 : i32 to vector<16x128xi32>
    %shift_left3A_1172 = arith.shli %xor3A_1168, %shift_left3A_1171 : vector<16x128xi32>
    %shift_right_logical3A_1173 = arith.constant 16 : i32
    %shift_right_logical3A_1174 = vector.broadcast %shift_right_logical3A_1173 : i32 to vector<16x128xi32>
    %shift_right_logical3A_1175 = arith.shrui %xor3A_1168, %shift_right_logical3A_1174 : vector<16x128xi32>
    %or3A_1176 = arith.ori %shift_left3A_1172, %shift_right_logical3A_1175 : vector<16x128xi32>
    %xor3A_1177 = arith.xori %add3A_1169, %or3A_1176 : vector<16x128xi32>
    %add3A_1178 = arith.addi %add3A_1169, %xor3A_1177 : vector<16x128xi32>
    %shift_left3A_1179 = arith.constant 24 : i32
    %shift_left3A_1180 = vector.broadcast %shift_left3A_1179 : i32 to vector<16x128xi32>
    %shift_left3A_1181 = arith.shli %xor3A_1177, %shift_left3A_1180 : vector<16x128xi32>
    %shift_right_logical3A_1182 = arith.constant 8 : i32
    %shift_right_logical3A_1183 = vector.broadcast %shift_right_logical3A_1182 : i32 to vector<16x128xi32>
    %shift_right_logical3A_1184 = arith.shrui %xor3A_1177, %shift_right_logical3A_1183 : vector<16x128xi32>
    %or3A_1185 = arith.ori %shift_left3A_1181, %shift_right_logical3A_1184 : vector<16x128xi32>
    %xor3A_1186 = arith.xori %add3A_1178, %or3A_1185 : vector<16x128xi32>
    %add3A_1187 = arith.addi %add3A_1178, %xor3A_1107 : vector<16x128xi32>
    %add3A_1188 = arith.addi %xor3A_1186, %add3A_887 : vector<16x128xi32>
    %add3A_1189 = arith.constant 2 : i32
    %add3A_1190 = vector.broadcast %add3A_1189 : i32 to vector<16x128xi32>
    %add3A_1191 = arith.addi %add3A_1188, %add3A_1190 : vector<16x128xi32>
    %add3A_1192 = arith.addi %add3A_1187, %add3A_1191 : vector<16x128xi32>
    %shift_left3A_1193 = arith.constant 13 : i32
    %shift_left3A_1194 = vector.broadcast %shift_left3A_1193 : i32 to vector<16x128xi32>
    %shift_left3A_1195 = arith.shli %add3A_1191, %shift_left3A_1194 : vector<16x128xi32>
    %shift_right_logical3A_1196 = arith.constant 19 : i32
    %shift_right_logical3A_1197 = vector.broadcast %shift_right_logical3A_1196 : i32 to vector<16x128xi32>
    %shift_right_logical3A_1198 = arith.shrui %add3A_1191, %shift_right_logical3A_1197 : vector<16x128xi32>
    %or3A_1199 = arith.ori %shift_left3A_1195, %shift_right_logical3A_1198 : vector<16x128xi32>
    %xor3A_1200 = arith.xori %add3A_1192, %or3A_1199 : vector<16x128xi32>
    %add3A_1201 = arith.addi %add3A_1192, %xor3A_1200 : vector<16x128xi32>
    %shift_left3A_1202 = arith.constant 15 : i32
    %shift_left3A_1203 = vector.broadcast %shift_left3A_1202 : i32 to vector<16x128xi32>
    %shift_left3A_1204 = arith.shli %xor3A_1200, %shift_left3A_1203 : vector<16x128xi32>
    %shift_right_logical3A_1205 = arith.constant 17 : i32
    %shift_right_logical3A_1206 = vector.broadcast %shift_right_logical3A_1205 : i32 to vector<16x128xi32>
    %shift_right_logical3A_1207 = arith.shrui %xor3A_1200, %shift_right_logical3A_1206 : vector<16x128xi32>
    %or3A_1208 = arith.ori %shift_left3A_1204, %shift_right_logical3A_1207 : vector<16x128xi32>
    %xor3A_1209 = arith.xori %add3A_1201, %or3A_1208 : vector<16x128xi32>
    %add3A_1210 = arith.addi %add3A_1201, %xor3A_1209 : vector<16x128xi32>
    %shift_left3A_1211 = arith.constant 26 : i32
    %shift_left3A_1212 = vector.broadcast %shift_left3A_1211 : i32 to vector<16x128xi32>
    %shift_left3A_1213 = arith.shli %xor3A_1209, %shift_left3A_1212 : vector<16x128xi32>
    %shift_right_logical3A_1214 = arith.constant 6 : i32
    %shift_right_logical3A_1215 = vector.broadcast %shift_right_logical3A_1214 : i32 to vector<16x128xi32>
    %shift_right_logical3A_1216 = arith.shrui %xor3A_1209, %shift_right_logical3A_1215 : vector<16x128xi32>
    %or3A_1217 = arith.ori %shift_left3A_1213, %shift_right_logical3A_1216 : vector<16x128xi32>
    %xor3A_1218 = arith.xori %add3A_1210, %or3A_1217 : vector<16x128xi32>
    %add3A_1219 = arith.addi %add3A_1210, %xor3A_1218 : vector<16x128xi32>
    %shift_left3A_1220 = arith.constant 6 : i32
    %shift_left3A_1221 = vector.broadcast %shift_left3A_1220 : i32 to vector<16x128xi32>
    %shift_left3A_1222 = arith.shli %xor3A_1218, %shift_left3A_1221 : vector<16x128xi32>
    %shift_right_logical3A_1223 = arith.constant 26 : i32
    %shift_right_logical3A_1224 = vector.broadcast %shift_right_logical3A_1223 : i32 to vector<16x128xi32>
    %shift_right_logical3A_1225 = arith.shrui %xor3A_1218, %shift_right_logical3A_1224 : vector<16x128xi32>
    %or3A_1226 = arith.ori %shift_left3A_1222, %shift_right_logical3A_1225 : vector<16x128xi32>
    %xor3A_1227 = arith.xori %add3A_1219, %or3A_1226 : vector<16x128xi32>
    %add3A_1228 = arith.addi %add3A_1219, %add3A_887 : vector<16x128xi32>
    %add3A_1229 = arith.addi %xor3A_1227, %add3A_891 : vector<16x128xi32>
    %add3A_1230 = arith.constant 3 : i32
    %add3A_1231 = vector.broadcast %add3A_1230 : i32 to vector<16x128xi32>
    %add3A_1232 = arith.addi %add3A_1229, %add3A_1231 : vector<16x128xi32>
    %add3A_1233 = arith.addi %add3A_1228, %add3A_1232 : vector<16x128xi32>
    %shift_left3A_1234 = arith.constant 17 : i32
    %shift_left3A_1235 = vector.broadcast %shift_left3A_1234 : i32 to vector<16x128xi32>
    %shift_left3A_1236 = arith.shli %add3A_1232, %shift_left3A_1235 : vector<16x128xi32>
    %shift_right_logical3A_1237 = arith.constant 15 : i32
    %shift_right_logical3A_1238 = vector.broadcast %shift_right_logical3A_1237 : i32 to vector<16x128xi32>
    %shift_right_logical3A_1239 = arith.shrui %add3A_1232, %shift_right_logical3A_1238 : vector<16x128xi32>
    %or3A_1240 = arith.ori %shift_left3A_1236, %shift_right_logical3A_1239 : vector<16x128xi32>
    %xor3A_1241 = arith.xori %add3A_1233, %or3A_1240 : vector<16x128xi32>
    %add3A_1242 = arith.addi %add3A_1233, %xor3A_1241 : vector<16x128xi32>
    %shift_left3A_1243 = arith.constant 29 : i32
    %shift_left3A_1244 = vector.broadcast %shift_left3A_1243 : i32 to vector<16x128xi32>
    %shift_left3A_1245 = arith.shli %xor3A_1241, %shift_left3A_1244 : vector<16x128xi32>
    %shift_right_logical3A_1246 = arith.constant 3 : i32
    %shift_right_logical3A_1247 = vector.broadcast %shift_right_logical3A_1246 : i32 to vector<16x128xi32>
    %shift_right_logical3A_1248 = arith.shrui %xor3A_1241, %shift_right_logical3A_1247 : vector<16x128xi32>
    %or3A_1249 = arith.ori %shift_left3A_1245, %shift_right_logical3A_1248 : vector<16x128xi32>
    %xor3A_1250 = arith.xori %add3A_1242, %or3A_1249 : vector<16x128xi32>
    %add3A_1251 = arith.addi %add3A_1242, %xor3A_1250 : vector<16x128xi32>
    %shift_left3A_1252 = arith.constant 16 : i32
    %shift_left3A_1253 = vector.broadcast %shift_left3A_1252 : i32 to vector<16x128xi32>
    %shift_left3A_1254 = arith.shli %xor3A_1250, %shift_left3A_1253 : vector<16x128xi32>
    %shift_right_logical3A_1255 = arith.constant 16 : i32
    %shift_right_logical3A_1256 = vector.broadcast %shift_right_logical3A_1255 : i32 to vector<16x128xi32>
    %shift_right_logical3A_1257 = arith.shrui %xor3A_1250, %shift_right_logical3A_1256 : vector<16x128xi32>
    %or3A_1258 = arith.ori %shift_left3A_1254, %shift_right_logical3A_1257 : vector<16x128xi32>
    %xor3A_1259 = arith.xori %add3A_1251, %or3A_1258 : vector<16x128xi32>
    %add3A_1260 = arith.addi %add3A_1251, %xor3A_1259 : vector<16x128xi32>
    %shift_left3A_1261 = arith.constant 24 : i32
    %shift_left3A_1262 = vector.broadcast %shift_left3A_1261 : i32 to vector<16x128xi32>
    %shift_left3A_1263 = arith.shli %xor3A_1259, %shift_left3A_1262 : vector<16x128xi32>
    %shift_right_logical3A_1264 = arith.constant 8 : i32
    %shift_right_logical3A_1265 = vector.broadcast %shift_right_logical3A_1264 : i32 to vector<16x128xi32>
    %shift_right_logical3A_1266 = arith.shrui %xor3A_1259, %shift_right_logical3A_1265 : vector<16x128xi32>
    %or3A_1267 = arith.ori %shift_left3A_1263, %shift_right_logical3A_1266 : vector<16x128xi32>
    %xor3A_1268 = arith.xori %add3A_1260, %or3A_1267 : vector<16x128xi32>
    %add3A_1269 = arith.addi %add3A_1260, %add3A_891 : vector<16x128xi32>
    %add3A_1270 = arith.addi %xor3A_1268, %xor3A_1107 : vector<16x128xi32>
    %add3A_1271 = arith.constant 4 : i32
    %add3A_1272 = vector.broadcast %add3A_1271 : i32 to vector<16x128xi32>
    %add3A_1273 = arith.addi %add3A_1270, %add3A_1272 : vector<16x128xi32>
    %add3A_1274 = arith.addi %add3A_1269, %add3A_1273 : vector<16x128xi32>
    %shift_left3A_1275 = arith.constant 13 : i32
    %shift_left3A_1276 = vector.broadcast %shift_left3A_1275 : i32 to vector<16x128xi32>
    %shift_left3A_1277 = arith.shli %add3A_1273, %shift_left3A_1276 : vector<16x128xi32>
    %shift_right_logical3A_1278 = arith.constant 19 : i32
    %shift_right_logical3A_1279 = vector.broadcast %shift_right_logical3A_1278 : i32 to vector<16x128xi32>
    %shift_right_logical3A_1280 = arith.shrui %add3A_1273, %shift_right_logical3A_1279 : vector<16x128xi32>
    %or3A_1281 = arith.ori %shift_left3A_1277, %shift_right_logical3A_1280 : vector<16x128xi32>
    %xor3A_1282 = arith.xori %add3A_1274, %or3A_1281 : vector<16x128xi32>
    %add3A_1283 = arith.addi %add3A_1274, %xor3A_1282 : vector<16x128xi32>
    %shift_left3A_1284 = arith.constant 15 : i32
    %shift_left3A_1285 = vector.broadcast %shift_left3A_1284 : i32 to vector<16x128xi32>
    %shift_left3A_1286 = arith.shli %xor3A_1282, %shift_left3A_1285 : vector<16x128xi32>
    %shift_right_logical3A_1287 = arith.constant 17 : i32
    %shift_right_logical3A_1288 = vector.broadcast %shift_right_logical3A_1287 : i32 to vector<16x128xi32>
    %shift_right_logical3A_1289 = arith.shrui %xor3A_1282, %shift_right_logical3A_1288 : vector<16x128xi32>
    %or3A_1290 = arith.ori %shift_left3A_1286, %shift_right_logical3A_1289 : vector<16x128xi32>
    %xor3A_1291 = arith.xori %add3A_1283, %or3A_1290 : vector<16x128xi32>
    %add3A_1292 = arith.addi %add3A_1283, %xor3A_1291 : vector<16x128xi32>
    %shift_left3A_1293 = arith.constant 26 : i32
    %shift_left3A_1294 = vector.broadcast %shift_left3A_1293 : i32 to vector<16x128xi32>
    %shift_left3A_1295 = arith.shli %xor3A_1291, %shift_left3A_1294 : vector<16x128xi32>
    %shift_right_logical3A_1296 = arith.constant 6 : i32
    %shift_right_logical3A_1297 = vector.broadcast %shift_right_logical3A_1296 : i32 to vector<16x128xi32>
    %shift_right_logical3A_1298 = arith.shrui %xor3A_1291, %shift_right_logical3A_1297 : vector<16x128xi32>
    %or3A_1299 = arith.ori %shift_left3A_1295, %shift_right_logical3A_1298 : vector<16x128xi32>
    %xor3A_1300 = arith.xori %add3A_1292, %or3A_1299 : vector<16x128xi32>
    %add3A_1301 = arith.addi %add3A_1292, %xor3A_1300 : vector<16x128xi32>
    %shift_left3A_1302 = arith.constant 6 : i32
    %shift_left3A_1303 = vector.broadcast %shift_left3A_1302 : i32 to vector<16x128xi32>
    %shift_left3A_1304 = arith.shli %xor3A_1300, %shift_left3A_1303 : vector<16x128xi32>
    %shift_right_logical3A_1305 = arith.constant 26 : i32
    %shift_right_logical3A_1306 = vector.broadcast %shift_right_logical3A_1305 : i32 to vector<16x128xi32>
    %shift_right_logical3A_1307 = arith.shrui %xor3A_1300, %shift_right_logical3A_1306 : vector<16x128xi32>
    %or3A_1308 = arith.ori %shift_left3A_1304, %shift_right_logical3A_1307 : vector<16x128xi32>
    %xor3A_1309 = arith.xori %add3A_1301, %or3A_1308 : vector<16x128xi32>
    %add3A_1310 = arith.addi %add3A_1301, %xor3A_1107 : vector<16x128xi32>
    %add3A_1311 = arith.addi %xor3A_1309, %add3A_887 : vector<16x128xi32>
    %add3A_1312 = arith.constant 5 : i32
    %add3A_1313 = vector.broadcast %add3A_1312 : i32 to vector<16x128xi32>
    %add3A_1314 = arith.addi %add3A_1311, %add3A_1313 : vector<16x128xi32>
    %xor3A_1315 = arith.xori %add3A_1310, %add3A_1314 : vector<16x128xi32>
    %max3A = arith.constant 1 : i32
    %max3A_1316 = vector.broadcast %max3A : i32 to vector<16x128xi32>
    %max3A_1317 = arith.maxsi %sub3A, %max3A_1316 : vector<16x128xi32>
    %convert_element_type3A = arith.sitofp %max3A_1317 : vector<16x128xi32> to vector<16x128xf32>
    %add3A_1318 = arith.constant 65536 : i32
    %add3A_1319 = vector.broadcast %add3A_1318 : i32 to vector<16x128xi32>
    %add3A_1320 = arith.addi %broadcast_in_dim3A_256, %add3A_1319 : vector<16x128xi32>
    %convert_element_type3A_1321 = arith.sitofp %add3A_1320 : vector<16x128xi32> to vector<16x128xf32>
    %div3A_1322 = arith.divf %convert_element_type3A_1321, %convert_element_type3A : vector<16x128xf32>
    %floor3A = math.floor %div3A_1322 : vector<16x128xf32>
    %convert_element_type3A_1323 = arith.fptosi %floor3A : vector<16x128xf32> to vector<16x128xi32>
    %mul3A_1324 = arith.muli %convert_element_type3A_1323, %max3A_1317 : vector<16x128xi32>
    %sub3A_1325 = arith.subi %add3A_1320, %mul3A_1324 : vector<16x128xi32>
    %lt3A = arith.constant 0 : i32
    %lt3A_1326 = vector.broadcast %lt3A : i32 to vector<16x128xi32>
    %lt3A_1327 = arith.cmpi slt, %sub3A_1325, %lt3A_1326 : vector<16x128xi32>
    %add3A_1328 = arith.addi %sub3A_1325, %max3A_1317 : vector<16x128xi32>
    %select_n3A_1329 = arith.select %lt3A_1327, %add3A_1328, %sub3A_1325 : vector<16x128xi1>, vector<16x128xi32>
    %lt3A_1330 = arith.constant 0 : i32
    %lt3A_1331 = vector.broadcast %lt3A_1330 : i32 to vector<16x128xi32>
    %lt3A_1332 = arith.cmpi slt, %select_n3A_1329, %lt3A_1331 : vector<16x128xi32>
    %add3A_1333 = arith.addi %select_n3A_1329, %max3A_1317 : vector<16x128xi32>
    %select_n3A_1334 = arith.select %lt3A_1332, %add3A_1333, %select_n3A_1329 : vector<16x128xi1>, vector<16x128xi32>
    %lt3A_1335 = arith.constant 0 : i32
    %lt3A_1336 = vector.broadcast %lt3A_1335 : i32 to vector<16x128xi32>
    %lt3A_1337 = arith.cmpi slt, %select_n3A_1334, %lt3A_1336 : vector<16x128xi32>
    %add3A_1338 = arith.addi %select_n3A_1334, %max3A_1317 : vector<16x128xi32>
    %select_n3A_1339 = arith.select %lt3A_1337, %add3A_1338, %select_n3A_1334 : vector<16x128xi1>, vector<16x128xi32>
    %ge3A = arith.cmpi sge, %select_n3A_1339, %max3A_1317 : vector<16x128xi32>
    %sub3A_1340 = arith.subi %select_n3A_1339, %max3A_1317 : vector<16x128xi32>
    %select_n3A_1341 = arith.select %ge3A, %sub3A_1340, %select_n3A_1339 : vector<16x128xi1>, vector<16x128xi32>
    %ge3A_1342 = arith.cmpi sge, %select_n3A_1341, %max3A_1317 : vector<16x128xi32>
    %sub3A_1343 = arith.subi %select_n3A_1341, %max3A_1317 : vector<16x128xi32>
    %select_n3A_1344 = arith.select %ge3A_1342, %sub3A_1343, %select_n3A_1341 : vector<16x128xi1>, vector<16x128xi32>
    %ge3A_1345 = arith.cmpi sge, %select_n3A_1344, %max3A_1317 : vector<16x128xi32>
    %sub3A_1346 = arith.subi %select_n3A_1344, %max3A_1317 : vector<16x128xi32>
    %select_n3A_1347 = arith.select %ge3A_1345, %sub3A_1346, %select_n3A_1344 : vector<16x128xi1>, vector<16x128xi32>
    %mul3A_1348 = arith.muli %select_n3A_1347, %select_n3A_1347 : vector<16x128xi32>
    %convert_element_type3A_1349 = arith.sitofp %mul3A_1348 : vector<16x128xi32> to vector<16x128xf32>
    %div3A_1350 = arith.divf %convert_element_type3A_1349, %convert_element_type3A : vector<16x128xf32>
    %floor3A_1351 = math.floor %div3A_1350 : vector<16x128xf32>
    %convert_element_type3A_1352 = arith.fptosi %floor3A_1351 : vector<16x128xf32> to vector<16x128xi32>
    %mul3A_1353 = arith.muli %convert_element_type3A_1352, %max3A_1317 : vector<16x128xi32>
    %sub3A_1354 = arith.subi %mul3A_1348, %mul3A_1353 : vector<16x128xi32>
    %mul3A_1355 = arith.constant 140 : i32
    %mul3A_1356 = vector.broadcast %mul3A_1355 : i32 to vector<16x128xi32>
    %mul3A_1357 = arith.muli %mul3A_1356, %max3A_1317 : vector<16x128xi32>
    %add3A_1358 = arith.addi %sub3A_1354, %mul3A_1357 : vector<16x128xi32>
    %convert_element_type3A_1359 = arith.sitofp %add3A_1358 : vector<16x128xi32> to vector<16x128xf32>
    %div3A_1360 = arith.divf %convert_element_type3A_1359, %convert_element_type3A : vector<16x128xf32>
    %floor3A_1361 = math.floor %div3A_1360 : vector<16x128xf32>
    %convert_element_type3A_1362 = arith.fptosi %floor3A_1361 : vector<16x128xf32> to vector<16x128xi32>
    %mul3A_1363 = arith.muli %convert_element_type3A_1362, %max3A_1317 : vector<16x128xi32>
    %sub3A_1364 = arith.subi %add3A_1358, %mul3A_1363 : vector<16x128xi32>
    %lt3A_1365 = arith.constant 0 : i32
    %lt3A_1366 = vector.broadcast %lt3A_1365 : i32 to vector<16x128xi32>
    %lt3A_1367 = arith.cmpi slt, %sub3A_1364, %lt3A_1366 : vector<16x128xi32>
    %add3A_1368 = arith.addi %sub3A_1364, %max3A_1317 : vector<16x128xi32>
    %select_n3A_1369 = arith.select %lt3A_1367, %add3A_1368, %sub3A_1364 : vector<16x128xi1>, vector<16x128xi32>
    %lt3A_1370 = arith.constant 0 : i32
    %lt3A_1371 = vector.broadcast %lt3A_1370 : i32 to vector<16x128xi32>
    %lt3A_1372 = arith.cmpi slt, %select_n3A_1369, %lt3A_1371 : vector<16x128xi32>
    %add3A_1373 = arith.addi %select_n3A_1369, %max3A_1317 : vector<16x128xi32>
    %select_n3A_1374 = arith.select %lt3A_1372, %add3A_1373, %select_n3A_1369 : vector<16x128xi1>, vector<16x128xi32>
    %lt3A_1375 = arith.constant 0 : i32
    %lt3A_1376 = vector.broadcast %lt3A_1375 : i32 to vector<16x128xi32>
    %lt3A_1377 = arith.cmpi slt, %select_n3A_1374, %lt3A_1376 : vector<16x128xi32>
    %add3A_1378 = arith.addi %select_n3A_1374, %max3A_1317 : vector<16x128xi32>
    %select_n3A_1379 = arith.select %lt3A_1377, %add3A_1378, %select_n3A_1374 : vector<16x128xi1>, vector<16x128xi32>
    %ge3A_1380 = arith.cmpi sge, %select_n3A_1379, %max3A_1317 : vector<16x128xi32>
    %sub3A_1381 = arith.subi %select_n3A_1379, %max3A_1317 : vector<16x128xi32>
    %select_n3A_1382 = arith.select %ge3A_1380, %sub3A_1381, %select_n3A_1379 : vector<16x128xi1>, vector<16x128xi32>
    %ge3A_1383 = arith.cmpi sge, %select_n3A_1382, %max3A_1317 : vector<16x128xi32>
    %sub3A_1384 = arith.subi %select_n3A_1382, %max3A_1317 : vector<16x128xi32>
    %select_n3A_1385 = arith.select %ge3A_1383, %sub3A_1384, %select_n3A_1382 : vector<16x128xi1>, vector<16x128xi32>
    %ge3A_1386 = arith.cmpi sge, %select_n3A_1385, %max3A_1317 : vector<16x128xi32>
    %sub3A_1387 = arith.subi %select_n3A_1385, %max3A_1317 : vector<16x128xi32>
    %select_n3A_1388 = arith.select %ge3A_1386, %sub3A_1387, %select_n3A_1385 : vector<16x128xi1>, vector<16x128xi32>
    %shift_right_logical3A_1389 = arith.constant 16 : i32
    %shift_right_logical3A_1390 = vector.broadcast %shift_right_logical3A_1389 : i32 to vector<16x128xi32>
    %shift_right_logical3A_1391 = arith.shrui %xor3A_1103, %shift_right_logical3A_1390 : vector<16x128xi32>
    %mul3A_1392 = arith.muli %shift_right_logical3A_1391, %select_n3A_1347 : vector<16x128xi32>
    %and3A_1393 = arith.constant 65535 : i32
    %and3A_1394 = vector.broadcast %and3A_1393 : i32 to vector<16x128xi32>
    %and3A_1395 = arith.andi %xor3A_1103, %and3A_1394 : vector<16x128xi32>
    %add3A_1396 = arith.addi %mul3A_1392, %and3A_1395 : vector<16x128xi32>
    %convert_element_type3A_1397 = arith.sitofp %add3A_1396 : vector<16x128xi32> to vector<16x128xf32>
    %div3A_1398 = arith.divf %convert_element_type3A_1397, %convert_element_type3A : vector<16x128xf32>
    %floor3A_1399 = math.floor %div3A_1398 : vector<16x128xf32>
    %convert_element_type3A_1400 = arith.fptosi %floor3A_1399 : vector<16x128xf32> to vector<16x128xi32>
    %mul3A_1401 = arith.muli %convert_element_type3A_1400, %max3A_1317 : vector<16x128xi32>
    %sub3A_1402 = arith.subi %add3A_1396, %mul3A_1401 : vector<16x128xi32>
    %mul3A_1403 = arith.constant 140 : i32
    %mul3A_1404 = vector.broadcast %mul3A_1403 : i32 to vector<16x128xi32>
    %mul3A_1405 = arith.muli %mul3A_1404, %max3A_1317 : vector<16x128xi32>
    %add3A_1406 = arith.addi %sub3A_1402, %mul3A_1405 : vector<16x128xi32>
    %convert_element_type3A_1407 = arith.sitofp %add3A_1406 : vector<16x128xi32> to vector<16x128xf32>
    %div3A_1408 = arith.divf %convert_element_type3A_1407, %convert_element_type3A : vector<16x128xf32>
    %floor3A_1409 = math.floor %div3A_1408 : vector<16x128xf32>
    %convert_element_type3A_1410 = arith.fptosi %floor3A_1409 : vector<16x128xf32> to vector<16x128xi32>
    %mul3A_1411 = arith.muli %convert_element_type3A_1410, %max3A_1317 : vector<16x128xi32>
    %sub3A_1412 = arith.subi %add3A_1406, %mul3A_1411 : vector<16x128xi32>
    %lt3A_1413 = arith.constant 0 : i32
    %lt3A_1414 = vector.broadcast %lt3A_1413 : i32 to vector<16x128xi32>
    %lt3A_1415 = arith.cmpi slt, %sub3A_1412, %lt3A_1414 : vector<16x128xi32>
    %add3A_1416 = arith.addi %sub3A_1412, %max3A_1317 : vector<16x128xi32>
    %select_n3A_1417 = arith.select %lt3A_1415, %add3A_1416, %sub3A_1412 : vector<16x128xi1>, vector<16x128xi32>
    %lt3A_1418 = arith.constant 0 : i32
    %lt3A_1419 = vector.broadcast %lt3A_1418 : i32 to vector<16x128xi32>
    %lt3A_1420 = arith.cmpi slt, %select_n3A_1417, %lt3A_1419 : vector<16x128xi32>
    %add3A_1421 = arith.addi %select_n3A_1417, %max3A_1317 : vector<16x128xi32>
    %select_n3A_1422 = arith.select %lt3A_1420, %add3A_1421, %select_n3A_1417 : vector<16x128xi1>, vector<16x128xi32>
    %lt3A_1423 = arith.constant 0 : i32
    %lt3A_1424 = vector.broadcast %lt3A_1423 : i32 to vector<16x128xi32>
    %lt3A_1425 = arith.cmpi slt, %select_n3A_1422, %lt3A_1424 : vector<16x128xi32>
    %add3A_1426 = arith.addi %select_n3A_1422, %max3A_1317 : vector<16x128xi32>
    %select_n3A_1427 = arith.select %lt3A_1425, %add3A_1426, %select_n3A_1422 : vector<16x128xi1>, vector<16x128xi32>
    %ge3A_1428 = arith.cmpi sge, %select_n3A_1427, %max3A_1317 : vector<16x128xi32>
    %sub3A_1429 = arith.subi %select_n3A_1427, %max3A_1317 : vector<16x128xi32>
    %select_n3A_1430 = arith.select %ge3A_1428, %sub3A_1429, %select_n3A_1427 : vector<16x128xi1>, vector<16x128xi32>
    %ge3A_1431 = arith.cmpi sge, %select_n3A_1430, %max3A_1317 : vector<16x128xi32>
    %sub3A_1432 = arith.subi %select_n3A_1430, %max3A_1317 : vector<16x128xi32>
    %select_n3A_1433 = arith.select %ge3A_1431, %sub3A_1432, %select_n3A_1430 : vector<16x128xi1>, vector<16x128xi32>
    %ge3A_1434 = arith.cmpi sge, %select_n3A_1433, %max3A_1317 : vector<16x128xi32>
    %sub3A_1435 = arith.subi %select_n3A_1433, %max3A_1317 : vector<16x128xi32>
    %select_n3A_1436 = arith.select %ge3A_1434, %sub3A_1435, %select_n3A_1433 : vector<16x128xi1>, vector<16x128xi32>
    %mul3A_1437 = arith.muli %select_n3A_1436, %select_n3A_1388 : vector<16x128xi32>
    %shift_right_logical3A_1438 = arith.constant 16 : i32
    %shift_right_logical3A_1439 = vector.broadcast %shift_right_logical3A_1438 : i32 to vector<16x128xi32>
    %shift_right_logical3A_1440 = arith.shrui %xor3A_1315, %shift_right_logical3A_1439 : vector<16x128xi32>
    %mul3A_1441 = arith.muli %shift_right_logical3A_1440, %select_n3A_1347 : vector<16x128xi32>
    %and3A_1442 = arith.constant 65535 : i32
    %and3A_1443 = vector.broadcast %and3A_1442 : i32 to vector<16x128xi32>
    %and3A_1444 = arith.andi %xor3A_1315, %and3A_1443 : vector<16x128xi32>
    %add3A_1445 = arith.addi %mul3A_1441, %and3A_1444 : vector<16x128xi32>
    %convert_element_type3A_1446 = arith.sitofp %add3A_1445 : vector<16x128xi32> to vector<16x128xf32>
    %div3A_1447 = arith.divf %convert_element_type3A_1446, %convert_element_type3A : vector<16x128xf32>
    %floor3A_1448 = math.floor %div3A_1447 : vector<16x128xf32>
    %convert_element_type3A_1449 = arith.fptosi %floor3A_1448 : vector<16x128xf32> to vector<16x128xi32>
    %mul3A_1450 = arith.muli %convert_element_type3A_1449, %max3A_1317 : vector<16x128xi32>
    %sub3A_1451 = arith.subi %add3A_1445, %mul3A_1450 : vector<16x128xi32>
    %mul3A_1452 = arith.constant 140 : i32
    %mul3A_1453 = vector.broadcast %mul3A_1452 : i32 to vector<16x128xi32>
    %mul3A_1454 = arith.muli %mul3A_1453, %max3A_1317 : vector<16x128xi32>
    %add3A_1455 = arith.addi %sub3A_1451, %mul3A_1454 : vector<16x128xi32>
    %convert_element_type3A_1456 = arith.sitofp %add3A_1455 : vector<16x128xi32> to vector<16x128xf32>
    %div3A_1457 = arith.divf %convert_element_type3A_1456, %convert_element_type3A : vector<16x128xf32>
    %floor3A_1458 = math.floor %div3A_1457 : vector<16x128xf32>
    %convert_element_type3A_1459 = arith.fptosi %floor3A_1458 : vector<16x128xf32> to vector<16x128xi32>
    %mul3A_1460 = arith.muli %convert_element_type3A_1459, %max3A_1317 : vector<16x128xi32>
    %sub3A_1461 = arith.subi %add3A_1455, %mul3A_1460 : vector<16x128xi32>
    %lt3A_1462 = arith.constant 0 : i32
    %lt3A_1463 = vector.broadcast %lt3A_1462 : i32 to vector<16x128xi32>
    %lt3A_1464 = arith.cmpi slt, %sub3A_1461, %lt3A_1463 : vector<16x128xi32>
    %add3A_1465 = arith.addi %sub3A_1461, %max3A_1317 : vector<16x128xi32>
    %select_n3A_1466 = arith.select %lt3A_1464, %add3A_1465, %sub3A_1461 : vector<16x128xi1>, vector<16x128xi32>
    %lt3A_1467 = arith.constant 0 : i32
    %lt3A_1468 = vector.broadcast %lt3A_1467 : i32 to vector<16x128xi32>
    %lt3A_1469 = arith.cmpi slt, %select_n3A_1466, %lt3A_1468 : vector<16x128xi32>
    %add3A_1470 = arith.addi %select_n3A_1466, %max3A_1317 : vector<16x128xi32>
    %select_n3A_1471 = arith.select %lt3A_1469, %add3A_1470, %select_n3A_1466 : vector<16x128xi1>, vector<16x128xi32>
    %lt3A_1472 = arith.constant 0 : i32
    %lt3A_1473 = vector.broadcast %lt3A_1472 : i32 to vector<16x128xi32>
    %lt3A_1474 = arith.cmpi slt, %select_n3A_1471, %lt3A_1473 : vector<16x128xi32>
    %add3A_1475 = arith.addi %select_n3A_1471, %max3A_1317 : vector<16x128xi32>
    %select_n3A_1476 = arith.select %lt3A_1474, %add3A_1475, %select_n3A_1471 : vector<16x128xi1>, vector<16x128xi32>
    %ge3A_1477 = arith.cmpi sge, %select_n3A_1476, %max3A_1317 : vector<16x128xi32>
    %sub3A_1478 = arith.subi %select_n3A_1476, %max3A_1317 : vector<16x128xi32>
    %select_n3A_1479 = arith.select %ge3A_1477, %sub3A_1478, %select_n3A_1476 : vector<16x128xi1>, vector<16x128xi32>
    %ge3A_1480 = arith.cmpi sge, %select_n3A_1479, %max3A_1317 : vector<16x128xi32>
    %sub3A_1481 = arith.subi %select_n3A_1479, %max3A_1317 : vector<16x128xi32>
    %select_n3A_1482 = arith.select %ge3A_1480, %sub3A_1481, %select_n3A_1479 : vector<16x128xi1>, vector<16x128xi32>
    %ge3A_1483 = arith.cmpi sge, %select_n3A_1482, %max3A_1317 : vector<16x128xi32>
    %sub3A_1484 = arith.subi %select_n3A_1482, %max3A_1317 : vector<16x128xi32>
    %select_n3A_1485 = arith.select %ge3A_1483, %sub3A_1484, %select_n3A_1482 : vector<16x128xi1>, vector<16x128xi32>
    %add3A_1486 = arith.addi %mul3A_1437, %select_n3A_1485 : vector<16x128xi32>
    %convert_element_type3A_1487 = arith.sitofp %add3A_1486 : vector<16x128xi32> to vector<16x128xf32>
    %div3A_1488 = arith.divf %convert_element_type3A_1487, %convert_element_type3A : vector<16x128xf32>
    %floor3A_1489 = math.floor %div3A_1488 : vector<16x128xf32>
    %convert_element_type3A_1490 = arith.fptosi %floor3A_1489 : vector<16x128xf32> to vector<16x128xi32>
    %mul3A_1491 = arith.muli %convert_element_type3A_1490, %max3A_1317 : vector<16x128xi32>
    %sub3A_1492 = arith.subi %add3A_1486, %mul3A_1491 : vector<16x128xi32>
    %mul3A_1493 = arith.constant 140 : i32
    %mul3A_1494 = vector.broadcast %mul3A_1493 : i32 to vector<16x128xi32>
    %mul3A_1495 = arith.muli %mul3A_1494, %max3A_1317 : vector<16x128xi32>
    %add3A_1496 = arith.addi %sub3A_1492, %mul3A_1495 : vector<16x128xi32>
    %convert_element_type3A_1497 = arith.sitofp %add3A_1496 : vector<16x128xi32> to vector<16x128xf32>
    %div3A_1498 = arith.divf %convert_element_type3A_1497, %convert_element_type3A : vector<16x128xf32>
    %floor3A_1499 = math.floor %div3A_1498 : vector<16x128xf32>
    %convert_element_type3A_1500 = arith.fptosi %floor3A_1499 : vector<16x128xf32> to vector<16x128xi32>
    %mul3A_1501 = arith.muli %convert_element_type3A_1500, %max3A_1317 : vector<16x128xi32>
    %sub3A_1502 = arith.subi %add3A_1496, %mul3A_1501 : vector<16x128xi32>
    %lt3A_1503 = arith.constant 0 : i32
    %lt3A_1504 = vector.broadcast %lt3A_1503 : i32 to vector<16x128xi32>
    %lt3A_1505 = arith.cmpi slt, %sub3A_1502, %lt3A_1504 : vector<16x128xi32>
    %add3A_1506 = arith.addi %sub3A_1502, %max3A_1317 : vector<16x128xi32>
    %select_n3A_1507 = arith.select %lt3A_1505, %add3A_1506, %sub3A_1502 : vector<16x128xi1>, vector<16x128xi32>
    %lt3A_1508 = arith.constant 0 : i32
    %lt3A_1509 = vector.broadcast %lt3A_1508 : i32 to vector<16x128xi32>
    %lt3A_1510 = arith.cmpi slt, %select_n3A_1507, %lt3A_1509 : vector<16x128xi32>
    %add3A_1511 = arith.addi %select_n3A_1507, %max3A_1317 : vector<16x128xi32>
    %select_n3A_1512 = arith.select %lt3A_1510, %add3A_1511, %select_n3A_1507 : vector<16x128xi1>, vector<16x128xi32>
    %lt3A_1513 = arith.constant 0 : i32
    %lt3A_1514 = vector.broadcast %lt3A_1513 : i32 to vector<16x128xi32>
    %lt3A_1515 = arith.cmpi slt, %select_n3A_1512, %lt3A_1514 : vector<16x128xi32>
    %add3A_1516 = arith.addi %select_n3A_1512, %max3A_1317 : vector<16x128xi32>
    %select_n3A_1517 = arith.select %lt3A_1515, %add3A_1516, %select_n3A_1512 : vector<16x128xi1>, vector<16x128xi32>
    %ge3A_1518 = arith.cmpi sge, %select_n3A_1517, %max3A_1317 : vector<16x128xi32>
    %sub3A_1519 = arith.subi %select_n3A_1517, %max3A_1317 : vector<16x128xi32>
    %select_n3A_1520 = arith.select %ge3A_1518, %sub3A_1519, %select_n3A_1517 : vector<16x128xi1>, vector<16x128xi32>
    %ge3A_1521 = arith.cmpi sge, %select_n3A_1520, %max3A_1317 : vector<16x128xi32>
    %sub3A_1522 = arith.subi %select_n3A_1520, %max3A_1317 : vector<16x128xi32>
    %select_n3A_1523 = arith.select %ge3A_1521, %sub3A_1522, %select_n3A_1520 : vector<16x128xi1>, vector<16x128xi32>
    %ge3A_1524 = arith.cmpi sge, %select_n3A_1523, %max3A_1317 : vector<16x128xi32>
    %sub3A_1525 = arith.subi %select_n3A_1523, %max3A_1317 : vector<16x128xi32>
    %select_n3A_1526 = arith.select %ge3A_1524, %sub3A_1525, %select_n3A_1523 : vector<16x128xi1>, vector<16x128xi32>
    %gt3A = arith.constant 1 : i32
    %gt3A_1527 = vector.broadcast %gt3A : i32 to vector<16x128xi32>
    %gt3A_1528 = arith.cmpi sgt, %sub3A, %gt3A_1527 : vector<16x128xi32>
    %jit3A_1529 = arith.constant 0 : i32
    %broadcast_in_dim3A_1530 = vector.broadcast %jit3A_1529 : i32 to vector<16x128xi32>
    %select_n3A_1531 = arith.select %gt3A_1528, %select_n3A_1526, %broadcast_in_dim3A_1530 : vector<16x128xi1>, vector<16x128xi32>
    %add3A_1532 = arith.addi %select_n3A_217, %select_n3A_1531 : vector<16x128xi32>
    %slice3A = vector.extract_strided_slice %add3A_1532 {offsets = [0, 0], sizes = [16, 1], strides = [1, 1]} : vector<16x128xi32> to vector<16x1xi32>
    %slice3A_1533 = vector.extract_strided_slice %add3A_1532 {offsets = [0, 1], sizes = [16, 1], strides = [1, 1]} : vector<16x128xi32> to vector<16x1xi32>
    %slice3A_1534 = vector.extract_strided_slice %add3A_1532 {offsets = [0, 2], sizes = [16, 1], strides = [1, 1]} : vector<16x128xi32> to vector<16x1xi32>
    %slice3A_1535 = vector.extract_strided_slice %add3A_1532 {offsets = [0, 3], sizes = [16, 1], strides = [1, 1]} : vector<16x128xi32> to vector<16x1xi32>
    %slice3A_1536 = vector.extract_strided_slice %add3A_1532 {offsets = [0, 0], sizes = [16, 1], strides = [1, 1]} : vector<16x128xi32> to vector<16x1xi32>
    %slice3A_1537 = vector.extract_strided_slice %add3A_1532 {offsets = [0, 1], sizes = [16, 1], strides = [1, 1]} : vector<16x128xi32> to vector<16x1xi32>
    %slice3A_1538 = vector.extract_strided_slice %add3A_1532 {offsets = [0, 2], sizes = [16, 1], strides = [1, 1]} : vector<16x128xi32> to vector<16x1xi32>
    %slice3A_1539 = vector.extract_strided_slice %add3A_1532 {offsets = [0, 3], sizes = [16, 1], strides = [1, 1]} : vector<16x128xi32> to vector<16x1xi32>
    %eq3A_1540 = arith.cmpi eq, %slice3A_1534, %slice3A : vector<16x1xi32>
    %eq3A_1541 = arith.cmpi eq, %slice3A_1534, %slice3A_1533 : vector<16x1xi32>
    %select_n3A_1542 = arith.select %eq3A_1541, %slice3A_1536, %slice3A_1538 : vector<16x1xi1>, vector<16x1xi32>
    %select_n3A_1543 = arith.select %eq3A_1540, %slice3A_1537, %select_n3A_1542 : vector<16x1xi1>, vector<16x1xi32>
    %eq3A_1544 = arith.cmpi eq, %slice3A_1535, %slice3A : vector<16x1xi32>
    %eq3A_1545 = arith.cmpi eq, %slice3A_1535, %slice3A_1533 : vector<16x1xi32>
    %select_n3A_1546 = arith.select %eq3A_1545, %slice3A_1536, %slice3A_1539 : vector<16x1xi1>, vector<16x1xi32>
    %select_n3A_1547 = arith.select %eq3A_1544, %slice3A_1537, %select_n3A_1546 : vector<16x1xi1>, vector<16x1xi32>
    %eq3A_1548 = vector.broadcast %slice3A_1534 : vector<16x1xi32> to vector<16x128xi32>
    %eq3A_1549 = arith.cmpi eq, %add3A_1532, %eq3A_1548 : vector<16x128xi32>
    %eq3A_1550 = vector.broadcast %slice3A_1535 : vector<16x1xi32> to vector<16x128xi32>
    %eq3A_1551 = arith.cmpi eq, %add3A_1532, %eq3A_1550 : vector<16x128xi32>
    %eq3A_1552 = vector.broadcast %slice3A : vector<16x1xi32> to vector<16x128xi32>
    %eq3A_1553 = arith.cmpi eq, %add3A_1532, %eq3A_1552 : vector<16x128xi32>
    %eq3A_1554 = vector.broadcast %slice3A_1533 : vector<16x1xi32> to vector<16x128xi32>
    %eq3A_1555 = arith.cmpi eq, %add3A_1532, %eq3A_1554 : vector<16x128xi32>
    %broadcast_in_dim3A_1556 = vector.shape_cast %slice3A_1536 : vector<16x1xi32> to vector<16x1xi32>
    %broadcast_in_dim3A_1557 = vector.broadcast %broadcast_in_dim3A_1556 : vector<16x1xi32> to vector<16x128xi32>
    %select_n3A_1558 = arith.select %eq3A_1555, %broadcast_in_dim3A_1557, %add3A_1532 : vector<16x128xi1>, vector<16x128xi32>
    %broadcast_in_dim3A_1559 = vector.shape_cast %slice3A_1537 : vector<16x1xi32> to vector<16x1xi32>
    %broadcast_in_dim3A_1560 = vector.broadcast %broadcast_in_dim3A_1559 : vector<16x1xi32> to vector<16x128xi32>
    %select_n3A_1561 = arith.select %eq3A_1553, %broadcast_in_dim3A_1560, %select_n3A_1558 : vector<16x128xi1>, vector<16x128xi32>
    %broadcast_in_dim3A_1562 = vector.shape_cast %select_n3A_1543 : vector<16x1xi32> to vector<16x1xi32>
    %broadcast_in_dim3A_1563 = vector.broadcast %broadcast_in_dim3A_1562 : vector<16x1xi32> to vector<16x128xi32>
    %select_n3A_1564 = arith.select %eq3A_1551, %broadcast_in_dim3A_1563, %select_n3A_1561 : vector<16x128xi1>, vector<16x128xi32>
    %broadcast_in_dim3A_1565 = vector.shape_cast %select_n3A_1547 : vector<16x1xi32> to vector<16x1xi32>
    %broadcast_in_dim3A_1566 = vector.broadcast %broadcast_in_dim3A_1565 : vector<16x1xi32> to vector<16x128xi32>
    %select_n3A_1567 = arith.select %eq3A_1549, %broadcast_in_dim3A_1566, %select_n3A_1564 : vector<16x128xi1>, vector<16x128xi32>
    %slice3A_1568 = vector.extract_strided_slice %add3A_1532 {offsets = [0, 4], sizes = [16, 1], strides = [1, 1]} : vector<16x128xi32> to vector<16x1xi32>
    %slice3A_1569 = vector.extract_strided_slice %add3A_1532 {offsets = [0, 5], sizes = [16, 1], strides = [1, 1]} : vector<16x128xi32> to vector<16x1xi32>
    %slice3A_1570 = vector.extract_strided_slice %add3A_1532 {offsets = [0, 6], sizes = [16, 1], strides = [1, 1]} : vector<16x128xi32> to vector<16x1xi32>
    %slice3A_1571 = vector.extract_strided_slice %add3A_1532 {offsets = [0, 7], sizes = [16, 1], strides = [1, 1]} : vector<16x128xi32> to vector<16x1xi32>
    %slice3A_1572 = vector.extract_strided_slice %select_n3A_1567 {offsets = [0, 4], sizes = [16, 1], strides = [1, 1]} : vector<16x128xi32> to vector<16x1xi32>
    %slice3A_1573 = vector.extract_strided_slice %select_n3A_1567 {offsets = [0, 5], sizes = [16, 1], strides = [1, 1]} : vector<16x128xi32> to vector<16x1xi32>
    %slice3A_1574 = vector.extract_strided_slice %select_n3A_1567 {offsets = [0, 6], sizes = [16, 1], strides = [1, 1]} : vector<16x128xi32> to vector<16x1xi32>
    %slice3A_1575 = vector.extract_strided_slice %select_n3A_1567 {offsets = [0, 7], sizes = [16, 1], strides = [1, 1]} : vector<16x128xi32> to vector<16x1xi32>
    %eq3A_1576 = arith.cmpi eq, %slice3A_1570, %slice3A_1568 : vector<16x1xi32>
    %eq3A_1577 = arith.cmpi eq, %slice3A_1570, %slice3A_1569 : vector<16x1xi32>
    %select_n3A_1578 = arith.select %eq3A_1577, %slice3A_1572, %slice3A_1574 : vector<16x1xi1>, vector<16x1xi32>
    %select_n3A_1579 = arith.select %eq3A_1576, %slice3A_1573, %select_n3A_1578 : vector<16x1xi1>, vector<16x1xi32>
    %eq3A_1580 = arith.cmpi eq, %slice3A_1571, %slice3A_1568 : vector<16x1xi32>
    %eq3A_1581 = arith.cmpi eq, %slice3A_1571, %slice3A_1569 : vector<16x1xi32>
    %select_n3A_1582 = arith.select %eq3A_1581, %slice3A_1572, %slice3A_1575 : vector<16x1xi1>, vector<16x1xi32>
    %select_n3A_1583 = arith.select %eq3A_1580, %slice3A_1573, %select_n3A_1582 : vector<16x1xi1>, vector<16x1xi32>
    %eq3A_1584 = vector.broadcast %slice3A_1570 : vector<16x1xi32> to vector<16x128xi32>
    %eq3A_1585 = arith.cmpi eq, %add3A_1532, %eq3A_1584 : vector<16x128xi32>
    %eq3A_1586 = vector.broadcast %slice3A_1571 : vector<16x1xi32> to vector<16x128xi32>
    %eq3A_1587 = arith.cmpi eq, %add3A_1532, %eq3A_1586 : vector<16x128xi32>
    %eq3A_1588 = vector.broadcast %slice3A_1568 : vector<16x1xi32> to vector<16x128xi32>
    %eq3A_1589 = arith.cmpi eq, %add3A_1532, %eq3A_1588 : vector<16x128xi32>
    %eq3A_1590 = vector.broadcast %slice3A_1569 : vector<16x1xi32> to vector<16x128xi32>
    %eq3A_1591 = arith.cmpi eq, %add3A_1532, %eq3A_1590 : vector<16x128xi32>
    %broadcast_in_dim3A_1592 = vector.shape_cast %slice3A_1572 : vector<16x1xi32> to vector<16x1xi32>
    %broadcast_in_dim3A_1593 = vector.broadcast %broadcast_in_dim3A_1592 : vector<16x1xi32> to vector<16x128xi32>
    %select_n3A_1594 = arith.select %eq3A_1591, %broadcast_in_dim3A_1593, %select_n3A_1567 : vector<16x128xi1>, vector<16x128xi32>
    %broadcast_in_dim3A_1595 = vector.shape_cast %slice3A_1573 : vector<16x1xi32> to vector<16x1xi32>
    %broadcast_in_dim3A_1596 = vector.broadcast %broadcast_in_dim3A_1595 : vector<16x1xi32> to vector<16x128xi32>
    %select_n3A_1597 = arith.select %eq3A_1589, %broadcast_in_dim3A_1596, %select_n3A_1594 : vector<16x128xi1>, vector<16x128xi32>
    %broadcast_in_dim3A_1598 = vector.shape_cast %select_n3A_1579 : vector<16x1xi32> to vector<16x1xi32>
    %broadcast_in_dim3A_1599 = vector.broadcast %broadcast_in_dim3A_1598 : vector<16x1xi32> to vector<16x128xi32>
    %select_n3A_1600 = arith.select %eq3A_1587, %broadcast_in_dim3A_1599, %select_n3A_1597 : vector<16x128xi1>, vector<16x128xi32>
    %broadcast_in_dim3A_1601 = vector.shape_cast %select_n3A_1583 : vector<16x1xi32> to vector<16x1xi32>
    %broadcast_in_dim3A_1602 = vector.broadcast %broadcast_in_dim3A_1601 : vector<16x1xi32> to vector<16x128xi32>
    %select_n3A_1603 = arith.select %eq3A_1585, %broadcast_in_dim3A_1602, %select_n3A_1600 : vector<16x128xi1>, vector<16x128xi32>
    %slice3A_1604 = vector.extract_strided_slice %add3A_1532 {offsets = [0, 8], sizes = [16, 1], strides = [1, 1]} : vector<16x128xi32> to vector<16x1xi32>
    %slice3A_1605 = vector.extract_strided_slice %add3A_1532 {offsets = [0, 9], sizes = [16, 1], strides = [1, 1]} : vector<16x128xi32> to vector<16x1xi32>
    %slice3A_1606 = vector.extract_strided_slice %add3A_1532 {offsets = [0, 10], sizes = [16, 1], strides = [1, 1]} : vector<16x128xi32> to vector<16x1xi32>
    %slice3A_1607 = vector.extract_strided_slice %add3A_1532 {offsets = [0, 11], sizes = [16, 1], strides = [1, 1]} : vector<16x128xi32> to vector<16x1xi32>
    %slice3A_1608 = vector.extract_strided_slice %select_n3A_1603 {offsets = [0, 8], sizes = [16, 1], strides = [1, 1]} : vector<16x128xi32> to vector<16x1xi32>
    %slice3A_1609 = vector.extract_strided_slice %select_n3A_1603 {offsets = [0, 9], sizes = [16, 1], strides = [1, 1]} : vector<16x128xi32> to vector<16x1xi32>
    %slice3A_1610 = vector.extract_strided_slice %select_n3A_1603 {offsets = [0, 10], sizes = [16, 1], strides = [1, 1]} : vector<16x128xi32> to vector<16x1xi32>
    %slice3A_1611 = vector.extract_strided_slice %select_n3A_1603 {offsets = [0, 11], sizes = [16, 1], strides = [1, 1]} : vector<16x128xi32> to vector<16x1xi32>
    %eq3A_1612 = arith.cmpi eq, %slice3A_1606, %slice3A_1604 : vector<16x1xi32>
    %eq3A_1613 = arith.cmpi eq, %slice3A_1606, %slice3A_1605 : vector<16x1xi32>
    %select_n3A_1614 = arith.select %eq3A_1613, %slice3A_1608, %slice3A_1610 : vector<16x1xi1>, vector<16x1xi32>
    %select_n3A_1615 = arith.select %eq3A_1612, %slice3A_1609, %select_n3A_1614 : vector<16x1xi1>, vector<16x1xi32>
    %eq3A_1616 = arith.cmpi eq, %slice3A_1607, %slice3A_1604 : vector<16x1xi32>
    %eq3A_1617 = arith.cmpi eq, %slice3A_1607, %slice3A_1605 : vector<16x1xi32>
    %select_n3A_1618 = arith.select %eq3A_1617, %slice3A_1608, %slice3A_1611 : vector<16x1xi1>, vector<16x1xi32>
    %select_n3A_1619 = arith.select %eq3A_1616, %slice3A_1609, %select_n3A_1618 : vector<16x1xi1>, vector<16x1xi32>
    %eq3A_1620 = vector.broadcast %slice3A_1606 : vector<16x1xi32> to vector<16x128xi32>
    %eq3A_1621 = arith.cmpi eq, %add3A_1532, %eq3A_1620 : vector<16x128xi32>
    %eq3A_1622 = vector.broadcast %slice3A_1607 : vector<16x1xi32> to vector<16x128xi32>
    %eq3A_1623 = arith.cmpi eq, %add3A_1532, %eq3A_1622 : vector<16x128xi32>
    %eq3A_1624 = vector.broadcast %slice3A_1604 : vector<16x1xi32> to vector<16x128xi32>
    %eq3A_1625 = arith.cmpi eq, %add3A_1532, %eq3A_1624 : vector<16x128xi32>
    %eq3A_1626 = vector.broadcast %slice3A_1605 : vector<16x1xi32> to vector<16x128xi32>
    %eq3A_1627 = arith.cmpi eq, %add3A_1532, %eq3A_1626 : vector<16x128xi32>
    %broadcast_in_dim3A_1628 = vector.shape_cast %slice3A_1608 : vector<16x1xi32> to vector<16x1xi32>
    %broadcast_in_dim3A_1629 = vector.broadcast %broadcast_in_dim3A_1628 : vector<16x1xi32> to vector<16x128xi32>
    %select_n3A_1630 = arith.select %eq3A_1627, %broadcast_in_dim3A_1629, %select_n3A_1603 : vector<16x128xi1>, vector<16x128xi32>
    %broadcast_in_dim3A_1631 = vector.shape_cast %slice3A_1609 : vector<16x1xi32> to vector<16x1xi32>
    %broadcast_in_dim3A_1632 = vector.broadcast %broadcast_in_dim3A_1631 : vector<16x1xi32> to vector<16x128xi32>
    %select_n3A_1633 = arith.select %eq3A_1625, %broadcast_in_dim3A_1632, %select_n3A_1630 : vector<16x128xi1>, vector<16x128xi32>
    %broadcast_in_dim3A_1634 = vector.shape_cast %select_n3A_1615 : vector<16x1xi32> to vector<16x1xi32>
    %broadcast_in_dim3A_1635 = vector.broadcast %broadcast_in_dim3A_1634 : vector<16x1xi32> to vector<16x128xi32>
    %select_n3A_1636 = arith.select %eq3A_1623, %broadcast_in_dim3A_1635, %select_n3A_1633 : vector<16x128xi1>, vector<16x128xi32>
    %broadcast_in_dim3A_1637 = vector.shape_cast %select_n3A_1619 : vector<16x1xi32> to vector<16x1xi32>
    %broadcast_in_dim3A_1638 = vector.broadcast %broadcast_in_dim3A_1637 : vector<16x1xi32> to vector<16x128xi32>
    %select_n3A_1639 = arith.select %eq3A_1621, %broadcast_in_dim3A_1638, %select_n3A_1636 : vector<16x128xi1>, vector<16x128xi32>
    %slice3A_1640 = vector.extract_strided_slice %add3A_1532 {offsets = [0, 12], sizes = [16, 1], strides = [1, 1]} : vector<16x128xi32> to vector<16x1xi32>
    %slice3A_1641 = vector.extract_strided_slice %add3A_1532 {offsets = [0, 13], sizes = [16, 1], strides = [1, 1]} : vector<16x128xi32> to vector<16x1xi32>
    %slice3A_1642 = vector.extract_strided_slice %add3A_1532 {offsets = [0, 14], sizes = [16, 1], strides = [1, 1]} : vector<16x128xi32> to vector<16x1xi32>
    %slice3A_1643 = vector.extract_strided_slice %add3A_1532 {offsets = [0, 15], sizes = [16, 1], strides = [1, 1]} : vector<16x128xi32> to vector<16x1xi32>
    %slice3A_1644 = vector.extract_strided_slice %select_n3A_1639 {offsets = [0, 12], sizes = [16, 1], strides = [1, 1]} : vector<16x128xi32> to vector<16x1xi32>
    %slice3A_1645 = vector.extract_strided_slice %select_n3A_1639 {offsets = [0, 13], sizes = [16, 1], strides = [1, 1]} : vector<16x128xi32> to vector<16x1xi32>
    %slice3A_1646 = vector.extract_strided_slice %select_n3A_1639 {offsets = [0, 14], sizes = [16, 1], strides = [1, 1]} : vector<16x128xi32> to vector<16x1xi32>
    %slice3A_1647 = vector.extract_strided_slice %select_n3A_1639 {offsets = [0, 15], sizes = [16, 1], strides = [1, 1]} : vector<16x128xi32> to vector<16x1xi32>
    %eq3A_1648 = arith.cmpi eq, %slice3A_1642, %slice3A_1640 : vector<16x1xi32>
    %eq3A_1649 = arith.cmpi eq, %slice3A_1642, %slice3A_1641 : vector<16x1xi32>
    %select_n3A_1650 = arith.select %eq3A_1649, %slice3A_1644, %slice3A_1646 : vector<16x1xi1>, vector<16x1xi32>
    %select_n3A_1651 = arith.select %eq3A_1648, %slice3A_1645, %select_n3A_1650 : vector<16x1xi1>, vector<16x1xi32>
    %eq3A_1652 = arith.cmpi eq, %slice3A_1643, %slice3A_1640 : vector<16x1xi32>
    %eq3A_1653 = arith.cmpi eq, %slice3A_1643, %slice3A_1641 : vector<16x1xi32>
    %select_n3A_1654 = arith.select %eq3A_1653, %slice3A_1644, %slice3A_1647 : vector<16x1xi1>, vector<16x1xi32>
    %select_n3A_1655 = arith.select %eq3A_1652, %slice3A_1645, %select_n3A_1654 : vector<16x1xi1>, vector<16x1xi32>
    %eq3A_1656 = vector.broadcast %slice3A_1642 : vector<16x1xi32> to vector<16x128xi32>
    %eq3A_1657 = arith.cmpi eq, %add3A_1532, %eq3A_1656 : vector<16x128xi32>
    %eq3A_1658 = vector.broadcast %slice3A_1643 : vector<16x1xi32> to vector<16x128xi32>
    %eq3A_1659 = arith.cmpi eq, %add3A_1532, %eq3A_1658 : vector<16x128xi32>
    %eq3A_1660 = vector.broadcast %slice3A_1640 : vector<16x1xi32> to vector<16x128xi32>
    %eq3A_1661 = arith.cmpi eq, %add3A_1532, %eq3A_1660 : vector<16x128xi32>
    %eq3A_1662 = vector.broadcast %slice3A_1641 : vector<16x1xi32> to vector<16x128xi32>
    %eq3A_1663 = arith.cmpi eq, %add3A_1532, %eq3A_1662 : vector<16x128xi32>
    %broadcast_in_dim3A_1664 = vector.shape_cast %slice3A_1644 : vector<16x1xi32> to vector<16x1xi32>
    %broadcast_in_dim3A_1665 = vector.broadcast %broadcast_in_dim3A_1664 : vector<16x1xi32> to vector<16x128xi32>
    %select_n3A_1666 = arith.select %eq3A_1663, %broadcast_in_dim3A_1665, %select_n3A_1639 : vector<16x128xi1>, vector<16x128xi32>
    %broadcast_in_dim3A_1667 = vector.shape_cast %slice3A_1645 : vector<16x1xi32> to vector<16x1xi32>
    %broadcast_in_dim3A_1668 = vector.broadcast %broadcast_in_dim3A_1667 : vector<16x1xi32> to vector<16x128xi32>
    %select_n3A_1669 = arith.select %eq3A_1661, %broadcast_in_dim3A_1668, %select_n3A_1666 : vector<16x128xi1>, vector<16x128xi32>
    %broadcast_in_dim3A_1670 = vector.shape_cast %select_n3A_1651 : vector<16x1xi32> to vector<16x1xi32>
    %broadcast_in_dim3A_1671 = vector.broadcast %broadcast_in_dim3A_1670 : vector<16x1xi32> to vector<16x128xi32>
    %select_n3A_1672 = arith.select %eq3A_1659, %broadcast_in_dim3A_1671, %select_n3A_1669 : vector<16x128xi1>, vector<16x128xi32>
    %broadcast_in_dim3A_1673 = vector.shape_cast %select_n3A_1655 : vector<16x1xi32> to vector<16x1xi32>
    %broadcast_in_dim3A_1674 = vector.broadcast %broadcast_in_dim3A_1673 : vector<16x1xi32> to vector<16x128xi32>
    %select_n3A_1675 = arith.select %eq3A_1657, %broadcast_in_dim3A_1674, %select_n3A_1672 : vector<16x128xi1>, vector<16x128xi32>
    %slice3A_1676 = vector.extract_strided_slice %add3A_1532 {offsets = [0, 16], sizes = [16, 1], strides = [1, 1]} : vector<16x128xi32> to vector<16x1xi32>
    %slice3A_1677 = vector.extract_strided_slice %add3A_1532 {offsets = [0, 17], sizes = [16, 1], strides = [1, 1]} : vector<16x128xi32> to vector<16x1xi32>
    %slice3A_1678 = vector.extract_strided_slice %add3A_1532 {offsets = [0, 18], sizes = [16, 1], strides = [1, 1]} : vector<16x128xi32> to vector<16x1xi32>
    %slice3A_1679 = vector.extract_strided_slice %add3A_1532 {offsets = [0, 19], sizes = [16, 1], strides = [1, 1]} : vector<16x128xi32> to vector<16x1xi32>
    %slice3A_1680 = vector.extract_strided_slice %select_n3A_1675 {offsets = [0, 16], sizes = [16, 1], strides = [1, 1]} : vector<16x128xi32> to vector<16x1xi32>
    %slice3A_1681 = vector.extract_strided_slice %select_n3A_1675 {offsets = [0, 17], sizes = [16, 1], strides = [1, 1]} : vector<16x128xi32> to vector<16x1xi32>
    %slice3A_1682 = vector.extract_strided_slice %select_n3A_1675 {offsets = [0, 18], sizes = [16, 1], strides = [1, 1]} : vector<16x128xi32> to vector<16x1xi32>
    %slice3A_1683 = vector.extract_strided_slice %select_n3A_1675 {offsets = [0, 19], sizes = [16, 1], strides = [1, 1]} : vector<16x128xi32> to vector<16x1xi32>
    %eq3A_1684 = arith.cmpi eq, %slice3A_1678, %slice3A_1676 : vector<16x1xi32>
    %eq3A_1685 = arith.cmpi eq, %slice3A_1678, %slice3A_1677 : vector<16x1xi32>
    %select_n3A_1686 = arith.select %eq3A_1685, %slice3A_1680, %slice3A_1682 : vector<16x1xi1>, vector<16x1xi32>
    %select_n3A_1687 = arith.select %eq3A_1684, %slice3A_1681, %select_n3A_1686 : vector<16x1xi1>, vector<16x1xi32>
    %eq3A_1688 = arith.cmpi eq, %slice3A_1679, %slice3A_1676 : vector<16x1xi32>
    %eq3A_1689 = arith.cmpi eq, %slice3A_1679, %slice3A_1677 : vector<16x1xi32>
    %select_n3A_1690 = arith.select %eq3A_1689, %slice3A_1680, %slice3A_1683 : vector<16x1xi1>, vector<16x1xi32>
    %select_n3A_1691 = arith.select %eq3A_1688, %slice3A_1681, %select_n3A_1690 : vector<16x1xi1>, vector<16x1xi32>
    %eq3A_1692 = vector.broadcast %slice3A_1678 : vector<16x1xi32> to vector<16x128xi32>
    %eq3A_1693 = arith.cmpi eq, %add3A_1532, %eq3A_1692 : vector<16x128xi32>
    %eq3A_1694 = vector.broadcast %slice3A_1679 : vector<16x1xi32> to vector<16x128xi32>
    %eq3A_1695 = arith.cmpi eq, %add3A_1532, %eq3A_1694 : vector<16x128xi32>
    %eq3A_1696 = vector.broadcast %slice3A_1676 : vector<16x1xi32> to vector<16x128xi32>
    %eq3A_1697 = arith.cmpi eq, %add3A_1532, %eq3A_1696 : vector<16x128xi32>
    %eq3A_1698 = vector.broadcast %slice3A_1677 : vector<16x1xi32> to vector<16x128xi32>
    %eq3A_1699 = arith.cmpi eq, %add3A_1532, %eq3A_1698 : vector<16x128xi32>
    %broadcast_in_dim3A_1700 = vector.shape_cast %slice3A_1680 : vector<16x1xi32> to vector<16x1xi32>
    %broadcast_in_dim3A_1701 = vector.broadcast %broadcast_in_dim3A_1700 : vector<16x1xi32> to vector<16x128xi32>
    %select_n3A_1702 = arith.select %eq3A_1699, %broadcast_in_dim3A_1701, %select_n3A_1675 : vector<16x128xi1>, vector<16x128xi32>
    %broadcast_in_dim3A_1703 = vector.shape_cast %slice3A_1681 : vector<16x1xi32> to vector<16x1xi32>
    %broadcast_in_dim3A_1704 = vector.broadcast %broadcast_in_dim3A_1703 : vector<16x1xi32> to vector<16x128xi32>
    %select_n3A_1705 = arith.select %eq3A_1697, %broadcast_in_dim3A_1704, %select_n3A_1702 : vector<16x128xi1>, vector<16x128xi32>
    %broadcast_in_dim3A_1706 = vector.shape_cast %select_n3A_1687 : vector<16x1xi32> to vector<16x1xi32>
    %broadcast_in_dim3A_1707 = vector.broadcast %broadcast_in_dim3A_1706 : vector<16x1xi32> to vector<16x128xi32>
    %select_n3A_1708 = arith.select %eq3A_1695, %broadcast_in_dim3A_1707, %select_n3A_1705 : vector<16x128xi1>, vector<16x128xi32>
    %broadcast_in_dim3A_1709 = vector.shape_cast %select_n3A_1691 : vector<16x1xi32> to vector<16x1xi32>
    %broadcast_in_dim3A_1710 = vector.broadcast %broadcast_in_dim3A_1709 : vector<16x1xi32> to vector<16x128xi32>
    %select_n3A_1711 = arith.select %eq3A_1693, %broadcast_in_dim3A_1710, %select_n3A_1708 : vector<16x128xi1>, vector<16x128xi32>
    %slice3A_1712 = vector.extract_strided_slice %add3A_1532 {offsets = [0, 20], sizes = [16, 1], strides = [1, 1]} : vector<16x128xi32> to vector<16x1xi32>
    %slice3A_1713 = vector.extract_strided_slice %add3A_1532 {offsets = [0, 21], sizes = [16, 1], strides = [1, 1]} : vector<16x128xi32> to vector<16x1xi32>
    %slice3A_1714 = vector.extract_strided_slice %add3A_1532 {offsets = [0, 22], sizes = [16, 1], strides = [1, 1]} : vector<16x128xi32> to vector<16x1xi32>
    %slice3A_1715 = vector.extract_strided_slice %add3A_1532 {offsets = [0, 23], sizes = [16, 1], strides = [1, 1]} : vector<16x128xi32> to vector<16x1xi32>
    %slice3A_1716 = vector.extract_strided_slice %select_n3A_1711 {offsets = [0, 20], sizes = [16, 1], strides = [1, 1]} : vector<16x128xi32> to vector<16x1xi32>
    %slice3A_1717 = vector.extract_strided_slice %select_n3A_1711 {offsets = [0, 21], sizes = [16, 1], strides = [1, 1]} : vector<16x128xi32> to vector<16x1xi32>
    %slice3A_1718 = vector.extract_strided_slice %select_n3A_1711 {offsets = [0, 22], sizes = [16, 1], strides = [1, 1]} : vector<16x128xi32> to vector<16x1xi32>
    %slice3A_1719 = vector.extract_strided_slice %select_n3A_1711 {offsets = [0, 23], sizes = [16, 1], strides = [1, 1]} : vector<16x128xi32> to vector<16x1xi32>
    %eq3A_1720 = arith.cmpi eq, %slice3A_1714, %slice3A_1712 : vector<16x1xi32>
    %eq3A_1721 = arith.cmpi eq, %slice3A_1714, %slice3A_1713 : vector<16x1xi32>
    %select_n3A_1722 = arith.select %eq3A_1721, %slice3A_1716, %slice3A_1718 : vector<16x1xi1>, vector<16x1xi32>
    %select_n3A_1723 = arith.select %eq3A_1720, %slice3A_1717, %select_n3A_1722 : vector<16x1xi1>, vector<16x1xi32>
    %eq3A_1724 = arith.cmpi eq, %slice3A_1715, %slice3A_1712 : vector<16x1xi32>
    %eq3A_1725 = arith.cmpi eq, %slice3A_1715, %slice3A_1713 : vector<16x1xi32>
    %select_n3A_1726 = arith.select %eq3A_1725, %slice3A_1716, %slice3A_1719 : vector<16x1xi1>, vector<16x1xi32>
    %select_n3A_1727 = arith.select %eq3A_1724, %slice3A_1717, %select_n3A_1726 : vector<16x1xi1>, vector<16x1xi32>
    %eq3A_1728 = vector.broadcast %slice3A_1714 : vector<16x1xi32> to vector<16x128xi32>
    %eq3A_1729 = arith.cmpi eq, %add3A_1532, %eq3A_1728 : vector<16x128xi32>
    %eq3A_1730 = vector.broadcast %slice3A_1715 : vector<16x1xi32> to vector<16x128xi32>
    %eq3A_1731 = arith.cmpi eq, %add3A_1532, %eq3A_1730 : vector<16x128xi32>
    %eq3A_1732 = vector.broadcast %slice3A_1712 : vector<16x1xi32> to vector<16x128xi32>
    %eq3A_1733 = arith.cmpi eq, %add3A_1532, %eq3A_1732 : vector<16x128xi32>
    %eq3A_1734 = vector.broadcast %slice3A_1713 : vector<16x1xi32> to vector<16x128xi32>
    %eq3A_1735 = arith.cmpi eq, %add3A_1532, %eq3A_1734 : vector<16x128xi32>
    %broadcast_in_dim3A_1736 = vector.shape_cast %slice3A_1716 : vector<16x1xi32> to vector<16x1xi32>
    %broadcast_in_dim3A_1737 = vector.broadcast %broadcast_in_dim3A_1736 : vector<16x1xi32> to vector<16x128xi32>
    %select_n3A_1738 = arith.select %eq3A_1735, %broadcast_in_dim3A_1737, %select_n3A_1711 : vector<16x128xi1>, vector<16x128xi32>
    %broadcast_in_dim3A_1739 = vector.shape_cast %slice3A_1717 : vector<16x1xi32> to vector<16x1xi32>
    %broadcast_in_dim3A_1740 = vector.broadcast %broadcast_in_dim3A_1739 : vector<16x1xi32> to vector<16x128xi32>
    %select_n3A_1741 = arith.select %eq3A_1733, %broadcast_in_dim3A_1740, %select_n3A_1738 : vector<16x128xi1>, vector<16x128xi32>
    %broadcast_in_dim3A_1742 = vector.shape_cast %select_n3A_1723 : vector<16x1xi32> to vector<16x1xi32>
    %broadcast_in_dim3A_1743 = vector.broadcast %broadcast_in_dim3A_1742 : vector<16x1xi32> to vector<16x128xi32>
    %select_n3A_1744 = arith.select %eq3A_1731, %broadcast_in_dim3A_1743, %select_n3A_1741 : vector<16x128xi1>, vector<16x128xi32>
    %broadcast_in_dim3A_1745 = vector.shape_cast %select_n3A_1727 : vector<16x1xi32> to vector<16x1xi32>
    %broadcast_in_dim3A_1746 = vector.broadcast %broadcast_in_dim3A_1745 : vector<16x1xi32> to vector<16x128xi32>
    %select_n3A_1747 = arith.select %eq3A_1729, %broadcast_in_dim3A_1746, %select_n3A_1744 : vector<16x128xi1>, vector<16x128xi32>
    %slice3A_1748 = vector.extract_strided_slice %add3A_1532 {offsets = [0, 24], sizes = [16, 1], strides = [1, 1]} : vector<16x128xi32> to vector<16x1xi32>
    %slice3A_1749 = vector.extract_strided_slice %add3A_1532 {offsets = [0, 25], sizes = [16, 1], strides = [1, 1]} : vector<16x128xi32> to vector<16x1xi32>
    %slice3A_1750 = vector.extract_strided_slice %add3A_1532 {offsets = [0, 26], sizes = [16, 1], strides = [1, 1]} : vector<16x128xi32> to vector<16x1xi32>
    %slice3A_1751 = vector.extract_strided_slice %add3A_1532 {offsets = [0, 27], sizes = [16, 1], strides = [1, 1]} : vector<16x128xi32> to vector<16x1xi32>
    %slice3A_1752 = vector.extract_strided_slice %select_n3A_1747 {offsets = [0, 24], sizes = [16, 1], strides = [1, 1]} : vector<16x128xi32> to vector<16x1xi32>
    %slice3A_1753 = vector.extract_strided_slice %select_n3A_1747 {offsets = [0, 25], sizes = [16, 1], strides = [1, 1]} : vector<16x128xi32> to vector<16x1xi32>
    %slice3A_1754 = vector.extract_strided_slice %select_n3A_1747 {offsets = [0, 26], sizes = [16, 1], strides = [1, 1]} : vector<16x128xi32> to vector<16x1xi32>
    %slice3A_1755 = vector.extract_strided_slice %select_n3A_1747 {offsets = [0, 27], sizes = [16, 1], strides = [1, 1]} : vector<16x128xi32> to vector<16x1xi32>
    %eq3A_1756 = arith.cmpi eq, %slice3A_1750, %slice3A_1748 : vector<16x1xi32>
    %eq3A_1757 = arith.cmpi eq, %slice3A_1750, %slice3A_1749 : vector<16x1xi32>
    %select_n3A_1758 = arith.select %eq3A_1757, %slice3A_1752, %slice3A_1754 : vector<16x1xi1>, vector<16x1xi32>
    %select_n3A_1759 = arith.select %eq3A_1756, %slice3A_1753, %select_n3A_1758 : vector<16x1xi1>, vector<16x1xi32>
    %eq3A_1760 = arith.cmpi eq, %slice3A_1751, %slice3A_1748 : vector<16x1xi32>
    %eq3A_1761 = arith.cmpi eq, %slice3A_1751, %slice3A_1749 : vector<16x1xi32>
    %select_n3A_1762 = arith.select %eq3A_1761, %slice3A_1752, %slice3A_1755 : vector<16x1xi1>, vector<16x1xi32>
    %select_n3A_1763 = arith.select %eq3A_1760, %slice3A_1753, %select_n3A_1762 : vector<16x1xi1>, vector<16x1xi32>
    %eq3A_1764 = vector.broadcast %slice3A_1750 : vector<16x1xi32> to vector<16x128xi32>
    %eq3A_1765 = arith.cmpi eq, %add3A_1532, %eq3A_1764 : vector<16x128xi32>
    %eq3A_1766 = vector.broadcast %slice3A_1751 : vector<16x1xi32> to vector<16x128xi32>
    %eq3A_1767 = arith.cmpi eq, %add3A_1532, %eq3A_1766 : vector<16x128xi32>
    %eq3A_1768 = vector.broadcast %slice3A_1748 : vector<16x1xi32> to vector<16x128xi32>
    %eq3A_1769 = arith.cmpi eq, %add3A_1532, %eq3A_1768 : vector<16x128xi32>
    %eq3A_1770 = vector.broadcast %slice3A_1749 : vector<16x1xi32> to vector<16x128xi32>
    %eq3A_1771 = arith.cmpi eq, %add3A_1532, %eq3A_1770 : vector<16x128xi32>
    %broadcast_in_dim3A_1772 = vector.shape_cast %slice3A_1752 : vector<16x1xi32> to vector<16x1xi32>
    %broadcast_in_dim3A_1773 = vector.broadcast %broadcast_in_dim3A_1772 : vector<16x1xi32> to vector<16x128xi32>
    %select_n3A_1774 = arith.select %eq3A_1771, %broadcast_in_dim3A_1773, %select_n3A_1747 : vector<16x128xi1>, vector<16x128xi32>
    %broadcast_in_dim3A_1775 = vector.shape_cast %slice3A_1753 : vector<16x1xi32> to vector<16x1xi32>
    %broadcast_in_dim3A_1776 = vector.broadcast %broadcast_in_dim3A_1775 : vector<16x1xi32> to vector<16x128xi32>
    %select_n3A_1777 = arith.select %eq3A_1769, %broadcast_in_dim3A_1776, %select_n3A_1774 : vector<16x128xi1>, vector<16x128xi32>
    %broadcast_in_dim3A_1778 = vector.shape_cast %select_n3A_1759 : vector<16x1xi32> to vector<16x1xi32>
    %broadcast_in_dim3A_1779 = vector.broadcast %broadcast_in_dim3A_1778 : vector<16x1xi32> to vector<16x128xi32>
    %select_n3A_1780 = arith.select %eq3A_1767, %broadcast_in_dim3A_1779, %select_n3A_1777 : vector<16x128xi1>, vector<16x128xi32>
    %broadcast_in_dim3A_1781 = vector.shape_cast %select_n3A_1763 : vector<16x1xi32> to vector<16x1xi32>
    %broadcast_in_dim3A_1782 = vector.broadcast %broadcast_in_dim3A_1781 : vector<16x1xi32> to vector<16x128xi32>
    %select_n3A_1783 = arith.select %eq3A_1765, %broadcast_in_dim3A_1782, %select_n3A_1780 : vector<16x128xi1>, vector<16x128xi32>
    %slice3A_1784 = vector.extract_strided_slice %add3A_1532 {offsets = [0, 28], sizes = [16, 1], strides = [1, 1]} : vector<16x128xi32> to vector<16x1xi32>
    %slice3A_1785 = vector.extract_strided_slice %add3A_1532 {offsets = [0, 29], sizes = [16, 1], strides = [1, 1]} : vector<16x128xi32> to vector<16x1xi32>
    %slice3A_1786 = vector.extract_strided_slice %add3A_1532 {offsets = [0, 30], sizes = [16, 1], strides = [1, 1]} : vector<16x128xi32> to vector<16x1xi32>
    %slice3A_1787 = vector.extract_strided_slice %add3A_1532 {offsets = [0, 31], sizes = [16, 1], strides = [1, 1]} : vector<16x128xi32> to vector<16x1xi32>
    %slice3A_1788 = vector.extract_strided_slice %select_n3A_1783 {offsets = [0, 28], sizes = [16, 1], strides = [1, 1]} : vector<16x128xi32> to vector<16x1xi32>
    %slice3A_1789 = vector.extract_strided_slice %select_n3A_1783 {offsets = [0, 29], sizes = [16, 1], strides = [1, 1]} : vector<16x128xi32> to vector<16x1xi32>
    %slice3A_1790 = vector.extract_strided_slice %select_n3A_1783 {offsets = [0, 30], sizes = [16, 1], strides = [1, 1]} : vector<16x128xi32> to vector<16x1xi32>
    %slice3A_1791 = vector.extract_strided_slice %select_n3A_1783 {offsets = [0, 31], sizes = [16, 1], strides = [1, 1]} : vector<16x128xi32> to vector<16x1xi32>
    %eq3A_1792 = arith.cmpi eq, %slice3A_1786, %slice3A_1784 : vector<16x1xi32>
    %eq3A_1793 = arith.cmpi eq, %slice3A_1786, %slice3A_1785 : vector<16x1xi32>
    %select_n3A_1794 = arith.select %eq3A_1793, %slice3A_1788, %slice3A_1790 : vector<16x1xi1>, vector<16x1xi32>
    %select_n3A_1795 = arith.select %eq3A_1792, %slice3A_1789, %select_n3A_1794 : vector<16x1xi1>, vector<16x1xi32>
    %eq3A_1796 = arith.cmpi eq, %slice3A_1787, %slice3A_1784 : vector<16x1xi32>
    %eq3A_1797 = arith.cmpi eq, %slice3A_1787, %slice3A_1785 : vector<16x1xi32>
    %select_n3A_1798 = arith.select %eq3A_1797, %slice3A_1788, %slice3A_1791 : vector<16x1xi1>, vector<16x1xi32>
    %select_n3A_1799 = arith.select %eq3A_1796, %slice3A_1789, %select_n3A_1798 : vector<16x1xi1>, vector<16x1xi32>
    %eq3A_1800 = vector.broadcast %slice3A_1786 : vector<16x1xi32> to vector<16x128xi32>
    %eq3A_1801 = arith.cmpi eq, %add3A_1532, %eq3A_1800 : vector<16x128xi32>
    %eq3A_1802 = vector.broadcast %slice3A_1787 : vector<16x1xi32> to vector<16x128xi32>
    %eq3A_1803 = arith.cmpi eq, %add3A_1532, %eq3A_1802 : vector<16x128xi32>
    %eq3A_1804 = vector.broadcast %slice3A_1784 : vector<16x1xi32> to vector<16x128xi32>
    %eq3A_1805 = arith.cmpi eq, %add3A_1532, %eq3A_1804 : vector<16x128xi32>
    %eq3A_1806 = vector.broadcast %slice3A_1785 : vector<16x1xi32> to vector<16x128xi32>
    %eq3A_1807 = arith.cmpi eq, %add3A_1532, %eq3A_1806 : vector<16x128xi32>
    %broadcast_in_dim3A_1808 = vector.shape_cast %slice3A_1788 : vector<16x1xi32> to vector<16x1xi32>
    %broadcast_in_dim3A_1809 = vector.broadcast %broadcast_in_dim3A_1808 : vector<16x1xi32> to vector<16x128xi32>
    %select_n3A_1810 = arith.select %eq3A_1807, %broadcast_in_dim3A_1809, %select_n3A_1783 : vector<16x128xi1>, vector<16x128xi32>
    %broadcast_in_dim3A_1811 = vector.shape_cast %slice3A_1789 : vector<16x1xi32> to vector<16x1xi32>
    %broadcast_in_dim3A_1812 = vector.broadcast %broadcast_in_dim3A_1811 : vector<16x1xi32> to vector<16x128xi32>
    %select_n3A_1813 = arith.select %eq3A_1805, %broadcast_in_dim3A_1812, %select_n3A_1810 : vector<16x128xi1>, vector<16x128xi32>
    %broadcast_in_dim3A_1814 = vector.shape_cast %select_n3A_1795 : vector<16x1xi32> to vector<16x1xi32>
    %broadcast_in_dim3A_1815 = vector.broadcast %broadcast_in_dim3A_1814 : vector<16x1xi32> to vector<16x128xi32>
    %select_n3A_1816 = arith.select %eq3A_1803, %broadcast_in_dim3A_1815, %select_n3A_1813 : vector<16x128xi1>, vector<16x128xi32>
    %broadcast_in_dim3A_1817 = vector.shape_cast %select_n3A_1799 : vector<16x1xi32> to vector<16x1xi32>
    %broadcast_in_dim3A_1818 = vector.broadcast %broadcast_in_dim3A_1817 : vector<16x1xi32> to vector<16x128xi32>
    %select_n3A_1819 = arith.select %eq3A_1801, %broadcast_in_dim3A_1818, %select_n3A_1816 : vector<16x128xi1>, vector<16x128xi32>
    %slice3A_1820 = vector.extract_strided_slice %add3A_1532 {offsets = [0, 32], sizes = [16, 1], strides = [1, 1]} : vector<16x128xi32> to vector<16x1xi32>
    %slice3A_1821 = vector.extract_strided_slice %add3A_1532 {offsets = [0, 33], sizes = [16, 1], strides = [1, 1]} : vector<16x128xi32> to vector<16x1xi32>
    %slice3A_1822 = vector.extract_strided_slice %add3A_1532 {offsets = [0, 34], sizes = [16, 1], strides = [1, 1]} : vector<16x128xi32> to vector<16x1xi32>
    %slice3A_1823 = vector.extract_strided_slice %add3A_1532 {offsets = [0, 35], sizes = [16, 1], strides = [1, 1]} : vector<16x128xi32> to vector<16x1xi32>
    %slice3A_1824 = vector.extract_strided_slice %select_n3A_1819 {offsets = [0, 32], sizes = [16, 1], strides = [1, 1]} : vector<16x128xi32> to vector<16x1xi32>
    %slice3A_1825 = vector.extract_strided_slice %select_n3A_1819 {offsets = [0, 33], sizes = [16, 1], strides = [1, 1]} : vector<16x128xi32> to vector<16x1xi32>
    %slice3A_1826 = vector.extract_strided_slice %select_n3A_1819 {offsets = [0, 34], sizes = [16, 1], strides = [1, 1]} : vector<16x128xi32> to vector<16x1xi32>
    %slice3A_1827 = vector.extract_strided_slice %select_n3A_1819 {offsets = [0, 35], sizes = [16, 1], strides = [1, 1]} : vector<16x128xi32> to vector<16x1xi32>
    %eq3A_1828 = arith.cmpi eq, %slice3A_1822, %slice3A_1820 : vector<16x1xi32>
    %eq3A_1829 = arith.cmpi eq, %slice3A_1822, %slice3A_1821 : vector<16x1xi32>
    %select_n3A_1830 = arith.select %eq3A_1829, %slice3A_1824, %slice3A_1826 : vector<16x1xi1>, vector<16x1xi32>
    %select_n3A_1831 = arith.select %eq3A_1828, %slice3A_1825, %select_n3A_1830 : vector<16x1xi1>, vector<16x1xi32>
    %eq3A_1832 = arith.cmpi eq, %slice3A_1823, %slice3A_1820 : vector<16x1xi32>
    %eq3A_1833 = arith.cmpi eq, %slice3A_1823, %slice3A_1821 : vector<16x1xi32>
    %select_n3A_1834 = arith.select %eq3A_1833, %slice3A_1824, %slice3A_1827 : vector<16x1xi1>, vector<16x1xi32>
    %select_n3A_1835 = arith.select %eq3A_1832, %slice3A_1825, %select_n3A_1834 : vector<16x1xi1>, vector<16x1xi32>
    %eq3A_1836 = vector.broadcast %slice3A_1822 : vector<16x1xi32> to vector<16x128xi32>
    %eq3A_1837 = arith.cmpi eq, %add3A_1532, %eq3A_1836 : vector<16x128xi32>
    %eq3A_1838 = vector.broadcast %slice3A_1823 : vector<16x1xi32> to vector<16x128xi32>
    %eq3A_1839 = arith.cmpi eq, %add3A_1532, %eq3A_1838 : vector<16x128xi32>
    %eq3A_1840 = vector.broadcast %slice3A_1820 : vector<16x1xi32> to vector<16x128xi32>
    %eq3A_1841 = arith.cmpi eq, %add3A_1532, %eq3A_1840 : vector<16x128xi32>
    %eq3A_1842 = vector.broadcast %slice3A_1821 : vector<16x1xi32> to vector<16x128xi32>
    %eq3A_1843 = arith.cmpi eq, %add3A_1532, %eq3A_1842 : vector<16x128xi32>
    %broadcast_in_dim3A_1844 = vector.shape_cast %slice3A_1824 : vector<16x1xi32> to vector<16x1xi32>
    %broadcast_in_dim3A_1845 = vector.broadcast %broadcast_in_dim3A_1844 : vector<16x1xi32> to vector<16x128xi32>
    %select_n3A_1846 = arith.select %eq3A_1843, %broadcast_in_dim3A_1845, %select_n3A_1819 : vector<16x128xi1>, vector<16x128xi32>
    %broadcast_in_dim3A_1847 = vector.shape_cast %slice3A_1825 : vector<16x1xi32> to vector<16x1xi32>
    %broadcast_in_dim3A_1848 = vector.broadcast %broadcast_in_dim3A_1847 : vector<16x1xi32> to vector<16x128xi32>
    %select_n3A_1849 = arith.select %eq3A_1841, %broadcast_in_dim3A_1848, %select_n3A_1846 : vector<16x128xi1>, vector<16x128xi32>
    %broadcast_in_dim3A_1850 = vector.shape_cast %select_n3A_1831 : vector<16x1xi32> to vector<16x1xi32>
    %broadcast_in_dim3A_1851 = vector.broadcast %broadcast_in_dim3A_1850 : vector<16x1xi32> to vector<16x128xi32>
    %select_n3A_1852 = arith.select %eq3A_1839, %broadcast_in_dim3A_1851, %select_n3A_1849 : vector<16x128xi1>, vector<16x128xi32>
    %broadcast_in_dim3A_1853 = vector.shape_cast %select_n3A_1835 : vector<16x1xi32> to vector<16x1xi32>
    %broadcast_in_dim3A_1854 = vector.broadcast %broadcast_in_dim3A_1853 : vector<16x1xi32> to vector<16x128xi32>
    %select_n3A_1855 = arith.select %eq3A_1837, %broadcast_in_dim3A_1854, %select_n3A_1852 : vector<16x128xi1>, vector<16x128xi32>
    %slice3A_1856 = vector.extract_strided_slice %add3A_1532 {offsets = [0, 36], sizes = [16, 1], strides = [1, 1]} : vector<16x128xi32> to vector<16x1xi32>
    %slice3A_1857 = vector.extract_strided_slice %add3A_1532 {offsets = [0, 37], sizes = [16, 1], strides = [1, 1]} : vector<16x128xi32> to vector<16x1xi32>
    %slice3A_1858 = vector.extract_strided_slice %add3A_1532 {offsets = [0, 38], sizes = [16, 1], strides = [1, 1]} : vector<16x128xi32> to vector<16x1xi32>
    %slice3A_1859 = vector.extract_strided_slice %add3A_1532 {offsets = [0, 39], sizes = [16, 1], strides = [1, 1]} : vector<16x128xi32> to vector<16x1xi32>
    %slice3A_1860 = vector.extract_strided_slice %select_n3A_1855 {offsets = [0, 36], sizes = [16, 1], strides = [1, 1]} : vector<16x128xi32> to vector<16x1xi32>
    %slice3A_1861 = vector.extract_strided_slice %select_n3A_1855 {offsets = [0, 37], sizes = [16, 1], strides = [1, 1]} : vector<16x128xi32> to vector<16x1xi32>
    %slice3A_1862 = vector.extract_strided_slice %select_n3A_1855 {offsets = [0, 38], sizes = [16, 1], strides = [1, 1]} : vector<16x128xi32> to vector<16x1xi32>
    %slice3A_1863 = vector.extract_strided_slice %select_n3A_1855 {offsets = [0, 39], sizes = [16, 1], strides = [1, 1]} : vector<16x128xi32> to vector<16x1xi32>
    %eq3A_1864 = arith.cmpi eq, %slice3A_1858, %slice3A_1856 : vector<16x1xi32>
    %eq3A_1865 = arith.cmpi eq, %slice3A_1858, %slice3A_1857 : vector<16x1xi32>
    %select_n3A_1866 = arith.select %eq3A_1865, %slice3A_1860, %slice3A_1862 : vector<16x1xi1>, vector<16x1xi32>
    %select_n3A_1867 = arith.select %eq3A_1864, %slice3A_1861, %select_n3A_1866 : vector<16x1xi1>, vector<16x1xi32>
    %eq3A_1868 = arith.cmpi eq, %slice3A_1859, %slice3A_1856 : vector<16x1xi32>
    %eq3A_1869 = arith.cmpi eq, %slice3A_1859, %slice3A_1857 : vector<16x1xi32>
    %select_n3A_1870 = arith.select %eq3A_1869, %slice3A_1860, %slice3A_1863 : vector<16x1xi1>, vector<16x1xi32>
    %select_n3A_1871 = arith.select %eq3A_1868, %slice3A_1861, %select_n3A_1870 : vector<16x1xi1>, vector<16x1xi32>
    %eq3A_1872 = vector.broadcast %slice3A_1858 : vector<16x1xi32> to vector<16x128xi32>
    %eq3A_1873 = arith.cmpi eq, %add3A_1532, %eq3A_1872 : vector<16x128xi32>
    %eq3A_1874 = vector.broadcast %slice3A_1859 : vector<16x1xi32> to vector<16x128xi32>
    %eq3A_1875 = arith.cmpi eq, %add3A_1532, %eq3A_1874 : vector<16x128xi32>
    %eq3A_1876 = vector.broadcast %slice3A_1856 : vector<16x1xi32> to vector<16x128xi32>
    %eq3A_1877 = arith.cmpi eq, %add3A_1532, %eq3A_1876 : vector<16x128xi32>
    %eq3A_1878 = vector.broadcast %slice3A_1857 : vector<16x1xi32> to vector<16x128xi32>
    %eq3A_1879 = arith.cmpi eq, %add3A_1532, %eq3A_1878 : vector<16x128xi32>
    %broadcast_in_dim3A_1880 = vector.shape_cast %slice3A_1860 : vector<16x1xi32> to vector<16x1xi32>
    %broadcast_in_dim3A_1881 = vector.broadcast %broadcast_in_dim3A_1880 : vector<16x1xi32> to vector<16x128xi32>
    %select_n3A_1882 = arith.select %eq3A_1879, %broadcast_in_dim3A_1881, %select_n3A_1855 : vector<16x128xi1>, vector<16x128xi32>
    %broadcast_in_dim3A_1883 = vector.shape_cast %slice3A_1861 : vector<16x1xi32> to vector<16x1xi32>
    %broadcast_in_dim3A_1884 = vector.broadcast %broadcast_in_dim3A_1883 : vector<16x1xi32> to vector<16x128xi32>
    %select_n3A_1885 = arith.select %eq3A_1877, %broadcast_in_dim3A_1884, %select_n3A_1882 : vector<16x128xi1>, vector<16x128xi32>
    %broadcast_in_dim3A_1886 = vector.shape_cast %select_n3A_1867 : vector<16x1xi32> to vector<16x1xi32>
    %broadcast_in_dim3A_1887 = vector.broadcast %broadcast_in_dim3A_1886 : vector<16x1xi32> to vector<16x128xi32>
    %select_n3A_1888 = arith.select %eq3A_1875, %broadcast_in_dim3A_1887, %select_n3A_1885 : vector<16x128xi1>, vector<16x128xi32>
    %broadcast_in_dim3A_1889 = vector.shape_cast %select_n3A_1871 : vector<16x1xi32> to vector<16x1xi32>
    %broadcast_in_dim3A_1890 = vector.broadcast %broadcast_in_dim3A_1889 : vector<16x1xi32> to vector<16x128xi32>
    %select_n3A_1891 = arith.select %eq3A_1873, %broadcast_in_dim3A_1890, %select_n3A_1888 : vector<16x128xi1>, vector<16x128xi32>
    %slice3A_1892 = vector.extract_strided_slice %add3A_1532 {offsets = [0, 40], sizes = [16, 1], strides = [1, 1]} : vector<16x128xi32> to vector<16x1xi32>
    %slice3A_1893 = vector.extract_strided_slice %add3A_1532 {offsets = [0, 41], sizes = [16, 1], strides = [1, 1]} : vector<16x128xi32> to vector<16x1xi32>
    %slice3A_1894 = vector.extract_strided_slice %add3A_1532 {offsets = [0, 42], sizes = [16, 1], strides = [1, 1]} : vector<16x128xi32> to vector<16x1xi32>
    %slice3A_1895 = vector.extract_strided_slice %add3A_1532 {offsets = [0, 43], sizes = [16, 1], strides = [1, 1]} : vector<16x128xi32> to vector<16x1xi32>
    %slice3A_1896 = vector.extract_strided_slice %select_n3A_1891 {offsets = [0, 40], sizes = [16, 1], strides = [1, 1]} : vector<16x128xi32> to vector<16x1xi32>
    %slice3A_1897 = vector.extract_strided_slice %select_n3A_1891 {offsets = [0, 41], sizes = [16, 1], strides = [1, 1]} : vector<16x128xi32> to vector<16x1xi32>
    %slice3A_1898 = vector.extract_strided_slice %select_n3A_1891 {offsets = [0, 42], sizes = [16, 1], strides = [1, 1]} : vector<16x128xi32> to vector<16x1xi32>
    %slice3A_1899 = vector.extract_strided_slice %select_n3A_1891 {offsets = [0, 43], sizes = [16, 1], strides = [1, 1]} : vector<16x128xi32> to vector<16x1xi32>
    %eq3A_1900 = arith.cmpi eq, %slice3A_1894, %slice3A_1892 : vector<16x1xi32>
    %eq3A_1901 = arith.cmpi eq, %slice3A_1894, %slice3A_1893 : vector<16x1xi32>
    %select_n3A_1902 = arith.select %eq3A_1901, %slice3A_1896, %slice3A_1898 : vector<16x1xi1>, vector<16x1xi32>
    %select_n3A_1903 = arith.select %eq3A_1900, %slice3A_1897, %select_n3A_1902 : vector<16x1xi1>, vector<16x1xi32>
    %eq3A_1904 = arith.cmpi eq, %slice3A_1895, %slice3A_1892 : vector<16x1xi32>
    %eq3A_1905 = arith.cmpi eq, %slice3A_1895, %slice3A_1893 : vector<16x1xi32>
    %select_n3A_1906 = arith.select %eq3A_1905, %slice3A_1896, %slice3A_1899 : vector<16x1xi1>, vector<16x1xi32>
    %select_n3A_1907 = arith.select %eq3A_1904, %slice3A_1897, %select_n3A_1906 : vector<16x1xi1>, vector<16x1xi32>
    %eq3A_1908 = vector.broadcast %slice3A_1894 : vector<16x1xi32> to vector<16x128xi32>
    %eq3A_1909 = arith.cmpi eq, %add3A_1532, %eq3A_1908 : vector<16x128xi32>
    %eq3A_1910 = vector.broadcast %slice3A_1895 : vector<16x1xi32> to vector<16x128xi32>
    %eq3A_1911 = arith.cmpi eq, %add3A_1532, %eq3A_1910 : vector<16x128xi32>
    %eq3A_1912 = vector.broadcast %slice3A_1892 : vector<16x1xi32> to vector<16x128xi32>
    %eq3A_1913 = arith.cmpi eq, %add3A_1532, %eq3A_1912 : vector<16x128xi32>
    %eq3A_1914 = vector.broadcast %slice3A_1893 : vector<16x1xi32> to vector<16x128xi32>
    %eq3A_1915 = arith.cmpi eq, %add3A_1532, %eq3A_1914 : vector<16x128xi32>
    %broadcast_in_dim3A_1916 = vector.shape_cast %slice3A_1896 : vector<16x1xi32> to vector<16x1xi32>
    %broadcast_in_dim3A_1917 = vector.broadcast %broadcast_in_dim3A_1916 : vector<16x1xi32> to vector<16x128xi32>
    %select_n3A_1918 = arith.select %eq3A_1915, %broadcast_in_dim3A_1917, %select_n3A_1891 : vector<16x128xi1>, vector<16x128xi32>
    %broadcast_in_dim3A_1919 = vector.shape_cast %slice3A_1897 : vector<16x1xi32> to vector<16x1xi32>
    %broadcast_in_dim3A_1920 = vector.broadcast %broadcast_in_dim3A_1919 : vector<16x1xi32> to vector<16x128xi32>
    %select_n3A_1921 = arith.select %eq3A_1913, %broadcast_in_dim3A_1920, %select_n3A_1918 : vector<16x128xi1>, vector<16x128xi32>
    %broadcast_in_dim3A_1922 = vector.shape_cast %select_n3A_1903 : vector<16x1xi32> to vector<16x1xi32>
    %broadcast_in_dim3A_1923 = vector.broadcast %broadcast_in_dim3A_1922 : vector<16x1xi32> to vector<16x128xi32>
    %select_n3A_1924 = arith.select %eq3A_1911, %broadcast_in_dim3A_1923, %select_n3A_1921 : vector<16x128xi1>, vector<16x128xi32>
    %broadcast_in_dim3A_1925 = vector.shape_cast %select_n3A_1907 : vector<16x1xi32> to vector<16x1xi32>
    %broadcast_in_dim3A_1926 = vector.broadcast %broadcast_in_dim3A_1925 : vector<16x1xi32> to vector<16x128xi32>
    %select_n3A_1927 = arith.select %eq3A_1909, %broadcast_in_dim3A_1926, %select_n3A_1924 : vector<16x128xi1>, vector<16x128xi32>
    %slice3A_1928 = vector.extract_strided_slice %add3A_1532 {offsets = [0, 44], sizes = [16, 1], strides = [1, 1]} : vector<16x128xi32> to vector<16x1xi32>
    %slice3A_1929 = vector.extract_strided_slice %add3A_1532 {offsets = [0, 45], sizes = [16, 1], strides = [1, 1]} : vector<16x128xi32> to vector<16x1xi32>
    %slice3A_1930 = vector.extract_strided_slice %add3A_1532 {offsets = [0, 46], sizes = [16, 1], strides = [1, 1]} : vector<16x128xi32> to vector<16x1xi32>
    %slice3A_1931 = vector.extract_strided_slice %add3A_1532 {offsets = [0, 47], sizes = [16, 1], strides = [1, 1]} : vector<16x128xi32> to vector<16x1xi32>
    %slice3A_1932 = vector.extract_strided_slice %select_n3A_1927 {offsets = [0, 44], sizes = [16, 1], strides = [1, 1]} : vector<16x128xi32> to vector<16x1xi32>
    %slice3A_1933 = vector.extract_strided_slice %select_n3A_1927 {offsets = [0, 45], sizes = [16, 1], strides = [1, 1]} : vector<16x128xi32> to vector<16x1xi32>
    %slice3A_1934 = vector.extract_strided_slice %select_n3A_1927 {offsets = [0, 46], sizes = [16, 1], strides = [1, 1]} : vector<16x128xi32> to vector<16x1xi32>
    %slice3A_1935 = vector.extract_strided_slice %select_n3A_1927 {offsets = [0, 47], sizes = [16, 1], strides = [1, 1]} : vector<16x128xi32> to vector<16x1xi32>
    %eq3A_1936 = arith.cmpi eq, %slice3A_1930, %slice3A_1928 : vector<16x1xi32>
    %eq3A_1937 = arith.cmpi eq, %slice3A_1930, %slice3A_1929 : vector<16x1xi32>
    %select_n3A_1938 = arith.select %eq3A_1937, %slice3A_1932, %slice3A_1934 : vector<16x1xi1>, vector<16x1xi32>
    %select_n3A_1939 = arith.select %eq3A_1936, %slice3A_1933, %select_n3A_1938 : vector<16x1xi1>, vector<16x1xi32>
    %eq3A_1940 = arith.cmpi eq, %slice3A_1931, %slice3A_1928 : vector<16x1xi32>
    %eq3A_1941 = arith.cmpi eq, %slice3A_1931, %slice3A_1929 : vector<16x1xi32>
    %select_n3A_1942 = arith.select %eq3A_1941, %slice3A_1932, %slice3A_1935 : vector<16x1xi1>, vector<16x1xi32>
    %select_n3A_1943 = arith.select %eq3A_1940, %slice3A_1933, %select_n3A_1942 : vector<16x1xi1>, vector<16x1xi32>
    %eq3A_1944 = vector.broadcast %slice3A_1930 : vector<16x1xi32> to vector<16x128xi32>
    %eq3A_1945 = arith.cmpi eq, %add3A_1532, %eq3A_1944 : vector<16x128xi32>
    %eq3A_1946 = vector.broadcast %slice3A_1931 : vector<16x1xi32> to vector<16x128xi32>
    %eq3A_1947 = arith.cmpi eq, %add3A_1532, %eq3A_1946 : vector<16x128xi32>
    %eq3A_1948 = vector.broadcast %slice3A_1928 : vector<16x1xi32> to vector<16x128xi32>
    %eq3A_1949 = arith.cmpi eq, %add3A_1532, %eq3A_1948 : vector<16x128xi32>
    %eq3A_1950 = vector.broadcast %slice3A_1929 : vector<16x1xi32> to vector<16x128xi32>
    %eq3A_1951 = arith.cmpi eq, %add3A_1532, %eq3A_1950 : vector<16x128xi32>
    %broadcast_in_dim3A_1952 = vector.shape_cast %slice3A_1932 : vector<16x1xi32> to vector<16x1xi32>
    %broadcast_in_dim3A_1953 = vector.broadcast %broadcast_in_dim3A_1952 : vector<16x1xi32> to vector<16x128xi32>
    %select_n3A_1954 = arith.select %eq3A_1951, %broadcast_in_dim3A_1953, %select_n3A_1927 : vector<16x128xi1>, vector<16x128xi32>
    %broadcast_in_dim3A_1955 = vector.shape_cast %slice3A_1933 : vector<16x1xi32> to vector<16x1xi32>
    %broadcast_in_dim3A_1956 = vector.broadcast %broadcast_in_dim3A_1955 : vector<16x1xi32> to vector<16x128xi32>
    %select_n3A_1957 = arith.select %eq3A_1949, %broadcast_in_dim3A_1956, %select_n3A_1954 : vector<16x128xi1>, vector<16x128xi32>
    %broadcast_in_dim3A_1958 = vector.shape_cast %select_n3A_1939 : vector<16x1xi32> to vector<16x1xi32>
    %broadcast_in_dim3A_1959 = vector.broadcast %broadcast_in_dim3A_1958 : vector<16x1xi32> to vector<16x128xi32>
    %select_n3A_1960 = arith.select %eq3A_1947, %broadcast_in_dim3A_1959, %select_n3A_1957 : vector<16x128xi1>, vector<16x128xi32>
    %broadcast_in_dim3A_1961 = vector.shape_cast %select_n3A_1943 : vector<16x1xi32> to vector<16x1xi32>
    %broadcast_in_dim3A_1962 = vector.broadcast %broadcast_in_dim3A_1961 : vector<16x1xi32> to vector<16x128xi32>
    %select_n3A_1963 = arith.select %eq3A_1945, %broadcast_in_dim3A_1962, %select_n3A_1960 : vector<16x128xi1>, vector<16x128xi32>
    %slice3A_1964 = vector.extract_strided_slice %add3A_1532 {offsets = [0, 48], sizes = [16, 1], strides = [1, 1]} : vector<16x128xi32> to vector<16x1xi32>
    %slice3A_1965 = vector.extract_strided_slice %add3A_1532 {offsets = [0, 49], sizes = [16, 1], strides = [1, 1]} : vector<16x128xi32> to vector<16x1xi32>
    %slice3A_1966 = vector.extract_strided_slice %add3A_1532 {offsets = [0, 50], sizes = [16, 1], strides = [1, 1]} : vector<16x128xi32> to vector<16x1xi32>
    %slice3A_1967 = vector.extract_strided_slice %add3A_1532 {offsets = [0, 51], sizes = [16, 1], strides = [1, 1]} : vector<16x128xi32> to vector<16x1xi32>
    %slice3A_1968 = vector.extract_strided_slice %select_n3A_1963 {offsets = [0, 48], sizes = [16, 1], strides = [1, 1]} : vector<16x128xi32> to vector<16x1xi32>
    %slice3A_1969 = vector.extract_strided_slice %select_n3A_1963 {offsets = [0, 49], sizes = [16, 1], strides = [1, 1]} : vector<16x128xi32> to vector<16x1xi32>
    %slice3A_1970 = vector.extract_strided_slice %select_n3A_1963 {offsets = [0, 50], sizes = [16, 1], strides = [1, 1]} : vector<16x128xi32> to vector<16x1xi32>
    %slice3A_1971 = vector.extract_strided_slice %select_n3A_1963 {offsets = [0, 51], sizes = [16, 1], strides = [1, 1]} : vector<16x128xi32> to vector<16x1xi32>
    %eq3A_1972 = arith.cmpi eq, %slice3A_1966, %slice3A_1964 : vector<16x1xi32>
    %eq3A_1973 = arith.cmpi eq, %slice3A_1966, %slice3A_1965 : vector<16x1xi32>
    %select_n3A_1974 = arith.select %eq3A_1973, %slice3A_1968, %slice3A_1970 : vector<16x1xi1>, vector<16x1xi32>
    %select_n3A_1975 = arith.select %eq3A_1972, %slice3A_1969, %select_n3A_1974 : vector<16x1xi1>, vector<16x1xi32>
    %eq3A_1976 = arith.cmpi eq, %slice3A_1967, %slice3A_1964 : vector<16x1xi32>
    %eq3A_1977 = arith.cmpi eq, %slice3A_1967, %slice3A_1965 : vector<16x1xi32>
    %select_n3A_1978 = arith.select %eq3A_1977, %slice3A_1968, %slice3A_1971 : vector<16x1xi1>, vector<16x1xi32>
    %select_n3A_1979 = arith.select %eq3A_1976, %slice3A_1969, %select_n3A_1978 : vector<16x1xi1>, vector<16x1xi32>
    %eq3A_1980 = vector.broadcast %slice3A_1966 : vector<16x1xi32> to vector<16x128xi32>
    %eq3A_1981 = arith.cmpi eq, %add3A_1532, %eq3A_1980 : vector<16x128xi32>
    %eq3A_1982 = vector.broadcast %slice3A_1967 : vector<16x1xi32> to vector<16x128xi32>
    %eq3A_1983 = arith.cmpi eq, %add3A_1532, %eq3A_1982 : vector<16x128xi32>
    %eq3A_1984 = vector.broadcast %slice3A_1964 : vector<16x1xi32> to vector<16x128xi32>
    %eq3A_1985 = arith.cmpi eq, %add3A_1532, %eq3A_1984 : vector<16x128xi32>
    %eq3A_1986 = vector.broadcast %slice3A_1965 : vector<16x1xi32> to vector<16x128xi32>
    %eq3A_1987 = arith.cmpi eq, %add3A_1532, %eq3A_1986 : vector<16x128xi32>
    %broadcast_in_dim3A_1988 = vector.shape_cast %slice3A_1968 : vector<16x1xi32> to vector<16x1xi32>
    %broadcast_in_dim3A_1989 = vector.broadcast %broadcast_in_dim3A_1988 : vector<16x1xi32> to vector<16x128xi32>
    %select_n3A_1990 = arith.select %eq3A_1987, %broadcast_in_dim3A_1989, %select_n3A_1963 : vector<16x128xi1>, vector<16x128xi32>
    %broadcast_in_dim3A_1991 = vector.shape_cast %slice3A_1969 : vector<16x1xi32> to vector<16x1xi32>
    %broadcast_in_dim3A_1992 = vector.broadcast %broadcast_in_dim3A_1991 : vector<16x1xi32> to vector<16x128xi32>
    %select_n3A_1993 = arith.select %eq3A_1985, %broadcast_in_dim3A_1992, %select_n3A_1990 : vector<16x128xi1>, vector<16x128xi32>
    %broadcast_in_dim3A_1994 = vector.shape_cast %select_n3A_1975 : vector<16x1xi32> to vector<16x1xi32>
    %broadcast_in_dim3A_1995 = vector.broadcast %broadcast_in_dim3A_1994 : vector<16x1xi32> to vector<16x128xi32>
    %select_n3A_1996 = arith.select %eq3A_1983, %broadcast_in_dim3A_1995, %select_n3A_1993 : vector<16x128xi1>, vector<16x128xi32>
    %broadcast_in_dim3A_1997 = vector.shape_cast %select_n3A_1979 : vector<16x1xi32> to vector<16x1xi32>
    %broadcast_in_dim3A_1998 = vector.broadcast %broadcast_in_dim3A_1997 : vector<16x1xi32> to vector<16x128xi32>
    %select_n3A_1999 = arith.select %eq3A_1981, %broadcast_in_dim3A_1998, %select_n3A_1996 : vector<16x128xi1>, vector<16x128xi32>
    %slice3A_2000 = vector.extract_strided_slice %add3A_1532 {offsets = [0, 52], sizes = [16, 1], strides = [1, 1]} : vector<16x128xi32> to vector<16x1xi32>
    %slice3A_2001 = vector.extract_strided_slice %add3A_1532 {offsets = [0, 53], sizes = [16, 1], strides = [1, 1]} : vector<16x128xi32> to vector<16x1xi32>
    %slice3A_2002 = vector.extract_strided_slice %add3A_1532 {offsets = [0, 54], sizes = [16, 1], strides = [1, 1]} : vector<16x128xi32> to vector<16x1xi32>
    %slice3A_2003 = vector.extract_strided_slice %add3A_1532 {offsets = [0, 55], sizes = [16, 1], strides = [1, 1]} : vector<16x128xi32> to vector<16x1xi32>
    %slice3A_2004 = vector.extract_strided_slice %select_n3A_1999 {offsets = [0, 52], sizes = [16, 1], strides = [1, 1]} : vector<16x128xi32> to vector<16x1xi32>
    %slice3A_2005 = vector.extract_strided_slice %select_n3A_1999 {offsets = [0, 53], sizes = [16, 1], strides = [1, 1]} : vector<16x128xi32> to vector<16x1xi32>
    %slice3A_2006 = vector.extract_strided_slice %select_n3A_1999 {offsets = [0, 54], sizes = [16, 1], strides = [1, 1]} : vector<16x128xi32> to vector<16x1xi32>
    %slice3A_2007 = vector.extract_strided_slice %select_n3A_1999 {offsets = [0, 55], sizes = [16, 1], strides = [1, 1]} : vector<16x128xi32> to vector<16x1xi32>
    %eq3A_2008 = arith.cmpi eq, %slice3A_2002, %slice3A_2000 : vector<16x1xi32>
    %eq3A_2009 = arith.cmpi eq, %slice3A_2002, %slice3A_2001 : vector<16x1xi32>
    %select_n3A_2010 = arith.select %eq3A_2009, %slice3A_2004, %slice3A_2006 : vector<16x1xi1>, vector<16x1xi32>
    %select_n3A_2011 = arith.select %eq3A_2008, %slice3A_2005, %select_n3A_2010 : vector<16x1xi1>, vector<16x1xi32>
    %eq3A_2012 = arith.cmpi eq, %slice3A_2003, %slice3A_2000 : vector<16x1xi32>
    %eq3A_2013 = arith.cmpi eq, %slice3A_2003, %slice3A_2001 : vector<16x1xi32>
    %select_n3A_2014 = arith.select %eq3A_2013, %slice3A_2004, %slice3A_2007 : vector<16x1xi1>, vector<16x1xi32>
    %select_n3A_2015 = arith.select %eq3A_2012, %slice3A_2005, %select_n3A_2014 : vector<16x1xi1>, vector<16x1xi32>
    %eq3A_2016 = vector.broadcast %slice3A_2002 : vector<16x1xi32> to vector<16x128xi32>
    %eq3A_2017 = arith.cmpi eq, %add3A_1532, %eq3A_2016 : vector<16x128xi32>
    %eq3A_2018 = vector.broadcast %slice3A_2003 : vector<16x1xi32> to vector<16x128xi32>
    %eq3A_2019 = arith.cmpi eq, %add3A_1532, %eq3A_2018 : vector<16x128xi32>
    %eq3A_2020 = vector.broadcast %slice3A_2000 : vector<16x1xi32> to vector<16x128xi32>
    %eq3A_2021 = arith.cmpi eq, %add3A_1532, %eq3A_2020 : vector<16x128xi32>
    %eq3A_2022 = vector.broadcast %slice3A_2001 : vector<16x1xi32> to vector<16x128xi32>
    %eq3A_2023 = arith.cmpi eq, %add3A_1532, %eq3A_2022 : vector<16x128xi32>
    %broadcast_in_dim3A_2024 = vector.shape_cast %slice3A_2004 : vector<16x1xi32> to vector<16x1xi32>
    %broadcast_in_dim3A_2025 = vector.broadcast %broadcast_in_dim3A_2024 : vector<16x1xi32> to vector<16x128xi32>
    %select_n3A_2026 = arith.select %eq3A_2023, %broadcast_in_dim3A_2025, %select_n3A_1999 : vector<16x128xi1>, vector<16x128xi32>
    %broadcast_in_dim3A_2027 = vector.shape_cast %slice3A_2005 : vector<16x1xi32> to vector<16x1xi32>
    %broadcast_in_dim3A_2028 = vector.broadcast %broadcast_in_dim3A_2027 : vector<16x1xi32> to vector<16x128xi32>
    %select_n3A_2029 = arith.select %eq3A_2021, %broadcast_in_dim3A_2028, %select_n3A_2026 : vector<16x128xi1>, vector<16x128xi32>
    %broadcast_in_dim3A_2030 = vector.shape_cast %select_n3A_2011 : vector<16x1xi32> to vector<16x1xi32>
    %broadcast_in_dim3A_2031 = vector.broadcast %broadcast_in_dim3A_2030 : vector<16x1xi32> to vector<16x128xi32>
    %select_n3A_2032 = arith.select %eq3A_2019, %broadcast_in_dim3A_2031, %select_n3A_2029 : vector<16x128xi1>, vector<16x128xi32>
    %broadcast_in_dim3A_2033 = vector.shape_cast %select_n3A_2015 : vector<16x1xi32> to vector<16x1xi32>
    %broadcast_in_dim3A_2034 = vector.broadcast %broadcast_in_dim3A_2033 : vector<16x1xi32> to vector<16x128xi32>
    %select_n3A_2035 = arith.select %eq3A_2017, %broadcast_in_dim3A_2034, %select_n3A_2032 : vector<16x128xi1>, vector<16x128xi32>
    %slice3A_2036 = vector.extract_strided_slice %add3A_1532 {offsets = [0, 56], sizes = [16, 1], strides = [1, 1]} : vector<16x128xi32> to vector<16x1xi32>
    %slice3A_2037 = vector.extract_strided_slice %add3A_1532 {offsets = [0, 57], sizes = [16, 1], strides = [1, 1]} : vector<16x128xi32> to vector<16x1xi32>
    %slice3A_2038 = vector.extract_strided_slice %add3A_1532 {offsets = [0, 58], sizes = [16, 1], strides = [1, 1]} : vector<16x128xi32> to vector<16x1xi32>
    %slice3A_2039 = vector.extract_strided_slice %add3A_1532 {offsets = [0, 59], sizes = [16, 1], strides = [1, 1]} : vector<16x128xi32> to vector<16x1xi32>
    %slice3A_2040 = vector.extract_strided_slice %select_n3A_2035 {offsets = [0, 56], sizes = [16, 1], strides = [1, 1]} : vector<16x128xi32> to vector<16x1xi32>
    %slice3A_2041 = vector.extract_strided_slice %select_n3A_2035 {offsets = [0, 57], sizes = [16, 1], strides = [1, 1]} : vector<16x128xi32> to vector<16x1xi32>
    %slice3A_2042 = vector.extract_strided_slice %select_n3A_2035 {offsets = [0, 58], sizes = [16, 1], strides = [1, 1]} : vector<16x128xi32> to vector<16x1xi32>
    %slice3A_2043 = vector.extract_strided_slice %select_n3A_2035 {offsets = [0, 59], sizes = [16, 1], strides = [1, 1]} : vector<16x128xi32> to vector<16x1xi32>
    %eq3A_2044 = arith.cmpi eq, %slice3A_2038, %slice3A_2036 : vector<16x1xi32>
    %eq3A_2045 = arith.cmpi eq, %slice3A_2038, %slice3A_2037 : vector<16x1xi32>
    %select_n3A_2046 = arith.select %eq3A_2045, %slice3A_2040, %slice3A_2042 : vector<16x1xi1>, vector<16x1xi32>
    %select_n3A_2047 = arith.select %eq3A_2044, %slice3A_2041, %select_n3A_2046 : vector<16x1xi1>, vector<16x1xi32>
    %eq3A_2048 = arith.cmpi eq, %slice3A_2039, %slice3A_2036 : vector<16x1xi32>
    %eq3A_2049 = arith.cmpi eq, %slice3A_2039, %slice3A_2037 : vector<16x1xi32>
    %select_n3A_2050 = arith.select %eq3A_2049, %slice3A_2040, %slice3A_2043 : vector<16x1xi1>, vector<16x1xi32>
    %select_n3A_2051 = arith.select %eq3A_2048, %slice3A_2041, %select_n3A_2050 : vector<16x1xi1>, vector<16x1xi32>
    %eq3A_2052 = vector.broadcast %slice3A_2038 : vector<16x1xi32> to vector<16x128xi32>
    %eq3A_2053 = arith.cmpi eq, %add3A_1532, %eq3A_2052 : vector<16x128xi32>
    %eq3A_2054 = vector.broadcast %slice3A_2039 : vector<16x1xi32> to vector<16x128xi32>
    %eq3A_2055 = arith.cmpi eq, %add3A_1532, %eq3A_2054 : vector<16x128xi32>
    %eq3A_2056 = vector.broadcast %slice3A_2036 : vector<16x1xi32> to vector<16x128xi32>
    %eq3A_2057 = arith.cmpi eq, %add3A_1532, %eq3A_2056 : vector<16x128xi32>
    %eq3A_2058 = vector.broadcast %slice3A_2037 : vector<16x1xi32> to vector<16x128xi32>
    %eq3A_2059 = arith.cmpi eq, %add3A_1532, %eq3A_2058 : vector<16x128xi32>
    %broadcast_in_dim3A_2060 = vector.shape_cast %slice3A_2040 : vector<16x1xi32> to vector<16x1xi32>
    %broadcast_in_dim3A_2061 = vector.broadcast %broadcast_in_dim3A_2060 : vector<16x1xi32> to vector<16x128xi32>
    %select_n3A_2062 = arith.select %eq3A_2059, %broadcast_in_dim3A_2061, %select_n3A_2035 : vector<16x128xi1>, vector<16x128xi32>
    %broadcast_in_dim3A_2063 = vector.shape_cast %slice3A_2041 : vector<16x1xi32> to vector<16x1xi32>
    %broadcast_in_dim3A_2064 = vector.broadcast %broadcast_in_dim3A_2063 : vector<16x1xi32> to vector<16x128xi32>
    %select_n3A_2065 = arith.select %eq3A_2057, %broadcast_in_dim3A_2064, %select_n3A_2062 : vector<16x128xi1>, vector<16x128xi32>
    %broadcast_in_dim3A_2066 = vector.shape_cast %select_n3A_2047 : vector<16x1xi32> to vector<16x1xi32>
    %broadcast_in_dim3A_2067 = vector.broadcast %broadcast_in_dim3A_2066 : vector<16x1xi32> to vector<16x128xi32>
    %select_n3A_2068 = arith.select %eq3A_2055, %broadcast_in_dim3A_2067, %select_n3A_2065 : vector<16x128xi1>, vector<16x128xi32>
    %broadcast_in_dim3A_2069 = vector.shape_cast %select_n3A_2051 : vector<16x1xi32> to vector<16x1xi32>
    %broadcast_in_dim3A_2070 = vector.broadcast %broadcast_in_dim3A_2069 : vector<16x1xi32> to vector<16x128xi32>
    %select_n3A_2071 = arith.select %eq3A_2053, %broadcast_in_dim3A_2070, %select_n3A_2068 : vector<16x128xi1>, vector<16x128xi32>
    %slice3A_2072 = vector.extract_strided_slice %add3A_1532 {offsets = [0, 60], sizes = [16, 1], strides = [1, 1]} : vector<16x128xi32> to vector<16x1xi32>
    %slice3A_2073 = vector.extract_strided_slice %add3A_1532 {offsets = [0, 61], sizes = [16, 1], strides = [1, 1]} : vector<16x128xi32> to vector<16x1xi32>
    %slice3A_2074 = vector.extract_strided_slice %add3A_1532 {offsets = [0, 62], sizes = [16, 1], strides = [1, 1]} : vector<16x128xi32> to vector<16x1xi32>
    %slice3A_2075 = vector.extract_strided_slice %add3A_1532 {offsets = [0, 63], sizes = [16, 1], strides = [1, 1]} : vector<16x128xi32> to vector<16x1xi32>
    %slice3A_2076 = vector.extract_strided_slice %select_n3A_2071 {offsets = [0, 60], sizes = [16, 1], strides = [1, 1]} : vector<16x128xi32> to vector<16x1xi32>
    %slice3A_2077 = vector.extract_strided_slice %select_n3A_2071 {offsets = [0, 61], sizes = [16, 1], strides = [1, 1]} : vector<16x128xi32> to vector<16x1xi32>
    %slice3A_2078 = vector.extract_strided_slice %select_n3A_2071 {offsets = [0, 62], sizes = [16, 1], strides = [1, 1]} : vector<16x128xi32> to vector<16x1xi32>
    %slice3A_2079 = vector.extract_strided_slice %select_n3A_2071 {offsets = [0, 63], sizes = [16, 1], strides = [1, 1]} : vector<16x128xi32> to vector<16x1xi32>
    %eq3A_2080 = arith.cmpi eq, %slice3A_2074, %slice3A_2072 : vector<16x1xi32>
    %eq3A_2081 = arith.cmpi eq, %slice3A_2074, %slice3A_2073 : vector<16x1xi32>
    %select_n3A_2082 = arith.select %eq3A_2081, %slice3A_2076, %slice3A_2078 : vector<16x1xi1>, vector<16x1xi32>
    %select_n3A_2083 = arith.select %eq3A_2080, %slice3A_2077, %select_n3A_2082 : vector<16x1xi1>, vector<16x1xi32>
    %eq3A_2084 = arith.cmpi eq, %slice3A_2075, %slice3A_2072 : vector<16x1xi32>
    %eq3A_2085 = arith.cmpi eq, %slice3A_2075, %slice3A_2073 : vector<16x1xi32>
    %select_n3A_2086 = arith.select %eq3A_2085, %slice3A_2076, %slice3A_2079 : vector<16x1xi1>, vector<16x1xi32>
    %select_n3A_2087 = arith.select %eq3A_2084, %slice3A_2077, %select_n3A_2086 : vector<16x1xi1>, vector<16x1xi32>
    %eq3A_2088 = vector.broadcast %slice3A_2074 : vector<16x1xi32> to vector<16x128xi32>
    %eq3A_2089 = arith.cmpi eq, %add3A_1532, %eq3A_2088 : vector<16x128xi32>
    %eq3A_2090 = vector.broadcast %slice3A_2075 : vector<16x1xi32> to vector<16x128xi32>
    %eq3A_2091 = arith.cmpi eq, %add3A_1532, %eq3A_2090 : vector<16x128xi32>
    %eq3A_2092 = vector.broadcast %slice3A_2072 : vector<16x1xi32> to vector<16x128xi32>
    %eq3A_2093 = arith.cmpi eq, %add3A_1532, %eq3A_2092 : vector<16x128xi32>
    %eq3A_2094 = vector.broadcast %slice3A_2073 : vector<16x1xi32> to vector<16x128xi32>
    %eq3A_2095 = arith.cmpi eq, %add3A_1532, %eq3A_2094 : vector<16x128xi32>
    %broadcast_in_dim3A_2096 = vector.shape_cast %slice3A_2076 : vector<16x1xi32> to vector<16x1xi32>
    %broadcast_in_dim3A_2097 = vector.broadcast %broadcast_in_dim3A_2096 : vector<16x1xi32> to vector<16x128xi32>
    %select_n3A_2098 = arith.select %eq3A_2095, %broadcast_in_dim3A_2097, %select_n3A_2071 : vector<16x128xi1>, vector<16x128xi32>
    %broadcast_in_dim3A_2099 = vector.shape_cast %slice3A_2077 : vector<16x1xi32> to vector<16x1xi32>
    %broadcast_in_dim3A_2100 = vector.broadcast %broadcast_in_dim3A_2099 : vector<16x1xi32> to vector<16x128xi32>
    %select_n3A_2101 = arith.select %eq3A_2093, %broadcast_in_dim3A_2100, %select_n3A_2098 : vector<16x128xi1>, vector<16x128xi32>
    %broadcast_in_dim3A_2102 = vector.shape_cast %select_n3A_2083 : vector<16x1xi32> to vector<16x1xi32>
    %broadcast_in_dim3A_2103 = vector.broadcast %broadcast_in_dim3A_2102 : vector<16x1xi32> to vector<16x128xi32>
    %select_n3A_2104 = arith.select %eq3A_2091, %broadcast_in_dim3A_2103, %select_n3A_2101 : vector<16x128xi1>, vector<16x128xi32>
    %broadcast_in_dim3A_2105 = vector.shape_cast %select_n3A_2087 : vector<16x1xi32> to vector<16x1xi32>
    %broadcast_in_dim3A_2106 = vector.broadcast %broadcast_in_dim3A_2105 : vector<16x1xi32> to vector<16x128xi32>
    %select_n3A_2107 = arith.select %eq3A_2089, %broadcast_in_dim3A_2106, %select_n3A_2104 : vector<16x128xi1>, vector<16x128xi32>
    %slice3A_2108 = vector.extract_strided_slice %add3A_1532 {offsets = [0, 64], sizes = [16, 1], strides = [1, 1]} : vector<16x128xi32> to vector<16x1xi32>
    %slice3A_2109 = vector.extract_strided_slice %add3A_1532 {offsets = [0, 65], sizes = [16, 1], strides = [1, 1]} : vector<16x128xi32> to vector<16x1xi32>
    %slice3A_2110 = vector.extract_strided_slice %add3A_1532 {offsets = [0, 66], sizes = [16, 1], strides = [1, 1]} : vector<16x128xi32> to vector<16x1xi32>
    %slice3A_2111 = vector.extract_strided_slice %add3A_1532 {offsets = [0, 67], sizes = [16, 1], strides = [1, 1]} : vector<16x128xi32> to vector<16x1xi32>
    %slice3A_2112 = vector.extract_strided_slice %select_n3A_2107 {offsets = [0, 64], sizes = [16, 1], strides = [1, 1]} : vector<16x128xi32> to vector<16x1xi32>
    %slice3A_2113 = vector.extract_strided_slice %select_n3A_2107 {offsets = [0, 65], sizes = [16, 1], strides = [1, 1]} : vector<16x128xi32> to vector<16x1xi32>
    %slice3A_2114 = vector.extract_strided_slice %select_n3A_2107 {offsets = [0, 66], sizes = [16, 1], strides = [1, 1]} : vector<16x128xi32> to vector<16x1xi32>
    %slice3A_2115 = vector.extract_strided_slice %select_n3A_2107 {offsets = [0, 67], sizes = [16, 1], strides = [1, 1]} : vector<16x128xi32> to vector<16x1xi32>
    %eq3A_2116 = arith.cmpi eq, %slice3A_2110, %slice3A_2108 : vector<16x1xi32>
    %eq3A_2117 = arith.cmpi eq, %slice3A_2110, %slice3A_2109 : vector<16x1xi32>
    %select_n3A_2118 = arith.select %eq3A_2117, %slice3A_2112, %slice3A_2114 : vector<16x1xi1>, vector<16x1xi32>
    %select_n3A_2119 = arith.select %eq3A_2116, %slice3A_2113, %select_n3A_2118 : vector<16x1xi1>, vector<16x1xi32>
    %eq3A_2120 = arith.cmpi eq, %slice3A_2111, %slice3A_2108 : vector<16x1xi32>
    %eq3A_2121 = arith.cmpi eq, %slice3A_2111, %slice3A_2109 : vector<16x1xi32>
    %select_n3A_2122 = arith.select %eq3A_2121, %slice3A_2112, %slice3A_2115 : vector<16x1xi1>, vector<16x1xi32>
    %select_n3A_2123 = arith.select %eq3A_2120, %slice3A_2113, %select_n3A_2122 : vector<16x1xi1>, vector<16x1xi32>
    %eq3A_2124 = vector.broadcast %slice3A_2110 : vector<16x1xi32> to vector<16x128xi32>
    %eq3A_2125 = arith.cmpi eq, %add3A_1532, %eq3A_2124 : vector<16x128xi32>
    %eq3A_2126 = vector.broadcast %slice3A_2111 : vector<16x1xi32> to vector<16x128xi32>
    %eq3A_2127 = arith.cmpi eq, %add3A_1532, %eq3A_2126 : vector<16x128xi32>
    %eq3A_2128 = vector.broadcast %slice3A_2108 : vector<16x1xi32> to vector<16x128xi32>
    %eq3A_2129 = arith.cmpi eq, %add3A_1532, %eq3A_2128 : vector<16x128xi32>
    %eq3A_2130 = vector.broadcast %slice3A_2109 : vector<16x1xi32> to vector<16x128xi32>
    %eq3A_2131 = arith.cmpi eq, %add3A_1532, %eq3A_2130 : vector<16x128xi32>
    %broadcast_in_dim3A_2132 = vector.shape_cast %slice3A_2112 : vector<16x1xi32> to vector<16x1xi32>
    %broadcast_in_dim3A_2133 = vector.broadcast %broadcast_in_dim3A_2132 : vector<16x1xi32> to vector<16x128xi32>
    %select_n3A_2134 = arith.select %eq3A_2131, %broadcast_in_dim3A_2133, %select_n3A_2107 : vector<16x128xi1>, vector<16x128xi32>
    %broadcast_in_dim3A_2135 = vector.shape_cast %slice3A_2113 : vector<16x1xi32> to vector<16x1xi32>
    %broadcast_in_dim3A_2136 = vector.broadcast %broadcast_in_dim3A_2135 : vector<16x1xi32> to vector<16x128xi32>
    %select_n3A_2137 = arith.select %eq3A_2129, %broadcast_in_dim3A_2136, %select_n3A_2134 : vector<16x128xi1>, vector<16x128xi32>
    %broadcast_in_dim3A_2138 = vector.shape_cast %select_n3A_2119 : vector<16x1xi32> to vector<16x1xi32>
    %broadcast_in_dim3A_2139 = vector.broadcast %broadcast_in_dim3A_2138 : vector<16x1xi32> to vector<16x128xi32>
    %select_n3A_2140 = arith.select %eq3A_2127, %broadcast_in_dim3A_2139, %select_n3A_2137 : vector<16x128xi1>, vector<16x128xi32>
    %broadcast_in_dim3A_2141 = vector.shape_cast %select_n3A_2123 : vector<16x1xi32> to vector<16x1xi32>
    %broadcast_in_dim3A_2142 = vector.broadcast %broadcast_in_dim3A_2141 : vector<16x1xi32> to vector<16x128xi32>
    %select_n3A_2143 = arith.select %eq3A_2125, %broadcast_in_dim3A_2142, %select_n3A_2140 : vector<16x128xi1>, vector<16x128xi32>
    %slice3A_2144 = vector.extract_strided_slice %add3A_1532 {offsets = [0, 68], sizes = [16, 1], strides = [1, 1]} : vector<16x128xi32> to vector<16x1xi32>
    %slice3A_2145 = vector.extract_strided_slice %add3A_1532 {offsets = [0, 69], sizes = [16, 1], strides = [1, 1]} : vector<16x128xi32> to vector<16x1xi32>
    %slice3A_2146 = vector.extract_strided_slice %add3A_1532 {offsets = [0, 70], sizes = [16, 1], strides = [1, 1]} : vector<16x128xi32> to vector<16x1xi32>
    %slice3A_2147 = vector.extract_strided_slice %add3A_1532 {offsets = [0, 71], sizes = [16, 1], strides = [1, 1]} : vector<16x128xi32> to vector<16x1xi32>
    %slice3A_2148 = vector.extract_strided_slice %select_n3A_2143 {offsets = [0, 68], sizes = [16, 1], strides = [1, 1]} : vector<16x128xi32> to vector<16x1xi32>
    %slice3A_2149 = vector.extract_strided_slice %select_n3A_2143 {offsets = [0, 69], sizes = [16, 1], strides = [1, 1]} : vector<16x128xi32> to vector<16x1xi32>
    %slice3A_2150 = vector.extract_strided_slice %select_n3A_2143 {offsets = [0, 70], sizes = [16, 1], strides = [1, 1]} : vector<16x128xi32> to vector<16x1xi32>
    %slice3A_2151 = vector.extract_strided_slice %select_n3A_2143 {offsets = [0, 71], sizes = [16, 1], strides = [1, 1]} : vector<16x128xi32> to vector<16x1xi32>
    %eq3A_2152 = arith.cmpi eq, %slice3A_2146, %slice3A_2144 : vector<16x1xi32>
    %eq3A_2153 = arith.cmpi eq, %slice3A_2146, %slice3A_2145 : vector<16x1xi32>
    %select_n3A_2154 = arith.select %eq3A_2153, %slice3A_2148, %slice3A_2150 : vector<16x1xi1>, vector<16x1xi32>
    %select_n3A_2155 = arith.select %eq3A_2152, %slice3A_2149, %select_n3A_2154 : vector<16x1xi1>, vector<16x1xi32>
    %eq3A_2156 = arith.cmpi eq, %slice3A_2147, %slice3A_2144 : vector<16x1xi32>
    %eq3A_2157 = arith.cmpi eq, %slice3A_2147, %slice3A_2145 : vector<16x1xi32>
    %select_n3A_2158 = arith.select %eq3A_2157, %slice3A_2148, %slice3A_2151 : vector<16x1xi1>, vector<16x1xi32>
    %select_n3A_2159 = arith.select %eq3A_2156, %slice3A_2149, %select_n3A_2158 : vector<16x1xi1>, vector<16x1xi32>
    %eq3A_2160 = vector.broadcast %slice3A_2146 : vector<16x1xi32> to vector<16x128xi32>
    %eq3A_2161 = arith.cmpi eq, %add3A_1532, %eq3A_2160 : vector<16x128xi32>
    %eq3A_2162 = vector.broadcast %slice3A_2147 : vector<16x1xi32> to vector<16x128xi32>
    %eq3A_2163 = arith.cmpi eq, %add3A_1532, %eq3A_2162 : vector<16x128xi32>
    %eq3A_2164 = vector.broadcast %slice3A_2144 : vector<16x1xi32> to vector<16x128xi32>
    %eq3A_2165 = arith.cmpi eq, %add3A_1532, %eq3A_2164 : vector<16x128xi32>
    %eq3A_2166 = vector.broadcast %slice3A_2145 : vector<16x1xi32> to vector<16x128xi32>
    %eq3A_2167 = arith.cmpi eq, %add3A_1532, %eq3A_2166 : vector<16x128xi32>
    %broadcast_in_dim3A_2168 = vector.shape_cast %slice3A_2148 : vector<16x1xi32> to vector<16x1xi32>
    %broadcast_in_dim3A_2169 = vector.broadcast %broadcast_in_dim3A_2168 : vector<16x1xi32> to vector<16x128xi32>
    %select_n3A_2170 = arith.select %eq3A_2167, %broadcast_in_dim3A_2169, %select_n3A_2143 : vector<16x128xi1>, vector<16x128xi32>
    %broadcast_in_dim3A_2171 = vector.shape_cast %slice3A_2149 : vector<16x1xi32> to vector<16x1xi32>
    %broadcast_in_dim3A_2172 = vector.broadcast %broadcast_in_dim3A_2171 : vector<16x1xi32> to vector<16x128xi32>
    %select_n3A_2173 = arith.select %eq3A_2165, %broadcast_in_dim3A_2172, %select_n3A_2170 : vector<16x128xi1>, vector<16x128xi32>
    %broadcast_in_dim3A_2174 = vector.shape_cast %select_n3A_2155 : vector<16x1xi32> to vector<16x1xi32>
    %broadcast_in_dim3A_2175 = vector.broadcast %broadcast_in_dim3A_2174 : vector<16x1xi32> to vector<16x128xi32>
    %select_n3A_2176 = arith.select %eq3A_2163, %broadcast_in_dim3A_2175, %select_n3A_2173 : vector<16x128xi1>, vector<16x128xi32>
    %broadcast_in_dim3A_2177 = vector.shape_cast %select_n3A_2159 : vector<16x1xi32> to vector<16x1xi32>
    %broadcast_in_dim3A_2178 = vector.broadcast %broadcast_in_dim3A_2177 : vector<16x1xi32> to vector<16x128xi32>
    %select_n3A_2179 = arith.select %eq3A_2161, %broadcast_in_dim3A_2178, %select_n3A_2176 : vector<16x128xi1>, vector<16x128xi32>
    %slice3A_2180 = vector.extract_strided_slice %add3A_1532 {offsets = [0, 72], sizes = [16, 1], strides = [1, 1]} : vector<16x128xi32> to vector<16x1xi32>
    %slice3A_2181 = vector.extract_strided_slice %add3A_1532 {offsets = [0, 73], sizes = [16, 1], strides = [1, 1]} : vector<16x128xi32> to vector<16x1xi32>
    %slice3A_2182 = vector.extract_strided_slice %add3A_1532 {offsets = [0, 74], sizes = [16, 1], strides = [1, 1]} : vector<16x128xi32> to vector<16x1xi32>
    %slice3A_2183 = vector.extract_strided_slice %add3A_1532 {offsets = [0, 75], sizes = [16, 1], strides = [1, 1]} : vector<16x128xi32> to vector<16x1xi32>
    %slice3A_2184 = vector.extract_strided_slice %select_n3A_2179 {offsets = [0, 72], sizes = [16, 1], strides = [1, 1]} : vector<16x128xi32> to vector<16x1xi32>
    %slice3A_2185 = vector.extract_strided_slice %select_n3A_2179 {offsets = [0, 73], sizes = [16, 1], strides = [1, 1]} : vector<16x128xi32> to vector<16x1xi32>
    %slice3A_2186 = vector.extract_strided_slice %select_n3A_2179 {offsets = [0, 74], sizes = [16, 1], strides = [1, 1]} : vector<16x128xi32> to vector<16x1xi32>
    %slice3A_2187 = vector.extract_strided_slice %select_n3A_2179 {offsets = [0, 75], sizes = [16, 1], strides = [1, 1]} : vector<16x128xi32> to vector<16x1xi32>
    %eq3A_2188 = arith.cmpi eq, %slice3A_2182, %slice3A_2180 : vector<16x1xi32>
    %eq3A_2189 = arith.cmpi eq, %slice3A_2182, %slice3A_2181 : vector<16x1xi32>
    %select_n3A_2190 = arith.select %eq3A_2189, %slice3A_2184, %slice3A_2186 : vector<16x1xi1>, vector<16x1xi32>
    %select_n3A_2191 = arith.select %eq3A_2188, %slice3A_2185, %select_n3A_2190 : vector<16x1xi1>, vector<16x1xi32>
    %eq3A_2192 = arith.cmpi eq, %slice3A_2183, %slice3A_2180 : vector<16x1xi32>
    %eq3A_2193 = arith.cmpi eq, %slice3A_2183, %slice3A_2181 : vector<16x1xi32>
    %select_n3A_2194 = arith.select %eq3A_2193, %slice3A_2184, %slice3A_2187 : vector<16x1xi1>, vector<16x1xi32>
    %select_n3A_2195 = arith.select %eq3A_2192, %slice3A_2185, %select_n3A_2194 : vector<16x1xi1>, vector<16x1xi32>
    %eq3A_2196 = vector.broadcast %slice3A_2182 : vector<16x1xi32> to vector<16x128xi32>
    %eq3A_2197 = arith.cmpi eq, %add3A_1532, %eq3A_2196 : vector<16x128xi32>
    %eq3A_2198 = vector.broadcast %slice3A_2183 : vector<16x1xi32> to vector<16x128xi32>
    %eq3A_2199 = arith.cmpi eq, %add3A_1532, %eq3A_2198 : vector<16x128xi32>
    %eq3A_2200 = vector.broadcast %slice3A_2180 : vector<16x1xi32> to vector<16x128xi32>
    %eq3A_2201 = arith.cmpi eq, %add3A_1532, %eq3A_2200 : vector<16x128xi32>
    %eq3A_2202 = vector.broadcast %slice3A_2181 : vector<16x1xi32> to vector<16x128xi32>
    %eq3A_2203 = arith.cmpi eq, %add3A_1532, %eq3A_2202 : vector<16x128xi32>
    %broadcast_in_dim3A_2204 = vector.shape_cast %slice3A_2184 : vector<16x1xi32> to vector<16x1xi32>
    %broadcast_in_dim3A_2205 = vector.broadcast %broadcast_in_dim3A_2204 : vector<16x1xi32> to vector<16x128xi32>
    %select_n3A_2206 = arith.select %eq3A_2203, %broadcast_in_dim3A_2205, %select_n3A_2179 : vector<16x128xi1>, vector<16x128xi32>
    %broadcast_in_dim3A_2207 = vector.shape_cast %slice3A_2185 : vector<16x1xi32> to vector<16x1xi32>
    %broadcast_in_dim3A_2208 = vector.broadcast %broadcast_in_dim3A_2207 : vector<16x1xi32> to vector<16x128xi32>
    %select_n3A_2209 = arith.select %eq3A_2201, %broadcast_in_dim3A_2208, %select_n3A_2206 : vector<16x128xi1>, vector<16x128xi32>
    %broadcast_in_dim3A_2210 = vector.shape_cast %select_n3A_2191 : vector<16x1xi32> to vector<16x1xi32>
    %broadcast_in_dim3A_2211 = vector.broadcast %broadcast_in_dim3A_2210 : vector<16x1xi32> to vector<16x128xi32>
    %select_n3A_2212 = arith.select %eq3A_2199, %broadcast_in_dim3A_2211, %select_n3A_2209 : vector<16x128xi1>, vector<16x128xi32>
    %broadcast_in_dim3A_2213 = vector.shape_cast %select_n3A_2195 : vector<16x1xi32> to vector<16x1xi32>
    %broadcast_in_dim3A_2214 = vector.broadcast %broadcast_in_dim3A_2213 : vector<16x1xi32> to vector<16x128xi32>
    %select_n3A_2215 = arith.select %eq3A_2197, %broadcast_in_dim3A_2214, %select_n3A_2212 : vector<16x128xi1>, vector<16x128xi32>
    %slice3A_2216 = vector.extract_strided_slice %add3A_1532 {offsets = [0, 76], sizes = [16, 1], strides = [1, 1]} : vector<16x128xi32> to vector<16x1xi32>
    %slice3A_2217 = vector.extract_strided_slice %add3A_1532 {offsets = [0, 77], sizes = [16, 1], strides = [1, 1]} : vector<16x128xi32> to vector<16x1xi32>
    %slice3A_2218 = vector.extract_strided_slice %add3A_1532 {offsets = [0, 78], sizes = [16, 1], strides = [1, 1]} : vector<16x128xi32> to vector<16x1xi32>
    %slice3A_2219 = vector.extract_strided_slice %add3A_1532 {offsets = [0, 79], sizes = [16, 1], strides = [1, 1]} : vector<16x128xi32> to vector<16x1xi32>
    %slice3A_2220 = vector.extract_strided_slice %select_n3A_2215 {offsets = [0, 76], sizes = [16, 1], strides = [1, 1]} : vector<16x128xi32> to vector<16x1xi32>
    %slice3A_2221 = vector.extract_strided_slice %select_n3A_2215 {offsets = [0, 77], sizes = [16, 1], strides = [1, 1]} : vector<16x128xi32> to vector<16x1xi32>
    %slice3A_2222 = vector.extract_strided_slice %select_n3A_2215 {offsets = [0, 78], sizes = [16, 1], strides = [1, 1]} : vector<16x128xi32> to vector<16x1xi32>
    %slice3A_2223 = vector.extract_strided_slice %select_n3A_2215 {offsets = [0, 79], sizes = [16, 1], strides = [1, 1]} : vector<16x128xi32> to vector<16x1xi32>
    %eq3A_2224 = arith.cmpi eq, %slice3A_2218, %slice3A_2216 : vector<16x1xi32>
    %eq3A_2225 = arith.cmpi eq, %slice3A_2218, %slice3A_2217 : vector<16x1xi32>
    %select_n3A_2226 = arith.select %eq3A_2225, %slice3A_2220, %slice3A_2222 : vector<16x1xi1>, vector<16x1xi32>
    %select_n3A_2227 = arith.select %eq3A_2224, %slice3A_2221, %select_n3A_2226 : vector<16x1xi1>, vector<16x1xi32>
    %eq3A_2228 = arith.cmpi eq, %slice3A_2219, %slice3A_2216 : vector<16x1xi32>
    %eq3A_2229 = arith.cmpi eq, %slice3A_2219, %slice3A_2217 : vector<16x1xi32>
    %select_n3A_2230 = arith.select %eq3A_2229, %slice3A_2220, %slice3A_2223 : vector<16x1xi1>, vector<16x1xi32>
    %select_n3A_2231 = arith.select %eq3A_2228, %slice3A_2221, %select_n3A_2230 : vector<16x1xi1>, vector<16x1xi32>
    %eq3A_2232 = vector.broadcast %slice3A_2218 : vector<16x1xi32> to vector<16x128xi32>
    %eq3A_2233 = arith.cmpi eq, %add3A_1532, %eq3A_2232 : vector<16x128xi32>
    %eq3A_2234 = vector.broadcast %slice3A_2219 : vector<16x1xi32> to vector<16x128xi32>
    %eq3A_2235 = arith.cmpi eq, %add3A_1532, %eq3A_2234 : vector<16x128xi32>
    %eq3A_2236 = vector.broadcast %slice3A_2216 : vector<16x1xi32> to vector<16x128xi32>
    %eq3A_2237 = arith.cmpi eq, %add3A_1532, %eq3A_2236 : vector<16x128xi32>
    %eq3A_2238 = vector.broadcast %slice3A_2217 : vector<16x1xi32> to vector<16x128xi32>
    %eq3A_2239 = arith.cmpi eq, %add3A_1532, %eq3A_2238 : vector<16x128xi32>
    %broadcast_in_dim3A_2240 = vector.shape_cast %slice3A_2220 : vector<16x1xi32> to vector<16x1xi32>
    %broadcast_in_dim3A_2241 = vector.broadcast %broadcast_in_dim3A_2240 : vector<16x1xi32> to vector<16x128xi32>
    %select_n3A_2242 = arith.select %eq3A_2239, %broadcast_in_dim3A_2241, %select_n3A_2215 : vector<16x128xi1>, vector<16x128xi32>
    %broadcast_in_dim3A_2243 = vector.shape_cast %slice3A_2221 : vector<16x1xi32> to vector<16x1xi32>
    %broadcast_in_dim3A_2244 = vector.broadcast %broadcast_in_dim3A_2243 : vector<16x1xi32> to vector<16x128xi32>
    %select_n3A_2245 = arith.select %eq3A_2237, %broadcast_in_dim3A_2244, %select_n3A_2242 : vector<16x128xi1>, vector<16x128xi32>
    %broadcast_in_dim3A_2246 = vector.shape_cast %select_n3A_2227 : vector<16x1xi32> to vector<16x1xi32>
    %broadcast_in_dim3A_2247 = vector.broadcast %broadcast_in_dim3A_2246 : vector<16x1xi32> to vector<16x128xi32>
    %select_n3A_2248 = arith.select %eq3A_2235, %broadcast_in_dim3A_2247, %select_n3A_2245 : vector<16x128xi1>, vector<16x128xi32>
    %broadcast_in_dim3A_2249 = vector.shape_cast %select_n3A_2231 : vector<16x1xi32> to vector<16x1xi32>
    %broadcast_in_dim3A_2250 = vector.broadcast %broadcast_in_dim3A_2249 : vector<16x1xi32> to vector<16x128xi32>
    %select_n3A_2251 = arith.select %eq3A_2233, %broadcast_in_dim3A_2250, %select_n3A_2248 : vector<16x128xi1>, vector<16x128xi32>
    %slice3A_2252 = vector.extract_strided_slice %add3A_1532 {offsets = [0, 80], sizes = [16, 1], strides = [1, 1]} : vector<16x128xi32> to vector<16x1xi32>
    %slice3A_2253 = vector.extract_strided_slice %add3A_1532 {offsets = [0, 81], sizes = [16, 1], strides = [1, 1]} : vector<16x128xi32> to vector<16x1xi32>
    %slice3A_2254 = vector.extract_strided_slice %add3A_1532 {offsets = [0, 82], sizes = [16, 1], strides = [1, 1]} : vector<16x128xi32> to vector<16x1xi32>
    %slice3A_2255 = vector.extract_strided_slice %add3A_1532 {offsets = [0, 83], sizes = [16, 1], strides = [1, 1]} : vector<16x128xi32> to vector<16x1xi32>
    %slice3A_2256 = vector.extract_strided_slice %select_n3A_2251 {offsets = [0, 80], sizes = [16, 1], strides = [1, 1]} : vector<16x128xi32> to vector<16x1xi32>
    %slice3A_2257 = vector.extract_strided_slice %select_n3A_2251 {offsets = [0, 81], sizes = [16, 1], strides = [1, 1]} : vector<16x128xi32> to vector<16x1xi32>
    %slice3A_2258 = vector.extract_strided_slice %select_n3A_2251 {offsets = [0, 82], sizes = [16, 1], strides = [1, 1]} : vector<16x128xi32> to vector<16x1xi32>
    %slice3A_2259 = vector.extract_strided_slice %select_n3A_2251 {offsets = [0, 83], sizes = [16, 1], strides = [1, 1]} : vector<16x128xi32> to vector<16x1xi32>
    %eq3A_2260 = arith.cmpi eq, %slice3A_2254, %slice3A_2252 : vector<16x1xi32>
    %eq3A_2261 = arith.cmpi eq, %slice3A_2254, %slice3A_2253 : vector<16x1xi32>
    %select_n3A_2262 = arith.select %eq3A_2261, %slice3A_2256, %slice3A_2258 : vector<16x1xi1>, vector<16x1xi32>
    %select_n3A_2263 = arith.select %eq3A_2260, %slice3A_2257, %select_n3A_2262 : vector<16x1xi1>, vector<16x1xi32>
    %eq3A_2264 = arith.cmpi eq, %slice3A_2255, %slice3A_2252 : vector<16x1xi32>
    %eq3A_2265 = arith.cmpi eq, %slice3A_2255, %slice3A_2253 : vector<16x1xi32>
    %select_n3A_2266 = arith.select %eq3A_2265, %slice3A_2256, %slice3A_2259 : vector<16x1xi1>, vector<16x1xi32>
    %select_n3A_2267 = arith.select %eq3A_2264, %slice3A_2257, %select_n3A_2266 : vector<16x1xi1>, vector<16x1xi32>
    %eq3A_2268 = vector.broadcast %slice3A_2254 : vector<16x1xi32> to vector<16x128xi32>
    %eq3A_2269 = arith.cmpi eq, %add3A_1532, %eq3A_2268 : vector<16x128xi32>
    %eq3A_2270 = vector.broadcast %slice3A_2255 : vector<16x1xi32> to vector<16x128xi32>
    %eq3A_2271 = arith.cmpi eq, %add3A_1532, %eq3A_2270 : vector<16x128xi32>
    %eq3A_2272 = vector.broadcast %slice3A_2252 : vector<16x1xi32> to vector<16x128xi32>
    %eq3A_2273 = arith.cmpi eq, %add3A_1532, %eq3A_2272 : vector<16x128xi32>
    %eq3A_2274 = vector.broadcast %slice3A_2253 : vector<16x1xi32> to vector<16x128xi32>
    %eq3A_2275 = arith.cmpi eq, %add3A_1532, %eq3A_2274 : vector<16x128xi32>
    %broadcast_in_dim3A_2276 = vector.shape_cast %slice3A_2256 : vector<16x1xi32> to vector<16x1xi32>
    %broadcast_in_dim3A_2277 = vector.broadcast %broadcast_in_dim3A_2276 : vector<16x1xi32> to vector<16x128xi32>
    %select_n3A_2278 = arith.select %eq3A_2275, %broadcast_in_dim3A_2277, %select_n3A_2251 : vector<16x128xi1>, vector<16x128xi32>
    %broadcast_in_dim3A_2279 = vector.shape_cast %slice3A_2257 : vector<16x1xi32> to vector<16x1xi32>
    %broadcast_in_dim3A_2280 = vector.broadcast %broadcast_in_dim3A_2279 : vector<16x1xi32> to vector<16x128xi32>
    %select_n3A_2281 = arith.select %eq3A_2273, %broadcast_in_dim3A_2280, %select_n3A_2278 : vector<16x128xi1>, vector<16x128xi32>
    %broadcast_in_dim3A_2282 = vector.shape_cast %select_n3A_2263 : vector<16x1xi32> to vector<16x1xi32>
    %broadcast_in_dim3A_2283 = vector.broadcast %broadcast_in_dim3A_2282 : vector<16x1xi32> to vector<16x128xi32>
    %select_n3A_2284 = arith.select %eq3A_2271, %broadcast_in_dim3A_2283, %select_n3A_2281 : vector<16x128xi1>, vector<16x128xi32>
    %broadcast_in_dim3A_2285 = vector.shape_cast %select_n3A_2267 : vector<16x1xi32> to vector<16x1xi32>
    %broadcast_in_dim3A_2286 = vector.broadcast %broadcast_in_dim3A_2285 : vector<16x1xi32> to vector<16x128xi32>
    %select_n3A_2287 = arith.select %eq3A_2269, %broadcast_in_dim3A_2286, %select_n3A_2284 : vector<16x128xi1>, vector<16x128xi32>
    %slice3A_2288 = vector.extract_strided_slice %add3A_1532 {offsets = [0, 84], sizes = [16, 1], strides = [1, 1]} : vector<16x128xi32> to vector<16x1xi32>
    %slice3A_2289 = vector.extract_strided_slice %add3A_1532 {offsets = [0, 85], sizes = [16, 1], strides = [1, 1]} : vector<16x128xi32> to vector<16x1xi32>
    %slice3A_2290 = vector.extract_strided_slice %add3A_1532 {offsets = [0, 86], sizes = [16, 1], strides = [1, 1]} : vector<16x128xi32> to vector<16x1xi32>
    %slice3A_2291 = vector.extract_strided_slice %add3A_1532 {offsets = [0, 87], sizes = [16, 1], strides = [1, 1]} : vector<16x128xi32> to vector<16x1xi32>
    %slice3A_2292 = vector.extract_strided_slice %select_n3A_2287 {offsets = [0, 84], sizes = [16, 1], strides = [1, 1]} : vector<16x128xi32> to vector<16x1xi32>
    %slice3A_2293 = vector.extract_strided_slice %select_n3A_2287 {offsets = [0, 85], sizes = [16, 1], strides = [1, 1]} : vector<16x128xi32> to vector<16x1xi32>
    %slice3A_2294 = vector.extract_strided_slice %select_n3A_2287 {offsets = [0, 86], sizes = [16, 1], strides = [1, 1]} : vector<16x128xi32> to vector<16x1xi32>
    %slice3A_2295 = vector.extract_strided_slice %select_n3A_2287 {offsets = [0, 87], sizes = [16, 1], strides = [1, 1]} : vector<16x128xi32> to vector<16x1xi32>
    %eq3A_2296 = arith.cmpi eq, %slice3A_2290, %slice3A_2288 : vector<16x1xi32>
    %eq3A_2297 = arith.cmpi eq, %slice3A_2290, %slice3A_2289 : vector<16x1xi32>
    %select_n3A_2298 = arith.select %eq3A_2297, %slice3A_2292, %slice3A_2294 : vector<16x1xi1>, vector<16x1xi32>
    %select_n3A_2299 = arith.select %eq3A_2296, %slice3A_2293, %select_n3A_2298 : vector<16x1xi1>, vector<16x1xi32>
    %eq3A_2300 = arith.cmpi eq, %slice3A_2291, %slice3A_2288 : vector<16x1xi32>
    %eq3A_2301 = arith.cmpi eq, %slice3A_2291, %slice3A_2289 : vector<16x1xi32>
    %select_n3A_2302 = arith.select %eq3A_2301, %slice3A_2292, %slice3A_2295 : vector<16x1xi1>, vector<16x1xi32>
    %select_n3A_2303 = arith.select %eq3A_2300, %slice3A_2293, %select_n3A_2302 : vector<16x1xi1>, vector<16x1xi32>
    %eq3A_2304 = vector.broadcast %slice3A_2290 : vector<16x1xi32> to vector<16x128xi32>
    %eq3A_2305 = arith.cmpi eq, %add3A_1532, %eq3A_2304 : vector<16x128xi32>
    %eq3A_2306 = vector.broadcast %slice3A_2291 : vector<16x1xi32> to vector<16x128xi32>
    %eq3A_2307 = arith.cmpi eq, %add3A_1532, %eq3A_2306 : vector<16x128xi32>
    %eq3A_2308 = vector.broadcast %slice3A_2288 : vector<16x1xi32> to vector<16x128xi32>
    %eq3A_2309 = arith.cmpi eq, %add3A_1532, %eq3A_2308 : vector<16x128xi32>
    %eq3A_2310 = vector.broadcast %slice3A_2289 : vector<16x1xi32> to vector<16x128xi32>
    %eq3A_2311 = arith.cmpi eq, %add3A_1532, %eq3A_2310 : vector<16x128xi32>
    %broadcast_in_dim3A_2312 = vector.shape_cast %slice3A_2292 : vector<16x1xi32> to vector<16x1xi32>
    %broadcast_in_dim3A_2313 = vector.broadcast %broadcast_in_dim3A_2312 : vector<16x1xi32> to vector<16x128xi32>
    %select_n3A_2314 = arith.select %eq3A_2311, %broadcast_in_dim3A_2313, %select_n3A_2287 : vector<16x128xi1>, vector<16x128xi32>
    %broadcast_in_dim3A_2315 = vector.shape_cast %slice3A_2293 : vector<16x1xi32> to vector<16x1xi32>
    %broadcast_in_dim3A_2316 = vector.broadcast %broadcast_in_dim3A_2315 : vector<16x1xi32> to vector<16x128xi32>
    %select_n3A_2317 = arith.select %eq3A_2309, %broadcast_in_dim3A_2316, %select_n3A_2314 : vector<16x128xi1>, vector<16x128xi32>
    %broadcast_in_dim3A_2318 = vector.shape_cast %select_n3A_2299 : vector<16x1xi32> to vector<16x1xi32>
    %broadcast_in_dim3A_2319 = vector.broadcast %broadcast_in_dim3A_2318 : vector<16x1xi32> to vector<16x128xi32>
    %select_n3A_2320 = arith.select %eq3A_2307, %broadcast_in_dim3A_2319, %select_n3A_2317 : vector<16x128xi1>, vector<16x128xi32>
    %broadcast_in_dim3A_2321 = vector.shape_cast %select_n3A_2303 : vector<16x1xi32> to vector<16x1xi32>
    %broadcast_in_dim3A_2322 = vector.broadcast %broadcast_in_dim3A_2321 : vector<16x1xi32> to vector<16x128xi32>
    %select_n3A_2323 = arith.select %eq3A_2305, %broadcast_in_dim3A_2322, %select_n3A_2320 : vector<16x128xi1>, vector<16x128xi32>
    %slice3A_2324 = vector.extract_strided_slice %add3A_1532 {offsets = [0, 88], sizes = [16, 1], strides = [1, 1]} : vector<16x128xi32> to vector<16x1xi32>
    %slice3A_2325 = vector.extract_strided_slice %add3A_1532 {offsets = [0, 89], sizes = [16, 1], strides = [1, 1]} : vector<16x128xi32> to vector<16x1xi32>
    %slice3A_2326 = vector.extract_strided_slice %add3A_1532 {offsets = [0, 90], sizes = [16, 1], strides = [1, 1]} : vector<16x128xi32> to vector<16x1xi32>
    %slice3A_2327 = vector.extract_strided_slice %add3A_1532 {offsets = [0, 91], sizes = [16, 1], strides = [1, 1]} : vector<16x128xi32> to vector<16x1xi32>
    %slice3A_2328 = vector.extract_strided_slice %select_n3A_2323 {offsets = [0, 88], sizes = [16, 1], strides = [1, 1]} : vector<16x128xi32> to vector<16x1xi32>
    %slice3A_2329 = vector.extract_strided_slice %select_n3A_2323 {offsets = [0, 89], sizes = [16, 1], strides = [1, 1]} : vector<16x128xi32> to vector<16x1xi32>
    %slice3A_2330 = vector.extract_strided_slice %select_n3A_2323 {offsets = [0, 90], sizes = [16, 1], strides = [1, 1]} : vector<16x128xi32> to vector<16x1xi32>
    %slice3A_2331 = vector.extract_strided_slice %select_n3A_2323 {offsets = [0, 91], sizes = [16, 1], strides = [1, 1]} : vector<16x128xi32> to vector<16x1xi32>
    %eq3A_2332 = arith.cmpi eq, %slice3A_2326, %slice3A_2324 : vector<16x1xi32>
    %eq3A_2333 = arith.cmpi eq, %slice3A_2326, %slice3A_2325 : vector<16x1xi32>
    %select_n3A_2334 = arith.select %eq3A_2333, %slice3A_2328, %slice3A_2330 : vector<16x1xi1>, vector<16x1xi32>
    %select_n3A_2335 = arith.select %eq3A_2332, %slice3A_2329, %select_n3A_2334 : vector<16x1xi1>, vector<16x1xi32>
    %eq3A_2336 = arith.cmpi eq, %slice3A_2327, %slice3A_2324 : vector<16x1xi32>
    %eq3A_2337 = arith.cmpi eq, %slice3A_2327, %slice3A_2325 : vector<16x1xi32>
    %select_n3A_2338 = arith.select %eq3A_2337, %slice3A_2328, %slice3A_2331 : vector<16x1xi1>, vector<16x1xi32>
    %select_n3A_2339 = arith.select %eq3A_2336, %slice3A_2329, %select_n3A_2338 : vector<16x1xi1>, vector<16x1xi32>
    %eq3A_2340 = vector.broadcast %slice3A_2326 : vector<16x1xi32> to vector<16x128xi32>
    %eq3A_2341 = arith.cmpi eq, %add3A_1532, %eq3A_2340 : vector<16x128xi32>
    %eq3A_2342 = vector.broadcast %slice3A_2327 : vector<16x1xi32> to vector<16x128xi32>
    %eq3A_2343 = arith.cmpi eq, %add3A_1532, %eq3A_2342 : vector<16x128xi32>
    %eq3A_2344 = vector.broadcast %slice3A_2324 : vector<16x1xi32> to vector<16x128xi32>
    %eq3A_2345 = arith.cmpi eq, %add3A_1532, %eq3A_2344 : vector<16x128xi32>
    %eq3A_2346 = vector.broadcast %slice3A_2325 : vector<16x1xi32> to vector<16x128xi32>
    %eq3A_2347 = arith.cmpi eq, %add3A_1532, %eq3A_2346 : vector<16x128xi32>
    %broadcast_in_dim3A_2348 = vector.shape_cast %slice3A_2328 : vector<16x1xi32> to vector<16x1xi32>
    %broadcast_in_dim3A_2349 = vector.broadcast %broadcast_in_dim3A_2348 : vector<16x1xi32> to vector<16x128xi32>
    %select_n3A_2350 = arith.select %eq3A_2347, %broadcast_in_dim3A_2349, %select_n3A_2323 : vector<16x128xi1>, vector<16x128xi32>
    %broadcast_in_dim3A_2351 = vector.shape_cast %slice3A_2329 : vector<16x1xi32> to vector<16x1xi32>
    %broadcast_in_dim3A_2352 = vector.broadcast %broadcast_in_dim3A_2351 : vector<16x1xi32> to vector<16x128xi32>
    %select_n3A_2353 = arith.select %eq3A_2345, %broadcast_in_dim3A_2352, %select_n3A_2350 : vector<16x128xi1>, vector<16x128xi32>
    %broadcast_in_dim3A_2354 = vector.shape_cast %select_n3A_2335 : vector<16x1xi32> to vector<16x1xi32>
    %broadcast_in_dim3A_2355 = vector.broadcast %broadcast_in_dim3A_2354 : vector<16x1xi32> to vector<16x128xi32>
    %select_n3A_2356 = arith.select %eq3A_2343, %broadcast_in_dim3A_2355, %select_n3A_2353 : vector<16x128xi1>, vector<16x128xi32>
    %broadcast_in_dim3A_2357 = vector.shape_cast %select_n3A_2339 : vector<16x1xi32> to vector<16x1xi32>
    %broadcast_in_dim3A_2358 = vector.broadcast %broadcast_in_dim3A_2357 : vector<16x1xi32> to vector<16x128xi32>
    %select_n3A_2359 = arith.select %eq3A_2341, %broadcast_in_dim3A_2358, %select_n3A_2356 : vector<16x128xi1>, vector<16x128xi32>
    %slice3A_2360 = vector.extract_strided_slice %add3A_1532 {offsets = [0, 92], sizes = [16, 1], strides = [1, 1]} : vector<16x128xi32> to vector<16x1xi32>
    %slice3A_2361 = vector.extract_strided_slice %add3A_1532 {offsets = [0, 93], sizes = [16, 1], strides = [1, 1]} : vector<16x128xi32> to vector<16x1xi32>
    %slice3A_2362 = vector.extract_strided_slice %add3A_1532 {offsets = [0, 94], sizes = [16, 1], strides = [1, 1]} : vector<16x128xi32> to vector<16x1xi32>
    %slice3A_2363 = vector.extract_strided_slice %add3A_1532 {offsets = [0, 95], sizes = [16, 1], strides = [1, 1]} : vector<16x128xi32> to vector<16x1xi32>
    %slice3A_2364 = vector.extract_strided_slice %select_n3A_2359 {offsets = [0, 92], sizes = [16, 1], strides = [1, 1]} : vector<16x128xi32> to vector<16x1xi32>
    %slice3A_2365 = vector.extract_strided_slice %select_n3A_2359 {offsets = [0, 93], sizes = [16, 1], strides = [1, 1]} : vector<16x128xi32> to vector<16x1xi32>
    %slice3A_2366 = vector.extract_strided_slice %select_n3A_2359 {offsets = [0, 94], sizes = [16, 1], strides = [1, 1]} : vector<16x128xi32> to vector<16x1xi32>
    %slice3A_2367 = vector.extract_strided_slice %select_n3A_2359 {offsets = [0, 95], sizes = [16, 1], strides = [1, 1]} : vector<16x128xi32> to vector<16x1xi32>
    %eq3A_2368 = arith.cmpi eq, %slice3A_2362, %slice3A_2360 : vector<16x1xi32>
    %eq3A_2369 = arith.cmpi eq, %slice3A_2362, %slice3A_2361 : vector<16x1xi32>
    %select_n3A_2370 = arith.select %eq3A_2369, %slice3A_2364, %slice3A_2366 : vector<16x1xi1>, vector<16x1xi32>
    %select_n3A_2371 = arith.select %eq3A_2368, %slice3A_2365, %select_n3A_2370 : vector<16x1xi1>, vector<16x1xi32>
    %eq3A_2372 = arith.cmpi eq, %slice3A_2363, %slice3A_2360 : vector<16x1xi32>
    %eq3A_2373 = arith.cmpi eq, %slice3A_2363, %slice3A_2361 : vector<16x1xi32>
    %select_n3A_2374 = arith.select %eq3A_2373, %slice3A_2364, %slice3A_2367 : vector<16x1xi1>, vector<16x1xi32>
    %select_n3A_2375 = arith.select %eq3A_2372, %slice3A_2365, %select_n3A_2374 : vector<16x1xi1>, vector<16x1xi32>
    %eq3A_2376 = vector.broadcast %slice3A_2362 : vector<16x1xi32> to vector<16x128xi32>
    %eq3A_2377 = arith.cmpi eq, %add3A_1532, %eq3A_2376 : vector<16x128xi32>
    %eq3A_2378 = vector.broadcast %slice3A_2363 : vector<16x1xi32> to vector<16x128xi32>
    %eq3A_2379 = arith.cmpi eq, %add3A_1532, %eq3A_2378 : vector<16x128xi32>
    %eq3A_2380 = vector.broadcast %slice3A_2360 : vector<16x1xi32> to vector<16x128xi32>
    %eq3A_2381 = arith.cmpi eq, %add3A_1532, %eq3A_2380 : vector<16x128xi32>
    %eq3A_2382 = vector.broadcast %slice3A_2361 : vector<16x1xi32> to vector<16x128xi32>
    %eq3A_2383 = arith.cmpi eq, %add3A_1532, %eq3A_2382 : vector<16x128xi32>
    %broadcast_in_dim3A_2384 = vector.shape_cast %slice3A_2364 : vector<16x1xi32> to vector<16x1xi32>
    %broadcast_in_dim3A_2385 = vector.broadcast %broadcast_in_dim3A_2384 : vector<16x1xi32> to vector<16x128xi32>
    %select_n3A_2386 = arith.select %eq3A_2383, %broadcast_in_dim3A_2385, %select_n3A_2359 : vector<16x128xi1>, vector<16x128xi32>
    %broadcast_in_dim3A_2387 = vector.shape_cast %slice3A_2365 : vector<16x1xi32> to vector<16x1xi32>
    %broadcast_in_dim3A_2388 = vector.broadcast %broadcast_in_dim3A_2387 : vector<16x1xi32> to vector<16x128xi32>
    %select_n3A_2389 = arith.select %eq3A_2381, %broadcast_in_dim3A_2388, %select_n3A_2386 : vector<16x128xi1>, vector<16x128xi32>
    %broadcast_in_dim3A_2390 = vector.shape_cast %select_n3A_2371 : vector<16x1xi32> to vector<16x1xi32>
    %broadcast_in_dim3A_2391 = vector.broadcast %broadcast_in_dim3A_2390 : vector<16x1xi32> to vector<16x128xi32>
    %select_n3A_2392 = arith.select %eq3A_2379, %broadcast_in_dim3A_2391, %select_n3A_2389 : vector<16x128xi1>, vector<16x128xi32>
    %broadcast_in_dim3A_2393 = vector.shape_cast %select_n3A_2375 : vector<16x1xi32> to vector<16x1xi32>
    %broadcast_in_dim3A_2394 = vector.broadcast %broadcast_in_dim3A_2393 : vector<16x1xi32> to vector<16x128xi32>
    %select_n3A_2395 = arith.select %eq3A_2377, %broadcast_in_dim3A_2394, %select_n3A_2392 : vector<16x128xi1>, vector<16x128xi32>
    %slice3A_2396 = vector.extract_strided_slice %add3A_1532 {offsets = [0, 96], sizes = [16, 1], strides = [1, 1]} : vector<16x128xi32> to vector<16x1xi32>
    %slice3A_2397 = vector.extract_strided_slice %add3A_1532 {offsets = [0, 97], sizes = [16, 1], strides = [1, 1]} : vector<16x128xi32> to vector<16x1xi32>
    %slice3A_2398 = vector.extract_strided_slice %add3A_1532 {offsets = [0, 98], sizes = [16, 1], strides = [1, 1]} : vector<16x128xi32> to vector<16x1xi32>
    %slice3A_2399 = vector.extract_strided_slice %add3A_1532 {offsets = [0, 99], sizes = [16, 1], strides = [1, 1]} : vector<16x128xi32> to vector<16x1xi32>
    %slice3A_2400 = vector.extract_strided_slice %select_n3A_2395 {offsets = [0, 96], sizes = [16, 1], strides = [1, 1]} : vector<16x128xi32> to vector<16x1xi32>
    %slice3A_2401 = vector.extract_strided_slice %select_n3A_2395 {offsets = [0, 97], sizes = [16, 1], strides = [1, 1]} : vector<16x128xi32> to vector<16x1xi32>
    %slice3A_2402 = vector.extract_strided_slice %select_n3A_2395 {offsets = [0, 98], sizes = [16, 1], strides = [1, 1]} : vector<16x128xi32> to vector<16x1xi32>
    %slice3A_2403 = vector.extract_strided_slice %select_n3A_2395 {offsets = [0, 99], sizes = [16, 1], strides = [1, 1]} : vector<16x128xi32> to vector<16x1xi32>
    %eq3A_2404 = arith.cmpi eq, %slice3A_2398, %slice3A_2396 : vector<16x1xi32>
    %eq3A_2405 = arith.cmpi eq, %slice3A_2398, %slice3A_2397 : vector<16x1xi32>
    %select_n3A_2406 = arith.select %eq3A_2405, %slice3A_2400, %slice3A_2402 : vector<16x1xi1>, vector<16x1xi32>
    %select_n3A_2407 = arith.select %eq3A_2404, %slice3A_2401, %select_n3A_2406 : vector<16x1xi1>, vector<16x1xi32>
    %eq3A_2408 = arith.cmpi eq, %slice3A_2399, %slice3A_2396 : vector<16x1xi32>
    %eq3A_2409 = arith.cmpi eq, %slice3A_2399, %slice3A_2397 : vector<16x1xi32>
    %select_n3A_2410 = arith.select %eq3A_2409, %slice3A_2400, %slice3A_2403 : vector<16x1xi1>, vector<16x1xi32>
    %select_n3A_2411 = arith.select %eq3A_2408, %slice3A_2401, %select_n3A_2410 : vector<16x1xi1>, vector<16x1xi32>
    %eq3A_2412 = vector.broadcast %slice3A_2398 : vector<16x1xi32> to vector<16x128xi32>
    %eq3A_2413 = arith.cmpi eq, %add3A_1532, %eq3A_2412 : vector<16x128xi32>
    %eq3A_2414 = vector.broadcast %slice3A_2399 : vector<16x1xi32> to vector<16x128xi32>
    %eq3A_2415 = arith.cmpi eq, %add3A_1532, %eq3A_2414 : vector<16x128xi32>
    %eq3A_2416 = vector.broadcast %slice3A_2396 : vector<16x1xi32> to vector<16x128xi32>
    %eq3A_2417 = arith.cmpi eq, %add3A_1532, %eq3A_2416 : vector<16x128xi32>
    %eq3A_2418 = vector.broadcast %slice3A_2397 : vector<16x1xi32> to vector<16x128xi32>
    %eq3A_2419 = arith.cmpi eq, %add3A_1532, %eq3A_2418 : vector<16x128xi32>
    %broadcast_in_dim3A_2420 = vector.shape_cast %slice3A_2400 : vector<16x1xi32> to vector<16x1xi32>
    %broadcast_in_dim3A_2421 = vector.broadcast %broadcast_in_dim3A_2420 : vector<16x1xi32> to vector<16x128xi32>
    %select_n3A_2422 = arith.select %eq3A_2419, %broadcast_in_dim3A_2421, %select_n3A_2395 : vector<16x128xi1>, vector<16x128xi32>
    %broadcast_in_dim3A_2423 = vector.shape_cast %slice3A_2401 : vector<16x1xi32> to vector<16x1xi32>
    %broadcast_in_dim3A_2424 = vector.broadcast %broadcast_in_dim3A_2423 : vector<16x1xi32> to vector<16x128xi32>
    %select_n3A_2425 = arith.select %eq3A_2417, %broadcast_in_dim3A_2424, %select_n3A_2422 : vector<16x128xi1>, vector<16x128xi32>
    %broadcast_in_dim3A_2426 = vector.shape_cast %select_n3A_2407 : vector<16x1xi32> to vector<16x1xi32>
    %broadcast_in_dim3A_2427 = vector.broadcast %broadcast_in_dim3A_2426 : vector<16x1xi32> to vector<16x128xi32>
    %select_n3A_2428 = arith.select %eq3A_2415, %broadcast_in_dim3A_2427, %select_n3A_2425 : vector<16x128xi1>, vector<16x128xi32>
    %broadcast_in_dim3A_2429 = vector.shape_cast %select_n3A_2411 : vector<16x1xi32> to vector<16x1xi32>
    %broadcast_in_dim3A_2430 = vector.broadcast %broadcast_in_dim3A_2429 : vector<16x1xi32> to vector<16x128xi32>
    %select_n3A_2431 = arith.select %eq3A_2413, %broadcast_in_dim3A_2430, %select_n3A_2428 : vector<16x128xi1>, vector<16x128xi32>
    %slice3A_2432 = vector.extract_strided_slice %add3A_1532 {offsets = [0, 100], sizes = [16, 1], strides = [1, 1]} : vector<16x128xi32> to vector<16x1xi32>
    %slice3A_2433 = vector.extract_strided_slice %add3A_1532 {offsets = [0, 101], sizes = [16, 1], strides = [1, 1]} : vector<16x128xi32> to vector<16x1xi32>
    %slice3A_2434 = vector.extract_strided_slice %add3A_1532 {offsets = [0, 102], sizes = [16, 1], strides = [1, 1]} : vector<16x128xi32> to vector<16x1xi32>
    %slice3A_2435 = vector.extract_strided_slice %add3A_1532 {offsets = [0, 103], sizes = [16, 1], strides = [1, 1]} : vector<16x128xi32> to vector<16x1xi32>
    %slice3A_2436 = vector.extract_strided_slice %select_n3A_2431 {offsets = [0, 100], sizes = [16, 1], strides = [1, 1]} : vector<16x128xi32> to vector<16x1xi32>
    %slice3A_2437 = vector.extract_strided_slice %select_n3A_2431 {offsets = [0, 101], sizes = [16, 1], strides = [1, 1]} : vector<16x128xi32> to vector<16x1xi32>
    %slice3A_2438 = vector.extract_strided_slice %select_n3A_2431 {offsets = [0, 102], sizes = [16, 1], strides = [1, 1]} : vector<16x128xi32> to vector<16x1xi32>
    %slice3A_2439 = vector.extract_strided_slice %select_n3A_2431 {offsets = [0, 103], sizes = [16, 1], strides = [1, 1]} : vector<16x128xi32> to vector<16x1xi32>
    %eq3A_2440 = arith.cmpi eq, %slice3A_2434, %slice3A_2432 : vector<16x1xi32>
    %eq3A_2441 = arith.cmpi eq, %slice3A_2434, %slice3A_2433 : vector<16x1xi32>
    %select_n3A_2442 = arith.select %eq3A_2441, %slice3A_2436, %slice3A_2438 : vector<16x1xi1>, vector<16x1xi32>
    %select_n3A_2443 = arith.select %eq3A_2440, %slice3A_2437, %select_n3A_2442 : vector<16x1xi1>, vector<16x1xi32>
    %eq3A_2444 = arith.cmpi eq, %slice3A_2435, %slice3A_2432 : vector<16x1xi32>
    %eq3A_2445 = arith.cmpi eq, %slice3A_2435, %slice3A_2433 : vector<16x1xi32>
    %select_n3A_2446 = arith.select %eq3A_2445, %slice3A_2436, %slice3A_2439 : vector<16x1xi1>, vector<16x1xi32>
    %select_n3A_2447 = arith.select %eq3A_2444, %slice3A_2437, %select_n3A_2446 : vector<16x1xi1>, vector<16x1xi32>
    %eq3A_2448 = vector.broadcast %slice3A_2434 : vector<16x1xi32> to vector<16x128xi32>
    %eq3A_2449 = arith.cmpi eq, %add3A_1532, %eq3A_2448 : vector<16x128xi32>
    %eq3A_2450 = vector.broadcast %slice3A_2435 : vector<16x1xi32> to vector<16x128xi32>
    %eq3A_2451 = arith.cmpi eq, %add3A_1532, %eq3A_2450 : vector<16x128xi32>
    %eq3A_2452 = vector.broadcast %slice3A_2432 : vector<16x1xi32> to vector<16x128xi32>
    %eq3A_2453 = arith.cmpi eq, %add3A_1532, %eq3A_2452 : vector<16x128xi32>
    %eq3A_2454 = vector.broadcast %slice3A_2433 : vector<16x1xi32> to vector<16x128xi32>
    %eq3A_2455 = arith.cmpi eq, %add3A_1532, %eq3A_2454 : vector<16x128xi32>
    %broadcast_in_dim3A_2456 = vector.shape_cast %slice3A_2436 : vector<16x1xi32> to vector<16x1xi32>
    %broadcast_in_dim3A_2457 = vector.broadcast %broadcast_in_dim3A_2456 : vector<16x1xi32> to vector<16x128xi32>
    %select_n3A_2458 = arith.select %eq3A_2455, %broadcast_in_dim3A_2457, %select_n3A_2431 : vector<16x128xi1>, vector<16x128xi32>
    %broadcast_in_dim3A_2459 = vector.shape_cast %slice3A_2437 : vector<16x1xi32> to vector<16x1xi32>
    %broadcast_in_dim3A_2460 = vector.broadcast %broadcast_in_dim3A_2459 : vector<16x1xi32> to vector<16x128xi32>
    %select_n3A_2461 = arith.select %eq3A_2453, %broadcast_in_dim3A_2460, %select_n3A_2458 : vector<16x128xi1>, vector<16x128xi32>
    %broadcast_in_dim3A_2462 = vector.shape_cast %select_n3A_2443 : vector<16x1xi32> to vector<16x1xi32>
    %broadcast_in_dim3A_2463 = vector.broadcast %broadcast_in_dim3A_2462 : vector<16x1xi32> to vector<16x128xi32>
    %select_n3A_2464 = arith.select %eq3A_2451, %broadcast_in_dim3A_2463, %select_n3A_2461 : vector<16x128xi1>, vector<16x128xi32>
    %broadcast_in_dim3A_2465 = vector.shape_cast %select_n3A_2447 : vector<16x1xi32> to vector<16x1xi32>
    %broadcast_in_dim3A_2466 = vector.broadcast %broadcast_in_dim3A_2465 : vector<16x1xi32> to vector<16x128xi32>
    %select_n3A_2467 = arith.select %eq3A_2449, %broadcast_in_dim3A_2466, %select_n3A_2464 : vector<16x128xi1>, vector<16x128xi32>
    %slice3A_2468 = vector.extract_strided_slice %add3A_1532 {offsets = [0, 104], sizes = [16, 1], strides = [1, 1]} : vector<16x128xi32> to vector<16x1xi32>
    %slice3A_2469 = vector.extract_strided_slice %add3A_1532 {offsets = [0, 105], sizes = [16, 1], strides = [1, 1]} : vector<16x128xi32> to vector<16x1xi32>
    %slice3A_2470 = vector.extract_strided_slice %add3A_1532 {offsets = [0, 106], sizes = [16, 1], strides = [1, 1]} : vector<16x128xi32> to vector<16x1xi32>
    %slice3A_2471 = vector.extract_strided_slice %add3A_1532 {offsets = [0, 107], sizes = [16, 1], strides = [1, 1]} : vector<16x128xi32> to vector<16x1xi32>
    %slice3A_2472 = vector.extract_strided_slice %select_n3A_2467 {offsets = [0, 104], sizes = [16, 1], strides = [1, 1]} : vector<16x128xi32> to vector<16x1xi32>
    %slice3A_2473 = vector.extract_strided_slice %select_n3A_2467 {offsets = [0, 105], sizes = [16, 1], strides = [1, 1]} : vector<16x128xi32> to vector<16x1xi32>
    %slice3A_2474 = vector.extract_strided_slice %select_n3A_2467 {offsets = [0, 106], sizes = [16, 1], strides = [1, 1]} : vector<16x128xi32> to vector<16x1xi32>
    %slice3A_2475 = vector.extract_strided_slice %select_n3A_2467 {offsets = [0, 107], sizes = [16, 1], strides = [1, 1]} : vector<16x128xi32> to vector<16x1xi32>
    %eq3A_2476 = arith.cmpi eq, %slice3A_2470, %slice3A_2468 : vector<16x1xi32>
    %eq3A_2477 = arith.cmpi eq, %slice3A_2470, %slice3A_2469 : vector<16x1xi32>
    %select_n3A_2478 = arith.select %eq3A_2477, %slice3A_2472, %slice3A_2474 : vector<16x1xi1>, vector<16x1xi32>
    %select_n3A_2479 = arith.select %eq3A_2476, %slice3A_2473, %select_n3A_2478 : vector<16x1xi1>, vector<16x1xi32>
    %eq3A_2480 = arith.cmpi eq, %slice3A_2471, %slice3A_2468 : vector<16x1xi32>
    %eq3A_2481 = arith.cmpi eq, %slice3A_2471, %slice3A_2469 : vector<16x1xi32>
    %select_n3A_2482 = arith.select %eq3A_2481, %slice3A_2472, %slice3A_2475 : vector<16x1xi1>, vector<16x1xi32>
    %select_n3A_2483 = arith.select %eq3A_2480, %slice3A_2473, %select_n3A_2482 : vector<16x1xi1>, vector<16x1xi32>
    %eq3A_2484 = vector.broadcast %slice3A_2470 : vector<16x1xi32> to vector<16x128xi32>
    %eq3A_2485 = arith.cmpi eq, %add3A_1532, %eq3A_2484 : vector<16x128xi32>
    %eq3A_2486 = vector.broadcast %slice3A_2471 : vector<16x1xi32> to vector<16x128xi32>
    %eq3A_2487 = arith.cmpi eq, %add3A_1532, %eq3A_2486 : vector<16x128xi32>
    %eq3A_2488 = vector.broadcast %slice3A_2468 : vector<16x1xi32> to vector<16x128xi32>
    %eq3A_2489 = arith.cmpi eq, %add3A_1532, %eq3A_2488 : vector<16x128xi32>
    %eq3A_2490 = vector.broadcast %slice3A_2469 : vector<16x1xi32> to vector<16x128xi32>
    %eq3A_2491 = arith.cmpi eq, %add3A_1532, %eq3A_2490 : vector<16x128xi32>
    %broadcast_in_dim3A_2492 = vector.shape_cast %slice3A_2472 : vector<16x1xi32> to vector<16x1xi32>
    %broadcast_in_dim3A_2493 = vector.broadcast %broadcast_in_dim3A_2492 : vector<16x1xi32> to vector<16x128xi32>
    %select_n3A_2494 = arith.select %eq3A_2491, %broadcast_in_dim3A_2493, %select_n3A_2467 : vector<16x128xi1>, vector<16x128xi32>
    %broadcast_in_dim3A_2495 = vector.shape_cast %slice3A_2473 : vector<16x1xi32> to vector<16x1xi32>
    %broadcast_in_dim3A_2496 = vector.broadcast %broadcast_in_dim3A_2495 : vector<16x1xi32> to vector<16x128xi32>
    %select_n3A_2497 = arith.select %eq3A_2489, %broadcast_in_dim3A_2496, %select_n3A_2494 : vector<16x128xi1>, vector<16x128xi32>
    %broadcast_in_dim3A_2498 = vector.shape_cast %select_n3A_2479 : vector<16x1xi32> to vector<16x1xi32>
    %broadcast_in_dim3A_2499 = vector.broadcast %broadcast_in_dim3A_2498 : vector<16x1xi32> to vector<16x128xi32>
    %select_n3A_2500 = arith.select %eq3A_2487, %broadcast_in_dim3A_2499, %select_n3A_2497 : vector<16x128xi1>, vector<16x128xi32>
    %broadcast_in_dim3A_2501 = vector.shape_cast %select_n3A_2483 : vector<16x1xi32> to vector<16x1xi32>
    %broadcast_in_dim3A_2502 = vector.broadcast %broadcast_in_dim3A_2501 : vector<16x1xi32> to vector<16x128xi32>
    %select_n3A_2503 = arith.select %eq3A_2485, %broadcast_in_dim3A_2502, %select_n3A_2500 : vector<16x128xi1>, vector<16x128xi32>
    %slice3A_2504 = vector.extract_strided_slice %add3A_1532 {offsets = [0, 108], sizes = [16, 1], strides = [1, 1]} : vector<16x128xi32> to vector<16x1xi32>
    %slice3A_2505 = vector.extract_strided_slice %add3A_1532 {offsets = [0, 109], sizes = [16, 1], strides = [1, 1]} : vector<16x128xi32> to vector<16x1xi32>
    %slice3A_2506 = vector.extract_strided_slice %add3A_1532 {offsets = [0, 110], sizes = [16, 1], strides = [1, 1]} : vector<16x128xi32> to vector<16x1xi32>
    %slice3A_2507 = vector.extract_strided_slice %add3A_1532 {offsets = [0, 111], sizes = [16, 1], strides = [1, 1]} : vector<16x128xi32> to vector<16x1xi32>
    %slice3A_2508 = vector.extract_strided_slice %select_n3A_2503 {offsets = [0, 108], sizes = [16, 1], strides = [1, 1]} : vector<16x128xi32> to vector<16x1xi32>
    %slice3A_2509 = vector.extract_strided_slice %select_n3A_2503 {offsets = [0, 109], sizes = [16, 1], strides = [1, 1]} : vector<16x128xi32> to vector<16x1xi32>
    %slice3A_2510 = vector.extract_strided_slice %select_n3A_2503 {offsets = [0, 110], sizes = [16, 1], strides = [1, 1]} : vector<16x128xi32> to vector<16x1xi32>
    %slice3A_2511 = vector.extract_strided_slice %select_n3A_2503 {offsets = [0, 111], sizes = [16, 1], strides = [1, 1]} : vector<16x128xi32> to vector<16x1xi32>
    %eq3A_2512 = arith.cmpi eq, %slice3A_2506, %slice3A_2504 : vector<16x1xi32>
    %eq3A_2513 = arith.cmpi eq, %slice3A_2506, %slice3A_2505 : vector<16x1xi32>
    %select_n3A_2514 = arith.select %eq3A_2513, %slice3A_2508, %slice3A_2510 : vector<16x1xi1>, vector<16x1xi32>
    %select_n3A_2515 = arith.select %eq3A_2512, %slice3A_2509, %select_n3A_2514 : vector<16x1xi1>, vector<16x1xi32>
    %eq3A_2516 = arith.cmpi eq, %slice3A_2507, %slice3A_2504 : vector<16x1xi32>
    %eq3A_2517 = arith.cmpi eq, %slice3A_2507, %slice3A_2505 : vector<16x1xi32>
    %select_n3A_2518 = arith.select %eq3A_2517, %slice3A_2508, %slice3A_2511 : vector<16x1xi1>, vector<16x1xi32>
    %select_n3A_2519 = arith.select %eq3A_2516, %slice3A_2509, %select_n3A_2518 : vector<16x1xi1>, vector<16x1xi32>
    %eq3A_2520 = vector.broadcast %slice3A_2506 : vector<16x1xi32> to vector<16x128xi32>
    %eq3A_2521 = arith.cmpi eq, %add3A_1532, %eq3A_2520 : vector<16x128xi32>
    %eq3A_2522 = vector.broadcast %slice3A_2507 : vector<16x1xi32> to vector<16x128xi32>
    %eq3A_2523 = arith.cmpi eq, %add3A_1532, %eq3A_2522 : vector<16x128xi32>
    %eq3A_2524 = vector.broadcast %slice3A_2504 : vector<16x1xi32> to vector<16x128xi32>
    %eq3A_2525 = arith.cmpi eq, %add3A_1532, %eq3A_2524 : vector<16x128xi32>
    %eq3A_2526 = vector.broadcast %slice3A_2505 : vector<16x1xi32> to vector<16x128xi32>
    %eq3A_2527 = arith.cmpi eq, %add3A_1532, %eq3A_2526 : vector<16x128xi32>
    %broadcast_in_dim3A_2528 = vector.shape_cast %slice3A_2508 : vector<16x1xi32> to vector<16x1xi32>
    %broadcast_in_dim3A_2529 = vector.broadcast %broadcast_in_dim3A_2528 : vector<16x1xi32> to vector<16x128xi32>
    %select_n3A_2530 = arith.select %eq3A_2527, %broadcast_in_dim3A_2529, %select_n3A_2503 : vector<16x128xi1>, vector<16x128xi32>
    %broadcast_in_dim3A_2531 = vector.shape_cast %slice3A_2509 : vector<16x1xi32> to vector<16x1xi32>
    %broadcast_in_dim3A_2532 = vector.broadcast %broadcast_in_dim3A_2531 : vector<16x1xi32> to vector<16x128xi32>
    %select_n3A_2533 = arith.select %eq3A_2525, %broadcast_in_dim3A_2532, %select_n3A_2530 : vector<16x128xi1>, vector<16x128xi32>
    %broadcast_in_dim3A_2534 = vector.shape_cast %select_n3A_2515 : vector<16x1xi32> to vector<16x1xi32>
    %broadcast_in_dim3A_2535 = vector.broadcast %broadcast_in_dim3A_2534 : vector<16x1xi32> to vector<16x128xi32>
    %select_n3A_2536 = arith.select %eq3A_2523, %broadcast_in_dim3A_2535, %select_n3A_2533 : vector<16x128xi1>, vector<16x128xi32>
    %broadcast_in_dim3A_2537 = vector.shape_cast %select_n3A_2519 : vector<16x1xi32> to vector<16x1xi32>
    %broadcast_in_dim3A_2538 = vector.broadcast %broadcast_in_dim3A_2537 : vector<16x1xi32> to vector<16x128xi32>
    %select_n3A_2539 = arith.select %eq3A_2521, %broadcast_in_dim3A_2538, %select_n3A_2536 : vector<16x128xi1>, vector<16x128xi32>
    %slice3A_2540 = vector.extract_strided_slice %add3A_1532 {offsets = [0, 112], sizes = [16, 1], strides = [1, 1]} : vector<16x128xi32> to vector<16x1xi32>
    %slice3A_2541 = vector.extract_strided_slice %add3A_1532 {offsets = [0, 113], sizes = [16, 1], strides = [1, 1]} : vector<16x128xi32> to vector<16x1xi32>
    %slice3A_2542 = vector.extract_strided_slice %add3A_1532 {offsets = [0, 114], sizes = [16, 1], strides = [1, 1]} : vector<16x128xi32> to vector<16x1xi32>
    %slice3A_2543 = vector.extract_strided_slice %add3A_1532 {offsets = [0, 115], sizes = [16, 1], strides = [1, 1]} : vector<16x128xi32> to vector<16x1xi32>
    %slice3A_2544 = vector.extract_strided_slice %select_n3A_2539 {offsets = [0, 112], sizes = [16, 1], strides = [1, 1]} : vector<16x128xi32> to vector<16x1xi32>
    %slice3A_2545 = vector.extract_strided_slice %select_n3A_2539 {offsets = [0, 113], sizes = [16, 1], strides = [1, 1]} : vector<16x128xi32> to vector<16x1xi32>
    %slice3A_2546 = vector.extract_strided_slice %select_n3A_2539 {offsets = [0, 114], sizes = [16, 1], strides = [1, 1]} : vector<16x128xi32> to vector<16x1xi32>
    %slice3A_2547 = vector.extract_strided_slice %select_n3A_2539 {offsets = [0, 115], sizes = [16, 1], strides = [1, 1]} : vector<16x128xi32> to vector<16x1xi32>
    %eq3A_2548 = arith.cmpi eq, %slice3A_2542, %slice3A_2540 : vector<16x1xi32>
    %eq3A_2549 = arith.cmpi eq, %slice3A_2542, %slice3A_2541 : vector<16x1xi32>
    %select_n3A_2550 = arith.select %eq3A_2549, %slice3A_2544, %slice3A_2546 : vector<16x1xi1>, vector<16x1xi32>
    %select_n3A_2551 = arith.select %eq3A_2548, %slice3A_2545, %select_n3A_2550 : vector<16x1xi1>, vector<16x1xi32>
    %eq3A_2552 = arith.cmpi eq, %slice3A_2543, %slice3A_2540 : vector<16x1xi32>
    %eq3A_2553 = arith.cmpi eq, %slice3A_2543, %slice3A_2541 : vector<16x1xi32>
    %select_n3A_2554 = arith.select %eq3A_2553, %slice3A_2544, %slice3A_2547 : vector<16x1xi1>, vector<16x1xi32>
    %select_n3A_2555 = arith.select %eq3A_2552, %slice3A_2545, %select_n3A_2554 : vector<16x1xi1>, vector<16x1xi32>
    %eq3A_2556 = vector.broadcast %slice3A_2542 : vector<16x1xi32> to vector<16x128xi32>
    %eq3A_2557 = arith.cmpi eq, %add3A_1532, %eq3A_2556 : vector<16x128xi32>
    %eq3A_2558 = vector.broadcast %slice3A_2543 : vector<16x1xi32> to vector<16x128xi32>
    %eq3A_2559 = arith.cmpi eq, %add3A_1532, %eq3A_2558 : vector<16x128xi32>
    %eq3A_2560 = vector.broadcast %slice3A_2540 : vector<16x1xi32> to vector<16x128xi32>
    %eq3A_2561 = arith.cmpi eq, %add3A_1532, %eq3A_2560 : vector<16x128xi32>
    %eq3A_2562 = vector.broadcast %slice3A_2541 : vector<16x1xi32> to vector<16x128xi32>
    %eq3A_2563 = arith.cmpi eq, %add3A_1532, %eq3A_2562 : vector<16x128xi32>
    %broadcast_in_dim3A_2564 = vector.shape_cast %slice3A_2544 : vector<16x1xi32> to vector<16x1xi32>
    %broadcast_in_dim3A_2565 = vector.broadcast %broadcast_in_dim3A_2564 : vector<16x1xi32> to vector<16x128xi32>
    %select_n3A_2566 = arith.select %eq3A_2563, %broadcast_in_dim3A_2565, %select_n3A_2539 : vector<16x128xi1>, vector<16x128xi32>
    %broadcast_in_dim3A_2567 = vector.shape_cast %slice3A_2545 : vector<16x1xi32> to vector<16x1xi32>
    %broadcast_in_dim3A_2568 = vector.broadcast %broadcast_in_dim3A_2567 : vector<16x1xi32> to vector<16x128xi32>
    %select_n3A_2569 = arith.select %eq3A_2561, %broadcast_in_dim3A_2568, %select_n3A_2566 : vector<16x128xi1>, vector<16x128xi32>
    %broadcast_in_dim3A_2570 = vector.shape_cast %select_n3A_2551 : vector<16x1xi32> to vector<16x1xi32>
    %broadcast_in_dim3A_2571 = vector.broadcast %broadcast_in_dim3A_2570 : vector<16x1xi32> to vector<16x128xi32>
    %select_n3A_2572 = arith.select %eq3A_2559, %broadcast_in_dim3A_2571, %select_n3A_2569 : vector<16x128xi1>, vector<16x128xi32>
    %broadcast_in_dim3A_2573 = vector.shape_cast %select_n3A_2555 : vector<16x1xi32> to vector<16x1xi32>
    %broadcast_in_dim3A_2574 = vector.broadcast %broadcast_in_dim3A_2573 : vector<16x1xi32> to vector<16x128xi32>
    %select_n3A_2575 = arith.select %eq3A_2557, %broadcast_in_dim3A_2574, %select_n3A_2572 : vector<16x128xi1>, vector<16x128xi32>
    %slice3A_2576 = vector.extract_strided_slice %add3A_1532 {offsets = [0, 116], sizes = [16, 1], strides = [1, 1]} : vector<16x128xi32> to vector<16x1xi32>
    %slice3A_2577 = vector.extract_strided_slice %add3A_1532 {offsets = [0, 117], sizes = [16, 1], strides = [1, 1]} : vector<16x128xi32> to vector<16x1xi32>
    %slice3A_2578 = vector.extract_strided_slice %add3A_1532 {offsets = [0, 118], sizes = [16, 1], strides = [1, 1]} : vector<16x128xi32> to vector<16x1xi32>
    %slice3A_2579 = vector.extract_strided_slice %add3A_1532 {offsets = [0, 119], sizes = [16, 1], strides = [1, 1]} : vector<16x128xi32> to vector<16x1xi32>
    %slice3A_2580 = vector.extract_strided_slice %select_n3A_2575 {offsets = [0, 116], sizes = [16, 1], strides = [1, 1]} : vector<16x128xi32> to vector<16x1xi32>
    %slice3A_2581 = vector.extract_strided_slice %select_n3A_2575 {offsets = [0, 117], sizes = [16, 1], strides = [1, 1]} : vector<16x128xi32> to vector<16x1xi32>
    %slice3A_2582 = vector.extract_strided_slice %select_n3A_2575 {offsets = [0, 118], sizes = [16, 1], strides = [1, 1]} : vector<16x128xi32> to vector<16x1xi32>
    %slice3A_2583 = vector.extract_strided_slice %select_n3A_2575 {offsets = [0, 119], sizes = [16, 1], strides = [1, 1]} : vector<16x128xi32> to vector<16x1xi32>
    %eq3A_2584 = arith.cmpi eq, %slice3A_2578, %slice3A_2576 : vector<16x1xi32>
    %eq3A_2585 = arith.cmpi eq, %slice3A_2578, %slice3A_2577 : vector<16x1xi32>
    %select_n3A_2586 = arith.select %eq3A_2585, %slice3A_2580, %slice3A_2582 : vector<16x1xi1>, vector<16x1xi32>
    %select_n3A_2587 = arith.select %eq3A_2584, %slice3A_2581, %select_n3A_2586 : vector<16x1xi1>, vector<16x1xi32>
    %eq3A_2588 = arith.cmpi eq, %slice3A_2579, %slice3A_2576 : vector<16x1xi32>
    %eq3A_2589 = arith.cmpi eq, %slice3A_2579, %slice3A_2577 : vector<16x1xi32>
    %select_n3A_2590 = arith.select %eq3A_2589, %slice3A_2580, %slice3A_2583 : vector<16x1xi1>, vector<16x1xi32>
    %select_n3A_2591 = arith.select %eq3A_2588, %slice3A_2581, %select_n3A_2590 : vector<16x1xi1>, vector<16x1xi32>
    %eq3A_2592 = vector.broadcast %slice3A_2578 : vector<16x1xi32> to vector<16x128xi32>
    %eq3A_2593 = arith.cmpi eq, %add3A_1532, %eq3A_2592 : vector<16x128xi32>
    %eq3A_2594 = vector.broadcast %slice3A_2579 : vector<16x1xi32> to vector<16x128xi32>
    %eq3A_2595 = arith.cmpi eq, %add3A_1532, %eq3A_2594 : vector<16x128xi32>
    %eq3A_2596 = vector.broadcast %slice3A_2576 : vector<16x1xi32> to vector<16x128xi32>
    %eq3A_2597 = arith.cmpi eq, %add3A_1532, %eq3A_2596 : vector<16x128xi32>
    %eq3A_2598 = vector.broadcast %slice3A_2577 : vector<16x1xi32> to vector<16x128xi32>
    %eq3A_2599 = arith.cmpi eq, %add3A_1532, %eq3A_2598 : vector<16x128xi32>
    %broadcast_in_dim3A_2600 = vector.shape_cast %slice3A_2580 : vector<16x1xi32> to vector<16x1xi32>
    %broadcast_in_dim3A_2601 = vector.broadcast %broadcast_in_dim3A_2600 : vector<16x1xi32> to vector<16x128xi32>
    %select_n3A_2602 = arith.select %eq3A_2599, %broadcast_in_dim3A_2601, %select_n3A_2575 : vector<16x128xi1>, vector<16x128xi32>
    %broadcast_in_dim3A_2603 = vector.shape_cast %slice3A_2581 : vector<16x1xi32> to vector<16x1xi32>
    %broadcast_in_dim3A_2604 = vector.broadcast %broadcast_in_dim3A_2603 : vector<16x1xi32> to vector<16x128xi32>
    %select_n3A_2605 = arith.select %eq3A_2597, %broadcast_in_dim3A_2604, %select_n3A_2602 : vector<16x128xi1>, vector<16x128xi32>
    %broadcast_in_dim3A_2606 = vector.shape_cast %select_n3A_2587 : vector<16x1xi32> to vector<16x1xi32>
    %broadcast_in_dim3A_2607 = vector.broadcast %broadcast_in_dim3A_2606 : vector<16x1xi32> to vector<16x128xi32>
    %select_n3A_2608 = arith.select %eq3A_2595, %broadcast_in_dim3A_2607, %select_n3A_2605 : vector<16x128xi1>, vector<16x128xi32>
    %broadcast_in_dim3A_2609 = vector.shape_cast %select_n3A_2591 : vector<16x1xi32> to vector<16x1xi32>
    %broadcast_in_dim3A_2610 = vector.broadcast %broadcast_in_dim3A_2609 : vector<16x1xi32> to vector<16x128xi32>
    %select_n3A_2611 = arith.select %eq3A_2593, %broadcast_in_dim3A_2610, %select_n3A_2608 : vector<16x128xi1>, vector<16x128xi32>
    %slice3A_2612 = vector.extract_strided_slice %add3A_1532 {offsets = [0, 120], sizes = [16, 1], strides = [1, 1]} : vector<16x128xi32> to vector<16x1xi32>
    %slice3A_2613 = vector.extract_strided_slice %add3A_1532 {offsets = [0, 121], sizes = [16, 1], strides = [1, 1]} : vector<16x128xi32> to vector<16x1xi32>
    %slice3A_2614 = vector.extract_strided_slice %add3A_1532 {offsets = [0, 122], sizes = [16, 1], strides = [1, 1]} : vector<16x128xi32> to vector<16x1xi32>
    %slice3A_2615 = vector.extract_strided_slice %add3A_1532 {offsets = [0, 123], sizes = [16, 1], strides = [1, 1]} : vector<16x128xi32> to vector<16x1xi32>
    %slice3A_2616 = vector.extract_strided_slice %select_n3A_2611 {offsets = [0, 120], sizes = [16, 1], strides = [1, 1]} : vector<16x128xi32> to vector<16x1xi32>
    %slice3A_2617 = vector.extract_strided_slice %select_n3A_2611 {offsets = [0, 121], sizes = [16, 1], strides = [1, 1]} : vector<16x128xi32> to vector<16x1xi32>
    %slice3A_2618 = vector.extract_strided_slice %select_n3A_2611 {offsets = [0, 122], sizes = [16, 1], strides = [1, 1]} : vector<16x128xi32> to vector<16x1xi32>
    %slice3A_2619 = vector.extract_strided_slice %select_n3A_2611 {offsets = [0, 123], sizes = [16, 1], strides = [1, 1]} : vector<16x128xi32> to vector<16x1xi32>
    %eq3A_2620 = arith.cmpi eq, %slice3A_2614, %slice3A_2612 : vector<16x1xi32>
    %eq3A_2621 = arith.cmpi eq, %slice3A_2614, %slice3A_2613 : vector<16x1xi32>
    %select_n3A_2622 = arith.select %eq3A_2621, %slice3A_2616, %slice3A_2618 : vector<16x1xi1>, vector<16x1xi32>
    %select_n3A_2623 = arith.select %eq3A_2620, %slice3A_2617, %select_n3A_2622 : vector<16x1xi1>, vector<16x1xi32>
    %eq3A_2624 = arith.cmpi eq, %slice3A_2615, %slice3A_2612 : vector<16x1xi32>
    %eq3A_2625 = arith.cmpi eq, %slice3A_2615, %slice3A_2613 : vector<16x1xi32>
    %select_n3A_2626 = arith.select %eq3A_2625, %slice3A_2616, %slice3A_2619 : vector<16x1xi1>, vector<16x1xi32>
    %select_n3A_2627 = arith.select %eq3A_2624, %slice3A_2617, %select_n3A_2626 : vector<16x1xi1>, vector<16x1xi32>
    %eq3A_2628 = vector.broadcast %slice3A_2614 : vector<16x1xi32> to vector<16x128xi32>
    %eq3A_2629 = arith.cmpi eq, %add3A_1532, %eq3A_2628 : vector<16x128xi32>
    %eq3A_2630 = vector.broadcast %slice3A_2615 : vector<16x1xi32> to vector<16x128xi32>
    %eq3A_2631 = arith.cmpi eq, %add3A_1532, %eq3A_2630 : vector<16x128xi32>
    %eq3A_2632 = vector.broadcast %slice3A_2612 : vector<16x1xi32> to vector<16x128xi32>
    %eq3A_2633 = arith.cmpi eq, %add3A_1532, %eq3A_2632 : vector<16x128xi32>
    %eq3A_2634 = vector.broadcast %slice3A_2613 : vector<16x1xi32> to vector<16x128xi32>
    %eq3A_2635 = arith.cmpi eq, %add3A_1532, %eq3A_2634 : vector<16x128xi32>
    %broadcast_in_dim3A_2636 = vector.shape_cast %slice3A_2616 : vector<16x1xi32> to vector<16x1xi32>
    %broadcast_in_dim3A_2637 = vector.broadcast %broadcast_in_dim3A_2636 : vector<16x1xi32> to vector<16x128xi32>
    %select_n3A_2638 = arith.select %eq3A_2635, %broadcast_in_dim3A_2637, %select_n3A_2611 : vector<16x128xi1>, vector<16x128xi32>
    %broadcast_in_dim3A_2639 = vector.shape_cast %slice3A_2617 : vector<16x1xi32> to vector<16x1xi32>
    %broadcast_in_dim3A_2640 = vector.broadcast %broadcast_in_dim3A_2639 : vector<16x1xi32> to vector<16x128xi32>
    %select_n3A_2641 = arith.select %eq3A_2633, %broadcast_in_dim3A_2640, %select_n3A_2638 : vector<16x128xi1>, vector<16x128xi32>
    %broadcast_in_dim3A_2642 = vector.shape_cast %select_n3A_2623 : vector<16x1xi32> to vector<16x1xi32>
    %broadcast_in_dim3A_2643 = vector.broadcast %broadcast_in_dim3A_2642 : vector<16x1xi32> to vector<16x128xi32>
    %select_n3A_2644 = arith.select %eq3A_2631, %broadcast_in_dim3A_2643, %select_n3A_2641 : vector<16x128xi1>, vector<16x128xi32>
    %broadcast_in_dim3A_2645 = vector.shape_cast %select_n3A_2627 : vector<16x1xi32> to vector<16x1xi32>
    %broadcast_in_dim3A_2646 = vector.broadcast %broadcast_in_dim3A_2645 : vector<16x1xi32> to vector<16x128xi32>
    %select_n3A_2647 = arith.select %eq3A_2629, %broadcast_in_dim3A_2646, %select_n3A_2644 : vector<16x128xi1>, vector<16x128xi32>
    %slice3A_2648 = vector.extract_strided_slice %add3A_1532 {offsets = [0, 124], sizes = [16, 1], strides = [1, 1]} : vector<16x128xi32> to vector<16x1xi32>
    %slice3A_2649 = vector.extract_strided_slice %add3A_1532 {offsets = [0, 125], sizes = [16, 1], strides = [1, 1]} : vector<16x128xi32> to vector<16x1xi32>
    %slice3A_2650 = vector.extract_strided_slice %add3A_1532 {offsets = [0, 126], sizes = [16, 1], strides = [1, 1]} : vector<16x128xi32> to vector<16x1xi32>
    %slice3A_2651 = vector.extract_strided_slice %add3A_1532 {offsets = [0, 127], sizes = [16, 1], strides = [1, 1]} : vector<16x128xi32> to vector<16x1xi32>
    %slice3A_2652 = vector.extract_strided_slice %select_n3A_2647 {offsets = [0, 124], sizes = [16, 1], strides = [1, 1]} : vector<16x128xi32> to vector<16x1xi32>
    %slice3A_2653 = vector.extract_strided_slice %select_n3A_2647 {offsets = [0, 125], sizes = [16, 1], strides = [1, 1]} : vector<16x128xi32> to vector<16x1xi32>
    %slice3A_2654 = vector.extract_strided_slice %select_n3A_2647 {offsets = [0, 126], sizes = [16, 1], strides = [1, 1]} : vector<16x128xi32> to vector<16x1xi32>
    %slice3A_2655 = vector.extract_strided_slice %select_n3A_2647 {offsets = [0, 127], sizes = [16, 1], strides = [1, 1]} : vector<16x128xi32> to vector<16x1xi32>
    %eq3A_2656 = arith.cmpi eq, %slice3A_2650, %slice3A_2648 : vector<16x1xi32>
    %eq3A_2657 = arith.cmpi eq, %slice3A_2650, %slice3A_2649 : vector<16x1xi32>
    %select_n3A_2658 = arith.select %eq3A_2657, %slice3A_2652, %slice3A_2654 : vector<16x1xi1>, vector<16x1xi32>
    %select_n3A_2659 = arith.select %eq3A_2656, %slice3A_2653, %select_n3A_2658 : vector<16x1xi1>, vector<16x1xi32>
    %eq3A_2660 = arith.cmpi eq, %slice3A_2651, %slice3A_2648 : vector<16x1xi32>
    %eq3A_2661 = arith.cmpi eq, %slice3A_2651, %slice3A_2649 : vector<16x1xi32>
    %select_n3A_2662 = arith.select %eq3A_2661, %slice3A_2652, %slice3A_2655 : vector<16x1xi1>, vector<16x1xi32>
    %select_n3A_2663 = arith.select %eq3A_2660, %slice3A_2653, %select_n3A_2662 : vector<16x1xi1>, vector<16x1xi32>
    %eq3A_2664 = vector.broadcast %slice3A_2650 : vector<16x1xi32> to vector<16x128xi32>
    %eq3A_2665 = arith.cmpi eq, %add3A_1532, %eq3A_2664 : vector<16x128xi32>
    %eq3A_2666 = vector.broadcast %slice3A_2651 : vector<16x1xi32> to vector<16x128xi32>
    %eq3A_2667 = arith.cmpi eq, %add3A_1532, %eq3A_2666 : vector<16x128xi32>
    %eq3A_2668 = vector.broadcast %slice3A_2648 : vector<16x1xi32> to vector<16x128xi32>
    %eq3A_2669 = arith.cmpi eq, %add3A_1532, %eq3A_2668 : vector<16x128xi32>
    %eq3A_2670 = vector.broadcast %slice3A_2649 : vector<16x1xi32> to vector<16x128xi32>
    %eq3A_2671 = arith.cmpi eq, %add3A_1532, %eq3A_2670 : vector<16x128xi32>
    %broadcast_in_dim3A_2672 = vector.shape_cast %slice3A_2652 : vector<16x1xi32> to vector<16x1xi32>
    %broadcast_in_dim3A_2673 = vector.broadcast %broadcast_in_dim3A_2672 : vector<16x1xi32> to vector<16x128xi32>
    %select_n3A_2674 = arith.select %eq3A_2671, %broadcast_in_dim3A_2673, %select_n3A_2647 : vector<16x128xi1>, vector<16x128xi32>
    %broadcast_in_dim3A_2675 = vector.shape_cast %slice3A_2653 : vector<16x1xi32> to vector<16x1xi32>
    %broadcast_in_dim3A_2676 = vector.broadcast %broadcast_in_dim3A_2675 : vector<16x1xi32> to vector<16x128xi32>
    %select_n3A_2677 = arith.select %eq3A_2669, %broadcast_in_dim3A_2676, %select_n3A_2674 : vector<16x128xi1>, vector<16x128xi32>
    %broadcast_in_dim3A_2678 = vector.shape_cast %select_n3A_2659 : vector<16x1xi32> to vector<16x1xi32>
    %broadcast_in_dim3A_2679 = vector.broadcast %broadcast_in_dim3A_2678 : vector<16x1xi32> to vector<16x128xi32>
    %select_n3A_2680 = arith.select %eq3A_2667, %broadcast_in_dim3A_2679, %select_n3A_2677 : vector<16x128xi1>, vector<16x128xi32>
    %broadcast_in_dim3A_2681 = vector.shape_cast %select_n3A_2663 : vector<16x1xi32> to vector<16x1xi32>
    %broadcast_in_dim3A_2682 = vector.broadcast %broadcast_in_dim3A_2681 : vector<16x1xi32> to vector<16x128xi32>
    %select_n3A_2683 = arith.select %eq3A_2665, %broadcast_in_dim3A_2682, %select_n3A_2680 : vector<16x128xi1>, vector<16x128xi32>
    %swap3A = arith.constant 0 : index
    %swap3A_2684 = arith.constant 0 : index
    %swap3A_2685 = vector.load %arg1[%swap3A, %swap3A_2684] : memref<16x128xi32, #tpu.memory_space<vmem>>, vector<16x128xi32>
    tpu.vector_store %arg1[%swap3A, %swap3A_2684], %add3A_1532 {strides = array<i32>} : memref<16x128xi32, #tpu.memory_space<vmem>>, vector<16x128xi32>,
    %swap3A_2686 = arith.constant 0 : index
    %swap3A_2687 = arith.constant 0 : index
    %swap3A_2688 = vector.load %arg2[%swap3A_2686, %swap3A_2687] : memref<16x128xi32, #tpu.memory_space<vmem>>, vector<16x128xi32>
    tpu.vector_store %arg2[%swap3A_2686, %swap3A_2687], %select_n3A_2683 {strides = array<i32>} : memref<16x128xi32, #tpu.memory_space<vmem>>, vector<16x128xi32>,
    return
  }
}

</mosaic_0001>

<sc_bundles>
// kernel: kernel.4.cloned.1.call-start
scs
__scs_entry_jumppad:
0x0: {  	(pc) =	sbr.rel $0x88, $3  }
0x1: {  	(tag) =	ssettag $0x0;
	lr =	simm.s32 $0x1  }
0x2: {  	[smem:$0x3F9F] =	sst lr;
	_ =	strace $0xD0000000  }
0x3: {  	_ = 	snop  }
0x4: {  	_ = 	snop  }
0x5: {  	_ = 	snop  }
0x6: {  	_ = 	snop  }
0x7: {  	_ = 	snop  }
__scs_overlays_trampoline_lowered:
0x8: {  	[smem:$0x3FAE] =	sst s0  }
0x9: {  	[smem:$0x3FAF] =	sst s1  }
0xa: {  	[smem:$0x3FB0] =	sst s2  }
0xb: {  	[smem:$0x3FB1] =	sst s3  }
0xc: {  	[smem:$0x3FB2] =	sst s4  }
0xd: {  	[smem:$0x3FB3] =	sst s5  }
0xe: {  	[smem:$0x3FB4] =	sst s6  }
0xf: {  	[smem:$0x3FB5] =	sst s7  }
0x10: {  	[smem:$0x3FB6] =	sst s8  }
0x11: {  	[smem:$0x3FB7] =	sst s9;
	s0 =	simm.s32 @!p0 $0x0  }
0x12: {  	s1 =	sld [smem:$0x3F9D];
	s0 =	simm.s32 @p0 $0x1  }
0x13: {  	[smem:$0x3FB8] =	sst s0;
	s0 =	simm.s32 @!p1 $0x0  }
0x14: {  	s2 =	sld [smem:$0x3F9C];
	s0 =	simm.s32 @p1 $0x1  }
0x15: {  	[smem:$0x3FB9] =	sst s0;
	s0 =	simm.s32 @!p2 $0x0  }
0x16: {  	s3 =	sld [smem:$0x3FDB];
	s0 =	simm.s32 @p2 $0x1  }
0x17: {  	s4 =	simm.s32 $0x1BF5;
	[smem:$0x3FBB] =	sst s0  }
0x18: {  	s0 =	sld [smem:$0x3F9E];
	_ =	swait.ge [sflag:s4], $0x0  }
0x19: {  	s7 =	sld [smem:$0x3F9F]  }
0x1a: {  	s8 =	sadd.s32 $0xFFFFE003, lr  }
0x1b: {  	s9 =	sadd.s32 $0xFFFFFEF7, lr;
	s5 =	simm.s32 $0xFFFFFFFF;
	p2 =	slt.u32 s8, $0xFFFFF086  }
0x1c: {  	p1 =	slt.u32 s9, $0xF7A;
	s5 =	simm.s32 @!p2 $0x0  }
0x1d: {  	s5 =	simm.s32 @p1 $0x1;
	p0 =	seq.s32 s7, s2  }
0x1e: {  	s7 =	smul.u32 @!p0 $0xF7A, s2;
	p2 =	seq.s32 @!p0 s5, $0x0  }
0x1f: {  	s9 =	smul.u32 $0xF7A, s1;
	s8 =	simm.s32 @!p0 $0x1BF5;
	p2 =	por !p2, p0  }
0x20: {  	[sflag:s8] =	ssyncset.s32 @!p0 $0xFFFFF086;
	s6 =	sadd.s32 @!p0 s3, s7;
	s7 =	simm.s32 @!p0 $0x108  }
0x21: {  	s3 =	sadd.s32 s3, s9;
	s6 =	sadd.s32 @!p0 $0x88, s6;
	s7 =	simm.s32 @p2 $0x1082  }
0x22: {  	[simem:s7], [sflag:s8] =	dma.local @!p0 [hbm:s6], $0xF7A  }
0x23: {  	s9 =	sor.u32 $0xD0000000, s2;
	s6 =	simm.s32 $0x108;
	_ =	swait.ge @!p0 [sflag:s8], $0x0  }
0x24: {  	s3 =	sadd.s32 $0x88, s3;
	s6 =	simm.s32 @!p1 $0x1082;
	[sflag:s4] =	ssyncset.s32 $0xFFFFF086  }
0x25: {  	[simem:s6], [sflag:s4] =	dma.local [hbm:s3], $0xF7A  }
0x26: {  	[smem:$0x3F9F] =	sst s1;
	(tag) =	ssettag s2;
	_ =	strace s9  }
0x27: {  	s1 =	sld [smem:$0x3FAF]  }
0x28: {  	s2 =	sld [smem:$0x3FB0]  }
0x29: {  	s4 =	sld [smem:$0x3FB2]  }
0x2a: {  	p0 =	seq.s32 s5, $0x0;
	s5 =	sld [smem:$0x3FB3]  }
0x2b: {  	s6 =	sld [smem:$0x3FB4]  }
0x2c: {  	s7 =	sld [smem:$0x3FB5]  }
0x2d: {  	s3 =	simm.s32 $0x108;
	s8 =	sld [smem:$0x3FB6]  }
0x2e: {  	s3 =	simm.s32 @!p0 $0x1082;
	s9 =	sld [smem:$0x3FB7]  }
0x2f: {  	lr =	sadd.s32 s0, s3;
	s0 =	sld [smem:$0x3FAE]  }
0x30: {  	s3 =	sld [smem:$0x3FB1]  }
0x31: {  	[smem:$0x3FBA] =	sst s10  }
0x32: {  	s10 =	sld [smem:$0x3FB8];
	_ =	sdelay $0x3  }
0x33: {  	p0 =	seq.s32 s10, $0x1;
	s10 =	sld [smem:$0x3FBA];
	_ =	sdelay $0x3  }
0x34: {  	[smem:$0x3FBA] =	sst s10  }
0x35: {  	s10 =	sld [smem:$0x3FB9];
	_ =	sdelay $0x3  }
0x36: {  	p1 =	seq.s32 s10, $0x1;
	s10 =	sld [smem:$0x3FBA];
	_ =	sdelay $0x3  }
0x37: {  	[smem:$0x3FBA] =	sst s10  }
0x38: {  	s10 =	sld [smem:$0x3FBB]  }
0x39: {  	_ = 	snop;
	(pc) =	sbr.ind lr, $3  }
0x3a: {  	_ = 	snop  }
0x3b: {  	_ = 	snop  }
0x3c: {  	p2 =	seq.s32 s10, $0x1;
	s10 =	sld [smem:$0x3FBA]  }
0x3d: {  	_ =	shalt  }
0x3e: {  	_ =	shalt  }
0x3f: {  	_ =	shalt  }
0x40: {  	_ =	shalt  }
0x41: {  	_ =	shalt  }
0x42: {  	_ =	shalt  }
0x43: {  	_ =	shalt  }
0x44: {  	_ =	shalt  }
0x45: {  	_ =	shalt  }
0x46: {  	_ =	shalt  }
0x47: {  	_ =	shalt  }
0x48: {  	_ =	shalt  }
0x49: {  	_ =	shalt  }
0x4a: {  	_ =	shalt  }
0x4b: {  	_ =	shalt  }
0x4c: {  	_ =	shalt  }
0x4d: {  	_ =	shalt  }
0x4e: {  	_ =	shalt  }
0x4f: {  	_ =	shalt  }
0x50: {  	_ =	shalt  }
0x51: {  	_ =	shalt  }
0x52: {  	_ =	shalt  }
0x53: {  	_ =	shalt  }
0x54: {  	_ =	shalt  }
0x55: {  	_ =	shalt  }
0x56: {  	_ =	shalt  }
0x57: {  	_ =	shalt  }
0x58: {  	_ =	shalt  }
0x59: {  	_ =	shalt  }
0x5a: {  	_ =	shalt  }
0x5b: {  	_ =	shalt  }
0x5c: {  	_ =	shalt  }
0x5d: {  	_ =	shalt  }
0x5e: {  	_ =	shalt  }
0x5f: {  	_ =	shalt  }
0x60: {  	_ =	shalt  }
0x61: {  	_ =	shalt  }
0x62: {  	_ =	shalt  }
0x63: {  	_ =	shalt  }
0x64: {  	_ =	shalt  }
0x65: {  	_ =	shalt  }
0x66: {  	_ =	shalt  }
0x67: {  	_ =	shalt  }
0x68: {  	_ =	shalt  }
0x69: {  	_ =	shalt  }
0x6a: {  	_ =	shalt  }
0x6b: {  	_ =	shalt  }
0x6c: {  	_ =	shalt  }
0x6d: {  	_ =	shalt  }
0x6e: {  	_ =	shalt  }
0x6f: {  	_ =	shalt  }
0x70: {  	_ =	shalt  }
0x71: {  	_ =	shalt  }
0x72: {  	_ =	shalt  }
0x73: {  	_ =	shalt  }
0x74: {  	_ =	shalt  }
0x75: {  	_ =	shalt  }
0x76: {  	_ =	shalt  }
0x77: {  	_ =	shalt  }
0x78: {  	_ =	shalt  }
0x79: {  	_ =	shalt  }
0x7a: {  	_ =	shalt  }
0x7b: {  	_ =	shalt  }
0x7c: {  	_ =	shalt  }
0x7d: {  	_ =	shalt  }
0x7e: {  	_ =	shalt  }
0x7f: {  	_ =	shalt  }
0x80: {  	_ =	shalt  }
0x81: {  	_ =	shalt  }
0x82: {  	_ =	shalt  }
0x83: {  	_ =	shalt  }
0x84: {  	_ =	shalt  }
0x85: {  	_ =	shalt  }
0x86: {  	_ =	shalt  }
0x87: {  	_ =	shalt  }
.Lfunc_end0:
.L_simem_size_0:
called_computation_lowered:
.L_overlay_start_0:
0x88: {  	s2 =	sld [smem:$0x3FD9]  }
0x89: {  	s3 =	sld [smem:$0x3FFE];
	_ =	sdelay $0x1  }
0x8a: {  	s1 =	srdreg.scid  }
0x8b: {  	s0 =	sand.u32 $0x1, s1  }
0x8c: {  	s17 =	sshll.u32 s0, $0xA;
	s2 =	sadd.s32 s3, s2  }
0x8d: {  	s2 =	sadd.s32 s2, s17  }
0x8e: {  	[smem:$0x3FC6] =	sst s2  }
0x8f: {  	_ = 	snop  }
0x90: {  	s2 =	sld [smem:$0x3FC9]  }
0x91: {  	s18 =	sld [smem:$0x3FD0];
	(tm) =	ssettm $0x1  }
0x92: {  	s4 =	sld [smem:$0x3FFB];
	_ =	sdelay $0x3  }
0x93: {  	_ =	strace s4  }
0x94: {  	s4 =	sld [smem:$0x3FFC];
	_ =	sdelay $0x3  }
0x95: {  	_ =	strace s4  }
0x96: {  	s4 =	sld [smem:$0x3FFD];
	_ =	sdelay $0x3  }
0x97: {  	_ =	strace s4  }
0x98: {  	_ =	strace $0x8FFFFFFF  }
0x99: {  	s19 =	sld [smem:$0x3FDB];
	_ =	sdelay $0x1  }
0x9a: {  	s5 =	simm.s32 $_scs_section_size  }
0x9b: {  	s6 =	simm.s32 $_size__tile_overlayer_lowered;
	s7 =	simm.s32 $_tile_overlayer_lowered  }
0x9c: {  	s22 =	simm.s32 $0x1BFF;
	s21 =	sshll.u32 s7, $0x1;
	s4 =	sadd.s32 s5, s19  }
0x9d: {  	s8 =	simm.s32 $0x0;
	s20 =	sshll.u32 s6, $0x1;
	s6 =	sadd.s32 s21, s4  }
0x9e: {  	[timem:s8], [sflag:s22] =	dma.local [hbm:s6], s20  }
0x9f: {  	_ =	swait.ge [sflag:s22], s20  }
0xa0: {  	s5 =	ssub.s32 $0x0, s20;
	[sflag:s22] =	ssyncset.done $0x0  }
0xa1: {  	[sflag:s22] =	ssyncadd.s32 s5;
	_ =	sdelay $0x1  }
0xa2: {  	s23 =	simm.s32 $0x1B8B  }
0xa3: {  	_ =	swait.ge [sflag:s23], $0x1  }
0xa4: {  	[sflag:s23] =	ssyncset.done $0x0  }
0xa5: {  	s25 =	simm.s32 $0x1B8E;
	s24 =	sld [smem:$0x3FFE];
	[sflag:s23] =	ssyncadd.s32 $0xFFFFFFFF  }
0xa6: {  	s26 =	simm.s32 $execute0_lowered;
	[smem:$0x3FD2] =	sst s25  }
0xa7: {  	s6 =	sshll.u32 s26, $0x1;
	_ =	strace $0x80000046;
	[dreg:$0x1] =	wrdreg $0xFFFFFFFF  }
0xa8: {  	s28 =	simm.s32 $_size_execute0_lowered;
	s4 =	sadd.s32 s4, s6;
	[dreg:$0x0] =	wrdreg $0x0  }
0xa9: {  	s6 =	sshll.u32 s28, $0x1;
	[dreg:$0x2] =	wrdreg s4  }
0xaa: {  	[dreg:$0x3] =	wrdreg s6  }
0xab: {  	[dreg:$0x4] =	wrdreg $0xC0  }
0xac: {  	_ =	task [dreg:s8], $0x5FFFF  }
0xad: {  	[dreg:$0x1] =	wrdreg $0xFFFFFFFF  }
0xae: {  	[dreg:$0x0] =	wrdreg $0x60  }
0xaf: {  	[dreg:$0x2] =	wrdreg s2  }
0xb0: {  	[dreg:$0x3] =	wrdreg s24  }
0xb1: {  	[dreg:$0x4] =	wrdreg s18  }
0xb2: {  	[dreg:$0x5] =	wrdreg $0x0  }
0xb3: {  	[dreg:$0x6] =	wrdreg $0x9  }
0xb4: {  	_ =	task.clear_ibuf [dreg:s8], $0x7FFFF;
	_ =	strace $0x90000046  }
0xb5: {  	s29 =	simm.s32 $0x9;
	_ =	strace $0x80000048  }
0xb6: {  	_ =	swait.ge [sflag:s29], $0x1  }
0xb7: {  	[sflag:s29] =	ssyncadd.s32 $0xFFFFFFFF  }
0xb8: {  	_ =	strace $0x90000048  }
0xb9: {  	_ =	sfence  }
0xba: {  	s30 =	sld [smem:$0x0];
	_ =	sdelay $0x2  }
0xbb: {  	s31 =	sshll.u32 s1, $0xD;
	s1 =	sshrl.u32 s1, $0x2  }
0xbc: {  	s3 =	sand.u32 $0x4000, s31;
	s1 =	sadd.s32 s1, s30  }
0xbd: {  	s0 =	sor.u32 s3, s0;
	s1 =	sshll.u32 s1, $0x11  }
0xbe: {  	s0 =	sor.u32 s1, s0  }
0xbf: {  	s0 =	sadd.s32 $0x8F2B, s0  }
0xc0: {  	[sflag:s0] =	ssyncadd.remote.s32 $0x1  }
0xc1: {  	_ =	sfence.sel $0xFFFF  }
0xc2: {  	[dreg:$0x0] =	wrdreg $0xFFFFFFFF;
	(pc) =	sbr.abs _section_cstart, $3  }
0xc3: {  	[dreg:$0x1] =	wrdreg $0xFFFFFFFF  }
0xc4: {  	_ =	task.clear_ibuf [dreg:s8], $0x2FFFF;
	_ =	strace $0x9FFFFFFF  }
0xc5: {  	(tm) =	ssettm $0x7FFFFFFF  }
tec
execute0_lowered:
.L_overlay_start_1:
0x0: {  	(tag) =	ssettag $0x1  }
0x1: {  	s1 =	rddreg [dreg:$0x0]  }
0x2: {  	s2 =	rddreg [dreg:$0x1]  }
0x3: {  	s0 =	srdreg.scid;
	s3 =	rddreg [dreg:$0x2]  }
0x4: {  	s11 =	stileid.u32;
	s12 =	rddreg [dreg:$0x3]  }
0x5: {  	s4 =	simm.s32 $0x0;
	s30 =	simm.s32 $0xA;
	s28 =	simm.s32 $0x4980  }
0x6: {  	s5 =	sand.u32 $0x1, s0;
	s6 =	sshll.u32 s11, $0xA;
	[smem:$0x7FF] =	sst s4  }
0x7: {  	s9 =	sshll.u32 s11, $0x4;
	s10 =	sshll.u32 s11, $0x6;
	s31 =	sshll.u32 s11, $0x7  }
0x8: {  	s0 =	sshll.u32 s5, $0xE;
	_ =	strace $0x80000047;
	s17 =	sor.u32 $0x1C0D, s10  }
0x9: {  	s21 =	ssub.s32 $0x2, s5;
	s25 =	sadd.s32 s6, s12;
	s7 =	sor.u32 s6, s0  }
0xa: {  	[dreg:$0x6] =	wrdreg s17;
	s8 =	sshrl.u32 s7, $0x3;
	s7 =	sshll.u32 s7, $0x5  }
0xb: {  	[dreg:$0x1b] =	wrdreg s25;
	s8 =	sadd.s32 s8, s2;
	s19 =	sadd.s32 s3, s7  }
0xc: {  	s2 =	sadd.s32 s9, s2;
	s8 =	sadd.s32 $0x1000, s8;
	[dreg:$0x1a] =	wrdreg s19  }
0xd: {  	s12 =	sor.u32 $0x4010, s31;
	s18 =	sadd.s32 $0xC00, s2;
	[dreg:$0x5] =	wrdreg s8  }
0xe: {  	s29 =	sor.u32 $0x4070, s31;
	s2 =	sadd.s32 $0xE00, s2;
	[dreg:$0x7] =	wrdreg s18  }
0xf: {  	s5 =	sshrl.u32 s21, $0x1;
	s20 =	sadd.s32 $0x800, s19;
	[dreg:$0x8] =	wrdreg s2  }
0x10: {  	s6 =	sor.u32 $0x4000, s31;
	s22 =	sadd.s32 $0x1000, s19;
	[dreg:$0x9] =	wrdreg s20  }
0x11: {  	v12 =	vlaneseq.u32;
	s25 =	sor.u32 $0x4050, s31;
	s23 =	sadd.s32 $0x1800, s19;
	[dreg:$0xa] =	wrdreg s22  }
0x12: {  	v9 =	vor.u32 s29, v12;
	s29 =	simm.s32 $0x4;
	s24 =	sadd.s32 $0x2000, s19;
	[dreg:$0xb] =	wrdreg s23  }
0x13: {  	s5 =	ssub.s32 s21, s5;
	s26 =	sadd.s32 $0x2800, s19;
	[dreg:$0xc] =	wrdreg s24  }
0x14: {  	s21 =	sadd.s32 $0x4000, s0;
	s10 =	sadd.s32 $0x3800, s19;
	[dreg:$0xd] =	wrdreg s26  }
0x15: {  	v7 =	vor.u32 s25, v12;
	s25 =	simm.s32 $0x3;
	s11 =	sadd.s32 $0x4000, s19;
	[dreg:$0xf] =	wrdreg s10  }
0x16: {  	s7 =	smax.u32 s5, $0x1;
	s13 =	sadd.s32 $0x4800, s19;
	[dreg:$0x10] =	wrdreg s11  }
0x17: {  	v1 =	vmov s21;
	s21 =	simm.s32 $0xC980;
	s14 =	sadd.s32 $0x5000, s19;
	[dreg:$0x11] =	wrdreg s13  }
0x18: {  	s15 =	sadd.s32 $0x5800, s19;
	s16 =	sadd.s32 $0x6000, s19;
	[dreg:$0x12] =	wrdreg s14  }
0x19: {  	s17 =	sadd.s32 $0x6800, s19;
	s2 =	sadd.s32 $0x3000, s19;
	[dreg:$0x13] =	wrdreg s15  }
0x1a: {  	s22 =	sor.u32 $0x4020, s31;
	s23 =	sor.u32 $0x4030, s31;
	[dreg:$0x14] =	wrdreg s16  }
0x1b: {  	s24 =	sor.u32 $0x4040, s31;
	s26 =	sor.u32 $0x4060, s31;
	[dreg:$0x15] =	wrdreg s17  }
0x1c: {  	s18 =	sadd.s32 $0x7000, s19;
	s19 =	sadd.s32 $0x7800, s19;
	[dreg:$0xe] =	wrdreg s2  }
0x1d: {  	s20 =	simm.s32 $0x80;
	s8 =	simm.s32 $0xD;
	[dreg:$0x16] =	wrdreg s18  }
0x1e: {  	s31 =	simm.s32 $0x480;
	s15 =	simm.s32 $0x1;
	[dreg:$0x17] =	wrdreg s19  }
0x1f: {  	vm0 =	vmmov $0xffff;
	v10 =	vand.u32 $0x7, v12;
	v11 =	vshrl.u32 v12, $0x3;
	s10 =	simm.s32 $0x13180;
	s11 =	simm.s32 $0x13980;
	[dreg:$0x18] =	wrdreg s20  }
0x20: {  	v11 =	vmul.u32 $0x8, v11;
	v0 =	vmov s0;
	v3 =	vor.u32 s12, v12;
	s16 =	simm.s32 $0x16980;
	s17 =	simm.s32 $0x17180;
	[dreg:$0x19] =	wrdreg s31  }
0x21: {  	v4 =	vor.u32 s22, v12;
	v5 =	vor.u32 s23, v12;
	s22 =	simm.s32 $0x7;
	s23 =	simm.s32 $0x2;
	v6 =	vor.u32 s24, v12;
	s24 =	simm.s32 $0x8  }
0x22: {  	v2 =	vor.u32 s6, v12;
	v8 =	vor.u32 s26, v12;
	s26 =	simm.s32 $0x9;
	v12 =	vor.u32 $0x8, v12;
	s18 =	simm.s32 $0x17980;
	s19 =	simm.s32 $0x18180  }
.LBB2_1:
0x23: {  	s9 =	rddreg [dreg:$0x5]  }
0x24: {  	s6 =	rddreg [dreg:$0x1b]  }
0x25: {  	s5 =	rddreg [dreg:$0x6];
	s12 =	sshrl.u32 s6, $0x3  }
0x26: {  	[spmem:s12], [sflag:s5] =	dma.local [hbm:s9], $0x80  }
0x27: {  	_ =	swait.ge [sflag:s8], $0x80  }
0x28: {  	[sflag:s8] =	ssyncset.done $0x0  }
0x29: {  	s31 =	simm.s32 $0x880;
	s20 =	rddreg [dreg:$0x7];
	[sflag:s8] =	ssyncadd.s32 $0xFFFFFF80  }
0x2a: {  	[tilespmem:s31], [sflag:$0xD] =	stream.linear.gather [hbm4b:s20+s4], $0x80, $0x38;
	[tilespmem:$0x18980] =	vst v63  }
0x2b: {  	_ =	swait.ge [sflag:s8], $0x80  }
0x2c: {  	[sflag:s8] =	ssyncset.done $0x0  }
0x2d: {  	s13 =	simm.s32 $0x900;
	s0 =	rddreg [dreg:$0x8];
	[sflag:s8] =	ssyncadd.s32 $0xFFFFFF80  }
0x2e: {  	[tilespmem:s13], [sflag:$0xD] =	stream.linear.gather [hbm4b:s0+s4], $0x80, $0x38;
	[tilespmem:$0x18980] =	vst v63  }
0x2f: {  	_ =	swait.ge [sflag:s8], $0x80  }
0x30: {  	[sflag:s8] =	ssyncset.done $0x0  }
0x31: {  	[sflag:s8] =	ssyncadd.s32 $0xFFFFFF80  }
0x32: {  	v13 =	vld [tilespmem:$0x880]  }
0x33: {  	v14 =	vld [tilespmem:$0x900]  }
0x34: {  	v15 =	vld [tilespmem:$0x890]  }
0x35: {  	v16 =	vld [tilespmem:$0x910]  }
0x36: {  	v17 =	vld [tilespmem:$0x8A0]  }
0x37: {  	v18 =	vld [tilespmem:$0x920]  }
0x38: {  	v20 =	vld [tilespmem:$0x8D0]  }
0x39: {  	v21 =	vld [tilespmem:$0x950]  }
0x3a: {  	vm1 =	vge.s32 v13, v0  }
0x3b: {  	vm2 =	vlt.s32 v13, v1;
	vm3 =	vlt.s32 v15, v1;
	vm4 =	vlt.s32 v17, v1  }
0x3c: {  	vm13 =	vne.s32 v17, v18;
	vm1 =	vmand vm1, vm2;
	vm2 =	vne.s32 v13, v14  }
0x3d: {  	vm14 =	vlt.s32 v20, v1;
	v14 =	vld [tilespmem:$0x8B0];
	vm1 =	vmand vm1, vm2;
	vm2 =	vge.s32 v15, v0  }
0x3e: {  	v59 =	vld [tilespmem:$0x930];
	vm15 =	vne.s32 v20, v21;
	vm2 =	vmand vm2, vm3;
	vm3 =	vne.s32 v15, v16  }
0x3f: {  	v19 =	vld [tilespmem:$0x8C0];
	v13 =	vsub.s32 v13, v0;
	vm2 =	vmand vm2, vm3;
	vm3 =	vge.s32 v17, v0  }
0x40: {  	v60 =	vld [tilespmem:$0x940];
	v15 =	vsub.s32 v15, v0;
	v13 =	vsel vm1, v13, v2;
	vm3 =	vmand vm3, vm4  }
0x41: {  	v17 =	vsub.s32 v17, v0;
	v15 =	vsel vm2, v15, v3;
	vm1 =	vmand vm3, vm13  }
0x42: {  	vm2 =	vge.s32 v14, v0;
	vm3 =	vlt.s32 v14, v1;
	[tilespmem:$0x890] =	vst v15;
	v15 =	vsub.s32 v20, v0  }
0x43: {  	v61 =	vld [tilespmem:$0x8E0];
	v17 =	vsel vm1, v17, v4;
	vm1 =	vmand vm2, vm3;
	vm2 =	vne.s32 v14, v59  }
0x44: {  	v62 =	vld [tilespmem:$0x960];
	vm3 =	vlt.s32 v19, v1;
	vm1 =	vmand vm1, vm2;
	vm2 =	vge.s32 v19, v0  }
0x45: {  	v22 =	vld [tilespmem:$0x8F0];
	v14 =	vsub.s32 v14, v0;
	vm2 =	vmand vm2, vm3;
	vm3 =	vne.s32 v19, v60  }
0x46: {  	v63 =	vld [tilespmem:$0x970];
	v19 =	vsub.s32 v19, v0;
	vm2 =	vmand vm2, vm3;
	vm3 =	vge.s32 v20, v0  }
0x47: {  	[tilespmem:$0x880] =	vst v13;
	v14 =	vsel vm1, v14, v5;
	vm3 =	vmand vm3, vm14;
	v13 =	vsel vm2, v19, v6  }
0x48: {  	vm2 =	vge.s32 v61, v0;
	vm1 =	vmand vm3, vm15;
	vm3 =	vlt.s32 v61, v1  }
0x49: {  	[tilespmem:$0x8A0] =	vst v17;
	v15 =	vsel vm1, v15, v7;
	vm1 =	vne.s32 v61, v62;
	vm2 =	vmand vm2, vm3  }
0x4a: {  	[tilespmem:$0x8B0] =	vst v14;
	vm3 =	vlt.s32 v22, v1;
	vm1 =	vmand vm2, vm1;
	vm2 =	vge.s32 v22, v0  }
0x4b: {  	[tilespmem:$0x8C0] =	vst v13;
	v13 =	vsub.s32 v61, v0;
	vm2 =	vmand vm2, vm3;
	vm3 =	vne.s32 v22, v63  }
0x4c: {  	v14 =	vsub.s32 v22, v0;
	[tilespmem:$0x8D0] =	vst v15;
	v13 =	vsel vm1, v13, v8;
	vm1 =	vmand vm2, vm3  }
0x4d: {  	[tilespmem:$0x8E0] =	vst v13;
	v13 =	vsel vm1, v14, v9  }
0x4e: {  	[tilespmem:$0x8F0] =	vst v13  }
0x4f: {  	[bflag:$0x0] =	sbarrier.arrive $0xFFFF  }
0x50: {  	s2 =	rddreg [dreg:$0x18]  }
0x51: {  	s3 =	rddreg [dreg:$0x3]  }
0x52: {  	[spmem:s3] =	stream.indirect.scatter [tilespmem:s13], [sflag:$0xD], $0x1, s31, s2, $0xb8;
	[tilespmem:$0x18980] =	vst v63  }
0x53: {  	_ =	swait.ge [sflag:s8], $0x80  }
0x54: {  	[sflag:s8] =	ssyncset.done $0x0  }
0x55: {  	[sflag:s8] =	ssyncadd.s32 $0xFFFFFF80  }
0x56: {  	[bflag:$0x0] =	sbarrier.arrive $0xFFFF  }
0x57: {  	s9 =	rddreg [dreg:$0x19]  }
0x58: {  	[tilespmem:s9], [sflag:$0xD] =	stream.linear.gather [spmem:s6], $0x400, $0x38;
	[tilespmem:$0x18980] =	vst v63  }
0x59: {  	_ =	swait.ge [sflag:s8], $0x400  }
0x5a: {  	[sflag:s8] =	ssyncset.done $0x0  }
0x5b: {  	[sflag:s8] =	ssyncadd.s32 $0xFFFFFC00  }
0x5c: {  	v13 =	vld [tilespmem:$0x480];
	_ =	sdelay $0x4  }
0x5d: {  	v14 =	vshll.u32 v13, $0x1  }
0x5e: {  	v13 =	vand.u32 $0x7, v13;
	v14 =	vand.u32 $0xFFFFFFF0, v14  }
0x5f: {  	v13 =	vor.u32 v13, v14  }
0x60: {  	v14 =	vperm.xlane v13, v10;
	_ =	sdelay $0x1  }
0x61: {  	v13 =	vperm.xlane v13, v12;
	v14 =	vadd.s32 v11, v14;
	_ =	sdelay $0x1  }
0x62: {  	v13 =	vadd.s32 v11, v13;
	_ =	sdelay $0x1  }
0x63: {  	s0 =	simm.s32 $0x980  }
0x64: {  	[tilespmem:s0], [sflag:$0x1] =	stream.indirect_vreg.gather [hbm4b:s1+s4], $0x80, v14, vm0, $0xb8;
	[tilespmem:$0x18980] =	vst v63  }
0x65: {  	s12 =	simm.s32 $0x1180  }
0x66: {  	[tilespmem:s12], [sflag:$0x1] =	stream.indirect_vreg.gather [hbm4b:s1+s4], $0x80, v13, vm0, $0xb8;
	[tilespmem:$0x18980] =	vst v63  }
0x67: {  	v13 =	vld [tilespmem:$0x490];
	_ =	sdelay $0x4  }
0x68: {  	v14 =	vshll.u32 v13, $0x1  }
0x69: {  	v13 =	vand.u32 $0x7, v13;
	v14 =	vand.u32 $0xFFFFFFF0, v14  }
0x6a: {  	v13 =	vor.u32 v13, v14  }
0x6b: {  	v14 =	vperm.xlane v13, v10;
	_ =	sdelay $0x1  }
0x6c: {  	v13 =	vperm.xlane v13, v12;
	v14 =	vadd.s32 v11, v14;
	_ =	sdelay $0x1  }
0x6d: {  	v13 =	vadd.s32 v11, v13;
	_ =	sdelay $0x1  }
0x6e: {  	s13 =	simm.s32 $0x1980  }
0x6f: {  	[tilespmem:s13], [sflag:$0x1] =	stream.indirect_vreg.gather [hbm4b:s1+s4], $0x80, v14, vm0, $0xb8;
	[tilespmem:$0x18980] =	vst v63  }
0x70: {  	s31 =	simm.s32 $0x2180  }
0x71: {  	[tilespmem:s31], [sflag:$0x1] =	stream.indirect_vreg.gather [hbm4b:s1+s4], $0x80, v13, vm0, $0xb8;
	[tilespmem:$0x18980] =	vst v63  }
0x72: {  	v13 =	vld [tilespmem:$0x4A0];
	_ =	sdelay $0x4  }
0x73: {  	v14 =	vshll.u32 v13, $0x1  }
0x74: {  	v13 =	vand.u32 $0x7, v13;
	v14 =	vand.u32 $0xFFFFFFF0, v14  }
0x75: {  	v13 =	vor.u32 v13, v14  }
0x76: {  	v14 =	vperm.xlane v13, v10;
	_ =	sdelay $0x1  }
0x77: {  	v13 =	vperm.xlane v13, v12;
	v14 =	vadd.s32 v11, v14;
	_ =	sdelay $0x1  }
0x78: {  	v13 =	vadd.s32 v11, v13;
	_ =	sdelay $0x1  }
0x79: {  	s2 =	simm.s32 $0x2980  }
0x7a: {  	[tilespmem:s2], [sflag:$0x1] =	stream.indirect_vreg.gather [hbm4b:s1+s4], $0x80, v14, vm0, $0xb8;
	[tilespmem:$0x18980] =	vst v63  }
0x7b: {  	s3 =	simm.s32 $0x3180  }
0x7c: {  	[tilespmem:s3], [sflag:$0x1] =	stream.indirect_vreg.gather [hbm4b:s1+s4], $0x80, v13, vm0, $0xb8;
	[tilespmem:$0x18980] =	vst v63  }
0x7d: {  	v13 =	vld [tilespmem:$0x4B0];
	_ =	sdelay $0x4  }
0x7e: {  	v14 =	vshll.u32 v13, $0x1  }
0x7f: {  	v13 =	vand.u32 $0x7, v13;
	v14 =	vand.u32 $0xFFFFFFF0, v14  }
0x80: {  	v13 =	vor.u32 v13, v14  }
0x81: {  	v14 =	vperm.xlane v13, v10;
	_ =	sdelay $0x1  }
0x82: {  	v13 =	vperm.xlane v13, v12;
	v14 =	vadd.s32 v11, v14;
	_ =	sdelay $0x1  }
0x83: {  	v13 =	vadd.s32 v11, v13;
	_ =	sdelay $0x1  }
0x84: {  	s5 =	simm.s32 $0x3980  }
0x85: {  	[tilespmem:s5], [sflag:$0x1] =	stream.indirect_vreg.gather [hbm4b:s1+s4], $0x80, v14, vm0, $0xb8;
	[tilespmem:$0x18980] =	vst v63  }
0x86: {  	s6 =	simm.s32 $0x4180  }
0x87: {  	[tilespmem:s6], [sflag:$0x1] =	stream.indirect_vreg.gather [hbm4b:s1+s4], $0x80, v13, vm0, $0xb8;
	[tilespmem:$0x18980] =	vst v63  }
0x88: {  	v13 =	vld [tilespmem:$0x4C0];
	_ =	sdelay $0x4  }
0x89: {  	v14 =	vshll.u32 v13, $0x1  }
0x8a: {  	v13 =	vand.u32 $0x7, v13;
	v14 =	vand.u32 $0xFFFFFFF0, v14  }
0x8b: {  	v13 =	vor.u32 v13, v14  }
0x8c: {  	v14 =	vperm.xlane v13, v10;
	_ =	sdelay $0x1  }
0x8d: {  	v13 =	vperm.xlane v13, v12;
	v14 =	vadd.s32 v11, v14;
	_ =	sdelay $0x1  }
0x8e: {  	v13 =	vadd.s32 v11, v13;
	_ =	sdelay $0x2  }
0x8f: {  	[tilespmem:s28], [sflag:$0x2] =	stream.indirect_vreg.gather [hbm4b:s1+s4], $0x80, v14, vm0, $0xb8;
	[tilespmem:$0x18980] =	vst v63  }
0x90: {  	s9 =	simm.s32 $0x5180  }
0x91: {  	[tilespmem:s9], [sflag:$0x2] =	stream.indirect_vreg.gather [hbm4b:s1+s4], $0x80, v13, vm0, $0xb8;
	[tilespmem:$0x18980] =	vst v63  }
0x92: {  	v13 =	vld [tilespmem:$0x4D0];
	_ =	sdelay $0x4  }
0x93: {  	v14 =	vshll.u32 v13, $0x1  }
0x94: {  	v13 =	vand.u32 $0x7, v13;
	v14 =	vand.u32 $0xFFFFFFF0, v14  }
0x95: {  	v13 =	vor.u32 v13, v14  }
0x96: {  	v14 =	vperm.xlane v13, v10;
	_ =	sdelay $0x1  }
0x97: {  	v13 =	vperm.xlane v13, v12;
	v14 =	vadd.s32 v11, v14;
	_ =	sdelay $0x1  }
0x98: {  	v13 =	vadd.s32 v11, v13;
	_ =	sdelay $0x1  }
0x99: {  	s12 =	simm.s32 $0x5980  }
0x9a: {  	[tilespmem:s12], [sflag:$0x2] =	stream.indirect_vreg.gather [hbm4b:s1+s4], $0x80, v14, vm0, $0xb8;
	[tilespmem:$0x18980] =	vst v63  }
0x9b: {  	s13 =	simm.s32 $0x6180  }
0x9c: {  	[tilespmem:s13], [sflag:$0x2] =	stream.indirect_vreg.gather [hbm4b:s1+s4], $0x80, v13, vm0, $0xb8;
	[tilespmem:$0x18980] =	vst v63  }
0x9d: {  	v13 =	vld [tilespmem:$0x4E0];
	_ =	sdelay $0x4  }
0x9e: {  	v14 =	vshll.u32 v13, $0x1  }
0x9f: {  	v13 =	vand.u32 $0x7, v13;
	v14 =	vand.u32 $0xFFFFFFF0, v14  }
0xa0: {  	v13 =	vor.u32 v13, v14  }
0xa1: {  	v14 =	vperm.xlane v13, v10;
	_ =	sdelay $0x1  }
0xa2: {  	v13 =	vperm.xlane v13, v12;
	v14 =	vadd.s32 v11, v14;
	_ =	sdelay $0x1  }
0xa3: {  	v13 =	vadd.s32 v11, v13;
	_ =	sdelay $0x1  }
0xa4: {  	s2 =	simm.s32 $0x6980  }
0xa5: {  	[tilespmem:s2], [sflag:$0x2] =	stream.indirect_vreg.gather [hbm4b:s1+s4], $0x80, v14, vm0, $0xb8;
	[tilespmem:$0x18980] =	vst v63  }
0xa6: {  	s3 =	simm.s32 $0x7180  }
0xa7: {  	[tilespmem:s3], [sflag:$0x2] =	stream.indirect_vreg.gather [hbm4b:s1+s4], $0x80, v13, vm0, $0xb8;
	[tilespmem:$0x18980] =	vst v63  }
0xa8: {  	v13 =	vld [tilespmem:$0x4F0];
	_ =	sdelay $0x4  }
0xa9: {  	v14 =	vshll.u32 v13, $0x1  }
0xaa: {  	v13 =	vand.u32 $0x7, v13;
	v14 =	vand.u32 $0xFFFFFFF0, v14  }
0xab: {  	v13 =	vor.u32 v13, v14  }
0xac: {  	v14 =	vperm.xlane v13, v10;
	_ =	sdelay $0x1  }
0xad: {  	v13 =	vperm.xlane v13, v12;
	v14 =	vadd.s32 v11, v14;
	_ =	sdelay $0x1  }
0xae: {  	v13 =	vadd.s32 v11, v13;
	_ =	sdelay $0x1  }
0xaf: {  	s5 =	simm.s32 $0x7980  }
0xb0: {  	[tilespmem:s5], [sflag:$0x2] =	stream.indirect_vreg.gather [hbm4b:s1+s4], $0x80, v14, vm0, $0xb8;
	[tilespmem:$0x18980] =	vst v63  }
0xb1: {  	s6 =	simm.s32 $0x8180  }
0xb2: {  	[tilespmem:s6], [sflag:$0x2] =	stream.indirect_vreg.gather [hbm4b:s1+s4], $0x80, v13, vm0, $0xb8;
	[tilespmem:$0x18980] =	vst v63  }
0xb3: {  	v13 =	vld [tilespmem:$0x500];
	_ =	sdelay $0x4  }
0xb4: {  	v14 =	vshll.u32 v13, $0x1  }
0xb5: {  	v13 =	vand.u32 $0x7, v13;
	v14 =	vand.u32 $0xFFFFFFF0, v14  }
0xb6: {  	v13 =	vor.u32 v13, v14  }
0xb7: {  	v14 =	vperm.xlane v13, v10;
	_ =	sdelay $0x1  }
0xb8: {  	v13 =	vperm.xlane v13, v12;
	v14 =	vadd.s32 v11, v14;
	_ =	sdelay $0x1  }
0xb9: {  	v13 =	vadd.s32 v11, v13;
	_ =	sdelay $0x1  }
0xba: {  	s0 =	simm.s32 $0x8980  }
0xbb: {  	[tilespmem:s0], [sflag:$0x3] =	stream.indirect_vreg.gather [hbm4b:s1+s4], $0x80, v14, vm0, $0xb8;
	[tilespmem:$0x18980] =	vst v63  }
0xbc: {  	s2 =	simm.s32 $0x9180  }
0xbd: {  	[tilespmem:s2], [sflag:$0x3] =	stream.indirect_vreg.gather [hbm4b:s1+s4], $0x80, v13, vm0, $0xb8;
	[tilespmem:$0x18980] =	vst v63  }
0xbe: {  	v13 =	vld [tilespmem:$0x510];
	_ =	sdelay $0x4  }
0xbf: {  	v14 =	vshll.u32 v13, $0x1  }
0xc0: {  	v13 =	vand.u32 $0x7, v13;
	v14 =	vand.u32 $0xFFFFFFF0, v14  }
0xc1: {  	v13 =	vor.u32 v13, v14  }
0xc2: {  	v14 =	vperm.xlane v13, v10;
	_ =	sdelay $0x1  }
0xc3: {  	v13 =	vperm.xlane v13, v12;
	v14 =	vadd.s32 v11, v14;
	_ =	sdelay $0x1  }
0xc4: {  	v13 =	vadd.s32 v11, v13;
	_ =	sdelay $0x1  }
0xc5: {  	s9 =	simm.s32 $0x9980  }
0xc6: {  	[tilespmem:s9], [sflag:$0x3] =	stream.indirect_vreg.gather [hbm4b:s1+s4], $0x80, v14, vm0, $0xb8;
	[tilespmem:$0x18980] =	vst v63  }
0xc7: {  	s12 =	simm.s32 $0xA180  }
0xc8: {  	[tilespmem:s12], [sflag:$0x3] =	stream.indirect_vreg.gather [hbm4b:s1+s4], $0x80, v13, vm0, $0xb8;
	[tilespmem:$0x18980] =	vst v63  }
0xc9: {  	v13 =	vld [tilespmem:$0x520];
	_ =	sdelay $0x4  }
0xca: {  	v14 =	vshll.u32 v13, $0x1  }
0xcb: {  	v13 =	vand.u32 $0x7, v13;
	v14 =	vand.u32 $0xFFFFFFF0, v14  }
0xcc: {  	v13 =	vor.u32 v13, v14  }
0xcd: {  	v14 =	vperm.xlane v13, v10;
	_ =	sdelay $0x1  }
0xce: {  	v13 =	vperm.xlane v13, v12;
	v14 =	vadd.s32 v11, v14;
	_ =	sdelay $0x1  }
0xcf: {  	v13 =	vadd.s32 v11, v13;
	_ =	sdelay $0x1  }
0xd0: {  	s13 =	simm.s32 $0xA980  }
0xd1: {  	[tilespmem:s13], [sflag:$0x3] =	stream.indirect_vreg.gather [hbm4b:s1+s4], $0x80, v14, vm0, $0xb8;
	[tilespmem:$0x18980] =	vst v63  }
0xd2: {  	s3 =	simm.s32 $0xB180  }
0xd3: {  	[tilespmem:s3], [sflag:$0x3] =	stream.indirect_vreg.gather [hbm4b:s1+s4], $0x80, v13, vm0, $0xb8;
	[tilespmem:$0x18980] =	vst v63  }
0xd4: {  	v13 =	vld [tilespmem:$0x530];
	_ =	sdelay $0x4  }
0xd5: {  	v14 =	vshll.u32 v13, $0x1  }
0xd6: {  	v13 =	vand.u32 $0x7, v13;
	v14 =	vand.u32 $0xFFFFFFF0, v14  }
0xd7: {  	v13 =	vor.u32 v13, v14  }
0xd8: {  	v14 =	vperm.xlane v13, v10;
	_ =	sdelay $0x1  }
0xd9: {  	v13 =	vperm.xlane v13, v12;
	v14 =	vadd.s32 v11, v14;
	_ =	sdelay $0x1  }
0xda: {  	v13 =	vadd.s32 v11, v13;
	_ =	sdelay $0x1  }
0xdb: {  	s5 =	simm.s32 $0xB980  }
0xdc: {  	[tilespmem:s5], [sflag:$0x3] =	stream.indirect_vreg.gather [hbm4b:s1+s4], $0x80, v14, vm0, $0xb8;
	[tilespmem:$0x18980] =	vst v63  }
0xdd: {  	s6 =	simm.s32 $0xC180  }
0xde: {  	[tilespmem:s6], [sflag:$0x3] =	stream.indirect_vreg.gather [hbm4b:s1+s4], $0x80, v13, vm0, $0xb8;
	[tilespmem:$0x18980] =	vst v63  }
0xdf: {  	v13 =	vld [tilespmem:$0x540];
	_ =	sdelay $0x4  }
0xe0: {  	v14 =	vshll.u32 v13, $0x1  }
0xe1: {  	v13 =	vand.u32 $0x7, v13;
	v14 =	vand.u32 $0xFFFFFFF0, v14  }
0xe2: {  	v13 =	vor.u32 v13, v14  }
0xe3: {  	v14 =	vperm.xlane v13, v10;
	_ =	sdelay $0x1  }
0xe4: {  	v13 =	vperm.xlane v13, v12;
	v14 =	vadd.s32 v11, v14;
	_ =	sdelay $0x1  }
0xe5: {  	v13 =	vadd.s32 v11, v13;
	_ =	sdelay $0x2  }
0xe6: {  	[tilespmem:s21], [sflag:$0x4] =	stream.indirect_vreg.gather [hbm4b:s1+s4], $0x80, v14, vm0, $0xb8;
	[tilespmem:$0x18980] =	vst v63  }
0xe7: {  	s9 =	simm.s32 $0xD180  }
0xe8: {  	[tilespmem:s9], [sflag:$0x4] =	stream.indirect_vreg.gather [hbm4b:s1+s4], $0x80, v13, vm0, $0xb8;
	[tilespmem:$0x18980] =	vst v63  }
0xe9: {  	v13 =	vld [tilespmem:$0x550];
	_ =	sdelay $0x4  }
0xea: {  	v14 =	vshll.u32 v13, $0x1  }
0xeb: {  	v13 =	vand.u32 $0x7, v13;
	v14 =	vand.u32 $0xFFFFFFF0, v14  }
0xec: {  	v13 =	vor.u32 v13, v14  }
0xed: {  	v14 =	vperm.xlane v13, v10;
	_ =	sdelay $0x1  }
0xee: {  	v13 =	vperm.xlane v13, v12;
	v14 =	vadd.s32 v11, v14;
	_ =	sdelay $0x1  }
0xef: {  	v13 =	vadd.s32 v11, v13;
	_ =	sdelay $0x1  }
0xf0: {  	s12 =	simm.s32 $0xD980  }
0xf1: {  	[tilespmem:s12], [sflag:$0x4] =	stream.indirect_vreg.gather [hbm4b:s1+s4], $0x80, v14, vm0, $0xb8;
	[tilespmem:$0x18980] =	vst v63  }
0xf2: {  	s13 =	simm.s32 $0xE180  }
0xf3: {  	[tilespmem:s13], [sflag:$0x4] =	stream.indirect_vreg.gather [hbm4b:s1+s4], $0x80, v13, vm0, $0xb8;
	[tilespmem:$0x18980] =	vst v63  }
0xf4: {  	v13 =	vld [tilespmem:$0x560];
	_ =	sdelay $0x4  }
0xf5: {  	v14 =	vshll.u32 v13, $0x1  }
0xf6: {  	v13 =	vand.u32 $0x7, v13;
	v14 =	vand.u32 $0xFFFFFFF0, v14  }
0xf7: {  	v13 =	vor.u32 v13, v14  }
0xf8: {  	v14 =	vperm.xlane v13, v10;
	_ =	sdelay $0x1  }
0xf9: {  	v13 =	vperm.xlane v13, v12;
	v14 =	vadd.s32 v11, v14;
	_ =	sdelay $0x1  }
0xfa: {  	v13 =	vadd.s32 v11, v13;
	_ =	sdelay $0x1  }
0xfb: {  	s3 =	simm.s32 $0xE980  }
0xfc: {  	[tilespmem:s3], [sflag:$0x4] =	stream.indirect_vreg.gather [hbm4b:s1+s4], $0x80, v14, vm0, $0xb8;
	[tilespmem:$0x18980] =	vst v63  }
0xfd: {  	s5 =	simm.s32 $0xF180  }
0xfe: {  	[tilespmem:s5], [sflag:$0x4] =	stream.indirect_vreg.gather [hbm4b:s1+s4], $0x80, v13, vm0, $0xb8;
	[tilespmem:$0x18980] =	vst v63  }
0xff: {  	v13 =	vld [tilespmem:$0x570];
	_ =	sdelay $0x4  }
0x100: {  	v14 =	vshll.u32 v13, $0x1  }
0x101: {  	v13 =	vand.u32 $0x7, v13;
	v14 =	vand.u32 $0xFFFFFFF0, v14  }
0x102: {  	v13 =	vor.u32 v13, v14  }
0x103: {  	v14 =	vperm.xlane v13, v10;
	_ =	sdelay $0x1  }
0x104: {  	v13 =	vperm.xlane v13, v12;
	v14 =	vadd.s32 v11, v14;
	_ =	sdelay $0x1  }
0x105: {  	v13 =	vadd.s32 v11, v13;
	_ =	sdelay $0x1  }
0x106: {  	s6 =	simm.s32 $0xF980  }
0x107: {  	[tilespmem:s6], [sflag:$0x4] =	stream.indirect_vreg.gather [hbm4b:s1+s4], $0x80, v14, vm0, $0xb8;
	[tilespmem:$0x18980] =	vst v63  }
0x108: {  	s9 =	simm.s32 $0x10180  }
0x109: {  	[tilespmem:s9], [sflag:$0x4] =	stream.indirect_vreg.gather [hbm4b:s1+s4], $0x80, v13, vm0, $0xb8;
	[tilespmem:$0x18980] =	vst v63  }
0x10a: {  	v13 =	vld [tilespmem:$0x580];
	_ =	sdelay $0x4  }
0x10b: {  	v14 =	vshll.u32 v13, $0x1  }
0x10c: {  	v13 =	vand.u32 $0x7, v13;
	v14 =	vand.u32 $0xFFFFFFF0, v14  }
0x10d: {  	v13 =	vor.u32 v13, v14  }
0x10e: {  	v14 =	vperm.xlane v13, v10;
	_ =	sdelay $0x1  }
0x10f: {  	v13 =	vperm.xlane v13, v12;
	v14 =	vadd.s32 v11, v14;
	_ =	sdelay $0x1  }
0x110: {  	v13 =	vadd.s32 v11, v13;
	_ =	sdelay $0x1  }
0x111: {  	s12 =	simm.s32 $0x10980  }
0x112: {  	[tilespmem:s12], [sflag:$0x5] =	stream.indirect_vreg.gather [hbm4b:s1+s4], $0x80, v14, vm0, $0xb8;
	[tilespmem:$0x18980] =	vst v63  }
0x113: {  	s2 =	simm.s32 $0x11180  }
0x114: {  	[tilespmem:s2], [sflag:$0x5] =	stream.indirect_vreg.gather [hbm4b:s1+s4], $0x80, v13, vm0, $0xb8;
	[tilespmem:$0x18980] =	vst v63  }
0x115: {  	v13 =	vld [tilespmem:$0x590];
	_ =	sdelay $0x4  }
0x116: {  	v14 =	vshll.u32 v13, $0x1  }
0x117: {  	v13 =	vand.u32 $0x7, v13;
	v14 =	vand.u32 $0xFFFFFFF0, v14  }
0x118: {  	v13 =	vor.u32 v13, v14  }
0x119: {  	v14 =	vperm.xlane v13, v10;
	_ =	sdelay $0x1  }
0x11a: {  	v13 =	vperm.xlane v13, v12;
	v14 =	vadd.s32 v11, v14;
	_ =	sdelay $0x1  }
0x11b: {  	v13 =	vadd.s32 v11, v13;
	_ =	sdelay $0x1  }
0x11c: {  	s3 =	simm.s32 $0x11980  }
0x11d: {  	[tilespmem:s3], [sflag:$0x5] =	stream.indirect_vreg.gather [hbm4b:s1+s4], $0x80, v14, vm0, $0xb8;
	[tilespmem:$0x18980] =	vst v63  }
0x11e: {  	s6 =	simm.s32 $0x12180  }
0x11f: {  	[tilespmem:s6], [sflag:$0x5] =	stream.indirect_vreg.gather [hbm4b:s1+s4], $0x80, v13, vm0, $0xb8;
	[tilespmem:$0x18980] =	vst v63  }
0x120: {  	v13 =	vld [tilespmem:$0x5A0];
	_ =	sdelay $0x4  }
0x121: {  	v14 =	vshll.u32 v13, $0x1  }
0x122: {  	v13 =	vand.u32 $0x7, v13;
	v14 =	vand.u32 $0xFFFFFFF0, v14  }
0x123: {  	v13 =	vor.u32 v13, v14  }
0x124: {  	v14 =	vperm.xlane v13, v10;
	_ =	sdelay $0x1  }
0x125: {  	v13 =	vperm.xlane v13, v12;
	v14 =	vadd.s32 v11, v14;
	_ =	sdelay $0x1  }
0x126: {  	v13 =	vadd.s32 v11, v13;
	_ =	sdelay $0x1  }
0x127: {  	s9 =	simm.s32 $0x12980  }
0x128: {  	[tilespmem:s9], [sflag:$0x5] =	stream.indirect_vreg.gather [hbm4b:s1+s4], $0x80, v14, vm0, $0xb8;
	[tilespmem:$0x18980] =	vst v63  }
0x129: {  	_ = 	snop  }
0x12a: {  	[tilespmem:s10], [sflag:$0x5] =	stream.indirect_vreg.gather [hbm4b:s1+s4], $0x80, v13, vm0, $0xb8;
	[tilespmem:$0x18980] =	vst v63  }
0x12b: {  	v13 =	vld [tilespmem:$0x5B0];
	_ =	sdelay $0x4  }
0x12c: {  	v14 =	vshll.u32 v13, $0x1  }
0x12d: {  	v13 =	vand.u32 $0x7, v13;
	v14 =	vand.u32 $0xFFFFFFF0, v14  }
0x12e: {  	v13 =	vor.u32 v13, v14  }
0x12f: {  	v14 =	vperm.xlane v13, v10;
	_ =	sdelay $0x1  }
0x130: {  	v13 =	vperm.xlane v13, v12;
	v14 =	vadd.s32 v11, v14;
	_ =	sdelay $0x1  }
0x131: {  	v13 =	vadd.s32 v11, v13;
	_ =	sdelay $0x2  }
0x132: {  	[tilespmem:s11], [sflag:$0x5] =	stream.indirect_vreg.gather [hbm4b:s1+s4], $0x80, v14, vm0, $0xb8;
	[tilespmem:$0x18980] =	vst v63  }
0x133: {  	s12 =	simm.s32 $0x14180  }
0x134: {  	[tilespmem:s12], [sflag:$0x5] =	stream.indirect_vreg.gather [hbm4b:s1+s4], $0x80, v13, vm0, $0xb8;
	[tilespmem:$0x18980] =	vst v63  }
0x135: {  	v13 =	vld [tilespmem:$0x5C0];
	_ =	sdelay $0x4  }
0x136: {  	v14 =	vshll.u32 v13, $0x1  }
0x137: {  	v13 =	vand.u32 $0x7, v13;
	v14 =	vand.u32 $0xFFFFFFF0, v14  }
0x138: {  	v13 =	vor.u32 v13, v14  }
0x139: {  	v14 =	vperm.xlane v13, v10;
	_ =	sdelay $0x1  }
0x13a: {  	v13 =	vperm.xlane v13, v12;
	v14 =	vadd.s32 v11, v14;
	_ =	sdelay $0x1  }
0x13b: {  	v13 =	vadd.s32 v11, v13;
	_ =	sdelay $0x1  }
0x13c: {  	s13 =	simm.s32 $0x14980  }
0x13d: {  	[tilespmem:s13], [sflag:$0x6] =	stream.indirect_vreg.gather [hbm4b:s1+s4], $0x80, v14, vm0, $0xb8;
	[tilespmem:$0x18980] =	vst v63  }
0x13e: {  	s13 =	simm.s32 $0x15180  }
0x13f: {  	[tilespmem:s13], [sflag:$0x6] =	stream.indirect_vreg.gather [hbm4b:s1+s4], $0x80, v13, vm0, $0xb8;
	[tilespmem:$0x18980] =	vst v63  }
0x140: {  	v13 =	vld [tilespmem:$0x5D0];
	_ =	sdelay $0x4  }
0x141: {  	v14 =	vshll.u32 v13, $0x1  }
0x142: {  	v13 =	vand.u32 $0x7, v13;
	v14 =	vand.u32 $0xFFFFFFF0, v14  }
0x143: {  	v13 =	vor.u32 v13, v14  }
0x144: {  	v14 =	vperm.xlane v13, v10;
	_ =	sdelay $0x1  }
0x145: {  	v13 =	vperm.xlane v13, v12;
	v14 =	vadd.s32 v11, v14;
	_ =	sdelay $0x1  }
0x146: {  	v13 =	vadd.s32 v11, v13;
	_ =	sdelay $0x1  }
0x147: {  	s5 =	simm.s32 $0x15980  }
0x148: {  	[tilespmem:s5], [sflag:$0x6] =	stream.indirect_vreg.gather [hbm4b:s1+s4], $0x80, v14, vm0, $0xb8;
	[tilespmem:$0x18980] =	vst v63  }
0x149: {  	s5 =	simm.s32 $0x16180  }
0x14a: {  	[tilespmem:s5], [sflag:$0x6] =	stream.indirect_vreg.gather [hbm4b:s1+s4], $0x80, v13, vm0, $0xb8;
	[tilespmem:$0x18980] =	vst v63  }
0x14b: {  	v13 =	vld [tilespmem:$0x5E0];
	_ =	sdelay $0x4  }
0x14c: {  	v14 =	vshll.u32 v13, $0x1  }
0x14d: {  	v13 =	vand.u32 $0x7, v13;
	v14 =	vand.u32 $0xFFFFFFF0, v14  }
0x14e: {  	v13 =	vor.u32 v13, v14  }
0x14f: {  	v14 =	vperm.xlane v13, v10;
	_ =	sdelay $0x1  }
0x150: {  	v13 =	vperm.xlane v13, v12;
	v14 =	vadd.s32 v11, v14;
	_ =	sdelay $0x1  }
0x151: {  	v13 =	vadd.s32 v11, v13;
	_ =	sdelay $0x2  }
0x152: {  	[tilespmem:s16], [sflag:$0x6] =	stream.indirect_vreg.gather [hbm4b:s1+s4], $0x80, v14, vm0, $0xb8;
	[tilespmem:$0x18980] =	vst v63  }
0x153: {  	_ = 	snop  }
0x154: {  	[tilespmem:s17], [sflag:$0x6] =	stream.indirect_vreg.gather [hbm4b:s1+s4], $0x80, v13, vm0, $0xb8;
	[tilespmem:$0x18980] =	vst v63  }
0x155: {  	v13 =	vld [tilespmem:$0x5F0];
	_ =	sdelay $0x4  }
0x156: {  	v14 =	vshll.u32 v13, $0x1  }
0x157: {  	v13 =	vand.u32 $0x7, v13;
	v14 =	vand.u32 $0xFFFFFFF0, v14  }
0x158: {  	v13 =	vor.u32 v13, v14  }
0x159: {  	v14 =	vperm.xlane v13, v10;
	_ =	sdelay $0x1  }
0x15a: {  	v13 =	vperm.xlane v13, v12;
	v14 =	vadd.s32 v11, v14;
	_ =	sdelay $0x1  }
0x15b: {  	v13 =	vadd.s32 v11, v13;
	_ =	sdelay $0x2  }
0x15c: {  	[tilespmem:s18], [sflag:$0x6] =	stream.indirect_vreg.gather [hbm4b:s1+s4], $0x80, v14, vm0, $0xb8;
	[tilespmem:$0x18980] =	vst v63  }
0x15d: {  	_ = 	snop  }
0x15e: {  	[tilespmem:s19], [sflag:$0x6] =	stream.indirect_vreg.gather [hbm4b:s1+s4], $0x80, v13, vm0, $0xb8;
	[tilespmem:$0x18980] =	vst v63  }
0x15f: {  	_ =	swait.ge [sflag:s15], $0x4000  }
0x160: {  	[sflag:s15] =	ssyncset.done $0x0  }
0x161: {  	s20 =	simm.s32 $0x980;
	s5 =	rddreg [dreg:$0x1a];
	[sflag:s15] =	ssyncadd.s32 $0xFFFFC000  }
0x162: {  	[hbm4b:s5+s4] =	stream.linear.scatter [tilespmem:s20], [sflag:$0x7], $0x4000, $0x38;
	[tilespmem:$0x18980] =	vst v63  }
0x163: {  	_ =	swait.ge [sflag:s22], $0x4000  }
0x164: {  	[sflag:s22] =	ssyncset.done $0x0  }
0x165: {  	[sflag:s22] =	ssyncadd.s32 $0xFFFFC000  }
0x166: {  	v13 =	vld [tilespmem:$0x600];
	_ =	sdelay $0x4  }
0x167: {  	v14 =	vshll.u32 v13, $0x1  }
0x168: {  	v13 =	vand.u32 $0x7, v13;
	v14 =	vand.u32 $0xFFFFFFF0, v14  }
0x169: {  	v13 =	vor.u32 v13, v14  }
0x16a: {  	v14 =	vperm.xlane v13, v10;
	_ =	sdelay $0x1  }
0x16b: {  	v13 =	vperm.xlane v13, v12;
	v14 =	vadd.s32 v11, v14;
	_ =	sdelay $0x1  }
0x16c: {  	v13 =	vadd.s32 v11, v13;
	_ =	sdelay $0x2  }
0x16d: {  	[tilespmem:s20], [sflag:$0x1] =	stream.indirect_vreg.gather [hbm4b:s1+s4], $0x80, v14, vm0, $0xb8;
	[tilespmem:$0x18980] =	vst v63  }
0x16e: {  	s14 =	simm.s32 $0x1180  }
0x16f: {  	[tilespmem:s14], [sflag:$0x1] =	stream.indirect_vreg.gather [hbm4b:s1+s4], $0x80, v13, vm0, $0xb8;
	[tilespmem:$0x18980] =	vst v63  }
0x170: {  	v13 =	vld [tilespmem:$0x610];
	_ =	sdelay $0x4  }
0x171: {  	v14 =	vshll.u32 v13, $0x1  }
0x172: {  	v13 =	vand.u32 $0x7, v13;
	v14 =	vand.u32 $0xFFFFFFF0, v14  }
0x173: {  	v13 =	vor.u32 v13, v14  }
0x174: {  	v14 =	vperm.xlane v13, v10;
	_ =	sdelay $0x1  }
0x175: {  	v13 =	vperm.xlane v13, v12;
	v14 =	vadd.s32 v11, v14;
	_ =	sdelay $0x1  }
0x176: {  	v13 =	vadd.s32 v11, v13;
	_ =	sdelay $0x1  }
0x177: {  	s14 =	simm.s32 $0x1980  }
0x178: {  	[tilespmem:s14], [sflag:$0x1] =	stream.indirect_vreg.gather [hbm4b:s1+s4], $0x80, v14, vm0, $0xb8;
	[tilespmem:$0x18980] =	vst v63  }
0x179: {  	s31 =	simm.s32 $0x2180  }
0x17a: {  	[tilespmem:s31], [sflag:$0x1] =	stream.indirect_vreg.gather [hbm4b:s1+s4], $0x80, v13, vm0, $0xb8;
	[tilespmem:$0x18980] =	vst v63  }
0x17b: {  	v13 =	vld [tilespmem:$0x620];
	_ =	sdelay $0x4  }
0x17c: {  	v14 =	vshll.u32 v13, $0x1  }
0x17d: {  	v13 =	vand.u32 $0x7, v13;
	v14 =	vand.u32 $0xFFFFFFF0, v14  }
0x17e: {  	v13 =	vor.u32 v13, v14  }
0x17f: {  	v14 =	vperm.xlane v13, v10;
	_ =	sdelay $0x1  }
0x180: {  	v13 =	vperm.xlane v13, v12;
	v14 =	vadd.s32 v11, v14;
	_ =	sdelay $0x1  }
0x181: {  	v13 =	vadd.s32 v11, v13;
	_ =	sdelay $0x1  }
0x182: {  	s20 =	simm.s32 $0x2980  }
0x183: {  	[tilespmem:s20], [sflag:$0x1] =	stream.indirect_vreg.gather [hbm4b:s1+s4], $0x80, v14, vm0, $0xb8;
	[tilespmem:$0x18980] =	vst v63  }
0x184: {  	s31 =	simm.s32 $0x3180  }
0x185: {  	[tilespmem:s31], [sflag:$0x1] =	stream.indirect_vreg.gather [hbm4b:s1+s4], $0x80, v13, vm0, $0xb8;
	[tilespmem:$0x18980] =	vst v63  }
0x186: {  	v13 =	vld [tilespmem:$0x630];
	_ =	sdelay $0x4  }
0x187: {  	v14 =	vshll.u32 v13, $0x1  }
0x188: {  	v13 =	vand.u32 $0x7, v13;
	v14 =	vand.u32 $0xFFFFFFF0, v14  }
0x189: {  	v13 =	vor.u32 v13, v14  }
0x18a: {  	v14 =	vperm.xlane v13, v10;
	_ =	sdelay $0x1  }
0x18b: {  	v13 =	vperm.xlane v13, v12;
	v14 =	vadd.s32 v11, v14;
	_ =	sdelay $0x1  }
0x18c: {  	v13 =	vadd.s32 v11, v13;
	_ =	sdelay $0x1  }
0x18d: {  	s14 =	simm.s32 $0x3980  }
0x18e: {  	[tilespmem:s14], [sflag:$0x1] =	stream.indirect_vreg.gather [hbm4b:s1+s4], $0x80, v14, vm0, $0xb8;
	[tilespmem:$0x18980] =	vst v63  }
0x18f: {  	s20 =	simm.s32 $0x4180  }
0x190: {  	[tilespmem:s20], [sflag:$0x1] =	stream.indirect_vreg.gather [hbm4b:s1+s4], $0x80, v13, vm0, $0xb8;
	[tilespmem:$0x18980] =	vst v63  }
0x191: {  	_ =	swait.ge [sflag:s23], $0x4000  }
0x192: {  	[sflag:s23] =	ssyncset.done $0x0  }
0x193: {  	s31 =	rddreg [dreg:$0x9];
	[sflag:s23] =	ssyncadd.s32 $0xFFFFC000  }
0x194: {  	[hbm4b:s31+s4] =	stream.linear.scatter [tilespmem:s28], [sflag:$0x8], $0x4000, $0x38;
	[tilespmem:$0x18980] =	vst v63  }
0x195: {  	_ =	swait.ge [sflag:s24], $0x4000  }
0x196: {  	[sflag:s24] =	ssyncset.done $0x0  }
0x197: {  	[sflag:s24] =	ssyncadd.s32 $0xFFFFC000  }
0x198: {  	v13 =	vld [tilespmem:$0x640];
	_ =	sdelay $0x4  }
0x199: {  	v14 =	vshll.u32 v13, $0x1  }
0x19a: {  	v13 =	vand.u32 $0x7, v13;
	v14 =	vand.u32 $0xFFFFFFF0, v14  }
0x19b: {  	v13 =	vor.u32 v13, v14  }
0x19c: {  	v14 =	vperm.xlane v13, v10;
	_ =	sdelay $0x1  }
0x19d: {  	v13 =	vperm.xlane v13, v12;
	v14 =	vadd.s32 v11, v14;
	_ =	sdelay $0x1  }
0x19e: {  	v13 =	vadd.s32 v11, v13;
	_ =	sdelay $0x2  }
0x19f: {  	[tilespmem:s28], [sflag:$0x2] =	stream.indirect_vreg.gather [hbm4b:s1+s4], $0x80, v14, vm0, $0xb8;
	[tilespmem:$0x18980] =	vst v63  }
0x1a0: {  	s14 =	simm.s32 $0x5180  }
0x1a1: {  	[tilespmem:s14], [sflag:$0x2] =	stream.indirect_vreg.gather [hbm4b:s1+s4], $0x80, v13, vm0, $0xb8;
	[tilespmem:$0x18980] =	vst v63  }
0x1a2: {  	v13 =	vld [tilespmem:$0x650];
	_ =	sdelay $0x4  }
0x1a3: {  	v14 =	vshll.u32 v13, $0x1  }
0x1a4: {  	v13 =	vand.u32 $0x7, v13;
	v14 =	vand.u32 $0xFFFFFFF0, v14  }
0x1a5: {  	v13 =	vor.u32 v13, v14  }
0x1a6: {  	v14 =	vperm.xlane v13, v10;
	_ =	sdelay $0x1  }
0x1a7: {  	v13 =	vperm.xlane v13, v12;
	v14 =	vadd.s32 v11, v14;
	_ =	sdelay $0x1  }
0x1a8: {  	v13 =	vadd.s32 v11, v13;
	_ =	sdelay $0x1  }
0x1a9: {  	s20 =	simm.s32 $0x5980  }
0x1aa: {  	[tilespmem:s20], [sflag:$0x2] =	stream.indirect_vreg.gather [hbm4b:s1+s4], $0x80, v14, vm0, $0xb8;
	[tilespmem:$0x18980] =	vst v63  }
0x1ab: {  	s31 =	simm.s32 $0x6180  }
0x1ac: {  	[tilespmem:s31], [sflag:$0x2] =	stream.indirect_vreg.gather [hbm4b:s1+s4], $0x80, v13, vm0, $0xb8;
	[tilespmem:$0x18980] =	vst v63  }
0x1ad: {  	v13 =	vld [tilespmem:$0x660];
	_ =	sdelay $0x4  }
0x1ae: {  	v14 =	vshll.u32 v13, $0x1  }
0x1af: {  	v13 =	vand.u32 $0x7, v13;
	v14 =	vand.u32 $0xFFFFFFF0, v14  }
0x1b0: {  	v13 =	vor.u32 v13, v14  }
0x1b1: {  	v14 =	vperm.xlane v13, v10;
	_ =	sdelay $0x1  }
0x1b2: {  	v13 =	vperm.xlane v13, v12;
	v14 =	vadd.s32 v11, v14;
	_ =	sdelay $0x1  }
0x1b3: {  	v13 =	vadd.s32 v11, v13;
	_ =	sdelay $0x1  }
0x1b4: {  	s14 =	simm.s32 $0x6980  }
0x1b5: {  	[tilespmem:s14], [sflag:$0x2] =	stream.indirect_vreg.gather [hbm4b:s1+s4], $0x80, v14, vm0, $0xb8;
	[tilespmem:$0x18980] =	vst v63  }
0x1b6: {  	s20 =	simm.s32 $0x7180  }
0x1b7: {  	[tilespmem:s20], [sflag:$0x2] =	stream.indirect_vreg.gather [hbm4b:s1+s4], $0x80, v13, vm0, $0xb8;
	[tilespmem:$0x18980] =	vst v63  }
0x1b8: {  	v13 =	vld [tilespmem:$0x670];
	_ =	sdelay $0x4  }
0x1b9: {  	v14 =	vshll.u32 v13, $0x1  }
0x1ba: {  	v13 =	vand.u32 $0x7, v13;
	v14 =	vand.u32 $0xFFFFFFF0, v14  }
0x1bb: {  	v13 =	vor.u32 v13, v14  }
0x1bc: {  	v14 =	vperm.xlane v13, v10;
	_ =	sdelay $0x1  }
0x1bd: {  	v13 =	vperm.xlane v13, v12;
	v14 =	vadd.s32 v11, v14;
	_ =	sdelay $0x1  }
0x1be: {  	v13 =	vadd.s32 v11, v13;
	_ =	sdelay $0x1  }
0x1bf: {  	s31 =	simm.s32 $0x7980  }
0x1c0: {  	[tilespmem:s31], [sflag:$0x2] =	stream.indirect_vreg.gather [hbm4b:s1+s4], $0x80, v14, vm0, $0xb8;
	[tilespmem:$0x18980] =	vst v63  }
0x1c1: {  	s14 =	simm.s32 $0x8180  }
0x1c2: {  	[tilespmem:s14], [sflag:$0x2] =	stream.indirect_vreg.gather [hbm4b:s1+s4], $0x80, v13, vm0, $0xb8;
	[tilespmem:$0x18980] =	vst v63  }
0x1c3: {  	_ =	swait.ge [sflag:s25], $0x4000  }
0x1c4: {  	[sflag:s25] =	ssyncset.done $0x0  }
0x1c5: {  	s20 =	rddreg [dreg:$0xa];
	[sflag:s25] =	ssyncadd.s32 $0xFFFFC000  }
0x1c6: {  	[hbm4b:s20+s4] =	stream.linear.scatter [tilespmem:s0], [sflag:$0x9], $0x4000, $0x38;
	[tilespmem:$0x18980] =	vst v63  }
0x1c7: {  	_ =	swait.ge [sflag:s26], $0x4000  }
0x1c8: {  	[sflag:s26] =	ssyncset.done $0x0  }
0x1c9: {  	[sflag:s26] =	ssyncadd.s32 $0xFFFFC000  }
0x1ca: {  	v13 =	vld [tilespmem:$0x680];
	_ =	sdelay $0x4  }
0x1cb: {  	v14 =	vshll.u32 v13, $0x1  }
0x1cc: {  	v13 =	vand.u32 $0x7, v13;
	v14 =	vand.u32 $0xFFFFFFF0, v14  }
0x1cd: {  	v13 =	vor.u32 v13, v14  }
0x1ce: {  	v14 =	vperm.xlane v13, v10;
	_ =	sdelay $0x1  }
0x1cf: {  	v13 =	vperm.xlane v13, v12;
	v14 =	vadd.s32 v11, v14;
	_ =	sdelay $0x1  }
0x1d0: {  	v13 =	vadd.s32 v11, v13;
	_ =	sdelay $0x2  }
0x1d1: {  	[tilespmem:s0], [sflag:$0x3] =	stream.indirect_vreg.gather [hbm4b:s1+s4], $0x80, v14, vm0, $0xb8;
	[tilespmem:$0x18980] =	vst v63  }
0x1d2: {  	s31 =	simm.s32 $0x9180  }
0x1d3: {  	[tilespmem:s31], [sflag:$0x3] =	stream.indirect_vreg.gather [hbm4b:s1+s4], $0x80, v13, vm0, $0xb8;
	[tilespmem:$0x18980] =	vst v63  }
0x1d4: {  	v13 =	vld [tilespmem:$0x690];
	_ =	sdelay $0x4  }
0x1d5: {  	v14 =	vshll.u32 v13, $0x1  }
0x1d6: {  	v13 =	vand.u32 $0x7, v13;
	v14 =	vand.u32 $0xFFFFFFF0, v14  }
0x1d7: {  	v13 =	vor.u32 v13, v14  }
0x1d8: {  	v14 =	vperm.xlane v13, v10;
	_ =	sdelay $0x1  }
0x1d9: {  	v13 =	vperm.xlane v13, v12;
	v14 =	vadd.s32 v11, v14;
	_ =	sdelay $0x1  }
0x1da: {  	v13 =	vadd.s32 v11, v13;
	_ =	sdelay $0x1  }
0x1db: {  	s14 =	simm.s32 $0x9980  }
0x1dc: {  	[tilespmem:s14], [sflag:$0x3] =	stream.indirect_vreg.gather [hbm4b:s1+s4], $0x80, v14, vm0, $0xb8;
	[tilespmem:$0x18980] =	vst v63  }
0x1dd: {  	s20 =	simm.s32 $0xA180  }
0x1de: {  	[tilespmem:s20], [sflag:$0x3] =	stream.indirect_vreg.gather [hbm4b:s1+s4], $0x80, v13, vm0, $0xb8;
	[tilespmem:$0x18980] =	vst v63  }
0x1df: {  	v13 =	vld [tilespmem:$0x6A0];
	_ =	sdelay $0x4  }
0x1e0: {  	v14 =	vshll.u32 v13, $0x1  }
0x1e1: {  	v13 =	vand.u32 $0x7, v13;
	v14 =	vand.u32 $0xFFFFFFF0, v14  }
0x1e2: {  	v13 =	vor.u32 v13, v14  }
0x1e3: {  	v14 =	vperm.xlane v13, v10;
	_ =	sdelay $0x1  }
0x1e4: {  	v13 =	vperm.xlane v13, v12;
	v14 =	vadd.s32 v11, v14;
	_ =	sdelay $0x1  }
0x1e5: {  	v13 =	vadd.s32 v11, v13;
	_ =	sdelay $0x1  }
0x1e6: {  	s31 =	simm.s32 $0xA980  }
0x1e7: {  	[tilespmem:s31], [sflag:$0x3] =	stream.indirect_vreg.gather [hbm4b:s1+s4], $0x80, v14, vm0, $0xb8;
	[tilespmem:$0x18980] =	vst v63  }
0x1e8: {  	s14 =	simm.s32 $0xB180  }
0x1e9: {  	[tilespmem:s14], [sflag:$0x3] =	stream.indirect_vreg.gather [hbm4b:s1+s4], $0x80, v13, vm0, $0xb8;
	[tilespmem:$0x18980] =	vst v63  }
0x1ea: {  	v13 =	vld [tilespmem:$0x6B0];
	_ =	sdelay $0x4  }
0x1eb: {  	v14 =	vshll.u32 v13, $0x1  }
0x1ec: {  	v13 =	vand.u32 $0x7, v13;
	v14 =	vand.u32 $0xFFFFFFF0, v14  }
0x1ed: {  	v13 =	vor.u32 v13, v14  }
0x1ee: {  	v14 =	vperm.xlane v13, v10;
	_ =	sdelay $0x1  }
0x1ef: {  	v13 =	vperm.xlane v13, v12;
	v14 =	vadd.s32 v11, v14;
	_ =	sdelay $0x1  }
0x1f0: {  	v13 =	vadd.s32 v11, v13;
	_ =	sdelay $0x1  }
0x1f1: {  	s20 =	simm.s32 $0xB980  }
0x1f2: {  	[tilespmem:s20], [sflag:$0x3] =	stream.indirect_vreg.gather [hbm4b:s1+s4], $0x80, v14, vm0, $0xb8;
	[tilespmem:$0x18980] =	vst v63  }
0x1f3: {  	s31 =	simm.s32 $0xC180  }
0x1f4: {  	[tilespmem:s31], [sflag:$0x3] =	stream.indirect_vreg.gather [hbm4b:s1+s4], $0x80, v13, vm0, $0xb8;
	[tilespmem:$0x18980] =	vst v63  }
0x1f5: {  	_ =	swait.ge [sflag:s29], $0x4000  }
0x1f6: {  	[sflag:s29] =	ssyncset.done $0x0  }
0x1f7: {  	s14 =	rddreg [dreg:$0xb];
	[sflag:s29] =	ssyncadd.s32 $0xFFFFC000  }
0x1f8: {  	[hbm4b:s14+s4] =	stream.linear.scatter [tilespmem:s21], [sflag:$0xA], $0x4000, $0x38;
	[tilespmem:$0x18980] =	vst v63  }
0x1f9: {  	_ =	swait.ge [sflag:s30], $0x4000  }
0x1fa: {  	[sflag:s30] =	ssyncset.done $0x0  }
0x1fb: {  	[sflag:s30] =	ssyncadd.s32 $0xFFFFC000  }
0x1fc: {  	v13 =	vld [tilespmem:$0x6C0];
	_ =	sdelay $0x4  }
0x1fd: {  	v14 =	vshll.u32 v13, $0x1  }
0x1fe: {  	v13 =	vand.u32 $0x7, v13;
	v14 =	vand.u32 $0xFFFFFFF0, v14  }
0x1ff: {  	v13 =	vor.u32 v13, v14  }
0x200: {  	v14 =	vperm.xlane v13, v10;
	_ =	sdelay $0x1  }
0x201: {  	v13 =	vperm.xlane v13, v12;
	v14 =	vadd.s32 v11, v14;
	_ =	sdelay $0x1  }
0x202: {  	v13 =	vadd.s32 v11, v13;
	_ =	sdelay $0x2  }
0x203: {  	[tilespmem:s21], [sflag:$0x4] =	stream.indirect_vreg.gather [hbm4b:s1+s4], $0x80, v14, vm0, $0xb8;
	[tilespmem:$0x18980] =	vst v63  }
0x204: {  	s20 =	simm.s32 $0xD180  }
0x205: {  	[tilespmem:s20], [sflag:$0x4] =	stream.indirect_vreg.gather [hbm4b:s1+s4], $0x80, v13, vm0, $0xb8;
	[tilespmem:$0x18980] =	vst v63  }
0x206: {  	v13 =	vld [tilespmem:$0x6D0];
	_ =	sdelay $0x4  }
0x207: {  	v14 =	vshll.u32 v13, $0x1  }
0x208: {  	v13 =	vand.u32 $0x7, v13;
	v14 =	vand.u32 $0xFFFFFFF0, v14  }
0x209: {  	v13 =	vor.u32 v13, v14  }
0x20a: {  	v14 =	vperm.xlane v13, v10;
	_ =	sdelay $0x1  }
0x20b: {  	v13 =	vperm.xlane v13, v12;
	v14 =	vadd.s32 v11, v14;
	_ =	sdelay $0x1  }
0x20c: {  	v13 =	vadd.s32 v11, v13;
	_ =	sdelay $0x1  }
0x20d: {  	s31 =	simm.s32 $0xD980  }
0x20e: {  	[tilespmem:s31], [sflag:$0x4] =	stream.indirect_vreg.gather [hbm4b:s1+s4], $0x80, v14, vm0, $0xb8;
	[tilespmem:$0x18980] =	vst v63  }
0x20f: {  	s14 =	simm.s32 $0xE180  }
0x210: {  	[tilespmem:s14], [sflag:$0x4] =	stream.indirect_vreg.gather [hbm4b:s1+s4], $0x80, v13, vm0, $0xb8;
	[tilespmem:$0x18980] =	vst v63  }
0x211: {  	v13 =	vld [tilespmem:$0x6E0];
	_ =	sdelay $0x4  }
0x212: {  	v14 =	vshll.u32 v13, $0x1  }
0x213: {  	v13 =	vand.u32 $0x7, v13;
	v14 =	vand.u32 $0xFFFFFFF0, v14  }
0x214: {  	v13 =	vor.u32 v13, v14  }
0x215: {  	v14 =	vperm.xlane v13, v10;
	_ =	sdelay $0x1  }
0x216: {  	v13 =	vperm.xlane v13, v12;
	v14 =	vadd.s32 v11, v14;
	_ =	sdelay $0x1  }
0x217: {  	v13 =	vadd.s32 v11, v13;
	_ =	sdelay $0x1  }
0x218: {  	s20 =	simm.s32 $0xE980  }
0x219: {  	[tilespmem:s20], [sflag:$0x4] =	stream.indirect_vreg.gather [hbm4b:s1+s4], $0x80, v14, vm0, $0xb8;
	[tilespmem:$0x18980] =	vst v63  }
0x21a: {  	s31 =	simm.s32 $0xF180  }
0x21b: {  	[tilespmem:s31], [sflag:$0x4] =	stream.indirect_vreg.gather [hbm4b:s1+s4], $0x80, v13, vm0, $0xb8;
	[tilespmem:$0x18980] =	vst v63  }
0x21c: {  	v13 =	vld [tilespmem:$0x6F0];
	_ =	sdelay $0x4  }
0x21d: {  	v14 =	vshll.u32 v13, $0x1  }
0x21e: {  	v13 =	vand.u32 $0x7, v13;
	v14 =	vand.u32 $0xFFFFFFF0, v14  }
0x21f: {  	v13 =	vor.u32 v13, v14  }
0x220: {  	v14 =	vperm.xlane v13, v10;
	_ =	sdelay $0x1  }
0x221: {  	v13 =	vperm.xlane v13, v12;
	v14 =	vadd.s32 v11, v14;
	_ =	sdelay $0x1  }
0x222: {  	v13 =	vadd.s32 v11, v13;
	_ =	sdelay $0x1  }
0x223: {  	s14 =	simm.s32 $0xF980  }
0x224: {  	[tilespmem:s14], [sflag:$0x4] =	stream.indirect_vreg.gather [hbm4b:s1+s4], $0x80, v14, vm0, $0xb8;
	[tilespmem:$0x18980] =	vst v63  }
0x225: {  	s20 =	simm.s32 $0x10180  }
0x226: {  	[tilespmem:s20], [sflag:$0x4] =	stream.indirect_vreg.gather [hbm4b:s1+s4], $0x80, v13, vm0, $0xb8;
	[tilespmem:$0x18980] =	vst v63  }
0x227: {  	s20 =	simm.s32 $0x5  }
0x228: {  	_ =	swait.ge [sflag:s20], $0x4000  }
0x229: {  	[sflag:s20] =	ssyncset.done $0x0  }
0x22a: {  	s14 =	simm.s32 $0x10980;
	s31 =	rddreg [dreg:$0xc];
	[sflag:s20] =	ssyncadd.s32 $0xFFFFC000  }
0x22b: {  	[hbm4b:s31+s4] =	stream.linear.scatter [tilespmem:s14], [sflag:$0xB], $0x4000, $0x38;
	[tilespmem:$0x18980] =	vst v63  }
0x22c: {  	s31 =	simm.s32 $0xB  }
0x22d: {  	_ =	swait.ge [sflag:s31], $0x4000  }
0x22e: {  	[sflag:s31] =	ssyncset.done $0x0  }
0x22f: {  	[sflag:s31] =	ssyncadd.s32 $0xFFFFC000  }
0x230: {  	v13 =	vld [tilespmem:$0x700];
	_ =	sdelay $0x4  }
0x231: {  	v14 =	vshll.u32 v13, $0x1  }
0x232: {  	v13 =	vand.u32 $0x7, v13;
	v14 =	vand.u32 $0xFFFFFFF0, v14  }
0x233: {  	v13 =	vor.u32 v13, v14  }
0x234: {  	v14 =	vperm.xlane v13, v10;
	_ =	sdelay $0x1  }
0x235: {  	v13 =	vperm.xlane v13, v12;
	v14 =	vadd.s32 v11, v14;
	_ =	sdelay $0x1  }
0x236: {  	v13 =	vadd.s32 v11, v13;
	_ =	sdelay $0x2  }
0x237: {  	[tilespmem:s14], [sflag:$0x5] =	stream.indirect_vreg.gather [hbm4b:s1+s4], $0x80, v14, vm0, $0xb8;
	[tilespmem:$0x18980] =	vst v63  }
0x238: {  	_ = 	snop  }
0x239: {  	[tilespmem:s2], [sflag:$0x5] =	stream.indirect_vreg.gather [hbm4b:s1+s4], $0x80, v13, vm0, $0xb8;
	[tilespmem:$0x18980] =	vst v63  }
0x23a: {  	v13 =	vld [tilespmem:$0x710];
	_ =	sdelay $0x4  }
0x23b: {  	v14 =	vshll.u32 v13, $0x1  }
0x23c: {  	v13 =	vand.u32 $0x7, v13;
	v14 =	vand.u32 $0xFFFFFFF0, v14  }
0x23d: {  	v13 =	vor.u32 v13, v14  }
0x23e: {  	v14 =	vperm.xlane v13, v10;
	_ =	sdelay $0x1  }
0x23f: {  	v13 =	vperm.xlane v13, v12;
	v14 =	vadd.s32 v11, v14;
	_ =	sdelay $0x1  }
0x240: {  	v13 =	vadd.s32 v11, v13;
	_ =	sdelay $0x2  }
0x241: {  	[tilespmem:s3], [sflag:$0x5] =	stream.indirect_vreg.gather [hbm4b:s1+s4], $0x80, v14, vm0, $0xb8;
	[tilespmem:$0x18980] =	vst v63  }
0x242: {  	_ = 	snop  }
0x243: {  	[tilespmem:s6], [sflag:$0x5] =	stream.indirect_vreg.gather [hbm4b:s1+s4], $0x80, v13, vm0, $0xb8;
	[tilespmem:$0x18980] =	vst v63  }
0x244: {  	v13 =	vld [tilespmem:$0x720];
	_ =	sdelay $0x4  }
0x245: {  	v14 =	vshll.u32 v13, $0x1  }
0x246: {  	v13 =	vand.u32 $0x7, v13;
	v14 =	vand.u32 $0xFFFFFFF0, v14  }
0x247: {  	v13 =	vor.u32 v13, v14  }
0x248: {  	v14 =	vperm.xlane v13, v10;
	_ =	sdelay $0x1  }
0x249: {  	v13 =	vperm.xlane v13, v12;
	v14 =	vadd.s32 v11, v14;
	_ =	sdelay $0x1  }
0x24a: {  	v13 =	vadd.s32 v11, v13;
	_ =	sdelay $0x2  }
0x24b: {  	[tilespmem:s9], [sflag:$0x5] =	stream.indirect_vreg.gather [hbm4b:s1+s4], $0x80, v14, vm0, $0xb8;
	[tilespmem:$0x18980] =	vst v63  }
0x24c: {  	_ = 	snop  }
0x24d: {  	[tilespmem:s10], [sflag:$0x5] =	stream.indirect_vreg.gather [hbm4b:s1+s4], $0x80, v13, vm0, $0xb8;
	[tilespmem:$0x18980] =	vst v63  }
0x24e: {  	v13 =	vld [tilespmem:$0x730];
	_ =	sdelay $0x4  }
0x24f: {  	v14 =	vshll.u32 v13, $0x1  }
0x250: {  	v13 =	vand.u32 $0x7, v13;
	v14 =	vand.u32 $0xFFFFFFF0, v14  }
0x251: {  	v13 =	vor.u32 v13, v14  }
0x252: {  	v14 =	vperm.xlane v13, v10;
	_ =	sdelay $0x1  }
0x253: {  	v13 =	vperm.xlane v13, v12;
	v14 =	vadd.s32 v11, v14;
	_ =	sdelay $0x1  }
0x254: {  	v13 =	vadd.s32 v11, v13;
	_ =	sdelay $0x2  }
0x255: {  	[tilespmem:s11], [sflag:$0x5] =	stream.indirect_vreg.gather [hbm4b:s1+s4], $0x80, v14, vm0, $0xb8;
	[tilespmem:$0x18980] =	vst v63  }
0x256: {  	s2 =	simm.s32 $0x6  }
0x257: {  	[tilespmem:s12], [sflag:$0x5] =	stream.indirect_vreg.gather [hbm4b:s1+s4], $0x80, v13, vm0, $0xb8;
	[tilespmem:$0x18980] =	vst v63  }
0x258: {  	_ =	swait.ge [sflag:s2], $0x4000  }
0x259: {  	s3 =	simm.s32 $0xC;
	[sflag:s2] =	ssyncset.done $0x0  }
0x25a: {  	s12 =	simm.s32 $0x14980;
	s9 =	rddreg [dreg:$0xd];
	[sflag:s2] =	ssyncadd.s32 $0xFFFFC000  }
0x25b: {  	[hbm4b:s9+s4] =	stream.linear.scatter [tilespmem:s12], [sflag:$0xC], $0x4000, $0x38;
	[tilespmem:$0x18980] =	vst v63  }
0x25c: {  	_ =	swait.ge [sflag:s3], $0x4000  }
0x25d: {  	[sflag:s3] =	ssyncset.done $0x0  }
0x25e: {  	[sflag:s3] =	ssyncadd.s32 $0xFFFFC000  }
0x25f: {  	v13 =	vld [tilespmem:$0x740];
	_ =	sdelay $0x4  }
0x260: {  	v14 =	vshll.u32 v13, $0x1  }
0x261: {  	v13 =	vand.u32 $0x7, v13;
	v14 =	vand.u32 $0xFFFFFFF0, v14  }
0x262: {  	v13 =	vor.u32 v13, v14  }
0x263: {  	v14 =	vperm.xlane v13, v10;
	_ =	sdelay $0x1  }
0x264: {  	v13 =	vperm.xlane v13, v12;
	v14 =	vadd.s32 v11, v14;
	_ =	sdelay $0x1  }
0x265: {  	v13 =	vadd.s32 v11, v13;
	_ =	sdelay $0x2  }
0x266: {  	[tilespmem:s12], [sflag:$0x6] =	stream.indirect_vreg.gather [hbm4b:s1+s4], $0x80, v14, vm0, $0xb8;
	[tilespmem:$0x18980] =	vst v63  }
0x267: {  	_ = 	snop  }
0x268: {  	[tilespmem:s13], [sflag:$0x6] =	stream.indirect_vreg.gather [hbm4b:s1+s4], $0x80, v13, vm0, $0xb8;
	[tilespmem:$0x18980] =	vst v63  }
0x269: {  	v13 =	vld [tilespmem:$0x750];
	_ =	sdelay $0x4  }
0x26a: {  	v14 =	vshll.u32 v13, $0x1  }
0x26b: {  	v13 =	vand.u32 $0x7, v13;
	v14 =	vand.u32 $0xFFFFFFF0, v14  }
0x26c: {  	v13 =	vor.u32 v13, v14  }
0x26d: {  	v14 =	vperm.xlane v13, v10;
	_ =	sdelay $0x1  }
0x26e: {  	v13 =	vperm.xlane v13, v12;
	v14 =	vadd.s32 v11, v14;
	_ =	sdelay $0x1  }
0x26f: {  	v13 =	vadd.s32 v11, v13;
	_ =	sdelay $0x1  }
0x270: {  	s13 =	simm.s32 $0x15980  }
0x271: {  	[tilespmem:s13], [sflag:$0x6] =	stream.indirect_vreg.gather [hbm4b:s1+s4], $0x80, v14, vm0, $0xb8;
	[tilespmem:$0x18980] =	vst v63  }
0x272: {  	s6 =	simm.s32 $0x16180  }
0x273: {  	[tilespmem:s6], [sflag:$0x6] =	stream.indirect_vreg.gather [hbm4b:s1+s4], $0x80, v13, vm0, $0xb8;
	[tilespmem:$0x18980] =	vst v63  }
0x274: {  	v13 =	vld [tilespmem:$0x760];
	_ =	sdelay $0x4  }
0x275: {  	v14 =	vshll.u32 v13, $0x1  }
0x276: {  	v13 =	vand.u32 $0x7, v13;
	v14 =	vand.u32 $0xFFFFFFF0, v14  }
0x277: {  	v13 =	vor.u32 v13, v14  }
0x278: {  	v14 =	vperm.xlane v13, v10;
	_ =	sdelay $0x1  }
0x279: {  	v13 =	vperm.xlane v13, v12;
	v14 =	vadd.s32 v11, v14;
	_ =	sdelay $0x1  }
0x27a: {  	v13 =	vadd.s32 v11, v13;
	_ =	sdelay $0x2  }
0x27b: {  	[tilespmem:s16], [sflag:$0x6] =	stream.indirect_vreg.gather [hbm4b:s1+s4], $0x80, v14, vm0, $0xb8;
	[tilespmem:$0x18980] =	vst v63  }
0x27c: {  	_ = 	snop  }
0x27d: {  	[tilespmem:s17], [sflag:$0x6] =	stream.indirect_vreg.gather [hbm4b:s1+s4], $0x80, v13, vm0, $0xb8;
	[tilespmem:$0x18980] =	vst v63  }
0x27e: {  	v13 =	vld [tilespmem:$0x770];
	_ =	sdelay $0x4  }
0x27f: {  	v14 =	vshll.u32 v13, $0x1  }
0x280: {  	v13 =	vand.u32 $0x7, v13;
	v14 =	vand.u32 $0xFFFFFFF0, v14  }
0x281: {  	v13 =	vor.u32 v13, v14  }
0x282: {  	v14 =	vperm.xlane v13, v10;
	_ =	sdelay $0x1  }
0x283: {  	v13 =	vperm.xlane v13, v12;
	v14 =	vadd.s32 v11, v14;
	_ =	sdelay $0x1  }
0x284: {  	v13 =	vadd.s32 v11, v13;
	_ =	sdelay $0x2  }
0x285: {  	[tilespmem:s18], [sflag:$0x6] =	stream.indirect_vreg.gather [hbm4b:s1+s4], $0x80, v14, vm0, $0xb8;
	[tilespmem:$0x18980] =	vst v63  }
0x286: {  	_ = 	snop  }
0x287: {  	[tilespmem:s19], [sflag:$0x6] =	stream.indirect_vreg.gather [hbm4b:s1+s4], $0x80, v13, vm0, $0xb8;
	[tilespmem:$0x18980] =	vst v63  }
0x288: {  	_ =	swait.ge [sflag:s15], $0x4000  }
0x289: {  	[sflag:s15] =	ssyncset.done $0x0  }
0x28a: {  	s13 =	simm.s32 $0x980;
	s12 =	rddreg [dreg:$0xe];
	[sflag:s15] =	ssyncadd.s32 $0xFFFFC000  }
0x28b: {  	[hbm4b:s12+s4] =	stream.linear.scatter [tilespmem:s13], [sflag:$0x7], $0x4000, $0x38;
	[tilespmem:$0x18980] =	vst v63  }
0x28c: {  	_ =	swait.ge [sflag:s22], $0x4000  }
0x28d: {  	[sflag:s22] =	ssyncset.done $0x0  }
0x28e: {  	[sflag:s22] =	ssyncadd.s32 $0xFFFFC000  }
0x28f: {  	v13 =	vld [tilespmem:$0x780];
	_ =	sdelay $0x4  }
0x290: {  	v14 =	vshll.u32 v13, $0x1  }
0x291: {  	v13 =	vand.u32 $0x7, v13;
	v14 =	vand.u32 $0xFFFFFFF0, v14  }
0x292: {  	v13 =	vor.u32 v13, v14  }
0x293: {  	v14 =	vperm.xlane v13, v10;
	_ =	sdelay $0x1  }
0x294: {  	v13 =	vperm.xlane v13, v12;
	v14 =	vadd.s32 v11, v14;
	_ =	sdelay $0x1  }
0x295: {  	v13 =	vadd.s32 v11, v13;
	_ =	sdelay $0x2  }
0x296: {  	[tilespmem:s13], [sflag:$0x1] =	stream.indirect_vreg.gather [hbm4b:s1+s4], $0x80, v14, vm0, $0xb8;
	[tilespmem:$0x18980] =	vst v63  }
0x297: {  	s12 =	simm.s32 $0x1180  }
0x298: {  	[tilespmem:s12], [sflag:$0x1] =	stream.indirect_vreg.gather [hbm4b:s1+s4], $0x80, v13, vm0, $0xb8;
	[tilespmem:$0x18980] =	vst v63  }
0x299: {  	v13 =	vld [tilespmem:$0x790];
	_ =	sdelay $0x4  }
0x29a: {  	v14 =	vshll.u32 v13, $0x1  }
0x29b: {  	v13 =	vand.u32 $0x7, v13;
	v14 =	vand.u32 $0xFFFFFFF0, v14  }
0x29c: {  	v13 =	vor.u32 v13, v14  }
0x29d: {  	v14 =	vperm.xlane v13, v10;
	_ =	sdelay $0x1  }
0x29e: {  	v13 =	vperm.xlane v13, v12;
	v14 =	vadd.s32 v11, v14;
	_ =	sdelay $0x1  }
0x29f: {  	v13 =	vadd.s32 v11, v13;
	_ =	sdelay $0x1  }
0x2a0: {  	s13 =	simm.s32 $0x1980  }
0x2a1: {  	[tilespmem:s13], [sflag:$0x1] =	stream.indirect_vreg.gather [hbm4b:s1+s4], $0x80, v14, vm0, $0xb8;
	[tilespmem:$0x18980] =	vst v63  }
0x2a2: {  	s12 =	simm.s32 $0x2180  }
0x2a3: {  	[tilespmem:s12], [sflag:$0x1] =	stream.indirect_vreg.gather [hbm4b:s1+s4], $0x80, v13, vm0, $0xb8;
	[tilespmem:$0x18980] =	vst v63  }
0x2a4: {  	v13 =	vld [tilespmem:$0x7A0];
	_ =	sdelay $0x4  }
0x2a5: {  	v14 =	vshll.u32 v13, $0x1  }
0x2a6: {  	v13 =	vand.u32 $0x7, v13;
	v14 =	vand.u32 $0xFFFFFFF0, v14  }
0x2a7: {  	v13 =	vor.u32 v13, v14  }
0x2a8: {  	v14 =	vperm.xlane v13, v10;
	_ =	sdelay $0x1  }
0x2a9: {  	v13 =	vperm.xlane v13, v12;
	v14 =	vadd.s32 v11, v14;
	_ =	sdelay $0x1  }
0x2aa: {  	v13 =	vadd.s32 v11, v13;
	_ =	sdelay $0x1  }
0x2ab: {  	s13 =	simm.s32 $0x2980  }
0x2ac: {  	[tilespmem:s13], [sflag:$0x1] =	stream.indirect_vreg.gather [hbm4b:s1+s4], $0x80, v14, vm0, $0xb8;
	[tilespmem:$0x18980] =	vst v63  }
0x2ad: {  	s12 =	simm.s32 $0x3180  }
0x2ae: {  	[tilespmem:s12], [sflag:$0x1] =	stream.indirect_vreg.gather [hbm4b:s1+s4], $0x80, v13, vm0, $0xb8;
	[tilespmem:$0x18980] =	vst v63  }
0x2af: {  	v13 =	vld [tilespmem:$0x7B0];
	_ =	sdelay $0x4  }
0x2b0: {  	v14 =	vshll.u32 v13, $0x1  }
0x2b1: {  	v13 =	vand.u32 $0x7, v13;
	v14 =	vand.u32 $0xFFFFFFF0, v14  }
0x2b2: {  	v13 =	vor.u32 v13, v14  }
0x2b3: {  	v14 =	vperm.xlane v13, v10;
	_ =	sdelay $0x1  }
0x2b4: {  	v13 =	vperm.xlane v13, v12;
	v14 =	vadd.s32 v11, v14;
	_ =	sdelay $0x1  }
0x2b5: {  	v13 =	vadd.s32 v11, v13;
	_ =	sdelay $0x1  }
0x2b6: {  	s13 =	simm.s32 $0x3980  }
0x2b7: {  	[tilespmem:s13], [sflag:$0x1] =	stream.indirect_vreg.gather [hbm4b:s1+s4], $0x80, v14, vm0, $0xb8;
	[tilespmem:$0x18980] =	vst v63  }
0x2b8: {  	s12 =	simm.s32 $0x4180  }
0x2b9: {  	[tilespmem:s12], [sflag:$0x1] =	stream.indirect_vreg.gather [hbm4b:s1+s4], $0x80, v13, vm0, $0xb8;
	[tilespmem:$0x18980] =	vst v63  }
0x2ba: {  	_ =	swait.ge [sflag:s23], $0x4000  }
0x2bb: {  	[sflag:s23] =	ssyncset.done $0x0  }
0x2bc: {  	s13 =	rddreg [dreg:$0xf];
	[sflag:s23] =	ssyncadd.s32 $0xFFFFC000  }
0x2bd: {  	[hbm4b:s13+s4] =	stream.linear.scatter [tilespmem:s28], [sflag:$0x8], $0x4000, $0x38;
	[tilespmem:$0x18980] =	vst v63  }
0x2be: {  	_ =	swait.ge [sflag:s24], $0x4000  }
0x2bf: {  	[sflag:s24] =	ssyncset.done $0x0  }
0x2c0: {  	[sflag:s24] =	ssyncadd.s32 $0xFFFFC000  }
0x2c1: {  	v13 =	vld [tilespmem:$0x7C0];
	_ =	sdelay $0x4  }
0x2c2: {  	v14 =	vshll.u32 v13, $0x1  }
0x2c3: {  	v13 =	vand.u32 $0x7, v13;
	v14 =	vand.u32 $0xFFFFFFF0, v14  }
0x2c4: {  	v13 =	vor.u32 v13, v14  }
0x2c5: {  	v14 =	vperm.xlane v13, v10;
	_ =	sdelay $0x1  }
0x2c6: {  	v13 =	vperm.xlane v13, v12;
	v14 =	vadd.s32 v11, v14;
	_ =	sdelay $0x1  }
0x2c7: {  	v13 =	vadd.s32 v11, v13;
	_ =	sdelay $0x2  }
0x2c8: {  	[tilespmem:s28], [sflag:$0x2] =	stream.indirect_vreg.gather [hbm4b:s1+s4], $0x80, v14, vm0, $0xb8;
	[tilespmem:$0x18980] =	vst v63  }
0x2c9: {  	s12 =	simm.s32 $0x5180  }
0x2ca: {  	[tilespmem:s12], [sflag:$0x2] =	stream.indirect_vreg.gather [hbm4b:s1+s4], $0x80, v13, vm0, $0xb8;
	[tilespmem:$0x18980] =	vst v63  }
0x2cb: {  	v13 =	vld [tilespmem:$0x7D0];
	_ =	sdelay $0x4  }
0x2cc: {  	v14 =	vshll.u32 v13, $0x1  }
0x2cd: {  	v13 =	vand.u32 $0x7, v13;
	v14 =	vand.u32 $0xFFFFFFF0, v14  }
0x2ce: {  	v13 =	vor.u32 v13, v14  }
0x2cf: {  	v14 =	vperm.xlane v13, v10;
	_ =	sdelay $0x1  }
0x2d0: {  	v13 =	vperm.xlane v13, v12;
	v14 =	vadd.s32 v11, v14;
	_ =	sdelay $0x1  }
0x2d1: {  	v13 =	vadd.s32 v11, v13;
	_ =	sdelay $0x1  }
0x2d2: {  	s13 =	simm.s32 $0x5980  }
0x2d3: {  	[tilespmem:s13], [sflag:$0x2] =	stream.indirect_vreg.gather [hbm4b:s1+s4], $0x80, v14, vm0, $0xb8;
	[tilespmem:$0x18980] =	vst v63  }
0x2d4: {  	s12 =	simm.s32 $0x6180  }
0x2d5: {  	[tilespmem:s12], [sflag:$0x2] =	stream.indirect_vreg.gather [hbm4b:s1+s4], $0x80, v13, vm0, $0xb8;
	[tilespmem:$0x18980] =	vst v63  }
0x2d6: {  	v13 =	vld [tilespmem:$0x7E0];
	_ =	sdelay $0x4  }
0x2d7: {  	v14 =	vshll.u32 v13, $0x1  }
0x2d8: {  	v13 =	vand.u32 $0x7, v13;
	v14 =	vand.u32 $0xFFFFFFF0, v14  }
0x2d9: {  	v13 =	vor.u32 v13, v14  }
0x2da: {  	v14 =	vperm.xlane v13, v10;
	_ =	sdelay $0x1  }
0x2db: {  	v13 =	vperm.xlane v13, v12;
	v14 =	vadd.s32 v11, v14;
	_ =	sdelay $0x1  }
0x2dc: {  	v13 =	vadd.s32 v11, v13;
	_ =	sdelay $0x1  }
0x2dd: {  	s13 =	simm.s32 $0x6980  }
0x2de: {  	[tilespmem:s13], [sflag:$0x2] =	stream.indirect_vreg.gather [hbm4b:s1+s4], $0x80, v14, vm0, $0xb8;
	[tilespmem:$0x18980] =	vst v63  }
0x2df: {  	s12 =	simm.s32 $0x7180  }
0x2e0: {  	[tilespmem:s12], [sflag:$0x2] =	stream.indirect_vreg.gather [hbm4b:s1+s4], $0x80, v13, vm0, $0xb8;
	[tilespmem:$0x18980] =	vst v63  }
0x2e1: {  	v13 =	vld [tilespmem:$0x7F0];
	_ =	sdelay $0x4  }
0x2e2: {  	v14 =	vshll.u32 v13, $0x1  }
0x2e3: {  	v13 =	vand.u32 $0x7, v13;
	v14 =	vand.u32 $0xFFFFFFF0, v14  }
0x2e4: {  	v13 =	vor.u32 v13, v14  }
0x2e5: {  	v14 =	vperm.xlane v13, v10;
	_ =	sdelay $0x1  }
0x2e6: {  	v13 =	vperm.xlane v13, v12;
	v14 =	vadd.s32 v11, v14;
	_ =	sdelay $0x1  }
0x2e7: {  	v13 =	vadd.s32 v11, v13;
	_ =	sdelay $0x1  }
0x2e8: {  	s13 =	simm.s32 $0x7980  }
0x2e9: {  	[tilespmem:s13], [sflag:$0x2] =	stream.indirect_vreg.gather [hbm4b:s1+s4], $0x80, v14, vm0, $0xb8;
	[tilespmem:$0x18980] =	vst v63  }
0x2ea: {  	s12 =	simm.s32 $0x8180  }
0x2eb: {  	[tilespmem:s12], [sflag:$0x2] =	stream.indirect_vreg.gather [hbm4b:s1+s4], $0x80, v13, vm0, $0xb8;
	[tilespmem:$0x18980] =	vst v63  }
0x2ec: {  	_ =	swait.ge [sflag:s25], $0x4000  }
0x2ed: {  	[sflag:s25] =	ssyncset.done $0x0  }
0x2ee: {  	s13 =	rddreg [dreg:$0x10];
	[sflag:s25] =	ssyncadd.s32 $0xFFFFC000  }
0x2ef: {  	[hbm4b:s13+s4] =	stream.linear.scatter [tilespmem:s0], [sflag:$0x9], $0x4000, $0x38;
	[tilespmem:$0x18980] =	vst v63  }
0x2f0: {  	_ =	swait.ge [sflag:s26], $0x4000  }
0x2f1: {  	[sflag:s26] =	ssyncset.done $0x0  }
0x2f2: {  	[sflag:s26] =	ssyncadd.s32 $0xFFFFC000  }
0x2f3: {  	v13 =	vld [tilespmem:$0x800];
	_ =	sdelay $0x4  }
0x2f4: {  	v14 =	vshll.u32 v13, $0x1  }
0x2f5: {  	v13 =	vand.u32 $0x7, v13;
	v14 =	vand.u32 $0xFFFFFFF0, v14  }
0x2f6: {  	v13 =	vor.u32 v13, v14  }
0x2f7: {  	v14 =	vperm.xlane v13, v10;
	_ =	sdelay $0x1  }
0x2f8: {  	v13 =	vperm.xlane v13, v12;
	v14 =	vadd.s32 v11, v14;
	_ =	sdelay $0x1  }
0x2f9: {  	v13 =	vadd.s32 v11, v13;
	_ =	sdelay $0x2  }
0x2fa: {  	[tilespmem:s0], [sflag:$0x3] =	stream.indirect_vreg.gather [hbm4b:s1+s4], $0x80, v14, vm0, $0xb8;
	[tilespmem:$0x18980] =	vst v63  }
0x2fb: {  	s12 =	simm.s32 $0x9180  }
0x2fc: {  	[tilespmem:s12], [sflag:$0x3] =	stream.indirect_vreg.gather [hbm4b:s1+s4], $0x80, v13, vm0, $0xb8;
	[tilespmem:$0x18980] =	vst v63  }
0x2fd: {  	v13 =	vld [tilespmem:$0x810];
	_ =	sdelay $0x4  }
0x2fe: {  	v14 =	vshll.u32 v13, $0x1  }
0x2ff: {  	v13 =	vand.u32 $0x7, v13;
	v14 =	vand.u32 $0xFFFFFFF0, v14  }
0x300: {  	v13 =	vor.u32 v13, v14  }
0x301: {  	v14 =	vperm.xlane v13, v10;
	_ =	sdelay $0x1  }
0x302: {  	v13 =	vperm.xlane v13, v12;
	v14 =	vadd.s32 v11, v14;
	_ =	sdelay $0x1  }
0x303: {  	v13 =	vadd.s32 v11, v13;
	_ =	sdelay $0x1  }
0x304: {  	s13 =	simm.s32 $0x9980  }
0x305: {  	[tilespmem:s13], [sflag:$0x3] =	stream.indirect_vreg.gather [hbm4b:s1+s4], $0x80, v14, vm0, $0xb8;
	[tilespmem:$0x18980] =	vst v63  }
0x306: {  	s12 =	simm.s32 $0xA180  }
0x307: {  	[tilespmem:s12], [sflag:$0x3] =	stream.indirect_vreg.gather [hbm4b:s1+s4], $0x80, v13, vm0, $0xb8;
	[tilespmem:$0x18980] =	vst v63  }
0x308: {  	v13 =	vld [tilespmem:$0x820];
	_ =	sdelay $0x4  }
0x309: {  	v14 =	vshll.u32 v13, $0x1  }
0x30a: {  	v13 =	vand.u32 $0x7, v13;
	v14 =	vand.u32 $0xFFFFFFF0, v14  }
0x30b: {  	v13 =	vor.u32 v13, v14  }
0x30c: {  	v14 =	vperm.xlane v13, v10;
	_ =	sdelay $0x1  }
0x30d: {  	v13 =	vperm.xlane v13, v12;
	v14 =	vadd.s32 v11, v14;
	_ =	sdelay $0x1  }
0x30e: {  	v13 =	vadd.s32 v11, v13;
	_ =	sdelay $0x1  }
0x30f: {  	s13 =	simm.s32 $0xA980  }
0x310: {  	[tilespmem:s13], [sflag:$0x3] =	stream.indirect_vreg.gather [hbm4b:s1+s4], $0x80, v14, vm0, $0xb8;
	[tilespmem:$0x18980] =	vst v63  }
0x311: {  	s12 =	simm.s32 $0xB180  }
0x312: {  	[tilespmem:s12], [sflag:$0x3] =	stream.indirect_vreg.gather [hbm4b:s1+s4], $0x80, v13, vm0, $0xb8;
	[tilespmem:$0x18980] =	vst v63  }
0x313: {  	v13 =	vld [tilespmem:$0x830];
	_ =	sdelay $0x4  }
0x314: {  	v14 =	vshll.u32 v13, $0x1  }
0x315: {  	v13 =	vand.u32 $0x7, v13;
	v14 =	vand.u32 $0xFFFFFFF0, v14  }
0x316: {  	v13 =	vor.u32 v13, v14  }
0x317: {  	v14 =	vperm.xlane v13, v10;
	_ =	sdelay $0x1  }
0x318: {  	v13 =	vperm.xlane v13, v12;
	v14 =	vadd.s32 v11, v14;
	_ =	sdelay $0x1  }
0x319: {  	v13 =	vadd.s32 v11, v13;
	_ =	sdelay $0x1  }
0x31a: {  	s13 =	simm.s32 $0xB980  }
0x31b: {  	[tilespmem:s13], [sflag:$0x3] =	stream.indirect_vreg.gather [hbm4b:s1+s4], $0x80, v14, vm0, $0xb8;
	[tilespmem:$0x18980] =	vst v63  }
0x31c: {  	s12 =	simm.s32 $0xC180  }
0x31d: {  	[tilespmem:s12], [sflag:$0x3] =	stream.indirect_vreg.gather [hbm4b:s1+s4], $0x80, v13, vm0, $0xb8;
	[tilespmem:$0x18980] =	vst v63  }
0x31e: {  	_ =	swait.ge [sflag:s29], $0x4000  }
0x31f: {  	[sflag:s29] =	ssyncset.done $0x0  }
0x320: {  	s13 =	rddreg [dreg:$0x11];
	[sflag:s29] =	ssyncadd.s32 $0xFFFFC000  }
0x321: {  	[hbm4b:s13+s4] =	stream.linear.scatter [tilespmem:s21], [sflag:$0xA], $0x4000, $0x38;
	[tilespmem:$0x18980] =	vst v63  }
0x322: {  	_ =	swait.ge [sflag:s30], $0x4000  }
0x323: {  	[sflag:s30] =	ssyncset.done $0x0  }
0x324: {  	[sflag:s30] =	ssyncadd.s32 $0xFFFFC000  }
0x325: {  	v13 =	vld [tilespmem:$0x840];
	_ =	sdelay $0x4  }
0x326: {  	v14 =	vshll.u32 v13, $0x1  }
0x327: {  	v13 =	vand.u32 $0x7, v13;
	v14 =	vand.u32 $0xFFFFFFF0, v14  }
0x328: {  	v13 =	vor.u32 v13, v14  }
0x329: {  	v14 =	vperm.xlane v13, v10;
	_ =	sdelay $0x1  }
0x32a: {  	v13 =	vperm.xlane v13, v12;
	v14 =	vadd.s32 v11, v14;
	_ =	sdelay $0x1  }
0x32b: {  	v13 =	vadd.s32 v11, v13;
	_ =	sdelay $0x2  }
0x32c: {  	[tilespmem:s21], [sflag:$0x4] =	stream.indirect_vreg.gather [hbm4b:s1+s4], $0x80, v14, vm0, $0xb8;
	[tilespmem:$0x18980] =	vst v63  }
0x32d: {  	s12 =	simm.s32 $0xD180  }
0x32e: {  	[tilespmem:s12], [sflag:$0x4] =	stream.indirect_vreg.gather [hbm4b:s1+s4], $0x80, v13, vm0, $0xb8;
	[tilespmem:$0x18980] =	vst v63  }
0x32f: {  	v13 =	vld [tilespmem:$0x850];
	_ =	sdelay $0x4  }
0x330: {  	v14 =	vshll.u32 v13, $0x1  }
0x331: {  	v13 =	vand.u32 $0x7, v13;
	v14 =	vand.u32 $0xFFFFFFF0, v14  }
0x332: {  	v13 =	vor.u32 v13, v14  }
0x333: {  	v14 =	vperm.xlane v13, v10;
	_ =	sdelay $0x1  }
0x334: {  	v13 =	vperm.xlane v13, v12;
	v14 =	vadd.s32 v11, v14;
	_ =	sdelay $0x1  }
0x335: {  	v13 =	vadd.s32 v11, v13;
	_ =	sdelay $0x1  }
0x336: {  	s13 =	simm.s32 $0xD980  }
0x337: {  	[tilespmem:s13], [sflag:$0x4] =	stream.indirect_vreg.gather [hbm4b:s1+s4], $0x80, v14, vm0, $0xb8;
	[tilespmem:$0x18980] =	vst v63  }
0x338: {  	s12 =	simm.s32 $0xE180  }
0x339: {  	[tilespmem:s12], [sflag:$0x4] =	stream.indirect_vreg.gather [hbm4b:s1+s4], $0x80, v13, vm0, $0xb8;
	[tilespmem:$0x18980] =	vst v63  }
0x33a: {  	v13 =	vld [tilespmem:$0x860];
	_ =	sdelay $0x4  }
0x33b: {  	v14 =	vshll.u32 v13, $0x1  }
0x33c: {  	v13 =	vand.u32 $0x7, v13;
	v14 =	vand.u32 $0xFFFFFFF0, v14  }
0x33d: {  	v13 =	vor.u32 v13, v14  }
0x33e: {  	v14 =	vperm.xlane v13, v10;
	_ =	sdelay $0x1  }
0x33f: {  	v13 =	vperm.xlane v13, v12;
	v14 =	vadd.s32 v11, v14;
	_ =	sdelay $0x1  }
0x340: {  	v13 =	vadd.s32 v11, v13;
	_ =	sdelay $0x1  }
0x341: {  	s13 =	simm.s32 $0xE980  }
0x342: {  	[tilespmem:s13], [sflag:$0x4] =	stream.indirect_vreg.gather [hbm4b:s1+s4], $0x80, v14, vm0, $0xb8;
	[tilespmem:$0x18980] =	vst v63  }
0x343: {  	s12 =	simm.s32 $0xF180  }
0x344: {  	[tilespmem:s12], [sflag:$0x4] =	stream.indirect_vreg.gather [hbm4b:s1+s4], $0x80, v13, vm0, $0xb8;
	[tilespmem:$0x18980] =	vst v63  }
0x345: {  	v13 =	vld [tilespmem:$0x870];
	_ =	sdelay $0x4  }
0x346: {  	v14 =	vshll.u32 v13, $0x1  }
0x347: {  	v13 =	vand.u32 $0x7, v13;
	v14 =	vand.u32 $0xFFFFFFF0, v14  }
0x348: {  	v13 =	vor.u32 v13, v14  }
0x349: {  	v14 =	vperm.xlane v13, v10;
	_ =	sdelay $0x1  }
0x34a: {  	v13 =	vperm.xlane v13, v12;
	v14 =	vadd.s32 v11, v14;
	_ =	sdelay $0x1  }
0x34b: {  	v13 =	vadd.s32 v11, v13;
	_ =	sdelay $0x1  }
0x34c: {  	s13 =	simm.s32 $0xF980  }
0x34d: {  	[tilespmem:s13], [sflag:$0x4] =	stream.indirect_vreg.gather [hbm4b:s1+s4], $0x80, v14, vm0, $0xb8;
	[tilespmem:$0x18980] =	vst v63  }
0x34e: {  	s12 =	simm.s32 $0x10180  }
0x34f: {  	[tilespmem:s12], [sflag:$0x4] =	stream.indirect_vreg.gather [hbm4b:s1+s4], $0x80, v13, vm0, $0xb8;
	[tilespmem:$0x18980] =	vst v63  }
0x350: {  	_ =	swait.ge [sflag:s20], $0x4000  }
0x351: {  	[sflag:s20] =	ssyncset.done $0x0  }
0x352: {  	s14 =	simm.s32 $0x10980;
	s13 =	rddreg [dreg:$0x12];
	[sflag:s20] =	ssyncadd.s32 $0xFFFFC000  }
0x353: {  	[hbm4b:s13+s4] =	stream.linear.scatter [tilespmem:s14], [sflag:$0xB], $0x4000, $0x38;
	[tilespmem:$0x18980] =	vst v63  }
0x354: {  	_ =	swait.ge [sflag:s2], $0x4000  }
0x355: {  	[sflag:s2] =	ssyncset.done $0x0  }
0x356: {  	s9 =	simm.s32 $0x14980;
	s20 =	rddreg [dreg:$0x13];
	[sflag:s2] =	ssyncadd.s32 $0xFFFFC000  }
0x357: {  	[hbm4b:s20+s4] =	stream.linear.scatter [tilespmem:s9], [sflag:$0xC], $0x4000, $0x38;
	[tilespmem:$0x18980] =	vst v63  }
0x358: {  	_ =	swait.ge [sflag:s15], $0x4000  }
0x359: {  	[sflag:s15] =	ssyncset.done $0x0  }
0x35a: {  	s6 =	simm.s32 $0x980;
	s12 =	rddreg [dreg:$0x14];
	[sflag:s15] =	ssyncadd.s32 $0xFFFFC000  }
0x35b: {  	[hbm4b:s12+s4] =	stream.linear.scatter [tilespmem:s6], [sflag:$0x7], $0x4000, $0x38;
	[tilespmem:$0x18980] =	vst v63  }
0x35c: {  	_ =	swait.ge [sflag:s23], $0x4000  }
0x35d: {  	[sflag:s23] =	ssyncset.done $0x0  }
0x35e: {  	s13 =	rddreg [dreg:$0x15];
	[sflag:s23] =	ssyncadd.s32 $0xFFFFC000  }
0x35f: {  	[hbm4b:s13+s4] =	stream.linear.scatter [tilespmem:s28], [sflag:$0x8], $0x4000, $0x38;
	[tilespmem:$0x18980] =	vst v63  }
0x360: {  	_ =	swait.ge [sflag:s25], $0x4000  }
0x361: {  	[sflag:s25] =	ssyncset.done $0x0  }
0x362: {  	s14 =	rddreg [dreg:$0x16];
	[sflag:s25] =	ssyncadd.s32 $0xFFFFC000  }
0x363: {  	[hbm4b:s14+s4] =	stream.linear.scatter [tilespmem:s0], [sflag:$0x9], $0x4000, $0x38;
	[tilespmem:$0x18980] =	vst v63  }
0x364: {  	_ =	swait.ge [sflag:s29], $0x4000  }
0x365: {  	[sflag:s29] =	ssyncset.done $0x0  }
0x366: {  	s20 =	rddreg [dreg:$0x17];
	[sflag:s29] =	ssyncadd.s32 $0xFFFFC000  }
0x367: {  	[hbm4b:s20+s4] =	stream.linear.scatter [tilespmem:s21], [sflag:$0xA], $0x4000, $0x38;
	[tilespmem:$0x18980] =	vst v63  }
0x368: {  	_ =	swait.ge [sflag:s31], $0x4000  }
0x369: {  	[sflag:s31] =	ssyncset.done $0x0  }
0x36a: {  	[sflag:s31] =	ssyncadd.s32 $0xFFFFC000  }
0x36b: {  	_ =	swait.ge [sflag:s3], $0x4000  }
0x36c: {  	[sflag:s3] =	ssyncset.done $0x0  }
0x36d: {  	[sflag:s3] =	ssyncadd.s32 $0xFFFFC000  }
0x36e: {  	_ =	swait.ge [sflag:s22], $0x4000  }
0x36f: {  	[sflag:s22] =	ssyncset.done $0x0  }
0x370: {  	[sflag:s22] =	ssyncadd.s32 $0xFFFFC000  }
0x371: {  	_ =	swait.ge [sflag:s24], $0x4000  }
0x372: {  	[sflag:s24] =	ssyncset.done $0x0  }
0x373: {  	[sflag:s24] =	ssyncadd.s32 $0xFFFFC000  }
0x374: {  	p0 =	sne.s32 s7, $0x1;
	_ =	swait.ge [sflag:s26], $0x4000  }
.Ltmp0:
0x375: {  	[sflag:s26] =	ssyncset.done $0x0;
	(pc) =	sbr.rel @p0 .LBB2_1-.Ltmp0, $4  }
0x376: {  	[sflag:s26] =	ssyncadd.s32 $0xFFFFC000  }
0x377: {  	_ =	swait.ge [sflag:s30], $0x4000  }
0x378: {  	[sflag:s30] =	ssyncset.done $0x0  }
0x379: {  	s7 =	sadd.s32 $0xFFFFFFFF, s7;
	[sflag:s30] =	ssyncadd.s32 $0xFFFFC000  }
0x37a: {  	_ =	sfence.sel $0x180000  }
0x37b: {  	[bflag:$0x0] =	sbarrier.arrive $0xFFFF  }
0x37c: {  	_ =	strace $0x90000047  }
0x37d: {  	s0 =	stileid.u32;
	[bflag:$0x2] =	sbarrier.arrive $0xFFFF  }
0x37e: {  	p0 =	sne.s32 s0, $0x0;
	s0 =	rddreg [dreg:$0x4]  }
0x37f: {  	s0 =	sadd.s32 @!p0 $0x100000, s0  }
0x380: {  	[sflag:s0] =	ssyncadd.tile.s32 @!p0 $0x1;
	_ =	shalt  }
.Lfunc_end2:
_tile_overlayer_lowered:
.L_overlay_start_2:
0x381: {  	(tag) =	ssettag $0x2  }
0x382: {  	s0 =	rddreg [dreg:$0x0];
	s2 =	stileid.u32  }
0x383: {  	s1 =	rddreg [dreg:$0x1];
	p0 =	sne.s32 s2, $0x0  }
0x384: {  	s3 =	rddreg [dreg:$0x2];
	[bflag:$0x3] =	sbarrier.arrive $0xFFFF;
	s2 =	simm.s32 @!p0 $0x1C0D  }
0x385: {  	[timem:s3], [sflag:s2] =	dma.local @!p0 [hbm:s0], s1  }
0x386: {  	s0 =	simm.s32 @!p0 $0xD  }
0x387: {  	_ =	swait.ge @!p0 [sflag:s0], s1  }
0x388: {  	s1 =	ssub.s32 @!p0 $0x0, s1;
	[sflag:s0] =	ssyncset.done @!p0 $0x0  }
0x389: {  	[sflag:s0] =	ssyncadd.s32 @!p0 s1  }
0x38a: {  	[bflag:$0x3] =	sbarrier.arrive $0xFFFF  }
0x38b: {  	_ =	shalt  }

</sc_bundles>
